<compile_context>
chip_gen: v7x
topology: tpu7x:2x2x1
jax: 0.10.2.dev20260603
libtpu: 0.0.44.dev20260713+nightly
codegen_flags: <defaults>
</compile_context>

<pallas_src>
import functools

import jax
import jax.numpy as jnp
from jax import lax
from jax.experimental import pallas as pl
from jax.experimental.pallas import tpu as pltpu
from jax.experimental.pallas import tpu_sc as plsc

D_MODEL = 64
VOCAB_ROWS = 1000000
SCALE = 8.0

NC, NS = 2, 16
NW = NC * NS
N_TOK = 4096
N_POS = 200
L = 128
NBLK = N_TOK // L
PAD = 136


def _emb_body(x_hbm, tab_hbm, out_hbm, idx_v, rows_v, obuf,
              gsem0, gsem1, gsem2, gsem3, osem0, osem1, osem2, osem3):
    gsem = (gsem0, gsem1, gsem2, gsem3)
    osem = (osem0, osem1, osem2, osem3)
    wid = lax.axis_index("s") * NC + lax.axis_index("c")

    pltpu.sync_copy(x_hbm.at[:, pl.ds(wid * L, L)], idx_v)

    lane = lax.iota(jnp.int32, 16)
    a_idx = [(lane + 16 * c) >> 3 for c in range(4)]
    s_idx = [(lane + 16 * c) & 7 for c in range(4)]

    def fetch(j, b):
        pltpu.async_copy(tab_hbm.at[idx_v.at[j]], rows_v.at[b], gsem[b])

    def drain_g(b):
        pltpu.make_async_copy(tab_hbm.at[pl.ds(0, L)], rows_v.at[b],
                              gsem[b]).wait()

    def drain_o(b):
        pltpu.make_async_copy(out_hbm.at[0, :, 0],
                              obuf.at[b, :, :, pl.ds(0, L)], osem[b]).wait()

    def transpose_scale(b):
        @plsc.parallel_loop(0, L, unroll=4)
        def _r(r):
            l_idx = jnp.full((16,), r, dtype=jnp.int32)
            for c in range(4):
                v = rows_v[b, r, pl.ds(16 * c, 16)] * SCALE
                plsc.store_scatter(obuf.at[b], [a_idx[c], s_idx[c], l_idx], v)

    def out_copy(j, b):
        pltpu.async_copy(obuf.at[b, :, :, pl.ds(0, L)],
                         out_hbm.at[j, :, wid], osem[b])

    fetch(0, 0)
    fetch(1, 1)
    fetch(2, 2)
    drain_g(0)
    transpose_scale(0)
    out_copy(0, 0)
    fetch(3, 3)
    drain_g(1)
    transpose_scale(1)
    out_copy(1, 1)

    @pl.loop(2, N_POS - 2, step=4)
    def _steady(jj):
        for db in range(4):
            j = jj + db
            b = (2 + db) % 4
            nb = (b + 2) % 4
            drain_o(nb)
            fetch(j + 2, nb)
            drain_g(b)
            transpose_scale(b)
            out_copy(j, b)

    drain_o(0)
    drain_g(2)
    transpose_scale(2)
    out_copy(198, 2)
    drain_o(1)
    drain_g(3)
    transpose_scale(3)
    out_copy(199, 3)
    drain_o(2)
    drain_o(3)


@jax.jit
def _run(x_t, tab2):
    mesh = plsc.VectorSubcoreMesh(core_axis_name="c", subcore_axis_name="s")
    f = functools.partial(
        pl.kernel,
        mesh=mesh,
        compiler_params=pltpu.CompilerParams(use_tc_tiling_on_sc=False,
                                             needs_layout_passes=False),
        out_type=jax.ShapeDtypeStruct((N_POS, D_MODEL // 8, NBLK, 8, L),
                                      jnp.float32),
        scratch_types=[
            pltpu.VMEM((N_POS, L), jnp.int32),
            pltpu.VMEM((4, L, D_MODEL), jnp.float32),
            pltpu.VMEM((4, D_MODEL // 8, 8, PAD), jnp.float32),
            pltpu.SemaphoreType.DMA,
            pltpu.SemaphoreType.DMA,
            pltpu.SemaphoreType.DMA,
            pltpu.SemaphoreType.DMA,
            pltpu.SemaphoreType.DMA,
            pltpu.SemaphoreType.DMA,
            pltpu.SemaphoreType.DMA,
            pltpu.SemaphoreType.DMA,
        ],
    )(_emb_body)
    return f(x_t, tab2)


def kernel(x, table):
    x_t = (x.astype(jnp.int32) * 2).T
    tab2 = jnp.pad(table, ((0, 0), (0, 64))).reshape(2 * VOCAB_ROWS, D_MODEL)
    out5 = _run(x_t, tab2)
    out = jnp.transpose(out5, (2, 4, 0, 1, 3)).reshape(N_TOK, N_POS, D_MODEL)
    return out

# --- scband reference (transcript-rebuilt; emitter-appended) ---
"""Pipeline reference for scband-embeddings-58076547777290 (READ-ONLY COPY).

The authoritative reference and input builder live on the scoring server;
editing this copy changes nothing except your own understanding.
"""

import jax, jax.numpy as jnp
import numpy as np
import math

VOCAB = 1000000
D_MODEL = 64

def setup_inputs(seed: int = 0) -> dict:
    key = jax.random.key(seed)
    k1, k2 = jax.random.split(key)
    x = jax.random.randint(k1, (4096, 200), 0, VOCAB, dtype=jnp.int64)
    table = jax.random.normal(k2, (VOCAB, D_MODEL), dtype=jnp.float32)
    return {"x": x, "table": table}

def reference(x, table):
    # Embeddings.forward: look_up_table(x) * sqrt(d_model)
    emb = jnp.take(table, x, axis=0)
    return emb * math.sqrt(D_MODEL)

if __name__ == "__main__":
    import jax
    _d = setup_inputs()
    print(jax.jit(kernel)(*tuple(_d.values())))

</pallas_src>

<mosaic_0001>
#map = affine_map<(d0, d1) -> (0, 0)>
#map1 = affine_map<(d0, d1) -> (0, 0, 0, 0, 0)>
module attributes {stable_mosaic.version = 14 : i64} {
  func.func @_emb_body(%arg0: i32, %arg1: i32, %arg2: memref<200x4096xi32, #tpu.memory_space<hbm>>, %arg3: memref<2000000x64xf32, #tpu.memory_space<hbm>>, %arg4: memref<200x8x32x8x128xf32, #tpu.memory_space<hbm>>, %arg5: memref<200x128xi32, #tpu.memory_space<vmem>>, %arg6: memref<4x128x64xf32, #tpu.memory_space<vmem>>, %arg7: memref<4x8x8x136xf32, #tpu.memory_space<vmem>>, %arg8: memref<!tpu.dma_semaphore, #tpu.memory_space<semaphore_mem>>, %arg9: memref<!tpu.dma_semaphore, #tpu.memory_space<semaphore_mem>>, %arg10: memref<!tpu.dma_semaphore, #tpu.memory_space<semaphore_mem>>, %arg11: memref<!tpu.dma_semaphore, #tpu.memory_space<semaphore_mem>>, %arg12: memref<!tpu.dma_semaphore, #tpu.memory_space<semaphore_mem>>, %arg13: memref<!tpu.dma_semaphore, #tpu.memory_space<semaphore_mem>>, %arg14: memref<!tpu.dma_semaphore, #tpu.memory_space<semaphore_mem>>, %arg15: memref<!tpu.dma_semaphore, #tpu.memory_space<semaphore_mem>>) attributes {dimension_semantics = [#tpu.dimension_semantics<core_parallel>, #tpu.dimension_semantics<subcore_parallel>], iteration_bounds = array<i64: 2, 16>, scalar_prefetch = 0 : i64, scratch_operands = 11 : i64, tpu.core_type = #tpu.core_type<sc_vector_subcore>, window_params = [{transform_indices = #map}, {transform_indices = #map}, {transform_indices = #map1}]} {
    %mul3A = arith.constant 2 : i32
    %mul3A_0 = arith.muli %arg1, %mul3A : i32
    %add3A = arith.addi %mul3A_0, %arg0 : i32
    %mul3A_1 = arith.constant 128 : i32
    %mul3A_2 = arith.muli %add3A, %mul3A_1 : i32
    "tpu.region"() ({
      %run_scoped3A = tpu.sem_alloc : memref<!tpu.dma_semaphore, #tpu.memory_space<semaphore_mem>>
      %dma_start3A_350 = arith.constant 0 : i32
      %dma_start3A_351 = tpu.memref_slice %arg2[%dma_start3A_350, %mul3A_2] : memref<200x4096xi32, #tpu.memory_space<hbm>> -> memref<200x128xi32, #tpu.memory_space<hbm>>
      %dma_start3A_352 = arith.constant 0 : i32
      %dma_start3A_353 = tpu.memref_slice %arg2[%dma_start3A_352, %mul3A_2] : memref<200x4096xi32, #tpu.memory_space<hbm>> -> memref<200x128xi32, #tpu.memory_space<hbm>>
      tpu.enqueue_dma source(%dma_start3A_353 : memref<200x128xi32, #tpu.memory_space<hbm>>) target(%arg5 : memref<200x128xi32, #tpu.memory_space<vmem>>) target_semaphore(%run_scoped3A : memref<!tpu.dma_semaphore, #tpu.memory_space<semaphore_mem>>)
      %dma_wait3A_354 = arith.constant 0 : i32
      %dma_wait3A_355 = tpu.memref_slice %arg2[%dma_wait3A_354, %mul3A_2] : memref<200x4096xi32, #tpu.memory_space<hbm>> -> memref<200x128xi32, #tpu.memory_space<hbm>>
      %dma_wait3A_356 = arith.constant 0 : i32
      %dma_wait3A_357 = tpu.memref_slice %arg2[%dma_wait3A_356, %mul3A_2] : memref<200x4096xi32, #tpu.memory_space<hbm>> -> memref<200x128xi32, #tpu.memory_space<hbm>>
      tpu.wait_dma2 semaphore(%run_scoped3A : memref<!tpu.dma_semaphore, #tpu.memory_space<semaphore_mem>>) src(%dma_wait3A_357 : memref<200x128xi32, #tpu.memory_space<hbm>>) dst(%arg5 : memref<200x128xi32, #tpu.memory_space<vmem>>)
      tpu.yield
    }) : () -> ()
    %iota3A = tpu.iota {dimensions = array<i32: 0>} : vector<16xi32>
    %add3A_3 = arith.constant 0 : i32
    %add3A_4 = vector.broadcast %add3A_3 : i32 to vector<16xi32>
    %add3A_5 = arith.addi %iota3A, %add3A_4 : vector<16xi32>
    %shift_right_arithmetic3A = arith.constant 3 : i32
    %shift_right_arithmetic3A_6 = vector.broadcast %shift_right_arithmetic3A : i32 to vector<16xi32>
    %shift_right_arithmetic3A_7 = arith.shrsi %add3A_5, %shift_right_arithmetic3A_6 : vector<16xi32>
    %add3A_8 = arith.constant 16 : i32
    %add3A_9 = vector.broadcast %add3A_8 : i32 to vector<16xi32>
    %add3A_10 = arith.addi %iota3A, %add3A_9 : vector<16xi32>
    %shift_right_arithmetic3A_11 = arith.constant 3 : i32
    %shift_right_arithmetic3A_12 = vector.broadcast %shift_right_arithmetic3A_11 : i32 to vector<16xi32>
    %shift_right_arithmetic3A_13 = arith.shrsi %add3A_10, %shift_right_arithmetic3A_12 : vector<16xi32>
    %add3A_14 = arith.constant 32 : i32
    %add3A_15 = vector.broadcast %add3A_14 : i32 to vector<16xi32>
    %add3A_16 = arith.addi %iota3A, %add3A_15 : vector<16xi32>
    %shift_right_arithmetic3A_17 = arith.constant 3 : i32
    %shift_right_arithmetic3A_18 = vector.broadcast %shift_right_arithmetic3A_17 : i32 to vector<16xi32>
    %shift_right_arithmetic3A_19 = arith.shrsi %add3A_16, %shift_right_arithmetic3A_18 : vector<16xi32>
    %add3A_20 = arith.constant 48 : i32
    %add3A_21 = vector.broadcast %add3A_20 : i32 to vector<16xi32>
    %add3A_22 = arith.addi %iota3A, %add3A_21 : vector<16xi32>
    %shift_right_arithmetic3A_23 = arith.constant 3 : i32
    %shift_right_arithmetic3A_24 = vector.broadcast %shift_right_arithmetic3A_23 : i32 to vector<16xi32>
    %shift_right_arithmetic3A_25 = arith.shrsi %add3A_22, %shift_right_arithmetic3A_24 : vector<16xi32>
    %add3A_26 = arith.constant 0 : i32
    %add3A_27 = vector.broadcast %add3A_26 : i32 to vector<16xi32>
    %add3A_28 = arith.addi %iota3A, %add3A_27 : vector<16xi32>
    %and3A = arith.constant 7 : i32
    %and3A_29 = vector.broadcast %and3A : i32 to vector<16xi32>
    %and3A_30 = arith.andi %add3A_28, %and3A_29 : vector<16xi32>
    %add3A_31 = arith.constant 16 : i32
    %add3A_32 = vector.broadcast %add3A_31 : i32 to vector<16xi32>
    %add3A_33 = arith.addi %iota3A, %add3A_32 : vector<16xi32>
    %and3A_34 = arith.constant 7 : i32
    %and3A_35 = vector.broadcast %and3A_34 : i32 to vector<16xi32>
    %and3A_36 = arith.andi %add3A_33, %and3A_35 : vector<16xi32>
    %add3A_37 = arith.constant 32 : i32
    %add3A_38 = vector.broadcast %add3A_37 : i32 to vector<16xi32>
    %add3A_39 = arith.addi %iota3A, %add3A_38 : vector<16xi32>
    %and3A_40 = arith.constant 7 : i32
    %and3A_41 = vector.broadcast %and3A_40 : i32 to vector<16xi32>
    %and3A_42 = arith.andi %add3A_39, %and3A_41 : vector<16xi32>
    %add3A_43 = arith.constant 48 : i32
    %add3A_44 = vector.broadcast %add3A_43 : i32 to vector<16xi32>
    %add3A_45 = arith.addi %iota3A, %add3A_44 : vector<16xi32>
    %and3A_46 = arith.constant 7 : i32
    %and3A_47 = vector.broadcast %and3A_46 : i32 to vector<16xi32>
    %and3A_48 = arith.andi %add3A_45, %and3A_47 : vector<16xi32>
    %dma_start3A = arith.constant 0 : i32
    %dma_start3A_49 = arith.constant 0 : i32
    %dma_start3A_50 = arith.constant 0 : i32
    %dma_start3A_51 = arith.constant 0 : i32
    %dma_start3A_52 = tpu.memref_slice %arg6[%dma_start3A_49, %dma_start3A_50, %dma_start3A_51] : memref<4x128x64xf32, #tpu.memory_space<vmem>> -> memref<1x128x64xf32, #tpu.memory_space<vmem>>
    %dma_start3A_53 = tpu.memref_squeeze %dma_start3A_52 : memref<1x128x64xf32, #tpu.memory_space<vmem>> -> memref<128x64xf32, #tpu.memory_space<vmem>>
    %dma_start3A_54 = arith.constant 0 : i32
    %dma_start3A_55 = tpu.memref_slice %arg5[%dma_start3A, %dma_start3A_54] : memref<200x128xi32, #tpu.memory_space<vmem>> -> memref<1x128xi32, #tpu.memory_space<vmem>>
    %dma_start3A_56 = tpu.memref_squeeze %dma_start3A_55 : memref<1x128xi32, #tpu.memory_space<vmem>> -> memref<128xi32, #tpu.memory_space<vmem>>
    %dma_start3A_57 = arith.constant 0 : i32
    %dma_start3A_58 = arith.constant 0 : i32
    %dma_start3A_59 = tpu.memref_slice %arg3[%dma_start3A_57, %dma_start3A_58] : memref<2000000x64xf32, #tpu.memory_space<hbm>> -> memref<2000000x64xf32, #tpu.memory_space<hbm>>
    tpu.enqueue_indirect_dma source(%dma_start3A_59 : memref<2000000x64xf32, #tpu.memory_space<hbm>>) target(%dma_start3A_53 : memref<128x64xf32, #tpu.memory_space<vmem>>) offsets(%dma_start3A_56 : memref<128xi32, #tpu.memory_space<vmem>>) semaphore(%arg8 : memref<!tpu.dma_semaphore, #tpu.memory_space<semaphore_mem>>)
    %dma_start3A_60 = arith.constant 1 : i32
    %dma_start3A_61 = arith.constant 1 : i32
    %dma_start3A_62 = arith.constant 0 : i32
    %dma_start3A_63 = arith.constant 0 : i32
    %dma_start3A_64 = tpu.memref_slice %arg6[%dma_start3A_61, %dma_start3A_62, %dma_start3A_63] : memref<4x128x64xf32, #tpu.memory_space<vmem>> -> memref<1x128x64xf32, #tpu.memory_space<vmem>>
    %dma_start3A_65 = tpu.memref_squeeze %dma_start3A_64 : memref<1x128x64xf32, #tpu.memory_space<vmem>> -> memref<128x64xf32, #tpu.memory_space<vmem>>
    %dma_start3A_66 = arith.constant 0 : i32
    %dma_start3A_67 = tpu.memref_slice %arg5[%dma_start3A_60, %dma_start3A_66] : memref<200x128xi32, #tpu.memory_space<vmem>> -> memref<1x128xi32, #tpu.memory_space<vmem>>
    %dma_start3A_68 = tpu.memref_squeeze %dma_start3A_67 : memref<1x128xi32, #tpu.memory_space<vmem>> -> memref<128xi32, #tpu.memory_space<vmem>>
    %dma_start3A_69 = arith.constant 0 : i32
    %dma_start3A_70 = arith.constant 0 : i32
    %dma_start3A_71 = tpu.memref_slice %arg3[%dma_start3A_69, %dma_start3A_70] : memref<2000000x64xf32, #tpu.memory_space<hbm>> -> memref<2000000x64xf32, #tpu.memory_space<hbm>>
    tpu.enqueue_indirect_dma source(%dma_start3A_71 : memref<2000000x64xf32, #tpu.memory_space<hbm>>) target(%dma_start3A_65 : memref<128x64xf32, #tpu.memory_space<vmem>>) offsets(%dma_start3A_68 : memref<128xi32, #tpu.memory_space<vmem>>) semaphore(%arg9 : memref<!tpu.dma_semaphore, #tpu.memory_space<semaphore_mem>>)
    %dma_start3A_72 = arith.constant 2 : i32
    %dma_start3A_73 = arith.constant 2 : i32
    %dma_start3A_74 = arith.constant 0 : i32
    %dma_start3A_75 = arith.constant 0 : i32
    %dma_start3A_76 = tpu.memref_slice %arg6[%dma_start3A_73, %dma_start3A_74, %dma_start3A_75] : memref<4x128x64xf32, #tpu.memory_space<vmem>> -> memref<1x128x64xf32, #tpu.memory_space<vmem>>
    %dma_start3A_77 = tpu.memref_squeeze %dma_start3A_76 : memref<1x128x64xf32, #tpu.memory_space<vmem>> -> memref<128x64xf32, #tpu.memory_space<vmem>>
    %dma_start3A_78 = arith.constant 0 : i32
    %dma_start3A_79 = tpu.memref_slice %arg5[%dma_start3A_72, %dma_start3A_78] : memref<200x128xi32, #tpu.memory_space<vmem>> -> memref<1x128xi32, #tpu.memory_space<vmem>>
    %dma_start3A_80 = tpu.memref_squeeze %dma_start3A_79 : memref<1x128xi32, #tpu.memory_space<vmem>> -> memref<128xi32, #tpu.memory_space<vmem>>
    %dma_start3A_81 = arith.constant 0 : i32
    %dma_start3A_82 = arith.constant 0 : i32
    %dma_start3A_83 = tpu.memref_slice %arg3[%dma_start3A_81, %dma_start3A_82] : memref<2000000x64xf32, #tpu.memory_space<hbm>> -> memref<2000000x64xf32, #tpu.memory_space<hbm>>
    tpu.enqueue_indirect_dma source(%dma_start3A_83 : memref<2000000x64xf32, #tpu.memory_space<hbm>>) target(%dma_start3A_77 : memref<128x64xf32, #tpu.memory_space<vmem>>) offsets(%dma_start3A_80 : memref<128xi32, #tpu.memory_space<vmem>>) semaphore(%arg10 : memref<!tpu.dma_semaphore, #tpu.memory_space<semaphore_mem>>)
    %dma_wait3A = arith.constant 0 : i32
    %dma_wait3A_84 = arith.constant 0 : i32
    %dma_wait3A_85 = arith.constant 0 : i32
    %dma_wait3A_86 = tpu.memref_slice %arg6[%dma_wait3A, %dma_wait3A_84, %dma_wait3A_85] : memref<4x128x64xf32, #tpu.memory_space<vmem>> -> memref<1x128x64xf32, #tpu.memory_space<vmem>>
    %dma_wait3A_87 = tpu.memref_squeeze %dma_wait3A_86 : memref<1x128x64xf32, #tpu.memory_space<vmem>> -> memref<128x64xf32, #tpu.memory_space<vmem>>
    %dma_wait3A_88 = arith.constant 0 : i32
    %dma_wait3A_89 = arith.constant 0 : i32
    %dma_wait3A_90 = tpu.memref_slice %arg3[%dma_wait3A_88, %dma_wait3A_89] : memref<2000000x64xf32, #tpu.memory_space<hbm>> -> memref<128x64xf32, #tpu.memory_space<hbm>>
    %dma_wait3A_91 = arith.constant 0 : i32
    %dma_wait3A_92 = arith.constant 0 : i32
    %dma_wait3A_93 = tpu.memref_slice %arg6[%dma_wait3A, %dma_wait3A_91, %dma_wait3A_92] : memref<4x128x64xf32, #tpu.memory_space<vmem>> -> memref<1x128x64xf32, #tpu.memory_space<vmem>>
    %dma_wait3A_94 = tpu.memref_squeeze %dma_wait3A_93 : memref<1x128x64xf32, #tpu.memory_space<vmem>> -> memref<128x64xf32, #tpu.memory_space<vmem>>
    %dma_wait3A_95 = arith.constant 0 : i32
    %dma_wait3A_96 = arith.constant 0 : i32
    %dma_wait3A_97 = tpu.memref_slice %arg3[%dma_wait3A_95, %dma_wait3A_96] : memref<2000000x64xf32, #tpu.memory_space<hbm>> -> memref<128x64xf32, #tpu.memory_space<hbm>>
    tpu.wait_dma2 semaphore(%arg8 : memref<!tpu.dma_semaphore, #tpu.memory_space<semaphore_mem>>) src(%dma_wait3A_97 : memref<128x64xf32, #tpu.memory_space<hbm>>) dst(%dma_wait3A_94 : memref<128x64xf32, #tpu.memory_space<vmem>>)
    %parallel_loop3A = arith.constant 0 : i32
    %parallel_loop3A_98 = arith.constant 128 : i32
    %parallel_loop3A_99 = arith.constant 1 : i32
    scf.for %parallel_loop3A_350 = %parallel_loop3A to %parallel_loop3A_98 step %parallel_loop3A_99  : i32 {
      %parallel_loop3A_351 = vector.broadcast %parallel_loop3A_350 : i32 to vector<16xi32>
      %parallel_loop3A_352 = arith.constant 0 : i32
      %parallel_loop3A_353 = arith.index_cast %parallel_loop3A_352 : i32 to index
      %parallel_loop3A_354 = arith.index_cast %parallel_loop3A_350 : i32 to index
      %parallel_loop3A_355 = arith.constant 0 : index
      %parallel_loop3A_356 = tpu.vector_load %arg6[%parallel_loop3A_353, %parallel_loop3A_354, %parallel_loop3A_355] {strides = array<i32>} : memref<4x128x64xf32, #tpu.memory_space<vmem>>, vector<16xf32>,
      %parallel_loop3A_357 = arith.constant 8.000000e+00 : f32
      %parallel_loop3A_358 = vector.broadcast %parallel_loop3A_357 : f32 to vector<16xf32>
      %parallel_loop3A_359 = arith.mulf %parallel_loop3A_356, %parallel_loop3A_358 : vector<16xf32>
      %parallel_loop3A_360 = arith.constant 0 : i32
      %parallel_loop3A_361 = arith.constant 0 : i32
      %parallel_loop3A_362 = arith.constant 0 : i32
      %parallel_loop3A_363 = arith.constant 0 : i32
      %parallel_loop3A_364 = tpu.memref_slice %arg7[%parallel_loop3A_360, %parallel_loop3A_361, %parallel_loop3A_362, %parallel_loop3A_363] : memref<4x8x8x136xf32, #tpu.memory_space<vmem>> -> memref<1x8x8x136xf32, #tpu.memory_space<vmem>>
      %parallel_loop3A_365 = tpu.memref_squeeze %parallel_loop3A_364 : memref<1x8x8x136xf32, #tpu.memory_space<vmem>> -> memref<8x8x136xf32, #tpu.memory_space<vmem>>
      tpu.vector_store_idx %parallel_loop3A_365[%shift_right_arithmetic3A_7, %and3A_30, %parallel_loop3A_351], %parallel_loop3A_359 : memref<8x8x136xf32, #tpu.memory_space<vmem>>[vector<16xi32>, vector<16xi32>, vector<16xi32>], vector<16xf32>,
      %parallel_loop3A_366 = arith.constant 0 : i32
      %parallel_loop3A_367 = arith.index_cast %parallel_loop3A_366 : i32 to index
      %parallel_loop3A_368 = arith.index_cast %parallel_loop3A_350 : i32 to index
      %parallel_loop3A_369 = arith.constant 16 : index
      %parallel_loop3A_370 = tpu.vector_load %arg6[%parallel_loop3A_367, %parallel_loop3A_368, %parallel_loop3A_369] {strides = array<i32>} : memref<4x128x64xf32, #tpu.memory_space<vmem>>, vector<16xf32>,
      %parallel_loop3A_371 = arith.constant 8.000000e+00 : f32
      %parallel_loop3A_372 = vector.broadcast %parallel_loop3A_371 : f32 to vector<16xf32>
      %parallel_loop3A_373 = arith.mulf %parallel_loop3A_370, %parallel_loop3A_372 : vector<16xf32>
      %parallel_loop3A_374 = arith.constant 0 : i32
      %parallel_loop3A_375 = arith.constant 0 : i32
      %parallel_loop3A_376 = arith.constant 0 : i32
      %parallel_loop3A_377 = arith.constant 0 : i32
      %parallel_loop3A_378 = tpu.memref_slice %arg7[%parallel_loop3A_374, %parallel_loop3A_375, %parallel_loop3A_376, %parallel_loop3A_377] : memref<4x8x8x136xf32, #tpu.memory_space<vmem>> -> memref<1x8x8x136xf32, #tpu.memory_space<vmem>>
      %parallel_loop3A_379 = tpu.memref_squeeze %parallel_loop3A_378 : memref<1x8x8x136xf32, #tpu.memory_space<vmem>> -> memref<8x8x136xf32, #tpu.memory_space<vmem>>
      tpu.vector_store_idx %parallel_loop3A_379[%shift_right_arithmetic3A_13, %and3A_36, %parallel_loop3A_351], %parallel_loop3A_373 : memref<8x8x136xf32, #tpu.memory_space<vmem>>[vector<16xi32>, vector<16xi32>, vector<16xi32>], vector<16xf32>,
      %parallel_loop3A_380 = arith.constant 0 : i32
      %parallel_loop3A_381 = arith.index_cast %parallel_loop3A_380 : i32 to index
      %parallel_loop3A_382 = arith.index_cast %parallel_loop3A_350 : i32 to index
      %parallel_loop3A_383 = arith.constant 32 : index
      %parallel_loop3A_384 = tpu.vector_load %arg6[%parallel_loop3A_381, %parallel_loop3A_382, %parallel_loop3A_383] {strides = array<i32>} : memref<4x128x64xf32, #tpu.memory_space<vmem>>, vector<16xf32>,
      %parallel_loop3A_385 = arith.constant 8.000000e+00 : f32
      %parallel_loop3A_386 = vector.broadcast %parallel_loop3A_385 : f32 to vector<16xf32>
      %parallel_loop3A_387 = arith.mulf %parallel_loop3A_384, %parallel_loop3A_386 : vector<16xf32>
      %parallel_loop3A_388 = arith.constant 0 : i32
      %parallel_loop3A_389 = arith.constant 0 : i32
      %parallel_loop3A_390 = arith.constant 0 : i32
      %parallel_loop3A_391 = arith.constant 0 : i32
      %parallel_loop3A_392 = tpu.memref_slice %arg7[%parallel_loop3A_388, %parallel_loop3A_389, %parallel_loop3A_390, %parallel_loop3A_391] : memref<4x8x8x136xf32, #tpu.memory_space<vmem>> -> memref<1x8x8x136xf32, #tpu.memory_space<vmem>>
      %parallel_loop3A_393 = tpu.memref_squeeze %parallel_loop3A_392 : memref<1x8x8x136xf32, #tpu.memory_space<vmem>> -> memref<8x8x136xf32, #tpu.memory_space<vmem>>
      tpu.vector_store_idx %parallel_loop3A_393[%shift_right_arithmetic3A_19, %and3A_42, %parallel_loop3A_351], %parallel_loop3A_387 : memref<8x8x136xf32, #tpu.memory_space<vmem>>[vector<16xi32>, vector<16xi32>, vector<16xi32>], vector<16xf32>,
      %parallel_loop3A_394 = arith.constant 0 : i32
      %parallel_loop3A_395 = arith.index_cast %parallel_loop3A_394 : i32 to index
      %parallel_loop3A_396 = arith.index_cast %parallel_loop3A_350 : i32 to index
      %parallel_loop3A_397 = arith.constant 48 : index
      %parallel_loop3A_398 = tpu.vector_load %arg6[%parallel_loop3A_395, %parallel_loop3A_396, %parallel_loop3A_397] {strides = array<i32>} : memref<4x128x64xf32, #tpu.memory_space<vmem>>, vector<16xf32>,
      %parallel_loop3A_399 = arith.constant 8.000000e+00 : f32
      %parallel_loop3A_400 = vector.broadcast %parallel_loop3A_399 : f32 to vector<16xf32>
      %parallel_loop3A_401 = arith.mulf %parallel_loop3A_398, %parallel_loop3A_400 : vector<16xf32>
      %parallel_loop3A_402 = arith.constant 0 : i32
      %parallel_loop3A_403 = arith.constant 0 : i32
      %parallel_loop3A_404 = arith.constant 0 : i32
      %parallel_loop3A_405 = arith.constant 0 : i32
      %parallel_loop3A_406 = tpu.memref_slice %arg7[%parallel_loop3A_402, %parallel_loop3A_403, %parallel_loop3A_404, %parallel_loop3A_405] : memref<4x8x8x136xf32, #tpu.memory_space<vmem>> -> memref<1x8x8x136xf32, #tpu.memory_space<vmem>>
      %parallel_loop3A_407 = tpu.memref_squeeze %parallel_loop3A_406 : memref<1x8x8x136xf32, #tpu.memory_space<vmem>> -> memref<8x8x136xf32, #tpu.memory_space<vmem>>
      tpu.vector_store_idx %parallel_loop3A_407[%shift_right_arithmetic3A_25, %and3A_48, %parallel_loop3A_351], %parallel_loop3A_401 : memref<8x8x136xf32, #tpu.memory_space<vmem>>[vector<16xi32>, vector<16xi32>, vector<16xi32>], vector<16xf32>,
    } {sc.loop_unroll_factor = 4 : i64, sc.parallel_access}
    %dma_start3A_100 = arith.constant 0 : i32
    %dma_start3A_101 = arith.constant 0 : i32
    %dma_start3A_102 = arith.constant 0 : i32
    %dma_start3A_103 = arith.constant 0 : i32
    %dma_start3A_104 = arith.constant 0 : i32
    %dma_start3A_105 = tpu.memref_slice %arg7[%dma_start3A_100, %dma_start3A_102, %dma_start3A_103, %dma_start3A_104] : memref<4x8x8x136xf32, #tpu.memory_space<vmem>> -> memref<1x8x8x128xf32, #tpu.memory_space<vmem>>
    %dma_start3A_106 = tpu.memref_squeeze %dma_start3A_105 : memref<1x8x8x128xf32, #tpu.memory_space<vmem>> -> memref<8x8x128xf32, #tpu.memory_space<vmem>>
    %dma_start3A_107 = arith.constant 0 : i32
    %dma_start3A_108 = arith.constant 0 : i32
    %dma_start3A_109 = arith.constant 0 : i32
    %dma_start3A_110 = tpu.memref_slice %arg4[%dma_start3A_101, %dma_start3A_107, %add3A, %dma_start3A_108, %dma_start3A_109] : memref<200x8x32x8x128xf32, #tpu.memory_space<hbm>> -> memref<1x8x1x8x128xf32, #tpu.memory_space<hbm>>
    %dma_start3A_111 = tpu.memref_squeeze %dma_start3A_110 : memref<1x8x1x8x128xf32, #tpu.memory_space<hbm>> -> memref<8x8x128xf32, #tpu.memory_space<hbm>>
    %dma_start3A_112 = arith.constant 0 : i32
    %dma_start3A_113 = arith.constant 0 : i32
    %dma_start3A_114 = arith.constant 0 : i32
    %dma_start3A_115 = tpu.memref_slice %arg4[%dma_start3A_101, %dma_start3A_112, %add3A, %dma_start3A_113, %dma_start3A_114] : memref<200x8x32x8x128xf32, #tpu.memory_space<hbm>> -> memref<1x8x1x8x128xf32, #tpu.memory_space<hbm>>
    %dma_start3A_116 = tpu.memref_squeeze %dma_start3A_115 : memref<1x8x1x8x128xf32, #tpu.memory_space<hbm>> -> memref<8x8x128xf32, #tpu.memory_space<hbm>>
    %dma_start3A_117 = arith.constant 0 : i32
    %dma_start3A_118 = arith.constant 0 : i32
    %dma_start3A_119 = arith.constant 0 : i32
    %dma_start3A_120 = tpu.memref_slice %arg7[%dma_start3A_100, %dma_start3A_117, %dma_start3A_118, %dma_start3A_119] : memref<4x8x8x136xf32, #tpu.memory_space<vmem>> -> memref<1x8x8x128xf32, #tpu.memory_space<vmem>>
    %dma_start3A_121 = tpu.memref_squeeze %dma_start3A_120 : memref<1x8x8x128xf32, #tpu.memory_space<vmem>> -> memref<8x8x128xf32, #tpu.memory_space<vmem>>
    tpu.enqueue_dma source(%dma_start3A_121 : memref<8x8x128xf32, #tpu.memory_space<vmem>>) target(%dma_start3A_116 : memref<8x8x128xf32, #tpu.memory_space<hbm>>) target_semaphore(%arg12 : memref<!tpu.dma_semaphore, #tpu.memory_space<semaphore_mem>>)
    %dma_start3A_122 = arith.constant 3 : i32
    %dma_start3A_123 = arith.constant 3 : i32
    %dma_start3A_124 = arith.constant 0 : i32
    %dma_start3A_125 = arith.constant 0 : i32
    %dma_start3A_126 = tpu.memref_slice %arg6[%dma_start3A_123, %dma_start3A_124, %dma_start3A_125] : memref<4x128x64xf32, #tpu.memory_space<vmem>> -> memref<1x128x64xf32, #tpu.memory_space<vmem>>
    %dma_start3A_127 = tpu.memref_squeeze %dma_start3A_126 : memref<1x128x64xf32, #tpu.memory_space<vmem>> -> memref<128x64xf32, #tpu.memory_space<vmem>>
    %dma_start3A_128 = arith.constant 0 : i32
    %dma_start3A_129 = tpu.memref_slice %arg5[%dma_start3A_122, %dma_start3A_128] : memref<200x128xi32, #tpu.memory_space<vmem>> -> memref<1x128xi32, #tpu.memory_space<vmem>>
    %dma_start3A_130 = tpu.memref_squeeze %dma_start3A_129 : memref<1x128xi32, #tpu.memory_space<vmem>> -> memref<128xi32, #tpu.memory_space<vmem>>
    %dma_start3A_131 = arith.constant 0 : i32
    %dma_start3A_132 = arith.constant 0 : i32
    %dma_start3A_133 = tpu.memref_slice %arg3[%dma_start3A_131, %dma_start3A_132] : memref<2000000x64xf32, #tpu.memory_space<hbm>> -> memref<2000000x64xf32, #tpu.memory_space<hbm>>
    tpu.enqueue_indirect_dma source(%dma_start3A_133 : memref<2000000x64xf32, #tpu.memory_space<hbm>>) target(%dma_start3A_127 : memref<128x64xf32, #tpu.memory_space<vmem>>) offsets(%dma_start3A_130 : memref<128xi32, #tpu.memory_space<vmem>>) semaphore(%arg11 : memref<!tpu.dma_semaphore, #tpu.memory_space<semaphore_mem>>)
    %dma_wait3A_134 = arith.constant 1 : i32
    %dma_wait3A_135 = arith.constant 0 : i32
    %dma_wait3A_136 = arith.constant 0 : i32
    %dma_wait3A_137 = tpu.memref_slice %arg6[%dma_wait3A_134, %dma_wait3A_135, %dma_wait3A_136] : memref<4x128x64xf32, #tpu.memory_space<vmem>> -> memref<1x128x64xf32, #tpu.memory_space<vmem>>
    %dma_wait3A_138 = tpu.memref_squeeze %dma_wait3A_137 : memref<1x128x64xf32, #tpu.memory_space<vmem>> -> memref<128x64xf32, #tpu.memory_space<vmem>>
    %dma_wait3A_139 = arith.constant 0 : i32
    %dma_wait3A_140 = arith.constant 0 : i32
    %dma_wait3A_141 = tpu.memref_slice %arg3[%dma_wait3A_139, %dma_wait3A_140] : memref<2000000x64xf32, #tpu.memory_space<hbm>> -> memref<128x64xf32, #tpu.memory_space<hbm>>
    %dma_wait3A_142 = arith.constant 0 : i32
    %dma_wait3A_143 = arith.constant 0 : i32
    %dma_wait3A_144 = tpu.memref_slice %arg6[%dma_wait3A_134, %dma_wait3A_142, %dma_wait3A_143] : memref<4x128x64xf32, #tpu.memory_space<vmem>> -> memref<1x128x64xf32, #tpu.memory_space<vmem>>
    %dma_wait3A_145 = tpu.memref_squeeze %dma_wait3A_144 : memref<1x128x64xf32, #tpu.memory_space<vmem>> -> memref<128x64xf32, #tpu.memory_space<vmem>>
    %dma_wait3A_146 = arith.constant 0 : i32
    %dma_wait3A_147 = arith.constant 0 : i32
    %dma_wait3A_148 = tpu.memref_slice %arg3[%dma_wait3A_146, %dma_wait3A_147] : memref<2000000x64xf32, #tpu.memory_space<hbm>> -> memref<128x64xf32, #tpu.memory_space<hbm>>
    tpu.wait_dma2 semaphore(%arg9 : memref<!tpu.dma_semaphore, #tpu.memory_space<semaphore_mem>>) src(%dma_wait3A_148 : memref<128x64xf32, #tpu.memory_space<hbm>>) dst(%dma_wait3A_145 : memref<128x64xf32, #tpu.memory_space<vmem>>)
    %parallel_loop3A_149 = arith.constant 0 : i32
    %parallel_loop3A_150 = arith.constant 128 : i32
    %parallel_loop3A_151 = arith.constant 1 : i32
    scf.for %parallel_loop3A_350 = %parallel_loop3A_149 to %parallel_loop3A_150 step %parallel_loop3A_151  : i32 {
      %parallel_loop3A_351 = vector.broadcast %parallel_loop3A_350 : i32 to vector<16xi32>
      %parallel_loop3A_352 = arith.constant 1 : i32
      %parallel_loop3A_353 = arith.index_cast %parallel_loop3A_352 : i32 to index
      %parallel_loop3A_354 = arith.index_cast %parallel_loop3A_350 : i32 to index
      %parallel_loop3A_355 = arith.constant 0 : index
      %parallel_loop3A_356 = tpu.vector_load %arg6[%parallel_loop3A_353, %parallel_loop3A_354, %parallel_loop3A_355] {strides = array<i32>} : memref<4x128x64xf32, #tpu.memory_space<vmem>>, vector<16xf32>,
      %parallel_loop3A_357 = arith.constant 8.000000e+00 : f32
      %parallel_loop3A_358 = vector.broadcast %parallel_loop3A_357 : f32 to vector<16xf32>
      %parallel_loop3A_359 = arith.mulf %parallel_loop3A_356, %parallel_loop3A_358 : vector<16xf32>
      %parallel_loop3A_360 = arith.constant 1 : i32
      %parallel_loop3A_361 = arith.constant 0 : i32
      %parallel_loop3A_362 = arith.constant 0 : i32
      %parallel_loop3A_363 = arith.constant 0 : i32
      %parallel_loop3A_364 = tpu.memref_slice %arg7[%parallel_loop3A_360, %parallel_loop3A_361, %parallel_loop3A_362, %parallel_loop3A_363] : memref<4x8x8x136xf32, #tpu.memory_space<vmem>> -> memref<1x8x8x136xf32, #tpu.memory_space<vmem>>
      %parallel_loop3A_365 = tpu.memref_squeeze %parallel_loop3A_364 : memref<1x8x8x136xf32, #tpu.memory_space<vmem>> -> memref<8x8x136xf32, #tpu.memory_space<vmem>>
      tpu.vector_store_idx %parallel_loop3A_365[%shift_right_arithmetic3A_7, %and3A_30, %parallel_loop3A_351], %parallel_loop3A_359 : memref<8x8x136xf32, #tpu.memory_space<vmem>>[vector<16xi32>, vector<16xi32>, vector<16xi32>], vector<16xf32>,
      %parallel_loop3A_366 = arith.constant 1 : i32
      %parallel_loop3A_367 = arith.index_cast %parallel_loop3A_366 : i32 to index
      %parallel_loop3A_368 = arith.index_cast %parallel_loop3A_350 : i32 to index
      %parallel_loop3A_369 = arith.constant 16 : index
      %parallel_loop3A_370 = tpu.vector_load %arg6[%parallel_loop3A_367, %parallel_loop3A_368, %parallel_loop3A_369] {strides = array<i32>} : memref<4x128x64xf32, #tpu.memory_space<vmem>>, vector<16xf32>,
      %parallel_loop3A_371 = arith.constant 8.000000e+00 : f32
      %parallel_loop3A_372 = vector.broadcast %parallel_loop3A_371 : f32 to vector<16xf32>
      %parallel_loop3A_373 = arith.mulf %parallel_loop3A_370, %parallel_loop3A_372 : vector<16xf32>
      %parallel_loop3A_374 = arith.constant 1 : i32
      %parallel_loop3A_375 = arith.constant 0 : i32
      %parallel_loop3A_376 = arith.constant 0 : i32
      %parallel_loop3A_377 = arith.constant 0 : i32
      %parallel_loop3A_378 = tpu.memref_slice %arg7[%parallel_loop3A_374, %parallel_loop3A_375, %parallel_loop3A_376, %parallel_loop3A_377] : memref<4x8x8x136xf32, #tpu.memory_space<vmem>> -> memref<1x8x8x136xf32, #tpu.memory_space<vmem>>
      %parallel_loop3A_379 = tpu.memref_squeeze %parallel_loop3A_378 : memref<1x8x8x136xf32, #tpu.memory_space<vmem>> -> memref<8x8x136xf32, #tpu.memory_space<vmem>>
      tpu.vector_store_idx %parallel_loop3A_379[%shift_right_arithmetic3A_13, %and3A_36, %parallel_loop3A_351], %parallel_loop3A_373 : memref<8x8x136xf32, #tpu.memory_space<vmem>>[vector<16xi32>, vector<16xi32>, vector<16xi32>], vector<16xf32>,
      %parallel_loop3A_380 = arith.constant 1 : i32
      %parallel_loop3A_381 = arith.index_cast %parallel_loop3A_380 : i32 to index
      %parallel_loop3A_382 = arith.index_cast %parallel_loop3A_350 : i32 to index
      %parallel_loop3A_383 = arith.constant 32 : index
      %parallel_loop3A_384 = tpu.vector_load %arg6[%parallel_loop3A_381, %parallel_loop3A_382, %parallel_loop3A_383] {strides = array<i32>} : memref<4x128x64xf32, #tpu.memory_space<vmem>>, vector<16xf32>,
      %parallel_loop3A_385 = arith.constant 8.000000e+00 : f32
      %parallel_loop3A_386 = vector.broadcast %parallel_loop3A_385 : f32 to vector<16xf32>
      %parallel_loop3A_387 = arith.mulf %parallel_loop3A_384, %parallel_loop3A_386 : vector<16xf32>
      %parallel_loop3A_388 = arith.constant 1 : i32
      %parallel_loop3A_389 = arith.constant 0 : i32
      %parallel_loop3A_390 = arith.constant 0 : i32
      %parallel_loop3A_391 = arith.constant 0 : i32
      %parallel_loop3A_392 = tpu.memref_slice %arg7[%parallel_loop3A_388, %parallel_loop3A_389, %parallel_loop3A_390, %parallel_loop3A_391] : memref<4x8x8x136xf32, #tpu.memory_space<vmem>> -> memref<1x8x8x136xf32, #tpu.memory_space<vmem>>
      %parallel_loop3A_393 = tpu.memref_squeeze %parallel_loop3A_392 : memref<1x8x8x136xf32, #tpu.memory_space<vmem>> -> memref<8x8x136xf32, #tpu.memory_space<vmem>>
      tpu.vector_store_idx %parallel_loop3A_393[%shift_right_arithmetic3A_19, %and3A_42, %parallel_loop3A_351], %parallel_loop3A_387 : memref<8x8x136xf32, #tpu.memory_space<vmem>>[vector<16xi32>, vector<16xi32>, vector<16xi32>], vector<16xf32>,
      %parallel_loop3A_394 = arith.constant 1 : i32
      %parallel_loop3A_395 = arith.index_cast %parallel_loop3A_394 : i32 to index
      %parallel_loop3A_396 = arith.index_cast %parallel_loop3A_350 : i32 to index
      %parallel_loop3A_397 = arith.constant 48 : index
      %parallel_loop3A_398 = tpu.vector_load %arg6[%parallel_loop3A_395, %parallel_loop3A_396, %parallel_loop3A_397] {strides = array<i32>} : memref<4x128x64xf32, #tpu.memory_space<vmem>>, vector<16xf32>,
      %parallel_loop3A_399 = arith.constant 8.000000e+00 : f32
      %parallel_loop3A_400 = vector.broadcast %parallel_loop3A_399 : f32 to vector<16xf32>
      %parallel_loop3A_401 = arith.mulf %parallel_loop3A_398, %parallel_loop3A_400 : vector<16xf32>
      %parallel_loop3A_402 = arith.constant 1 : i32
      %parallel_loop3A_403 = arith.constant 0 : i32
      %parallel_loop3A_404 = arith.constant 0 : i32
      %parallel_loop3A_405 = arith.constant 0 : i32
      %parallel_loop3A_406 = tpu.memref_slice %arg7[%parallel_loop3A_402, %parallel_loop3A_403, %parallel_loop3A_404, %parallel_loop3A_405] : memref<4x8x8x136xf32, #tpu.memory_space<vmem>> -> memref<1x8x8x136xf32, #tpu.memory_space<vmem>>
      %parallel_loop3A_407 = tpu.memref_squeeze %parallel_loop3A_406 : memref<1x8x8x136xf32, #tpu.memory_space<vmem>> -> memref<8x8x136xf32, #tpu.memory_space<vmem>>
      tpu.vector_store_idx %parallel_loop3A_407[%shift_right_arithmetic3A_25, %and3A_48, %parallel_loop3A_351], %parallel_loop3A_401 : memref<8x8x136xf32, #tpu.memory_space<vmem>>[vector<16xi32>, vector<16xi32>, vector<16xi32>], vector<16xf32>,
    } {sc.loop_unroll_factor = 4 : i64, sc.parallel_access}
    %dma_start3A_152 = arith.constant 1 : i32
    %dma_start3A_153 = arith.constant 1 : i32
    %dma_start3A_154 = arith.constant 0 : i32
    %dma_start3A_155 = arith.constant 0 : i32
    %dma_start3A_156 = arith.constant 0 : i32
    %dma_start3A_157 = tpu.memref_slice %arg7[%dma_start3A_152, %dma_start3A_154, %dma_start3A_155, %dma_start3A_156] : memref<4x8x8x136xf32, #tpu.memory_space<vmem>> -> memref<1x8x8x128xf32, #tpu.memory_space<vmem>>
    %dma_start3A_158 = tpu.memref_squeeze %dma_start3A_157 : memref<1x8x8x128xf32, #tpu.memory_space<vmem>> -> memref<8x8x128xf32, #tpu.memory_space<vmem>>
    %dma_start3A_159 = arith.constant 0 : i32
    %dma_start3A_160 = arith.constant 0 : i32
    %dma_start3A_161 = arith.constant 0 : i32
    %dma_start3A_162 = tpu.memref_slice %arg4[%dma_start3A_153, %dma_start3A_159, %add3A, %dma_start3A_160, %dma_start3A_161] : memref<200x8x32x8x128xf32, #tpu.memory_space<hbm>> -> memref<1x8x1x8x128xf32, #tpu.memory_space<hbm>>
    %dma_start3A_163 = tpu.memref_squeeze %dma_start3A_162 : memref<1x8x1x8x128xf32, #tpu.memory_space<hbm>> -> memref<8x8x128xf32, #tpu.memory_space<hbm>>
    %dma_start3A_164 = arith.constant 0 : i32
    %dma_start3A_165 = arith.constant 0 : i32
    %dma_start3A_166 = arith.constant 0 : i32
    %dma_start3A_167 = tpu.memref_slice %arg4[%dma_start3A_153, %dma_start3A_164, %add3A, %dma_start3A_165, %dma_start3A_166] : memref<200x8x32x8x128xf32, #tpu.memory_space<hbm>> -> memref<1x8x1x8x128xf32, #tpu.memory_space<hbm>>
    %dma_start3A_168 = tpu.memref_squeeze %dma_start3A_167 : memref<1x8x1x8x128xf32, #tpu.memory_space<hbm>> -> memref<8x8x128xf32, #tpu.memory_space<hbm>>
    %dma_start3A_169 = arith.constant 0 : i32
    %dma_start3A_170 = arith.constant 0 : i32
    %dma_start3A_171 = arith.constant 0 : i32
    %dma_start3A_172 = tpu.memref_slice %arg7[%dma_start3A_152, %dma_start3A_169, %dma_start3A_170, %dma_start3A_171] : memref<4x8x8x136xf32, #tpu.memory_space<vmem>> -> memref<1x8x8x128xf32, #tpu.memory_space<vmem>>
    %dma_start3A_173 = tpu.memref_squeeze %dma_start3A_172 : memref<1x8x8x128xf32, #tpu.memory_space<vmem>> -> memref<8x8x128xf32, #tpu.memory_space<vmem>>
    tpu.enqueue_dma source(%dma_start3A_173 : memref<8x8x128xf32, #tpu.memory_space<vmem>>) target(%dma_start3A_168 : memref<8x8x128xf32, #tpu.memory_space<hbm>>) target_semaphore(%arg13 : memref<!tpu.dma_semaphore, #tpu.memory_space<semaphore_mem>>)
    %scan3A = arith.constant 0 : i32
    %scan3A_174 = arith.constant 49 : i32
    %scan3A_175 = arith.addi %scan3A, %scan3A_174 : i32
    %scan3A_176 = arith.constant 1 : i32
    scf.for %scan3A_350 = %scan3A to %scan3A_175 step %scan3A_176  : i32 {
      %mul3A_351 = arith.constant 4 : i32
      %mul3A_352 = arith.muli %scan3A_350, %mul3A_351 : i32
      %add3A_353 = arith.constant 2 : i32
      %add3A_354 = arith.addi %add3A_353, %mul3A_352 : i32
      %add3A_355 = arith.constant 0 : i32
      %add3A_356 = arith.addi %add3A_354, %add3A_355 : i32
      %dma_wait3A_357 = arith.constant 0 : i32
      %dma_wait3A_358 = arith.constant 0 : i32
      %dma_wait3A_359 = arith.constant 0 : i32
      %dma_wait3A_360 = arith.constant 0 : i32
      %dma_wait3A_361 = arith.constant 0 : i32
      %dma_wait3A_362 = arith.constant 0 : i32
      %dma_wait3A_363 = tpu.memref_slice %arg7[%dma_wait3A_359, %dma_wait3A_360, %dma_wait3A_361, %dma_wait3A_362] : memref<4x8x8x136xf32, #tpu.memory_space<vmem>> -> memref<1x8x8x128xf32, #tpu.memory_space<vmem>>
      %dma_wait3A_364 = tpu.memref_squeeze %dma_wait3A_363 : memref<1x8x8x128xf32, #tpu.memory_space<vmem>> -> memref<8x8x128xf32, #tpu.memory_space<vmem>>
      %dma_wait3A_365 = arith.constant 0 : i32
      %dma_wait3A_366 = arith.constant 0 : i32
      %dma_wait3A_367 = arith.constant 0 : i32
      %dma_wait3A_368 = tpu.memref_slice %arg4[%dma_wait3A_357, %dma_wait3A_365, %dma_wait3A_358, %dma_wait3A_366, %dma_wait3A_367] : memref<200x8x32x8x128xf32, #tpu.memory_space<hbm>> -> memref<1x8x1x8x128xf32, #tpu.memory_space<hbm>>
      %dma_wait3A_369 = tpu.memref_squeeze %dma_wait3A_368 : memref<1x8x1x8x128xf32, #tpu.memory_space<hbm>> -> memref<8x8x128xf32, #tpu.memory_space<hbm>>
      %dma_wait3A_370 = arith.constant 0 : i32
      %dma_wait3A_371 = arith.constant 0 : i32
      %dma_wait3A_372 = arith.constant 0 : i32
      %dma_wait3A_373 = tpu.memref_slice %arg7[%dma_wait3A_359, %dma_wait3A_370, %dma_wait3A_371, %dma_wait3A_372] : memref<4x8x8x136xf32, #tpu.memory_space<vmem>> -> memref<1x8x8x128xf32, #tpu.memory_space<vmem>>
      %dma_wait3A_374 = tpu.memref_squeeze %dma_wait3A_373 : memref<1x8x8x128xf32, #tpu.memory_space<vmem>> -> memref<8x8x128xf32, #tpu.memory_space<vmem>>
      %dma_wait3A_375 = arith.constant 0 : i32
      %dma_wait3A_376 = arith.constant 0 : i32
      %dma_wait3A_377 = arith.constant 0 : i32
      %dma_wait3A_378 = tpu.memref_slice %arg4[%dma_wait3A_357, %dma_wait3A_375, %dma_wait3A_358, %dma_wait3A_376, %dma_wait3A_377] : memref<200x8x32x8x128xf32, #tpu.memory_space<hbm>> -> memref<1x8x1x8x128xf32, #tpu.memory_space<hbm>>
      %dma_wait3A_379 = tpu.memref_squeeze %dma_wait3A_378 : memref<1x8x1x8x128xf32, #tpu.memory_space<hbm>> -> memref<8x8x128xf32, #tpu.memory_space<hbm>>
      tpu.wait_dma2 semaphore(%arg12 : memref<!tpu.dma_semaphore, #tpu.memory_space<semaphore_mem>>) src(%dma_wait3A_379 : memref<8x8x128xf32, #tpu.memory_space<hbm>>) dst(%dma_wait3A_374 : memref<8x8x128xf32, #tpu.memory_space<vmem>>)
      %add3A_380 = arith.constant 2 : i32
      %add3A_381 = arith.addi %add3A_356, %add3A_380 : i32
      %dma_start3A_382 = arith.constant 0 : i32
      %dma_start3A_383 = arith.constant 0 : i32
      %dma_start3A_384 = arith.constant 0 : i32
      %dma_start3A_385 = tpu.memref_slice %arg6[%dma_start3A_382, %dma_start3A_383, %dma_start3A_384] : memref<4x128x64xf32, #tpu.memory_space<vmem>> -> memref<1x128x64xf32, #tpu.memory_space<vmem>>
      %dma_start3A_386 = tpu.memref_squeeze %dma_start3A_385 : memref<1x128x64xf32, #tpu.memory_space<vmem>> -> memref<128x64xf32, #tpu.memory_space<vmem>>
      %dma_start3A_387 = arith.constant 0 : i32
      %dma_start3A_388 = tpu.memref_slice %arg5[%add3A_381, %dma_start3A_387] : memref<200x128xi32, #tpu.memory_space<vmem>> -> memref<1x128xi32, #tpu.memory_space<vmem>>
      %dma_start3A_389 = tpu.memref_squeeze %dma_start3A_388 : memref<1x128xi32, #tpu.memory_space<vmem>> -> memref<128xi32, #tpu.memory_space<vmem>>
      %dma_start3A_390 = arith.constant 0 : i32
      %dma_start3A_391 = arith.constant 0 : i32
      %dma_start3A_392 = tpu.memref_slice %arg3[%dma_start3A_390, %dma_start3A_391] : memref<2000000x64xf32, #tpu.memory_space<hbm>> -> memref<2000000x64xf32, #tpu.memory_space<hbm>>
      tpu.enqueue_indirect_dma source(%dma_start3A_392 : memref<2000000x64xf32, #tpu.memory_space<hbm>>) target(%dma_start3A_386 : memref<128x64xf32, #tpu.memory_space<vmem>>) offsets(%dma_start3A_389 : memref<128xi32, #tpu.memory_space<vmem>>) semaphore(%arg8 : memref<!tpu.dma_semaphore, #tpu.memory_space<semaphore_mem>>)
      %dma_wait3A_393 = arith.constant 2 : i32
      %dma_wait3A_394 = arith.constant 0 : i32
      %dma_wait3A_395 = arith.constant 0 : i32
      %dma_wait3A_396 = tpu.memref_slice %arg6[%dma_wait3A_393, %dma_wait3A_394, %dma_wait3A_395] : memref<4x128x64xf32, #tpu.memory_space<vmem>> -> memref<1x128x64xf32, #tpu.memory_space<vmem>>
      %dma_wait3A_397 = tpu.memref_squeeze %dma_wait3A_396 : memref<1x128x64xf32, #tpu.memory_space<vmem>> -> memref<128x64xf32, #tpu.memory_space<vmem>>
      %dma_wait3A_398 = arith.constant 0 : i32
      %dma_wait3A_399 = arith.constant 0 : i32
      %dma_wait3A_400 = tpu.memref_slice %arg3[%dma_wait3A_398, %dma_wait3A_399] : memref<2000000x64xf32, #tpu.memory_space<hbm>> -> memref<128x64xf32, #tpu.memory_space<hbm>>
      %dma_wait3A_401 = arith.constant 0 : i32
      %dma_wait3A_402 = arith.constant 0 : i32
      %dma_wait3A_403 = tpu.memref_slice %arg6[%dma_wait3A_393, %dma_wait3A_401, %dma_wait3A_402] : memref<4x128x64xf32, #tpu.memory_space<vmem>> -> memref<1x128x64xf32, #tpu.memory_space<vmem>>
      %dma_wait3A_404 = tpu.memref_squeeze %dma_wait3A_403 : memref<1x128x64xf32, #tpu.memory_space<vmem>> -> memref<128x64xf32, #tpu.memory_space<vmem>>
      %dma_wait3A_405 = arith.constant 0 : i32
      %dma_wait3A_406 = arith.constant 0 : i32
      %dma_wait3A_407 = tpu.memref_slice %arg3[%dma_wait3A_405, %dma_wait3A_406] : memref<2000000x64xf32, #tpu.memory_space<hbm>> -> memref<128x64xf32, #tpu.memory_space<hbm>>
      tpu.wait_dma2 semaphore(%arg10 : memref<!tpu.dma_semaphore, #tpu.memory_space<semaphore_mem>>) src(%dma_wait3A_407 : memref<128x64xf32, #tpu.memory_space<hbm>>) dst(%dma_wait3A_404 : memref<128x64xf32, #tpu.memory_space<vmem>>)
      %parallel_loop3A_408 = arith.constant 0 : i32
      %parallel_loop3A_409 = arith.constant 128 : i32
      %parallel_loop3A_410 = arith.constant 1 : i32
      scf.for %parallel_loop3A_663 = %parallel_loop3A_408 to %parallel_loop3A_409 step %parallel_loop3A_410  : i32 {
        %parallel_loop3A_664 = vector.broadcast %parallel_loop3A_663 : i32 to vector<16xi32>
        %parallel_loop3A_665 = arith.constant 2 : i32
        %parallel_loop3A_666 = arith.index_cast %parallel_loop3A_665 : i32 to index
        %parallel_loop3A_667 = arith.index_cast %parallel_loop3A_663 : i32 to index
        %parallel_loop3A_668 = arith.constant 0 : index
        %parallel_loop3A_669 = tpu.vector_load %arg6[%parallel_loop3A_666, %parallel_loop3A_667, %parallel_loop3A_668] {strides = array<i32>} : memref<4x128x64xf32, #tpu.memory_space<vmem>>, vector<16xf32>,
        %parallel_loop3A_670 = arith.constant 8.000000e+00 : f32
        %parallel_loop3A_671 = vector.broadcast %parallel_loop3A_670 : f32 to vector<16xf32>
        %parallel_loop3A_672 = arith.mulf %parallel_loop3A_669, %parallel_loop3A_671 : vector<16xf32>
        %parallel_loop3A_673 = arith.constant 2 : i32
        %parallel_loop3A_674 = arith.constant 0 : i32
        %parallel_loop3A_675 = arith.constant 0 : i32
        %parallel_loop3A_676 = arith.constant 0 : i32
        %parallel_loop3A_677 = tpu.memref_slice %arg7[%parallel_loop3A_673, %parallel_loop3A_674, %parallel_loop3A_675, %parallel_loop3A_676] : memref<4x8x8x136xf32, #tpu.memory_space<vmem>> -> memref<1x8x8x136xf32, #tpu.memory_space<vmem>>
        %parallel_loop3A_678 = tpu.memref_squeeze %parallel_loop3A_677 : memref<1x8x8x136xf32, #tpu.memory_space<vmem>> -> memref<8x8x136xf32, #tpu.memory_space<vmem>>
        tpu.vector_store_idx %parallel_loop3A_678[%shift_right_arithmetic3A_7, %and3A_30, %parallel_loop3A_664], %parallel_loop3A_672 : memref<8x8x136xf32, #tpu.memory_space<vmem>>[vector<16xi32>, vector<16xi32>, vector<16xi32>], vector<16xf32>,
        %parallel_loop3A_679 = arith.constant 2 : i32
        %parallel_loop3A_680 = arith.index_cast %parallel_loop3A_679 : i32 to index
        %parallel_loop3A_681 = arith.index_cast %parallel_loop3A_663 : i32 to index
        %parallel_loop3A_682 = arith.constant 16 : index
        %parallel_loop3A_683 = tpu.vector_load %arg6[%parallel_loop3A_680, %parallel_loop3A_681, %parallel_loop3A_682] {strides = array<i32>} : memref<4x128x64xf32, #tpu.memory_space<vmem>>, vector<16xf32>,
        %parallel_loop3A_684 = arith.constant 8.000000e+00 : f32
        %parallel_loop3A_685 = vector.broadcast %parallel_loop3A_684 : f32 to vector<16xf32>
        %parallel_loop3A_686 = arith.mulf %parallel_loop3A_683, %parallel_loop3A_685 : vector<16xf32>
        %parallel_loop3A_687 = arith.constant 2 : i32
        %parallel_loop3A_688 = arith.constant 0 : i32
        %parallel_loop3A_689 = arith.constant 0 : i32
        %parallel_loop3A_690 = arith.constant 0 : i32
        %parallel_loop3A_691 = tpu.memref_slice %arg7[%parallel_loop3A_687, %parallel_loop3A_688, %parallel_loop3A_689, %parallel_loop3A_690] : memref<4x8x8x136xf32, #tpu.memory_space<vmem>> -> memref<1x8x8x136xf32, #tpu.memory_space<vmem>>
        %parallel_loop3A_692 = tpu.memref_squeeze %parallel_loop3A_691 : memref<1x8x8x136xf32, #tpu.memory_space<vmem>> -> memref<8x8x136xf32, #tpu.memory_space<vmem>>
        tpu.vector_store_idx %parallel_loop3A_692[%shift_right_arithmetic3A_13, %and3A_36, %parallel_loop3A_664], %parallel_loop3A_686 : memref<8x8x136xf32, #tpu.memory_space<vmem>>[vector<16xi32>, vector<16xi32>, vector<16xi32>], vector<16xf32>,
        %parallel_loop3A_693 = arith.constant 2 : i32
        %parallel_loop3A_694 = arith.index_cast %parallel_loop3A_693 : i32 to index
        %parallel_loop3A_695 = arith.index_cast %parallel_loop3A_663 : i32 to index
        %parallel_loop3A_696 = arith.constant 32 : index
        %parallel_loop3A_697 = tpu.vector_load %arg6[%parallel_loop3A_694, %parallel_loop3A_695, %parallel_loop3A_696] {strides = array<i32>} : memref<4x128x64xf32, #tpu.memory_space<vmem>>, vector<16xf32>,
        %parallel_loop3A_698 = arith.constant 8.000000e+00 : f32
        %parallel_loop3A_699 = vector.broadcast %parallel_loop3A_698 : f32 to vector<16xf32>
        %parallel_loop3A_700 = arith.mulf %parallel_loop3A_697, %parallel_loop3A_699 : vector<16xf32>
        %parallel_loop3A_701 = arith.constant 2 : i32
        %parallel_loop3A_702 = arith.constant 0 : i32
        %parallel_loop3A_703 = arith.constant 0 : i32
        %parallel_loop3A_704 = arith.constant 0 : i32
        %parallel_loop3A_705 = tpu.memref_slice %arg7[%parallel_loop3A_701, %parallel_loop3A_702, %parallel_loop3A_703, %parallel_loop3A_704] : memref<4x8x8x136xf32, #tpu.memory_space<vmem>> -> memref<1x8x8x136xf32, #tpu.memory_space<vmem>>
        %parallel_loop3A_706 = tpu.memref_squeeze %parallel_loop3A_705 : memref<1x8x8x136xf32, #tpu.memory_space<vmem>> -> memref<8x8x136xf32, #tpu.memory_space<vmem>>
        tpu.vector_store_idx %parallel_loop3A_706[%shift_right_arithmetic3A_19, %and3A_42, %parallel_loop3A_664], %parallel_loop3A_700 : memref<8x8x136xf32, #tpu.memory_space<vmem>>[vector<16xi32>, vector<16xi32>, vector<16xi32>], vector<16xf32>,
        %parallel_loop3A_707 = arith.constant 2 : i32
        %parallel_loop3A_708 = arith.index_cast %parallel_loop3A_707 : i32 to index
        %parallel_loop3A_709 = arith.index_cast %parallel_loop3A_663 : i32 to index
        %parallel_loop3A_710 = arith.constant 48 : index
        %parallel_loop3A_711 = tpu.vector_load %arg6[%parallel_loop3A_708, %parallel_loop3A_709, %parallel_loop3A_710] {strides = array<i32>} : memref<4x128x64xf32, #tpu.memory_space<vmem>>, vector<16xf32>,
        %parallel_loop3A_712 = arith.constant 8.000000e+00 : f32
        %parallel_loop3A_713 = vector.broadcast %parallel_loop3A_712 : f32 to vector<16xf32>
        %parallel_loop3A_714 = arith.mulf %parallel_loop3A_711, %parallel_loop3A_713 : vector<16xf32>
        %parallel_loop3A_715 = arith.constant 2 : i32
        %parallel_loop3A_716 = arith.constant 0 : i32
        %parallel_loop3A_717 = arith.constant 0 : i32
        %parallel_loop3A_718 = arith.constant 0 : i32
        %parallel_loop3A_719 = tpu.memref_slice %arg7[%parallel_loop3A_715, %parallel_loop3A_716, %parallel_loop3A_717, %parallel_loop3A_718] : memref<4x8x8x136xf32, #tpu.memory_space<vmem>> -> memref<1x8x8x136xf32, #tpu.memory_space<vmem>>
        %parallel_loop3A_720 = tpu.memref_squeeze %parallel_loop3A_719 : memref<1x8x8x136xf32, #tpu.memory_space<vmem>> -> memref<8x8x136xf32, #tpu.memory_space<vmem>>
        tpu.vector_store_idx %parallel_loop3A_720[%shift_right_arithmetic3A_25, %and3A_48, %parallel_loop3A_664], %parallel_loop3A_714 : memref<8x8x136xf32, #tpu.memory_space<vmem>>[vector<16xi32>, vector<16xi32>, vector<16xi32>], vector<16xf32>,
      } {sc.loop_unroll_factor = 4 : i64, sc.parallel_access}
      %dma_start3A_411 = arith.constant 2 : i32
      %dma_start3A_412 = arith.constant 0 : i32
      %dma_start3A_413 = arith.constant 0 : i32
      %dma_start3A_414 = arith.constant 0 : i32
      %dma_start3A_415 = tpu.memref_slice %arg7[%dma_start3A_411, %dma_start3A_412, %dma_start3A_413, %dma_start3A_414] : memref<4x8x8x136xf32, #tpu.memory_space<vmem>> -> memref<1x8x8x128xf32, #tpu.memory_space<vmem>>
      %dma_start3A_416 = tpu.memref_squeeze %dma_start3A_415 : memref<1x8x8x128xf32, #tpu.memory_space<vmem>> -> memref<8x8x128xf32, #tpu.memory_space<vmem>>
      %dma_start3A_417 = arith.constant 0 : i32
      %dma_start3A_418 = arith.constant 0 : i32
      %dma_start3A_419 = arith.constant 0 : i32
      %dma_start3A_420 = tpu.memref_slice %arg4[%add3A_356, %dma_start3A_417, %add3A, %dma_start3A_418, %dma_start3A_419] : memref<200x8x32x8x128xf32, #tpu.memory_space<hbm>> -> memref<1x8x1x8x128xf32, #tpu.memory_space<hbm>>
      %dma_start3A_421 = tpu.memref_squeeze %dma_start3A_420 : memref<1x8x1x8x128xf32, #tpu.memory_space<hbm>> -> memref<8x8x128xf32, #tpu.memory_space<hbm>>
      %dma_start3A_422 = arith.constant 0 : i32
      %dma_start3A_423 = arith.constant 0 : i32
      %dma_start3A_424 = arith.constant 0 : i32
      %dma_start3A_425 = tpu.memref_slice %arg4[%add3A_356, %dma_start3A_422, %add3A, %dma_start3A_423, %dma_start3A_424] : memref<200x8x32x8x128xf32, #tpu.memory_space<hbm>> -> memref<1x8x1x8x128xf32, #tpu.memory_space<hbm>>
      %dma_start3A_426 = tpu.memref_squeeze %dma_start3A_425 : memref<1x8x1x8x128xf32, #tpu.memory_space<hbm>> -> memref<8x8x128xf32, #tpu.memory_space<hbm>>
      %dma_start3A_427 = arith.constant 0 : i32
      %dma_start3A_428 = arith.constant 0 : i32
      %dma_start3A_429 = arith.constant 0 : i32
      %dma_start3A_430 = tpu.memref_slice %arg7[%dma_start3A_411, %dma_start3A_427, %dma_start3A_428, %dma_start3A_429] : memref<4x8x8x136xf32, #tpu.memory_space<vmem>> -> memref<1x8x8x128xf32, #tpu.memory_space<vmem>>
      %dma_start3A_431 = tpu.memref_squeeze %dma_start3A_430 : memref<1x8x8x128xf32, #tpu.memory_space<vmem>> -> memref<8x8x128xf32, #tpu.memory_space<vmem>>
      tpu.enqueue_dma source(%dma_start3A_431 : memref<8x8x128xf32, #tpu.memory_space<vmem>>) target(%dma_start3A_426 : memref<8x8x128xf32, #tpu.memory_space<hbm>>) target_semaphore(%arg14 : memref<!tpu.dma_semaphore, #tpu.memory_space<semaphore_mem>>)
      %add3A_432 = arith.constant 1 : i32
      %add3A_433 = arith.addi %add3A_354, %add3A_432 : i32
      %dma_wait3A_434 = arith.constant 0 : i32
      %dma_wait3A_435 = arith.constant 0 : i32
      %dma_wait3A_436 = arith.constant 1 : i32
      %dma_wait3A_437 = arith.constant 0 : i32
      %dma_wait3A_438 = arith.constant 0 : i32
      %dma_wait3A_439 = arith.constant 0 : i32
      %dma_wait3A_440 = tpu.memref_slice %arg7[%dma_wait3A_436, %dma_wait3A_437, %dma_wait3A_438, %dma_wait3A_439] : memref<4x8x8x136xf32, #tpu.memory_space<vmem>> -> memref<1x8x8x128xf32, #tpu.memory_space<vmem>>
      %dma_wait3A_441 = tpu.memref_squeeze %dma_wait3A_440 : memref<1x8x8x128xf32, #tpu.memory_space<vmem>> -> memref<8x8x128xf32, #tpu.memory_space<vmem>>
      %dma_wait3A_442 = arith.constant 0 : i32
      %dma_wait3A_443 = arith.constant 0 : i32
      %dma_wait3A_444 = arith.constant 0 : i32
      %dma_wait3A_445 = tpu.memref_slice %arg4[%dma_wait3A_434, %dma_wait3A_442, %dma_wait3A_435, %dma_wait3A_443, %dma_wait3A_444] : memref<200x8x32x8x128xf32, #tpu.memory_space<hbm>> -> memref<1x8x1x8x128xf32, #tpu.memory_space<hbm>>
      %dma_wait3A_446 = tpu.memref_squeeze %dma_wait3A_445 : memref<1x8x1x8x128xf32, #tpu.memory_space<hbm>> -> memref<8x8x128xf32, #tpu.memory_space<hbm>>
      %dma_wait3A_447 = arith.constant 0 : i32
      %dma_wait3A_448 = arith.constant 0 : i32
      %dma_wait3A_449 = arith.constant 0 : i32
      %dma_wait3A_450 = tpu.memref_slice %arg7[%dma_wait3A_436, %dma_wait3A_447, %dma_wait3A_448, %dma_wait3A_449] : memref<4x8x8x136xf32, #tpu.memory_space<vmem>> -> memref<1x8x8x128xf32, #tpu.memory_space<vmem>>
      %dma_wait3A_451 = tpu.memref_squeeze %dma_wait3A_450 : memref<1x8x8x128xf32, #tpu.memory_space<vmem>> -> memref<8x8x128xf32, #tpu.memory_space<vmem>>
      %dma_wait3A_452 = arith.constant 0 : i32
      %dma_wait3A_453 = arith.constant 0 : i32
      %dma_wait3A_454 = arith.constant 0 : i32
      %dma_wait3A_455 = tpu.memref_slice %arg4[%dma_wait3A_434, %dma_wait3A_452, %dma_wait3A_435, %dma_wait3A_453, %dma_wait3A_454] : memref<200x8x32x8x128xf32, #tpu.memory_space<hbm>> -> memref<1x8x1x8x128xf32, #tpu.memory_space<hbm>>
      %dma_wait3A_456 = tpu.memref_squeeze %dma_wait3A_455 : memref<1x8x1x8x128xf32, #tpu.memory_space<hbm>> -> memref<8x8x128xf32, #tpu.memory_space<hbm>>
      tpu.wait_dma2 semaphore(%arg13 : memref<!tpu.dma_semaphore, #tpu.memory_space<semaphore_mem>>) src(%dma_wait3A_456 : memref<8x8x128xf32, #tpu.memory_space<hbm>>) dst(%dma_wait3A_451 : memref<8x8x128xf32, #tpu.memory_space<vmem>>)
      %add3A_457 = arith.constant 2 : i32
      %add3A_458 = arith.addi %add3A_433, %add3A_457 : i32
      %dma_start3A_459 = arith.constant 1 : i32
      %dma_start3A_460 = arith.constant 0 : i32
      %dma_start3A_461 = arith.constant 0 : i32
      %dma_start3A_462 = tpu.memref_slice %arg6[%dma_start3A_459, %dma_start3A_460, %dma_start3A_461] : memref<4x128x64xf32, #tpu.memory_space<vmem>> -> memref<1x128x64xf32, #tpu.memory_space<vmem>>
      %dma_start3A_463 = tpu.memref_squeeze %dma_start3A_462 : memref<1x128x64xf32, #tpu.memory_space<vmem>> -> memref<128x64xf32, #tpu.memory_space<vmem>>
      %dma_start3A_464 = arith.constant 0 : i32
      %dma_start3A_465 = tpu.memref_slice %arg5[%add3A_458, %dma_start3A_464] : memref<200x128xi32, #tpu.memory_space<vmem>> -> memref<1x128xi32, #tpu.memory_space<vmem>>
      %dma_start3A_466 = tpu.memref_squeeze %dma_start3A_465 : memref<1x128xi32, #tpu.memory_space<vmem>> -> memref<128xi32, #tpu.memory_space<vmem>>
      %dma_start3A_467 = arith.constant 0 : i32
      %dma_start3A_468 = arith.constant 0 : i32
      %dma_start3A_469 = tpu.memref_slice %arg3[%dma_start3A_467, %dma_start3A_468] : memref<2000000x64xf32, #tpu.memory_space<hbm>> -> memref<2000000x64xf32, #tpu.memory_space<hbm>>
      tpu.enqueue_indirect_dma source(%dma_start3A_469 : memref<2000000x64xf32, #tpu.memory_space<hbm>>) target(%dma_start3A_463 : memref<128x64xf32, #tpu.memory_space<vmem>>) offsets(%dma_start3A_466 : memref<128xi32, #tpu.memory_space<vmem>>) semaphore(%arg9 : memref<!tpu.dma_semaphore, #tpu.memory_space<semaphore_mem>>)
      %dma_wait3A_470 = arith.constant 3 : i32
      %dma_wait3A_471 = arith.constant 0 : i32
      %dma_wait3A_472 = arith.constant 0 : i32
      %dma_wait3A_473 = tpu.memref_slice %arg6[%dma_wait3A_470, %dma_wait3A_471, %dma_wait3A_472] : memref<4x128x64xf32, #tpu.memory_space<vmem>> -> memref<1x128x64xf32, #tpu.memory_space<vmem>>
      %dma_wait3A_474 = tpu.memref_squeeze %dma_wait3A_473 : memref<1x128x64xf32, #tpu.memory_space<vmem>> -> memref<128x64xf32, #tpu.memory_space<vmem>>
      %dma_wait3A_475 = arith.constant 0 : i32
      %dma_wait3A_476 = arith.constant 0 : i32
      %dma_wait3A_477 = tpu.memref_slice %arg3[%dma_wait3A_475, %dma_wait3A_476] : memref<2000000x64xf32, #tpu.memory_space<hbm>> -> memref<128x64xf32, #tpu.memory_space<hbm>>
      %dma_wait3A_478 = arith.constant 0 : i32
      %dma_wait3A_479 = arith.constant 0 : i32
      %dma_wait3A_480 = tpu.memref_slice %arg6[%dma_wait3A_470, %dma_wait3A_478, %dma_wait3A_479] : memref<4x128x64xf32, #tpu.memory_space<vmem>> -> memref<1x128x64xf32, #tpu.memory_space<vmem>>
      %dma_wait3A_481 = tpu.memref_squeeze %dma_wait3A_480 : memref<1x128x64xf32, #tpu.memory_space<vmem>> -> memref<128x64xf32, #tpu.memory_space<vmem>>
      %dma_wait3A_482 = arith.constant 0 : i32
      %dma_wait3A_483 = arith.constant 0 : i32
      %dma_wait3A_484 = tpu.memref_slice %arg3[%dma_wait3A_482, %dma_wait3A_483] : memref<2000000x64xf32, #tpu.memory_space<hbm>> -> memref<128x64xf32, #tpu.memory_space<hbm>>
      tpu.wait_dma2 semaphore(%arg11 : memref<!tpu.dma_semaphore, #tpu.memory_space<semaphore_mem>>) src(%dma_wait3A_484 : memref<128x64xf32, #tpu.memory_space<hbm>>) dst(%dma_wait3A_481 : memref<128x64xf32, #tpu.memory_space<vmem>>)
      %parallel_loop3A_485 = arith.constant 0 : i32
      %parallel_loop3A_486 = arith.constant 128 : i32
      %parallel_loop3A_487 = arith.constant 1 : i32
      scf.for %parallel_loop3A_663 = %parallel_loop3A_485 to %parallel_loop3A_486 step %parallel_loop3A_487  : i32 {
        %parallel_loop3A_664 = vector.broadcast %parallel_loop3A_663 : i32 to vector<16xi32>
        %parallel_loop3A_665 = arith.constant 3 : i32
        %parallel_loop3A_666 = arith.index_cast %parallel_loop3A_665 : i32 to index
        %parallel_loop3A_667 = arith.index_cast %parallel_loop3A_663 : i32 to index
        %parallel_loop3A_668 = arith.constant 0 : index
        %parallel_loop3A_669 = tpu.vector_load %arg6[%parallel_loop3A_666, %parallel_loop3A_667, %parallel_loop3A_668] {strides = array<i32>} : memref<4x128x64xf32, #tpu.memory_space<vmem>>, vector<16xf32>,
        %parallel_loop3A_670 = arith.constant 8.000000e+00 : f32
        %parallel_loop3A_671 = vector.broadcast %parallel_loop3A_670 : f32 to vector<16xf32>
        %parallel_loop3A_672 = arith.mulf %parallel_loop3A_669, %parallel_loop3A_671 : vector<16xf32>
        %parallel_loop3A_673 = arith.constant 3 : i32
        %parallel_loop3A_674 = arith.constant 0 : i32
        %parallel_loop3A_675 = arith.constant 0 : i32
        %parallel_loop3A_676 = arith.constant 0 : i32
        %parallel_loop3A_677 = tpu.memref_slice %arg7[%parallel_loop3A_673, %parallel_loop3A_674, %parallel_loop3A_675, %parallel_loop3A_676] : memref<4x8x8x136xf32, #tpu.memory_space<vmem>> -> memref<1x8x8x136xf32, #tpu.memory_space<vmem>>
        %parallel_loop3A_678 = tpu.memref_squeeze %parallel_loop3A_677 : memref<1x8x8x136xf32, #tpu.memory_space<vmem>> -> memref<8x8x136xf32, #tpu.memory_space<vmem>>
        tpu.vector_store_idx %parallel_loop3A_678[%shift_right_arithmetic3A_7, %and3A_30, %parallel_loop3A_664], %parallel_loop3A_672 : memref<8x8x136xf32, #tpu.memory_space<vmem>>[vector<16xi32>, vector<16xi32>, vector<16xi32>], vector<16xf32>,
        %parallel_loop3A_679 = arith.constant 3 : i32
        %parallel_loop3A_680 = arith.index_cast %parallel_loop3A_679 : i32 to index
        %parallel_loop3A_681 = arith.index_cast %parallel_loop3A_663 : i32 to index
        %parallel_loop3A_682 = arith.constant 16 : index
        %parallel_loop3A_683 = tpu.vector_load %arg6[%parallel_loop3A_680, %parallel_loop3A_681, %parallel_loop3A_682] {strides = array<i32>} : memref<4x128x64xf32, #tpu.memory_space<vmem>>, vector<16xf32>,
        %parallel_loop3A_684 = arith.constant 8.000000e+00 : f32
        %parallel_loop3A_685 = vector.broadcast %parallel_loop3A_684 : f32 to vector<16xf32>
        %parallel_loop3A_686 = arith.mulf %parallel_loop3A_683, %parallel_loop3A_685 : vector<16xf32>
        %parallel_loop3A_687 = arith.constant 3 : i32
        %parallel_loop3A_688 = arith.constant 0 : i32
        %parallel_loop3A_689 = arith.constant 0 : i32
        %parallel_loop3A_690 = arith.constant 0 : i32
        %parallel_loop3A_691 = tpu.memref_slice %arg7[%parallel_loop3A_687, %parallel_loop3A_688, %parallel_loop3A_689, %parallel_loop3A_690] : memref<4x8x8x136xf32, #tpu.memory_space<vmem>> -> memref<1x8x8x136xf32, #tpu.memory_space<vmem>>
        %parallel_loop3A_692 = tpu.memref_squeeze %parallel_loop3A_691 : memref<1x8x8x136xf32, #tpu.memory_space<vmem>> -> memref<8x8x136xf32, #tpu.memory_space<vmem>>
        tpu.vector_store_idx %parallel_loop3A_692[%shift_right_arithmetic3A_13, %and3A_36, %parallel_loop3A_664], %parallel_loop3A_686 : memref<8x8x136xf32, #tpu.memory_space<vmem>>[vector<16xi32>, vector<16xi32>, vector<16xi32>], vector<16xf32>,
        %parallel_loop3A_693 = arith.constant 3 : i32
        %parallel_loop3A_694 = arith.index_cast %parallel_loop3A_693 : i32 to index
        %parallel_loop3A_695 = arith.index_cast %parallel_loop3A_663 : i32 to index
        %parallel_loop3A_696 = arith.constant 32 : index
        %parallel_loop3A_697 = tpu.vector_load %arg6[%parallel_loop3A_694, %parallel_loop3A_695, %parallel_loop3A_696] {strides = array<i32>} : memref<4x128x64xf32, #tpu.memory_space<vmem>>, vector<16xf32>,
        %parallel_loop3A_698 = arith.constant 8.000000e+00 : f32
        %parallel_loop3A_699 = vector.broadcast %parallel_loop3A_698 : f32 to vector<16xf32>
        %parallel_loop3A_700 = arith.mulf %parallel_loop3A_697, %parallel_loop3A_699 : vector<16xf32>
        %parallel_loop3A_701 = arith.constant 3 : i32
        %parallel_loop3A_702 = arith.constant 0 : i32
        %parallel_loop3A_703 = arith.constant 0 : i32
        %parallel_loop3A_704 = arith.constant 0 : i32
        %parallel_loop3A_705 = tpu.memref_slice %arg7[%parallel_loop3A_701, %parallel_loop3A_702, %parallel_loop3A_703, %parallel_loop3A_704] : memref<4x8x8x136xf32, #tpu.memory_space<vmem>> -> memref<1x8x8x136xf32, #tpu.memory_space<vmem>>
        %parallel_loop3A_706 = tpu.memref_squeeze %parallel_loop3A_705 : memref<1x8x8x136xf32, #tpu.memory_space<vmem>> -> memref<8x8x136xf32, #tpu.memory_space<vmem>>
        tpu.vector_store_idx %parallel_loop3A_706[%shift_right_arithmetic3A_19, %and3A_42, %parallel_loop3A_664], %parallel_loop3A_700 : memref<8x8x136xf32, #tpu.memory_space<vmem>>[vector<16xi32>, vector<16xi32>, vector<16xi32>], vector<16xf32>,
        %parallel_loop3A_707 = arith.constant 3 : i32
        %parallel_loop3A_708 = arith.index_cast %parallel_loop3A_707 : i32 to index
        %parallel_loop3A_709 = arith.index_cast %parallel_loop3A_663 : i32 to index
        %parallel_loop3A_710 = arith.constant 48 : index
        %parallel_loop3A_711 = tpu.vector_load %arg6[%parallel_loop3A_708, %parallel_loop3A_709, %parallel_loop3A_710] {strides = array<i32>} : memref<4x128x64xf32, #tpu.memory_space<vmem>>, vector<16xf32>,
        %parallel_loop3A_712 = arith.constant 8.000000e+00 : f32
        %parallel_loop3A_713 = vector.broadcast %parallel_loop3A_712 : f32 to vector<16xf32>
        %parallel_loop3A_714 = arith.mulf %parallel_loop3A_711, %parallel_loop3A_713 : vector<16xf32>
        %parallel_loop3A_715 = arith.constant 3 : i32
        %parallel_loop3A_716 = arith.constant 0 : i32
        %parallel_loop3A_717 = arith.constant 0 : i32
        %parallel_loop3A_718 = arith.constant 0 : i32
        %parallel_loop3A_719 = tpu.memref_slice %arg7[%parallel_loop3A_715, %parallel_loop3A_716, %parallel_loop3A_717, %parallel_loop3A_718] : memref<4x8x8x136xf32, #tpu.memory_space<vmem>> -> memref<1x8x8x136xf32, #tpu.memory_space<vmem>>
        %parallel_loop3A_720 = tpu.memref_squeeze %parallel_loop3A_719 : memref<1x8x8x136xf32, #tpu.memory_space<vmem>> -> memref<8x8x136xf32, #tpu.memory_space<vmem>>
        tpu.vector_store_idx %parallel_loop3A_720[%shift_right_arithmetic3A_25, %and3A_48, %parallel_loop3A_664], %parallel_loop3A_714 : memref<8x8x136xf32, #tpu.memory_space<vmem>>[vector<16xi32>, vector<16xi32>, vector<16xi32>], vector<16xf32>,
      } {sc.loop_unroll_factor = 4 : i64, sc.parallel_access}
      %dma_start3A_488 = arith.constant 3 : i32
      %dma_start3A_489 = arith.constant 0 : i32
      %dma_start3A_490 = arith.constant 0 : i32
      %dma_start3A_491 = arith.constant 0 : i32
      %dma_start3A_492 = tpu.memref_slice %arg7[%dma_start3A_488, %dma_start3A_489, %dma_start3A_490, %dma_start3A_491] : memref<4x8x8x136xf32, #tpu.memory_space<vmem>> -> memref<1x8x8x128xf32, #tpu.memory_space<vmem>>
      %dma_start3A_493 = tpu.memref_squeeze %dma_start3A_492 : memref<1x8x8x128xf32, #tpu.memory_space<vmem>> -> memref<8x8x128xf32, #tpu.memory_space<vmem>>
      %dma_start3A_494 = arith.constant 0 : i32
      %dma_start3A_495 = arith.constant 0 : i32
      %dma_start3A_496 = arith.constant 0 : i32
      %dma_start3A_497 = tpu.memref_slice %arg4[%add3A_433, %dma_start3A_494, %add3A, %dma_start3A_495, %dma_start3A_496] : memref<200x8x32x8x128xf32, #tpu.memory_space<hbm>> -> memref<1x8x1x8x128xf32, #tpu.memory_space<hbm>>
      %dma_start3A_498 = tpu.memref_squeeze %dma_start3A_497 : memref<1x8x1x8x128xf32, #tpu.memory_space<hbm>> -> memref<8x8x128xf32, #tpu.memory_space<hbm>>
      %dma_start3A_499 = arith.constant 0 : i32
      %dma_start3A_500 = arith.constant 0 : i32
      %dma_start3A_501 = arith.constant 0 : i32
      %dma_start3A_502 = tpu.memref_slice %arg4[%add3A_433, %dma_start3A_499, %add3A, %dma_start3A_500, %dma_start3A_501] : memref<200x8x32x8x128xf32, #tpu.memory_space<hbm>> -> memref<1x8x1x8x128xf32, #tpu.memory_space<hbm>>
      %dma_start3A_503 = tpu.memref_squeeze %dma_start3A_502 : memref<1x8x1x8x128xf32, #tpu.memory_space<hbm>> -> memref<8x8x128xf32, #tpu.memory_space<hbm>>
      %dma_start3A_504 = arith.constant 0 : i32
      %dma_start3A_505 = arith.constant 0 : i32
      %dma_start3A_506 = arith.constant 0 : i32
      %dma_start3A_507 = tpu.memref_slice %arg7[%dma_start3A_488, %dma_start3A_504, %dma_start3A_505, %dma_start3A_506] : memref<4x8x8x136xf32, #tpu.memory_space<vmem>> -> memref<1x8x8x128xf32, #tpu.memory_space<vmem>>
      %dma_start3A_508 = tpu.memref_squeeze %dma_start3A_507 : memref<1x8x8x128xf32, #tpu.memory_space<vmem>> -> memref<8x8x128xf32, #tpu.memory_space<vmem>>
      tpu.enqueue_dma source(%dma_start3A_508 : memref<8x8x128xf32, #tpu.memory_space<vmem>>) target(%dma_start3A_503 : memref<8x8x128xf32, #tpu.memory_space<hbm>>) target_semaphore(%arg15 : memref<!tpu.dma_semaphore, #tpu.memory_space<semaphore_mem>>)
      %add3A_509 = arith.constant 2 : i32
      %add3A_510 = arith.addi %add3A_354, %add3A_509 : i32
      %dma_wait3A_511 = arith.constant 0 : i32
      %dma_wait3A_512 = arith.constant 0 : i32
      %dma_wait3A_513 = arith.constant 2 : i32
      %dma_wait3A_514 = arith.constant 0 : i32
      %dma_wait3A_515 = arith.constant 0 : i32
      %dma_wait3A_516 = arith.constant 0 : i32
      %dma_wait3A_517 = tpu.memref_slice %arg7[%dma_wait3A_513, %dma_wait3A_514, %dma_wait3A_515, %dma_wait3A_516] : memref<4x8x8x136xf32, #tpu.memory_space<vmem>> -> memref<1x8x8x128xf32, #tpu.memory_space<vmem>>
      %dma_wait3A_518 = tpu.memref_squeeze %dma_wait3A_517 : memref<1x8x8x128xf32, #tpu.memory_space<vmem>> -> memref<8x8x128xf32, #tpu.memory_space<vmem>>
      %dma_wait3A_519 = arith.constant 0 : i32
      %dma_wait3A_520 = arith.constant 0 : i32
      %dma_wait3A_521 = arith.constant 0 : i32
      %dma_wait3A_522 = tpu.memref_slice %arg4[%dma_wait3A_511, %dma_wait3A_519, %dma_wait3A_512, %dma_wait3A_520, %dma_wait3A_521] : memref<200x8x32x8x128xf32, #tpu.memory_space<hbm>> -> memref<1x8x1x8x128xf32, #tpu.memory_space<hbm>>
      %dma_wait3A_523 = tpu.memref_squeeze %dma_wait3A_522 : memref<1x8x1x8x128xf32, #tpu.memory_space<hbm>> -> memref<8x8x128xf32, #tpu.memory_space<hbm>>
      %dma_wait3A_524 = arith.constant 0 : i32
      %dma_wait3A_525 = arith.constant 0 : i32
      %dma_wait3A_526 = arith.constant 0 : i32
      %dma_wait3A_527 = tpu.memref_slice %arg7[%dma_wait3A_513, %dma_wait3A_524, %dma_wait3A_525, %dma_wait3A_526] : memref<4x8x8x136xf32, #tpu.memory_space<vmem>> -> memref<1x8x8x128xf32, #tpu.memory_space<vmem>>
      %dma_wait3A_528 = tpu.memref_squeeze %dma_wait3A_527 : memref<1x8x8x128xf32, #tpu.memory_space<vmem>> -> memref<8x8x128xf32, #tpu.memory_space<vmem>>
      %dma_wait3A_529 = arith.constant 0 : i32
      %dma_wait3A_530 = arith.constant 0 : i32
      %dma_wait3A_531 = arith.constant 0 : i32
      %dma_wait3A_532 = tpu.memref_slice %arg4[%dma_wait3A_511, %dma_wait3A_529, %dma_wait3A_512, %dma_wait3A_530, %dma_wait3A_531] : memref<200x8x32x8x128xf32, #tpu.memory_space<hbm>> -> memref<1x8x1x8x128xf32, #tpu.memory_space<hbm>>
      %dma_wait3A_533 = tpu.memref_squeeze %dma_wait3A_532 : memref<1x8x1x8x128xf32, #tpu.memory_space<hbm>> -> memref<8x8x128xf32, #tpu.memory_space<hbm>>
      tpu.wait_dma2 semaphore(%arg14 : memref<!tpu.dma_semaphore, #tpu.memory_space<semaphore_mem>>) src(%dma_wait3A_533 : memref<8x8x128xf32, #tpu.memory_space<hbm>>) dst(%dma_wait3A_528 : memref<8x8x128xf32, #tpu.memory_space<vmem>>)
      %add3A_534 = arith.constant 2 : i32
      %add3A_535 = arith.addi %add3A_510, %add3A_534 : i32
      %dma_start3A_536 = arith.constant 2 : i32
      %dma_start3A_537 = arith.constant 0 : i32
      %dma_start3A_538 = arith.constant 0 : i32
      %dma_start3A_539 = tpu.memref_slice %arg6[%dma_start3A_536, %dma_start3A_537, %dma_start3A_538] : memref<4x128x64xf32, #tpu.memory_space<vmem>> -> memref<1x128x64xf32, #tpu.memory_space<vmem>>
      %dma_start3A_540 = tpu.memref_squeeze %dma_start3A_539 : memref<1x128x64xf32, #tpu.memory_space<vmem>> -> memref<128x64xf32, #tpu.memory_space<vmem>>
      %dma_start3A_541 = arith.constant 0 : i32
      %dma_start3A_542 = tpu.memref_slice %arg5[%add3A_535, %dma_start3A_541] : memref<200x128xi32, #tpu.memory_space<vmem>> -> memref<1x128xi32, #tpu.memory_space<vmem>>
      %dma_start3A_543 = tpu.memref_squeeze %dma_start3A_542 : memref<1x128xi32, #tpu.memory_space<vmem>> -> memref<128xi32, #tpu.memory_space<vmem>>
      %dma_start3A_544 = arith.constant 0 : i32
      %dma_start3A_545 = arith.constant 0 : i32
      %dma_start3A_546 = tpu.memref_slice %arg3[%dma_start3A_544, %dma_start3A_545] : memref<2000000x64xf32, #tpu.memory_space<hbm>> -> memref<2000000x64xf32, #tpu.memory_space<hbm>>
      tpu.enqueue_indirect_dma source(%dma_start3A_546 : memref<2000000x64xf32, #tpu.memory_space<hbm>>) target(%dma_start3A_540 : memref<128x64xf32, #tpu.memory_space<vmem>>) offsets(%dma_start3A_543 : memref<128xi32, #tpu.memory_space<vmem>>) semaphore(%arg10 : memref<!tpu.dma_semaphore, #tpu.memory_space<semaphore_mem>>)
      %dma_wait3A_547 = arith.constant 0 : i32
      %dma_wait3A_548 = arith.constant 0 : i32
      %dma_wait3A_549 = arith.constant 0 : i32
      %dma_wait3A_550 = tpu.memref_slice %arg6[%dma_wait3A_547, %dma_wait3A_548, %dma_wait3A_549] : memref<4x128x64xf32, #tpu.memory_space<vmem>> -> memref<1x128x64xf32, #tpu.memory_space<vmem>>
      %dma_wait3A_551 = tpu.memref_squeeze %dma_wait3A_550 : memref<1x128x64xf32, #tpu.memory_space<vmem>> -> memref<128x64xf32, #tpu.memory_space<vmem>>
      %dma_wait3A_552 = arith.constant 0 : i32
      %dma_wait3A_553 = arith.constant 0 : i32
      %dma_wait3A_554 = tpu.memref_slice %arg3[%dma_wait3A_552, %dma_wait3A_553] : memref<2000000x64xf32, #tpu.memory_space<hbm>> -> memref<128x64xf32, #tpu.memory_space<hbm>>
      %dma_wait3A_555 = arith.constant 0 : i32
      %dma_wait3A_556 = arith.constant 0 : i32
      %dma_wait3A_557 = tpu.memref_slice %arg6[%dma_wait3A_547, %dma_wait3A_555, %dma_wait3A_556] : memref<4x128x64xf32, #tpu.memory_space<vmem>> -> memref<1x128x64xf32, #tpu.memory_space<vmem>>
      %dma_wait3A_558 = tpu.memref_squeeze %dma_wait3A_557 : memref<1x128x64xf32, #tpu.memory_space<vmem>> -> memref<128x64xf32, #tpu.memory_space<vmem>>
      %dma_wait3A_559 = arith.constant 0 : i32
      %dma_wait3A_560 = arith.constant 0 : i32
      %dma_wait3A_561 = tpu.memref_slice %arg3[%dma_wait3A_559, %dma_wait3A_560] : memref<2000000x64xf32, #tpu.memory_space<hbm>> -> memref<128x64xf32, #tpu.memory_space<hbm>>
      tpu.wait_dma2 semaphore(%arg8 : memref<!tpu.dma_semaphore, #tpu.memory_space<semaphore_mem>>) src(%dma_wait3A_561 : memref<128x64xf32, #tpu.memory_space<hbm>>) dst(%dma_wait3A_558 : memref<128x64xf32, #tpu.memory_space<vmem>>)
      %parallel_loop3A_562 = arith.constant 0 : i32
      %parallel_loop3A_563 = arith.constant 128 : i32
      %parallel_loop3A_564 = arith.constant 1 : i32
      scf.for %parallel_loop3A_663 = %parallel_loop3A_562 to %parallel_loop3A_563 step %parallel_loop3A_564  : i32 {
        %parallel_loop3A_664 = vector.broadcast %parallel_loop3A_663 : i32 to vector<16xi32>
        %parallel_loop3A_665 = arith.constant 0 : i32
        %parallel_loop3A_666 = arith.index_cast %parallel_loop3A_665 : i32 to index
        %parallel_loop3A_667 = arith.index_cast %parallel_loop3A_663 : i32 to index
        %parallel_loop3A_668 = arith.constant 0 : index
        %parallel_loop3A_669 = tpu.vector_load %arg6[%parallel_loop3A_666, %parallel_loop3A_667, %parallel_loop3A_668] {strides = array<i32>} : memref<4x128x64xf32, #tpu.memory_space<vmem>>, vector<16xf32>,
        %parallel_loop3A_670 = arith.constant 8.000000e+00 : f32
        %parallel_loop3A_671 = vector.broadcast %parallel_loop3A_670 : f32 to vector<16xf32>
        %parallel_loop3A_672 = arith.mulf %parallel_loop3A_669, %parallel_loop3A_671 : vector<16xf32>
        %parallel_loop3A_673 = arith.constant 0 : i32
        %parallel_loop3A_674 = arith.constant 0 : i32
        %parallel_loop3A_675 = arith.constant 0 : i32
        %parallel_loop3A_676 = arith.constant 0 : i32
        %parallel_loop3A_677 = tpu.memref_slice %arg7[%parallel_loop3A_673, %parallel_loop3A_674, %parallel_loop3A_675, %parallel_loop3A_676] : memref<4x8x8x136xf32, #tpu.memory_space<vmem>> -> memref<1x8x8x136xf32, #tpu.memory_space<vmem>>
        %parallel_loop3A_678 = tpu.memref_squeeze %parallel_loop3A_677 : memref<1x8x8x136xf32, #tpu.memory_space<vmem>> -> memref<8x8x136xf32, #tpu.memory_space<vmem>>
        tpu.vector_store_idx %parallel_loop3A_678[%shift_right_arithmetic3A_7, %and3A_30, %parallel_loop3A_664], %parallel_loop3A_672 : memref<8x8x136xf32, #tpu.memory_space<vmem>>[vector<16xi32>, vector<16xi32>, vector<16xi32>], vector<16xf32>,
        %parallel_loop3A_679 = arith.constant 0 : i32
        %parallel_loop3A_680 = arith.index_cast %parallel_loop3A_679 : i32 to index
        %parallel_loop3A_681 = arith.index_cast %parallel_loop3A_663 : i32 to index
        %parallel_loop3A_682 = arith.constant 16 : index
        %parallel_loop3A_683 = tpu.vector_load %arg6[%parallel_loop3A_680, %parallel_loop3A_681, %parallel_loop3A_682] {strides = array<i32>} : memref<4x128x64xf32, #tpu.memory_space<vmem>>, vector<16xf32>,
        %parallel_loop3A_684 = arith.constant 8.000000e+00 : f32
        %parallel_loop3A_685 = vector.broadcast %parallel_loop3A_684 : f32 to vector<16xf32>
        %parallel_loop3A_686 = arith.mulf %parallel_loop3A_683, %parallel_loop3A_685 : vector<16xf32>
        %parallel_loop3A_687 = arith.constant 0 : i32
        %parallel_loop3A_688 = arith.constant 0 : i32
        %parallel_loop3A_689 = arith.constant 0 : i32
        %parallel_loop3A_690 = arith.constant 0 : i32
        %parallel_loop3A_691 = tpu.memref_slice %arg7[%parallel_loop3A_687, %parallel_loop3A_688, %parallel_loop3A_689, %parallel_loop3A_690] : memref<4x8x8x136xf32, #tpu.memory_space<vmem>> -> memref<1x8x8x136xf32, #tpu.memory_space<vmem>>
        %parallel_loop3A_692 = tpu.memref_squeeze %parallel_loop3A_691 : memref<1x8x8x136xf32, #tpu.memory_space<vmem>> -> memref<8x8x136xf32, #tpu.memory_space<vmem>>
        tpu.vector_store_idx %parallel_loop3A_692[%shift_right_arithmetic3A_13, %and3A_36, %parallel_loop3A_664], %parallel_loop3A_686 : memref<8x8x136xf32, #tpu.memory_space<vmem>>[vector<16xi32>, vector<16xi32>, vector<16xi32>], vector<16xf32>,
        %parallel_loop3A_693 = arith.constant 0 : i32
        %parallel_loop3A_694 = arith.index_cast %parallel_loop3A_693 : i32 to index
        %parallel_loop3A_695 = arith.index_cast %parallel_loop3A_663 : i32 to index
        %parallel_loop3A_696 = arith.constant 32 : index
        %parallel_loop3A_697 = tpu.vector_load %arg6[%parallel_loop3A_694, %parallel_loop3A_695, %parallel_loop3A_696] {strides = array<i32>} : memref<4x128x64xf32, #tpu.memory_space<vmem>>, vector<16xf32>,
        %parallel_loop3A_698 = arith.constant 8.000000e+00 : f32
        %parallel_loop3A_699 = vector.broadcast %parallel_loop3A_698 : f32 to vector<16xf32>
        %parallel_loop3A_700 = arith.mulf %parallel_loop3A_697, %parallel_loop3A_699 : vector<16xf32>
        %parallel_loop3A_701 = arith.constant 0 : i32
        %parallel_loop3A_702 = arith.constant 0 : i32
        %parallel_loop3A_703 = arith.constant 0 : i32
        %parallel_loop3A_704 = arith.constant 0 : i32
        %parallel_loop3A_705 = tpu.memref_slice %arg7[%parallel_loop3A_701, %parallel_loop3A_702, %parallel_loop3A_703, %parallel_loop3A_704] : memref<4x8x8x136xf32, #tpu.memory_space<vmem>> -> memref<1x8x8x136xf32, #tpu.memory_space<vmem>>
        %parallel_loop3A_706 = tpu.memref_squeeze %parallel_loop3A_705 : memref<1x8x8x136xf32, #tpu.memory_space<vmem>> -> memref<8x8x136xf32, #tpu.memory_space<vmem>>
        tpu.vector_store_idx %parallel_loop3A_706[%shift_right_arithmetic3A_19, %and3A_42, %parallel_loop3A_664], %parallel_loop3A_700 : memref<8x8x136xf32, #tpu.memory_space<vmem>>[vector<16xi32>, vector<16xi32>, vector<16xi32>], vector<16xf32>,
        %parallel_loop3A_707 = arith.constant 0 : i32
        %parallel_loop3A_708 = arith.index_cast %parallel_loop3A_707 : i32 to index
        %parallel_loop3A_709 = arith.index_cast %parallel_loop3A_663 : i32 to index
        %parallel_loop3A_710 = arith.constant 48 : index
        %parallel_loop3A_711 = tpu.vector_load %arg6[%parallel_loop3A_708, %parallel_loop3A_709, %parallel_loop3A_710] {strides = array<i32>} : memref<4x128x64xf32, #tpu.memory_space<vmem>>, vector<16xf32>,
        %parallel_loop3A_712 = arith.constant 8.000000e+00 : f32
        %parallel_loop3A_713 = vector.broadcast %parallel_loop3A_712 : f32 to vector<16xf32>
        %parallel_loop3A_714 = arith.mulf %parallel_loop3A_711, %parallel_loop3A_713 : vector<16xf32>
        %parallel_loop3A_715 = arith.constant 0 : i32
        %parallel_loop3A_716 = arith.constant 0 : i32
        %parallel_loop3A_717 = arith.constant 0 : i32
        %parallel_loop3A_718 = arith.constant 0 : i32
        %parallel_loop3A_719 = tpu.memref_slice %arg7[%parallel_loop3A_715, %parallel_loop3A_716, %parallel_loop3A_717, %parallel_loop3A_718] : memref<4x8x8x136xf32, #tpu.memory_space<vmem>> -> memref<1x8x8x136xf32, #tpu.memory_space<vmem>>
        %parallel_loop3A_720 = tpu.memref_squeeze %parallel_loop3A_719 : memref<1x8x8x136xf32, #tpu.memory_space<vmem>> -> memref<8x8x136xf32, #tpu.memory_space<vmem>>
        tpu.vector_store_idx %parallel_loop3A_720[%shift_right_arithmetic3A_25, %and3A_48, %parallel_loop3A_664], %parallel_loop3A_714 : memref<8x8x136xf32, #tpu.memory_space<vmem>>[vector<16xi32>, vector<16xi32>, vector<16xi32>], vector<16xf32>,
      } {sc.loop_unroll_factor = 4 : i64, sc.parallel_access}
      %dma_start3A_565 = arith.constant 0 : i32
      %dma_start3A_566 = arith.constant 0 : i32
      %dma_start3A_567 = arith.constant 0 : i32
      %dma_start3A_568 = arith.constant 0 : i32
      %dma_start3A_569 = tpu.memref_slice %arg7[%dma_start3A_565, %dma_start3A_566, %dma_start3A_567, %dma_start3A_568] : memref<4x8x8x136xf32, #tpu.memory_space<vmem>> -> memref<1x8x8x128xf32, #tpu.memory_space<vmem>>
      %dma_start3A_570 = tpu.memref_squeeze %dma_start3A_569 : memref<1x8x8x128xf32, #tpu.memory_space<vmem>> -> memref<8x8x128xf32, #tpu.memory_space<vmem>>
      %dma_start3A_571 = arith.constant 0 : i32
      %dma_start3A_572 = arith.constant 0 : i32
      %dma_start3A_573 = arith.constant 0 : i32
      %dma_start3A_574 = tpu.memref_slice %arg4[%add3A_510, %dma_start3A_571, %add3A, %dma_start3A_572, %dma_start3A_573] : memref<200x8x32x8x128xf32, #tpu.memory_space<hbm>> -> memref<1x8x1x8x128xf32, #tpu.memory_space<hbm>>
      %dma_start3A_575 = tpu.memref_squeeze %dma_start3A_574 : memref<1x8x1x8x128xf32, #tpu.memory_space<hbm>> -> memref<8x8x128xf32, #tpu.memory_space<hbm>>
      %dma_start3A_576 = arith.constant 0 : i32
      %dma_start3A_577 = arith.constant 0 : i32
      %dma_start3A_578 = arith.constant 0 : i32
      %dma_start3A_579 = tpu.memref_slice %arg4[%add3A_510, %dma_start3A_576, %add3A, %dma_start3A_577, %dma_start3A_578] : memref<200x8x32x8x128xf32, #tpu.memory_space<hbm>> -> memref<1x8x1x8x128xf32, #tpu.memory_space<hbm>>
      %dma_start3A_580 = tpu.memref_squeeze %dma_start3A_579 : memref<1x8x1x8x128xf32, #tpu.memory_space<hbm>> -> memref<8x8x128xf32, #tpu.memory_space<hbm>>
      %dma_start3A_581 = arith.constant 0 : i32
      %dma_start3A_582 = arith.constant 0 : i32
      %dma_start3A_583 = arith.constant 0 : i32
      %dma_start3A_584 = tpu.memref_slice %arg7[%dma_start3A_565, %dma_start3A_581, %dma_start3A_582, %dma_start3A_583] : memref<4x8x8x136xf32, #tpu.memory_space<vmem>> -> memref<1x8x8x128xf32, #tpu.memory_space<vmem>>
      %dma_start3A_585 = tpu.memref_squeeze %dma_start3A_584 : memref<1x8x8x128xf32, #tpu.memory_space<vmem>> -> memref<8x8x128xf32, #tpu.memory_space<vmem>>
      tpu.enqueue_dma source(%dma_start3A_585 : memref<8x8x128xf32, #tpu.memory_space<vmem>>) target(%dma_start3A_580 : memref<8x8x128xf32, #tpu.memory_space<hbm>>) target_semaphore(%arg12 : memref<!tpu.dma_semaphore, #tpu.memory_space<semaphore_mem>>)
      %add3A_586 = arith.constant 3 : i32
      %add3A_587 = arith.addi %add3A_354, %add3A_586 : i32
      %dma_wait3A_588 = arith.constant 0 : i32
      %dma_wait3A_589 = arith.constant 0 : i32
      %dma_wait3A_590 = arith.constant 3 : i32
      %dma_wait3A_591 = arith.constant 0 : i32
      %dma_wait3A_592 = arith.constant 0 : i32
      %dma_wait3A_593 = arith.constant 0 : i32
      %dma_wait3A_594 = tpu.memref_slice %arg7[%dma_wait3A_590, %dma_wait3A_591, %dma_wait3A_592, %dma_wait3A_593] : memref<4x8x8x136xf32, #tpu.memory_space<vmem>> -> memref<1x8x8x128xf32, #tpu.memory_space<vmem>>
      %dma_wait3A_595 = tpu.memref_squeeze %dma_wait3A_594 : memref<1x8x8x128xf32, #tpu.memory_space<vmem>> -> memref<8x8x128xf32, #tpu.memory_space<vmem>>
      %dma_wait3A_596 = arith.constant 0 : i32
      %dma_wait3A_597 = arith.constant 0 : i32
      %dma_wait3A_598 = arith.constant 0 : i32
      %dma_wait3A_599 = tpu.memref_slice %arg4[%dma_wait3A_588, %dma_wait3A_596, %dma_wait3A_589, %dma_wait3A_597, %dma_wait3A_598] : memref<200x8x32x8x128xf32, #tpu.memory_space<hbm>> -> memref<1x8x1x8x128xf32, #tpu.memory_space<hbm>>
      %dma_wait3A_600 = tpu.memref_squeeze %dma_wait3A_599 : memref<1x8x1x8x128xf32, #tpu.memory_space<hbm>> -> memref<8x8x128xf32, #tpu.memory_space<hbm>>
      %dma_wait3A_601 = arith.constant 0 : i32
      %dma_wait3A_602 = arith.constant 0 : i32
      %dma_wait3A_603 = arith.constant 0 : i32
      %dma_wait3A_604 = tpu.memref_slice %arg7[%dma_wait3A_590, %dma_wait3A_601, %dma_wait3A_602, %dma_wait3A_603] : memref<4x8x8x136xf32, #tpu.memory_space<vmem>> -> memref<1x8x8x128xf32, #tpu.memory_space<vmem>>
      %dma_wait3A_605 = tpu.memref_squeeze %dma_wait3A_604 : memref<1x8x8x128xf32, #tpu.memory_space<vmem>> -> memref<8x8x128xf32, #tpu.memory_space<vmem>>
      %dma_wait3A_606 = arith.constant 0 : i32
      %dma_wait3A_607 = arith.constant 0 : i32
      %dma_wait3A_608 = arith.constant 0 : i32
      %dma_wait3A_609 = tpu.memref_slice %arg4[%dma_wait3A_588, %dma_wait3A_606, %dma_wait3A_589, %dma_wait3A_607, %dma_wait3A_608] : memref<200x8x32x8x128xf32, #tpu.memory_space<hbm>> -> memref<1x8x1x8x128xf32, #tpu.memory_space<hbm>>
      %dma_wait3A_610 = tpu.memref_squeeze %dma_wait3A_609 : memref<1x8x1x8x128xf32, #tpu.memory_space<hbm>> -> memref<8x8x128xf32, #tpu.memory_space<hbm>>
      tpu.wait_dma2 semaphore(%arg15 : memref<!tpu.dma_semaphore, #tpu.memory_space<semaphore_mem>>) src(%dma_wait3A_610 : memref<8x8x128xf32, #tpu.memory_space<hbm>>) dst(%dma_wait3A_605 : memref<8x8x128xf32, #tpu.memory_space<vmem>>)
      %add3A_611 = arith.constant 2 : i32
      %add3A_612 = arith.addi %add3A_587, %add3A_611 : i32
      %dma_start3A_613 = arith.constant 3 : i32
      %dma_start3A_614 = arith.constant 0 : i32
      %dma_start3A_615 = arith.constant 0 : i32
      %dma_start3A_616 = tpu.memref_slice %arg6[%dma_start3A_613, %dma_start3A_614, %dma_start3A_615] : memref<4x128x64xf32, #tpu.memory_space<vmem>> -> memref<1x128x64xf32, #tpu.memory_space<vmem>>
      %dma_start3A_617 = tpu.memref_squeeze %dma_start3A_616 : memref<1x128x64xf32, #tpu.memory_space<vmem>> -> memref<128x64xf32, #tpu.memory_space<vmem>>
      %dma_start3A_618 = arith.constant 0 : i32
      %dma_start3A_619 = tpu.memref_slice %arg5[%add3A_612, %dma_start3A_618] : memref<200x128xi32, #tpu.memory_space<vmem>> -> memref<1x128xi32, #tpu.memory_space<vmem>>
      %dma_start3A_620 = tpu.memref_squeeze %dma_start3A_619 : memref<1x128xi32, #tpu.memory_space<vmem>> -> memref<128xi32, #tpu.memory_space<vmem>>
      %dma_start3A_621 = arith.constant 0 : i32
      %dma_start3A_622 = arith.constant 0 : i32
      %dma_start3A_623 = tpu.memref_slice %arg3[%dma_start3A_621, %dma_start3A_622] : memref<2000000x64xf32, #tpu.memory_space<hbm>> -> memref<2000000x64xf32, #tpu.memory_space<hbm>>
      tpu.enqueue_indirect_dma source(%dma_start3A_623 : memref<2000000x64xf32, #tpu.memory_space<hbm>>) target(%dma_start3A_617 : memref<128x64xf32, #tpu.memory_space<vmem>>) offsets(%dma_start3A_620 : memref<128xi32, #tpu.memory_space<vmem>>) semaphore(%arg11 : memref<!tpu.dma_semaphore, #tpu.memory_space<semaphore_mem>>)
      %dma_wait3A_624 = arith.constant 1 : i32
      %dma_wait3A_625 = arith.constant 0 : i32
      %dma_wait3A_626 = arith.constant 0 : i32
      %dma_wait3A_627 = tpu.memref_slice %arg6[%dma_wait3A_624, %dma_wait3A_625, %dma_wait3A_626] : memref<4x128x64xf32, #tpu.memory_space<vmem>> -> memref<1x128x64xf32, #tpu.memory_space<vmem>>
      %dma_wait3A_628 = tpu.memref_squeeze %dma_wait3A_627 : memref<1x128x64xf32, #tpu.memory_space<vmem>> -> memref<128x64xf32, #tpu.memory_space<vmem>>
      %dma_wait3A_629 = arith.constant 0 : i32
      %dma_wait3A_630 = arith.constant 0 : i32
      %dma_wait3A_631 = tpu.memref_slice %arg3[%dma_wait3A_629, %dma_wait3A_630] : memref<2000000x64xf32, #tpu.memory_space<hbm>> -> memref<128x64xf32, #tpu.memory_space<hbm>>
      %dma_wait3A_632 = arith.constant 0 : i32
      %dma_wait3A_633 = arith.constant 0 : i32
      %dma_wait3A_634 = tpu.memref_slice %arg6[%dma_wait3A_624, %dma_wait3A_632, %dma_wait3A_633] : memref<4x128x64xf32, #tpu.memory_space<vmem>> -> memref<1x128x64xf32, #tpu.memory_space<vmem>>
      %dma_wait3A_635 = tpu.memref_squeeze %dma_wait3A_634 : memref<1x128x64xf32, #tpu.memory_space<vmem>> -> memref<128x64xf32, #tpu.memory_space<vmem>>
      %dma_wait3A_636 = arith.constant 0 : i32
      %dma_wait3A_637 = arith.constant 0 : i32
      %dma_wait3A_638 = tpu.memref_slice %arg3[%dma_wait3A_636, %dma_wait3A_637] : memref<2000000x64xf32, #tpu.memory_space<hbm>> -> memref<128x64xf32, #tpu.memory_space<hbm>>
      tpu.wait_dma2 semaphore(%arg9 : memref<!tpu.dma_semaphore, #tpu.memory_space<semaphore_mem>>) src(%dma_wait3A_638 : memref<128x64xf32, #tpu.memory_space<hbm>>) dst(%dma_wait3A_635 : memref<128x64xf32, #tpu.memory_space<vmem>>)
      %parallel_loop3A_639 = arith.constant 0 : i32
      %parallel_loop3A_640 = arith.constant 128 : i32
      %parallel_loop3A_641 = arith.constant 1 : i32
      scf.for %parallel_loop3A_663 = %parallel_loop3A_639 to %parallel_loop3A_640 step %parallel_loop3A_641  : i32 {
        %parallel_loop3A_664 = vector.broadcast %parallel_loop3A_663 : i32 to vector<16xi32>
        %parallel_loop3A_665 = arith.constant 1 : i32
        %parallel_loop3A_666 = arith.index_cast %parallel_loop3A_665 : i32 to index
        %parallel_loop3A_667 = arith.index_cast %parallel_loop3A_663 : i32 to index
        %parallel_loop3A_668 = arith.constant 0 : index
        %parallel_loop3A_669 = tpu.vector_load %arg6[%parallel_loop3A_666, %parallel_loop3A_667, %parallel_loop3A_668] {strides = array<i32>} : memref<4x128x64xf32, #tpu.memory_space<vmem>>, vector<16xf32>,
        %parallel_loop3A_670 = arith.constant 8.000000e+00 : f32
        %parallel_loop3A_671 = vector.broadcast %parallel_loop3A_670 : f32 to vector<16xf32>
        %parallel_loop3A_672 = arith.mulf %parallel_loop3A_669, %parallel_loop3A_671 : vector<16xf32>
        %parallel_loop3A_673 = arith.constant 1 : i32
        %parallel_loop3A_674 = arith.constant 0 : i32
        %parallel_loop3A_675 = arith.constant 0 : i32
        %parallel_loop3A_676 = arith.constant 0 : i32
        %parallel_loop3A_677 = tpu.memref_slice %arg7[%parallel_loop3A_673, %parallel_loop3A_674, %parallel_loop3A_675, %parallel_loop3A_676] : memref<4x8x8x136xf32, #tpu.memory_space<vmem>> -> memref<1x8x8x136xf32, #tpu.memory_space<vmem>>
        %parallel_loop3A_678 = tpu.memref_squeeze %parallel_loop3A_677 : memref<1x8x8x136xf32, #tpu.memory_space<vmem>> -> memref<8x8x136xf32, #tpu.memory_space<vmem>>
        tpu.vector_store_idx %parallel_loop3A_678[%shift_right_arithmetic3A_7, %and3A_30, %parallel_loop3A_664], %parallel_loop3A_672 : memref<8x8x136xf32, #tpu.memory_space<vmem>>[vector<16xi32>, vector<16xi32>, vector<16xi32>], vector<16xf32>,
        %parallel_loop3A_679 = arith.constant 1 : i32
        %parallel_loop3A_680 = arith.index_cast %parallel_loop3A_679 : i32 to index
        %parallel_loop3A_681 = arith.index_cast %parallel_loop3A_663 : i32 to index
        %parallel_loop3A_682 = arith.constant 16 : index
        %parallel_loop3A_683 = tpu.vector_load %arg6[%parallel_loop3A_680, %parallel_loop3A_681, %parallel_loop3A_682] {strides = array<i32>} : memref<4x128x64xf32, #tpu.memory_space<vmem>>, vector<16xf32>,
        %parallel_loop3A_684 = arith.constant 8.000000e+00 : f32
        %parallel_loop3A_685 = vector.broadcast %parallel_loop3A_684 : f32 to vector<16xf32>
        %parallel_loop3A_686 = arith.mulf %parallel_loop3A_683, %parallel_loop3A_685 : vector<16xf32>
        %parallel_loop3A_687 = arith.constant 1 : i32
        %parallel_loop3A_688 = arith.constant 0 : i32
        %parallel_loop3A_689 = arith.constant 0 : i32
        %parallel_loop3A_690 = arith.constant 0 : i32
        %parallel_loop3A_691 = tpu.memref_slice %arg7[%parallel_loop3A_687, %parallel_loop3A_688, %parallel_loop3A_689, %parallel_loop3A_690] : memref<4x8x8x136xf32, #tpu.memory_space<vmem>> -> memref<1x8x8x136xf32, #tpu.memory_space<vmem>>
        %parallel_loop3A_692 = tpu.memref_squeeze %parallel_loop3A_691 : memref<1x8x8x136xf32, #tpu.memory_space<vmem>> -> memref<8x8x136xf32, #tpu.memory_space<vmem>>
        tpu.vector_store_idx %parallel_loop3A_692[%shift_right_arithmetic3A_13, %and3A_36, %parallel_loop3A_664], %parallel_loop3A_686 : memref<8x8x136xf32, #tpu.memory_space<vmem>>[vector<16xi32>, vector<16xi32>, vector<16xi32>], vector<16xf32>,
        %parallel_loop3A_693 = arith.constant 1 : i32
        %parallel_loop3A_694 = arith.index_cast %parallel_loop3A_693 : i32 to index
        %parallel_loop3A_695 = arith.index_cast %parallel_loop3A_663 : i32 to index
        %parallel_loop3A_696 = arith.constant 32 : index
        %parallel_loop3A_697 = tpu.vector_load %arg6[%parallel_loop3A_694, %parallel_loop3A_695, %parallel_loop3A_696] {strides = array<i32>} : memref<4x128x64xf32, #tpu.memory_space<vmem>>, vector<16xf32>,
        %parallel_loop3A_698 = arith.constant 8.000000e+00 : f32
        %parallel_loop3A_699 = vector.broadcast %parallel_loop3A_698 : f32 to vector<16xf32>
        %parallel_loop3A_700 = arith.mulf %parallel_loop3A_697, %parallel_loop3A_699 : vector<16xf32>
        %parallel_loop3A_701 = arith.constant 1 : i32
        %parallel_loop3A_702 = arith.constant 0 : i32
        %parallel_loop3A_703 = arith.constant 0 : i32
        %parallel_loop3A_704 = arith.constant 0 : i32
        %parallel_loop3A_705 = tpu.memref_slice %arg7[%parallel_loop3A_701, %parallel_loop3A_702, %parallel_loop3A_703, %parallel_loop3A_704] : memref<4x8x8x136xf32, #tpu.memory_space<vmem>> -> memref<1x8x8x136xf32, #tpu.memory_space<vmem>>
        %parallel_loop3A_706 = tpu.memref_squeeze %parallel_loop3A_705 : memref<1x8x8x136xf32, #tpu.memory_space<vmem>> -> memref<8x8x136xf32, #tpu.memory_space<vmem>>
        tpu.vector_store_idx %parallel_loop3A_706[%shift_right_arithmetic3A_19, %and3A_42, %parallel_loop3A_664], %parallel_loop3A_700 : memref<8x8x136xf32, #tpu.memory_space<vmem>>[vector<16xi32>, vector<16xi32>, vector<16xi32>], vector<16xf32>,
        %parallel_loop3A_707 = arith.constant 1 : i32
        %parallel_loop3A_708 = arith.index_cast %parallel_loop3A_707 : i32 to index
        %parallel_loop3A_709 = arith.index_cast %parallel_loop3A_663 : i32 to index
        %parallel_loop3A_710 = arith.constant 48 : index
        %parallel_loop3A_711 = tpu.vector_load %arg6[%parallel_loop3A_708, %parallel_loop3A_709, %parallel_loop3A_710] {strides = array<i32>} : memref<4x128x64xf32, #tpu.memory_space<vmem>>, vector<16xf32>,
        %parallel_loop3A_712 = arith.constant 8.000000e+00 : f32
        %parallel_loop3A_713 = vector.broadcast %parallel_loop3A_712 : f32 to vector<16xf32>
        %parallel_loop3A_714 = arith.mulf %parallel_loop3A_711, %parallel_loop3A_713 : vector<16xf32>
        %parallel_loop3A_715 = arith.constant 1 : i32
        %parallel_loop3A_716 = arith.constant 0 : i32
        %parallel_loop3A_717 = arith.constant 0 : i32
        %parallel_loop3A_718 = arith.constant 0 : i32
        %parallel_loop3A_719 = tpu.memref_slice %arg7[%parallel_loop3A_715, %parallel_loop3A_716, %parallel_loop3A_717, %parallel_loop3A_718] : memref<4x8x8x136xf32, #tpu.memory_space<vmem>> -> memref<1x8x8x136xf32, #tpu.memory_space<vmem>>
        %parallel_loop3A_720 = tpu.memref_squeeze %parallel_loop3A_719 : memref<1x8x8x136xf32, #tpu.memory_space<vmem>> -> memref<8x8x136xf32, #tpu.memory_space<vmem>>
        tpu.vector_store_idx %parallel_loop3A_720[%shift_right_arithmetic3A_25, %and3A_48, %parallel_loop3A_664], %parallel_loop3A_714 : memref<8x8x136xf32, #tpu.memory_space<vmem>>[vector<16xi32>, vector<16xi32>, vector<16xi32>], vector<16xf32>,
      } {sc.loop_unroll_factor = 4 : i64, sc.parallel_access}
      %dma_start3A_642 = arith.constant 1 : i32
      %dma_start3A_643 = arith.constant 0 : i32
      %dma_start3A_644 = arith.constant 0 : i32
      %dma_start3A_645 = arith.constant 0 : i32
      %dma_start3A_646 = tpu.memref_slice %arg7[%dma_start3A_642, %dma_start3A_643, %dma_start3A_644, %dma_start3A_645] : memref<4x8x8x136xf32, #tpu.memory_space<vmem>> -> memref<1x8x8x128xf32, #tpu.memory_space<vmem>>
      %dma_start3A_647 = tpu.memref_squeeze %dma_start3A_646 : memref<1x8x8x128xf32, #tpu.memory_space<vmem>> -> memref<8x8x128xf32, #tpu.memory_space<vmem>>
      %dma_start3A_648 = arith.constant 0 : i32
      %dma_start3A_649 = arith.constant 0 : i32
      %dma_start3A_650 = arith.constant 0 : i32
      %dma_start3A_651 = tpu.memref_slice %arg4[%add3A_587, %dma_start3A_648, %add3A, %dma_start3A_649, %dma_start3A_650] : memref<200x8x32x8x128xf32, #tpu.memory_space<hbm>> -> memref<1x8x1x8x128xf32, #tpu.memory_space<hbm>>
      %dma_start3A_652 = tpu.memref_squeeze %dma_start3A_651 : memref<1x8x1x8x128xf32, #tpu.memory_space<hbm>> -> memref<8x8x128xf32, #tpu.memory_space<hbm>>
      %dma_start3A_653 = arith.constant 0 : i32
      %dma_start3A_654 = arith.constant 0 : i32
      %dma_start3A_655 = arith.constant 0 : i32
      %dma_start3A_656 = tpu.memref_slice %arg4[%add3A_587, %dma_start3A_653, %add3A, %dma_start3A_654, %dma_start3A_655] : memref<200x8x32x8x128xf32, #tpu.memory_space<hbm>> -> memref<1x8x1x8x128xf32, #tpu.memory_space<hbm>>
      %dma_start3A_657 = tpu.memref_squeeze %dma_start3A_656 : memref<1x8x1x8x128xf32, #tpu.memory_space<hbm>> -> memref<8x8x128xf32, #tpu.memory_space<hbm>>
      %dma_start3A_658 = arith.constant 0 : i32
      %dma_start3A_659 = arith.constant 0 : i32
      %dma_start3A_660 = arith.constant 0 : i32
      %dma_start3A_661 = tpu.memref_slice %arg7[%dma_start3A_642, %dma_start3A_658, %dma_start3A_659, %dma_start3A_660] : memref<4x8x8x136xf32, #tpu.memory_space<vmem>> -> memref<1x8x8x128xf32, #tpu.memory_space<vmem>>
      %dma_start3A_662 = tpu.memref_squeeze %dma_start3A_661 : memref<1x8x8x128xf32, #tpu.memory_space<vmem>> -> memref<8x8x128xf32, #tpu.memory_space<vmem>>
      tpu.enqueue_dma source(%dma_start3A_662 : memref<8x8x128xf32, #tpu.memory_space<vmem>>) target(%dma_start3A_657 : memref<8x8x128xf32, #tpu.memory_space<hbm>>) target_semaphore(%arg13 : memref<!tpu.dma_semaphore, #tpu.memory_space<semaphore_mem>>)
    }
    %scan3A_177 = arith.constant 49 : i32
    %dma_wait3A_178 = arith.constant 0 : i32
    %dma_wait3A_179 = arith.constant 0 : i32
    %dma_wait3A_180 = arith.constant 0 : i32
    %dma_wait3A_181 = arith.constant 0 : i32
    %dma_wait3A_182 = arith.constant 0 : i32
    %dma_wait3A_183 = arith.constant 0 : i32
    %dma_wait3A_184 = tpu.memref_slice %arg7[%dma_wait3A_180, %dma_wait3A_181, %dma_wait3A_182, %dma_wait3A_183] : memref<4x8x8x136xf32, #tpu.memory_space<vmem>> -> memref<1x8x8x128xf32, #tpu.memory_space<vmem>>
    %dma_wait3A_185 = tpu.memref_squeeze %dma_wait3A_184 : memref<1x8x8x128xf32, #tpu.memory_space<vmem>> -> memref<8x8x128xf32, #tpu.memory_space<vmem>>
    %dma_wait3A_186 = arith.constant 0 : i32
    %dma_wait3A_187 = arith.constant 0 : i32
    %dma_wait3A_188 = arith.constant 0 : i32
    %dma_wait3A_189 = tpu.memref_slice %arg4[%dma_wait3A_178, %dma_wait3A_186, %dma_wait3A_179, %dma_wait3A_187, %dma_wait3A_188] : memref<200x8x32x8x128xf32, #tpu.memory_space<hbm>> -> memref<1x8x1x8x128xf32, #tpu.memory_space<hbm>>
    %dma_wait3A_190 = tpu.memref_squeeze %dma_wait3A_189 : memref<1x8x1x8x128xf32, #tpu.memory_space<hbm>> -> memref<8x8x128xf32, #tpu.memory_space<hbm>>
    %dma_wait3A_191 = arith.constant 0 : i32
    %dma_wait3A_192 = arith.constant 0 : i32
    %dma_wait3A_193 = arith.constant 0 : i32
    %dma_wait3A_194 = tpu.memref_slice %arg7[%dma_wait3A_180, %dma_wait3A_191, %dma_wait3A_192, %dma_wait3A_193] : memref<4x8x8x136xf32, #tpu.memory_space<vmem>> -> memref<1x8x8x128xf32, #tpu.memory_space<vmem>>
    %dma_wait3A_195 = tpu.memref_squeeze %dma_wait3A_194 : memref<1x8x8x128xf32, #tpu.memory_space<vmem>> -> memref<8x8x128xf32, #tpu.memory_space<vmem>>
    %dma_wait3A_196 = arith.constant 0 : i32
    %dma_wait3A_197 = arith.constant 0 : i32
    %dma_wait3A_198 = arith.constant 0 : i32
    %dma_wait3A_199 = tpu.memref_slice %arg4[%dma_wait3A_178, %dma_wait3A_196, %dma_wait3A_179, %dma_wait3A_197, %dma_wait3A_198] : memref<200x8x32x8x128xf32, #tpu.memory_space<hbm>> -> memref<1x8x1x8x128xf32, #tpu.memory_space<hbm>>
    %dma_wait3A_200 = tpu.memref_squeeze %dma_wait3A_199 : memref<1x8x1x8x128xf32, #tpu.memory_space<hbm>> -> memref<8x8x128xf32, #tpu.memory_space<hbm>>
    tpu.wait_dma2 semaphore(%arg12 : memref<!tpu.dma_semaphore, #tpu.memory_space<semaphore_mem>>) src(%dma_wait3A_200 : memref<8x8x128xf32, #tpu.memory_space<hbm>>) dst(%dma_wait3A_195 : memref<8x8x128xf32, #tpu.memory_space<vmem>>)
    %dma_wait3A_201 = arith.constant 2 : i32
    %dma_wait3A_202 = arith.constant 0 : i32
    %dma_wait3A_203 = arith.constant 0 : i32
    %dma_wait3A_204 = tpu.memref_slice %arg6[%dma_wait3A_201, %dma_wait3A_202, %dma_wait3A_203] : memref<4x128x64xf32, #tpu.memory_space<vmem>> -> memref<1x128x64xf32, #tpu.memory_space<vmem>>
    %dma_wait3A_205 = tpu.memref_squeeze %dma_wait3A_204 : memref<1x128x64xf32, #tpu.memory_space<vmem>> -> memref<128x64xf32, #tpu.memory_space<vmem>>
    %dma_wait3A_206 = arith.constant 0 : i32
    %dma_wait3A_207 = arith.constant 0 : i32
    %dma_wait3A_208 = tpu.memref_slice %arg3[%dma_wait3A_206, %dma_wait3A_207] : memref<2000000x64xf32, #tpu.memory_space<hbm>> -> memref<128x64xf32, #tpu.memory_space<hbm>>
    %dma_wait3A_209 = arith.constant 0 : i32
    %dma_wait3A_210 = arith.constant 0 : i32
    %dma_wait3A_211 = tpu.memref_slice %arg6[%dma_wait3A_201, %dma_wait3A_209, %dma_wait3A_210] : memref<4x128x64xf32, #tpu.memory_space<vmem>> -> memref<1x128x64xf32, #tpu.memory_space<vmem>>
    %dma_wait3A_212 = tpu.memref_squeeze %dma_wait3A_211 : memref<1x128x64xf32, #tpu.memory_space<vmem>> -> memref<128x64xf32, #tpu.memory_space<vmem>>
    %dma_wait3A_213 = arith.constant 0 : i32
    %dma_wait3A_214 = arith.constant 0 : i32
    %dma_wait3A_215 = tpu.memref_slice %arg3[%dma_wait3A_213, %dma_wait3A_214] : memref<2000000x64xf32, #tpu.memory_space<hbm>> -> memref<128x64xf32, #tpu.memory_space<hbm>>
    tpu.wait_dma2 semaphore(%arg10 : memref<!tpu.dma_semaphore, #tpu.memory_space<semaphore_mem>>) src(%dma_wait3A_215 : memref<128x64xf32, #tpu.memory_space<hbm>>) dst(%dma_wait3A_212 : memref<128x64xf32, #tpu.memory_space<vmem>>)
    %parallel_loop3A_216 = arith.constant 0 : i32
    %parallel_loop3A_217 = arith.constant 128 : i32
    %parallel_loop3A_218 = arith.constant 1 : i32
    scf.for %parallel_loop3A_350 = %parallel_loop3A_216 to %parallel_loop3A_217 step %parallel_loop3A_218  : i32 {
      %parallel_loop3A_351 = vector.broadcast %parallel_loop3A_350 : i32 to vector<16xi32>
      %parallel_loop3A_352 = arith.constant 2 : i32
      %parallel_loop3A_353 = arith.index_cast %parallel_loop3A_352 : i32 to index
      %parallel_loop3A_354 = arith.index_cast %parallel_loop3A_350 : i32 to index
      %parallel_loop3A_355 = arith.constant 0 : index
      %parallel_loop3A_356 = tpu.vector_load %arg6[%parallel_loop3A_353, %parallel_loop3A_354, %parallel_loop3A_355] {strides = array<i32>} : memref<4x128x64xf32, #tpu.memory_space<vmem>>, vector<16xf32>,
      %parallel_loop3A_357 = arith.constant 8.000000e+00 : f32
      %parallel_loop3A_358 = vector.broadcast %parallel_loop3A_357 : f32 to vector<16xf32>
      %parallel_loop3A_359 = arith.mulf %parallel_loop3A_356, %parallel_loop3A_358 : vector<16xf32>
      %parallel_loop3A_360 = arith.constant 2 : i32
      %parallel_loop3A_361 = arith.constant 0 : i32
      %parallel_loop3A_362 = arith.constant 0 : i32
      %parallel_loop3A_363 = arith.constant 0 : i32
      %parallel_loop3A_364 = tpu.memref_slice %arg7[%parallel_loop3A_360, %parallel_loop3A_361, %parallel_loop3A_362, %parallel_loop3A_363] : memref<4x8x8x136xf32, #tpu.memory_space<vmem>> -> memref<1x8x8x136xf32, #tpu.memory_space<vmem>>
      %parallel_loop3A_365 = tpu.memref_squeeze %parallel_loop3A_364 : memref<1x8x8x136xf32, #tpu.memory_space<vmem>> -> memref<8x8x136xf32, #tpu.memory_space<vmem>>
      tpu.vector_store_idx %parallel_loop3A_365[%shift_right_arithmetic3A_7, %and3A_30, %parallel_loop3A_351], %parallel_loop3A_359 : memref<8x8x136xf32, #tpu.memory_space<vmem>>[vector<16xi32>, vector<16xi32>, vector<16xi32>], vector<16xf32>,
      %parallel_loop3A_366 = arith.constant 2 : i32
      %parallel_loop3A_367 = arith.index_cast %parallel_loop3A_366 : i32 to index
      %parallel_loop3A_368 = arith.index_cast %parallel_loop3A_350 : i32 to index
      %parallel_loop3A_369 = arith.constant 16 : index
      %parallel_loop3A_370 = tpu.vector_load %arg6[%parallel_loop3A_367, %parallel_loop3A_368, %parallel_loop3A_369] {strides = array<i32>} : memref<4x128x64xf32, #tpu.memory_space<vmem>>, vector<16xf32>,
      %parallel_loop3A_371 = arith.constant 8.000000e+00 : f32
      %parallel_loop3A_372 = vector.broadcast %parallel_loop3A_371 : f32 to vector<16xf32>
      %parallel_loop3A_373 = arith.mulf %parallel_loop3A_370, %parallel_loop3A_372 : vector<16xf32>
      %parallel_loop3A_374 = arith.constant 2 : i32
      %parallel_loop3A_375 = arith.constant 0 : i32
      %parallel_loop3A_376 = arith.constant 0 : i32
      %parallel_loop3A_377 = arith.constant 0 : i32
      %parallel_loop3A_378 = tpu.memref_slice %arg7[%parallel_loop3A_374, %parallel_loop3A_375, %parallel_loop3A_376, %parallel_loop3A_377] : memref<4x8x8x136xf32, #tpu.memory_space<vmem>> -> memref<1x8x8x136xf32, #tpu.memory_space<vmem>>
      %parallel_loop3A_379 = tpu.memref_squeeze %parallel_loop3A_378 : memref<1x8x8x136xf32, #tpu.memory_space<vmem>> -> memref<8x8x136xf32, #tpu.memory_space<vmem>>
      tpu.vector_store_idx %parallel_loop3A_379[%shift_right_arithmetic3A_13, %and3A_36, %parallel_loop3A_351], %parallel_loop3A_373 : memref<8x8x136xf32, #tpu.memory_space<vmem>>[vector<16xi32>, vector<16xi32>, vector<16xi32>], vector<16xf32>,
      %parallel_loop3A_380 = arith.constant 2 : i32
      %parallel_loop3A_381 = arith.index_cast %parallel_loop3A_380 : i32 to index
      %parallel_loop3A_382 = arith.index_cast %parallel_loop3A_350 : i32 to index
      %parallel_loop3A_383 = arith.constant 32 : index
      %parallel_loop3A_384 = tpu.vector_load %arg6[%parallel_loop3A_381, %parallel_loop3A_382, %parallel_loop3A_383] {strides = array<i32>} : memref<4x128x64xf32, #tpu.memory_space<vmem>>, vector<16xf32>,
      %parallel_loop3A_385 = arith.constant 8.000000e+00 : f32
      %parallel_loop3A_386 = vector.broadcast %parallel_loop3A_385 : f32 to vector<16xf32>
      %parallel_loop3A_387 = arith.mulf %parallel_loop3A_384, %parallel_loop3A_386 : vector<16xf32>
      %parallel_loop3A_388 = arith.constant 2 : i32
      %parallel_loop3A_389 = arith.constant 0 : i32
      %parallel_loop3A_390 = arith.constant 0 : i32
      %parallel_loop3A_391 = arith.constant 0 : i32
      %parallel_loop3A_392 = tpu.memref_slice %arg7[%parallel_loop3A_388, %parallel_loop3A_389, %parallel_loop3A_390, %parallel_loop3A_391] : memref<4x8x8x136xf32, #tpu.memory_space<vmem>> -> memref<1x8x8x136xf32, #tpu.memory_space<vmem>>
      %parallel_loop3A_393 = tpu.memref_squeeze %parallel_loop3A_392 : memref<1x8x8x136xf32, #tpu.memory_space<vmem>> -> memref<8x8x136xf32, #tpu.memory_space<vmem>>
      tpu.vector_store_idx %parallel_loop3A_393[%shift_right_arithmetic3A_19, %and3A_42, %parallel_loop3A_351], %parallel_loop3A_387 : memref<8x8x136xf32, #tpu.memory_space<vmem>>[vector<16xi32>, vector<16xi32>, vector<16xi32>], vector<16xf32>,
      %parallel_loop3A_394 = arith.constant 2 : i32
      %parallel_loop3A_395 = arith.index_cast %parallel_loop3A_394 : i32 to index
      %parallel_loop3A_396 = arith.index_cast %parallel_loop3A_350 : i32 to index
      %parallel_loop3A_397 = arith.constant 48 : index
      %parallel_loop3A_398 = tpu.vector_load %arg6[%parallel_loop3A_395, %parallel_loop3A_396, %parallel_loop3A_397] {strides = array<i32>} : memref<4x128x64xf32, #tpu.memory_space<vmem>>, vector<16xf32>,
      %parallel_loop3A_399 = arith.constant 8.000000e+00 : f32
      %parallel_loop3A_400 = vector.broadcast %parallel_loop3A_399 : f32 to vector<16xf32>
      %parallel_loop3A_401 = arith.mulf %parallel_loop3A_398, %parallel_loop3A_400 : vector<16xf32>
      %parallel_loop3A_402 = arith.constant 2 : i32
      %parallel_loop3A_403 = arith.constant 0 : i32
      %parallel_loop3A_404 = arith.constant 0 : i32
      %parallel_loop3A_405 = arith.constant 0 : i32
      %parallel_loop3A_406 = tpu.memref_slice %arg7[%parallel_loop3A_402, %parallel_loop3A_403, %parallel_loop3A_404, %parallel_loop3A_405] : memref<4x8x8x136xf32, #tpu.memory_space<vmem>> -> memref<1x8x8x136xf32, #tpu.memory_space<vmem>>
      %parallel_loop3A_407 = tpu.memref_squeeze %parallel_loop3A_406 : memref<1x8x8x136xf32, #tpu.memory_space<vmem>> -> memref<8x8x136xf32, #tpu.memory_space<vmem>>
      tpu.vector_store_idx %parallel_loop3A_407[%shift_right_arithmetic3A_25, %and3A_48, %parallel_loop3A_351], %parallel_loop3A_401 : memref<8x8x136xf32, #tpu.memory_space<vmem>>[vector<16xi32>, vector<16xi32>, vector<16xi32>], vector<16xf32>,
    } {sc.loop_unroll_factor = 4 : i64, sc.parallel_access}
    %dma_start3A_219 = arith.constant 2 : i32
    %dma_start3A_220 = arith.constant 198 : i32
    %dma_start3A_221 = arith.constant 0 : i32
    %dma_start3A_222 = arith.constant 0 : i32
    %dma_start3A_223 = arith.constant 0 : i32
    %dma_start3A_224 = tpu.memref_slice %arg7[%dma_start3A_219, %dma_start3A_221, %dma_start3A_222, %dma_start3A_223] : memref<4x8x8x136xf32, #tpu.memory_space<vmem>> -> memref<1x8x8x128xf32, #tpu.memory_space<vmem>>
    %dma_start3A_225 = tpu.memref_squeeze %dma_start3A_224 : memref<1x8x8x128xf32, #tpu.memory_space<vmem>> -> memref<8x8x128xf32, #tpu.memory_space<vmem>>
    %dma_start3A_226 = arith.constant 0 : i32
    %dma_start3A_227 = arith.constant 0 : i32
    %dma_start3A_228 = arith.constant 0 : i32
    %dma_start3A_229 = tpu.memref_slice %arg4[%dma_start3A_220, %dma_start3A_226, %add3A, %dma_start3A_227, %dma_start3A_228] : memref<200x8x32x8x128xf32, #tpu.memory_space<hbm>> -> memref<1x8x1x8x128xf32, #tpu.memory_space<hbm>>
    %dma_start3A_230 = tpu.memref_squeeze %dma_start3A_229 : memref<1x8x1x8x128xf32, #tpu.memory_space<hbm>> -> memref<8x8x128xf32, #tpu.memory_space<hbm>>
    %dma_start3A_231 = arith.constant 0 : i32
    %dma_start3A_232 = arith.constant 0 : i32
    %dma_start3A_233 = arith.constant 0 : i32
    %dma_start3A_234 = tpu.memref_slice %arg4[%dma_start3A_220, %dma_start3A_231, %add3A, %dma_start3A_232, %dma_start3A_233] : memref<200x8x32x8x128xf32, #tpu.memory_space<hbm>> -> memref<1x8x1x8x128xf32, #tpu.memory_space<hbm>>
    %dma_start3A_235 = tpu.memref_squeeze %dma_start3A_234 : memref<1x8x1x8x128xf32, #tpu.memory_space<hbm>> -> memref<8x8x128xf32, #tpu.memory_space<hbm>>
    %dma_start3A_236 = arith.constant 0 : i32
    %dma_start3A_237 = arith.constant 0 : i32
    %dma_start3A_238 = arith.constant 0 : i32
    %dma_start3A_239 = tpu.memref_slice %arg7[%dma_start3A_219, %dma_start3A_236, %dma_start3A_237, %dma_start3A_238] : memref<4x8x8x136xf32, #tpu.memory_space<vmem>> -> memref<1x8x8x128xf32, #tpu.memory_space<vmem>>
    %dma_start3A_240 = tpu.memref_squeeze %dma_start3A_239 : memref<1x8x8x128xf32, #tpu.memory_space<vmem>> -> memref<8x8x128xf32, #tpu.memory_space<vmem>>
    tpu.enqueue_dma source(%dma_start3A_240 : memref<8x8x128xf32, #tpu.memory_space<vmem>>) target(%dma_start3A_235 : memref<8x8x128xf32, #tpu.memory_space<hbm>>) target_semaphore(%arg14 : memref<!tpu.dma_semaphore, #tpu.memory_space<semaphore_mem>>)
    %dma_wait3A_241 = arith.constant 0 : i32
    %dma_wait3A_242 = arith.constant 0 : i32
    %dma_wait3A_243 = arith.constant 1 : i32
    %dma_wait3A_244 = arith.constant 0 : i32
    %dma_wait3A_245 = arith.constant 0 : i32
    %dma_wait3A_246 = arith.constant 0 : i32
    %dma_wait3A_247 = tpu.memref_slice %arg7[%dma_wait3A_243, %dma_wait3A_244, %dma_wait3A_245, %dma_wait3A_246] : memref<4x8x8x136xf32, #tpu.memory_space<vmem>> -> memref<1x8x8x128xf32, #tpu.memory_space<vmem>>
    %dma_wait3A_248 = tpu.memref_squeeze %dma_wait3A_247 : memref<1x8x8x128xf32, #tpu.memory_space<vmem>> -> memref<8x8x128xf32, #tpu.memory_space<vmem>>
    %dma_wait3A_249 = arith.constant 0 : i32
    %dma_wait3A_250 = arith.constant 0 : i32
    %dma_wait3A_251 = arith.constant 0 : i32
    %dma_wait3A_252 = tpu.memref_slice %arg4[%dma_wait3A_241, %dma_wait3A_249, %dma_wait3A_242, %dma_wait3A_250, %dma_wait3A_251] : memref<200x8x32x8x128xf32, #tpu.memory_space<hbm>> -> memref<1x8x1x8x128xf32, #tpu.memory_space<hbm>>
    %dma_wait3A_253 = tpu.memref_squeeze %dma_wait3A_252 : memref<1x8x1x8x128xf32, #tpu.memory_space<hbm>> -> memref<8x8x128xf32, #tpu.memory_space<hbm>>
    %dma_wait3A_254 = arith.constant 0 : i32
    %dma_wait3A_255 = arith.constant 0 : i32
    %dma_wait3A_256 = arith.constant 0 : i32
    %dma_wait3A_257 = tpu.memref_slice %arg7[%dma_wait3A_243, %dma_wait3A_254, %dma_wait3A_255, %dma_wait3A_256] : memref<4x8x8x136xf32, #tpu.memory_space<vmem>> -> memref<1x8x8x128xf32, #tpu.memory_space<vmem>>
    %dma_wait3A_258 = tpu.memref_squeeze %dma_wait3A_257 : memref<1x8x8x128xf32, #tpu.memory_space<vmem>> -> memref<8x8x128xf32, #tpu.memory_space<vmem>>
    %dma_wait3A_259 = arith.constant 0 : i32
    %dma_wait3A_260 = arith.constant 0 : i32
    %dma_wait3A_261 = arith.constant 0 : i32
    %dma_wait3A_262 = tpu.memref_slice %arg4[%dma_wait3A_241, %dma_wait3A_259, %dma_wait3A_242, %dma_wait3A_260, %dma_wait3A_261] : memref<200x8x32x8x128xf32, #tpu.memory_space<hbm>> -> memref<1x8x1x8x128xf32, #tpu.memory_space<hbm>>
    %dma_wait3A_263 = tpu.memref_squeeze %dma_wait3A_262 : memref<1x8x1x8x128xf32, #tpu.memory_space<hbm>> -> memref<8x8x128xf32, #tpu.memory_space<hbm>>
    tpu.wait_dma2 semaphore(%arg13 : memref<!tpu.dma_semaphore, #tpu.memory_space<semaphore_mem>>) src(%dma_wait3A_263 : memref<8x8x128xf32, #tpu.memory_space<hbm>>) dst(%dma_wait3A_258 : memref<8x8x128xf32, #tpu.memory_space<vmem>>)
    %dma_wait3A_264 = arith.constant 3 : i32
    %dma_wait3A_265 = arith.constant 0 : i32
    %dma_wait3A_266 = arith.constant 0 : i32
    %dma_wait3A_267 = tpu.memref_slice %arg6[%dma_wait3A_264, %dma_wait3A_265, %dma_wait3A_266] : memref<4x128x64xf32, #tpu.memory_space<vmem>> -> memref<1x128x64xf32, #tpu.memory_space<vmem>>
    %dma_wait3A_268 = tpu.memref_squeeze %dma_wait3A_267 : memref<1x128x64xf32, #tpu.memory_space<vmem>> -> memref<128x64xf32, #tpu.memory_space<vmem>>
    %dma_wait3A_269 = arith.constant 0 : i32
    %dma_wait3A_270 = arith.constant 0 : i32
    %dma_wait3A_271 = tpu.memref_slice %arg3[%dma_wait3A_269, %dma_wait3A_270] : memref<2000000x64xf32, #tpu.memory_space<hbm>> -> memref<128x64xf32, #tpu.memory_space<hbm>>
    %dma_wait3A_272 = arith.constant 0 : i32
    %dma_wait3A_273 = arith.constant 0 : i32
    %dma_wait3A_274 = tpu.memref_slice %arg6[%dma_wait3A_264, %dma_wait3A_272, %dma_wait3A_273] : memref<4x128x64xf32, #tpu.memory_space<vmem>> -> memref<1x128x64xf32, #tpu.memory_space<vmem>>
    %dma_wait3A_275 = tpu.memref_squeeze %dma_wait3A_274 : memref<1x128x64xf32, #tpu.memory_space<vmem>> -> memref<128x64xf32, #tpu.memory_space<vmem>>
    %dma_wait3A_276 = arith.constant 0 : i32
    %dma_wait3A_277 = arith.constant 0 : i32
    %dma_wait3A_278 = tpu.memref_slice %arg3[%dma_wait3A_276, %dma_wait3A_277] : memref<2000000x64xf32, #tpu.memory_space<hbm>> -> memref<128x64xf32, #tpu.memory_space<hbm>>
    tpu.wait_dma2 semaphore(%arg11 : memref<!tpu.dma_semaphore, #tpu.memory_space<semaphore_mem>>) src(%dma_wait3A_278 : memref<128x64xf32, #tpu.memory_space<hbm>>) dst(%dma_wait3A_275 : memref<128x64xf32, #tpu.memory_space<vmem>>)
    %parallel_loop3A_279 = arith.constant 0 : i32
    %parallel_loop3A_280 = arith.constant 128 : i32
    %parallel_loop3A_281 = arith.constant 1 : i32
    scf.for %parallel_loop3A_350 = %parallel_loop3A_279 to %parallel_loop3A_280 step %parallel_loop3A_281  : i32 {
      %parallel_loop3A_351 = vector.broadcast %parallel_loop3A_350 : i32 to vector<16xi32>
      %parallel_loop3A_352 = arith.constant 3 : i32
      %parallel_loop3A_353 = arith.index_cast %parallel_loop3A_352 : i32 to index
      %parallel_loop3A_354 = arith.index_cast %parallel_loop3A_350 : i32 to index
      %parallel_loop3A_355 = arith.constant 0 : index
      %parallel_loop3A_356 = tpu.vector_load %arg6[%parallel_loop3A_353, %parallel_loop3A_354, %parallel_loop3A_355] {strides = array<i32>} : memref<4x128x64xf32, #tpu.memory_space<vmem>>, vector<16xf32>,
      %parallel_loop3A_357 = arith.constant 8.000000e+00 : f32
      %parallel_loop3A_358 = vector.broadcast %parallel_loop3A_357 : f32 to vector<16xf32>
      %parallel_loop3A_359 = arith.mulf %parallel_loop3A_356, %parallel_loop3A_358 : vector<16xf32>
      %parallel_loop3A_360 = arith.constant 3 : i32
      %parallel_loop3A_361 = arith.constant 0 : i32
      %parallel_loop3A_362 = arith.constant 0 : i32
      %parallel_loop3A_363 = arith.constant 0 : i32
      %parallel_loop3A_364 = tpu.memref_slice %arg7[%parallel_loop3A_360, %parallel_loop3A_361, %parallel_loop3A_362, %parallel_loop3A_363] : memref<4x8x8x136xf32, #tpu.memory_space<vmem>> -> memref<1x8x8x136xf32, #tpu.memory_space<vmem>>
      %parallel_loop3A_365 = tpu.memref_squeeze %parallel_loop3A_364 : memref<1x8x8x136xf32, #tpu.memory_space<vmem>> -> memref<8x8x136xf32, #tpu.memory_space<vmem>>
      tpu.vector_store_idx %parallel_loop3A_365[%shift_right_arithmetic3A_7, %and3A_30, %parallel_loop3A_351], %parallel_loop3A_359 : memref<8x8x136xf32, #tpu.memory_space<vmem>>[vector<16xi32>, vector<16xi32>, vector<16xi32>], vector<16xf32>,
      %parallel_loop3A_366 = arith.constant 3 : i32
      %parallel_loop3A_367 = arith.index_cast %parallel_loop3A_366 : i32 to index
      %parallel_loop3A_368 = arith.index_cast %parallel_loop3A_350 : i32 to index
      %parallel_loop3A_369 = arith.constant 16 : index
      %parallel_loop3A_370 = tpu.vector_load %arg6[%parallel_loop3A_367, %parallel_loop3A_368, %parallel_loop3A_369] {strides = array<i32>} : memref<4x128x64xf32, #tpu.memory_space<vmem>>, vector<16xf32>,
      %parallel_loop3A_371 = arith.constant 8.000000e+00 : f32
      %parallel_loop3A_372 = vector.broadcast %parallel_loop3A_371 : f32 to vector<16xf32>
      %parallel_loop3A_373 = arith.mulf %parallel_loop3A_370, %parallel_loop3A_372 : vector<16xf32>
      %parallel_loop3A_374 = arith.constant 3 : i32
      %parallel_loop3A_375 = arith.constant 0 : i32
      %parallel_loop3A_376 = arith.constant 0 : i32
      %parallel_loop3A_377 = arith.constant 0 : i32
      %parallel_loop3A_378 = tpu.memref_slice %arg7[%parallel_loop3A_374, %parallel_loop3A_375, %parallel_loop3A_376, %parallel_loop3A_377] : memref<4x8x8x136xf32, #tpu.memory_space<vmem>> -> memref<1x8x8x136xf32, #tpu.memory_space<vmem>>
      %parallel_loop3A_379 = tpu.memref_squeeze %parallel_loop3A_378 : memref<1x8x8x136xf32, #tpu.memory_space<vmem>> -> memref<8x8x136xf32, #tpu.memory_space<vmem>>
      tpu.vector_store_idx %parallel_loop3A_379[%shift_right_arithmetic3A_13, %and3A_36, %parallel_loop3A_351], %parallel_loop3A_373 : memref<8x8x136xf32, #tpu.memory_space<vmem>>[vector<16xi32>, vector<16xi32>, vector<16xi32>], vector<16xf32>,
      %parallel_loop3A_380 = arith.constant 3 : i32
      %parallel_loop3A_381 = arith.index_cast %parallel_loop3A_380 : i32 to index
      %parallel_loop3A_382 = arith.index_cast %parallel_loop3A_350 : i32 to index
      %parallel_loop3A_383 = arith.constant 32 : index
      %parallel_loop3A_384 = tpu.vector_load %arg6[%parallel_loop3A_381, %parallel_loop3A_382, %parallel_loop3A_383] {strides = array<i32>} : memref<4x128x64xf32, #tpu.memory_space<vmem>>, vector<16xf32>,
      %parallel_loop3A_385 = arith.constant 8.000000e+00 : f32
      %parallel_loop3A_386 = vector.broadcast %parallel_loop3A_385 : f32 to vector<16xf32>
      %parallel_loop3A_387 = arith.mulf %parallel_loop3A_384, %parallel_loop3A_386 : vector<16xf32>
      %parallel_loop3A_388 = arith.constant 3 : i32
      %parallel_loop3A_389 = arith.constant 0 : i32
      %parallel_loop3A_390 = arith.constant 0 : i32
      %parallel_loop3A_391 = arith.constant 0 : i32
      %parallel_loop3A_392 = tpu.memref_slice %arg7[%parallel_loop3A_388, %parallel_loop3A_389, %parallel_loop3A_390, %parallel_loop3A_391] : memref<4x8x8x136xf32, #tpu.memory_space<vmem>> -> memref<1x8x8x136xf32, #tpu.memory_space<vmem>>
      %parallel_loop3A_393 = tpu.memref_squeeze %parallel_loop3A_392 : memref<1x8x8x136xf32, #tpu.memory_space<vmem>> -> memref<8x8x136xf32, #tpu.memory_space<vmem>>
      tpu.vector_store_idx %parallel_loop3A_393[%shift_right_arithmetic3A_19, %and3A_42, %parallel_loop3A_351], %parallel_loop3A_387 : memref<8x8x136xf32, #tpu.memory_space<vmem>>[vector<16xi32>, vector<16xi32>, vector<16xi32>], vector<16xf32>,
      %parallel_loop3A_394 = arith.constant 3 : i32
      %parallel_loop3A_395 = arith.index_cast %parallel_loop3A_394 : i32 to index
      %parallel_loop3A_396 = arith.index_cast %parallel_loop3A_350 : i32 to index
      %parallel_loop3A_397 = arith.constant 48 : index
      %parallel_loop3A_398 = tpu.vector_load %arg6[%parallel_loop3A_395, %parallel_loop3A_396, %parallel_loop3A_397] {strides = array<i32>} : memref<4x128x64xf32, #tpu.memory_space<vmem>>, vector<16xf32>,
      %parallel_loop3A_399 = arith.constant 8.000000e+00 : f32
      %parallel_loop3A_400 = vector.broadcast %parallel_loop3A_399 : f32 to vector<16xf32>
      %parallel_loop3A_401 = arith.mulf %parallel_loop3A_398, %parallel_loop3A_400 : vector<16xf32>
      %parallel_loop3A_402 = arith.constant 3 : i32
      %parallel_loop3A_403 = arith.constant 0 : i32
      %parallel_loop3A_404 = arith.constant 0 : i32
      %parallel_loop3A_405 = arith.constant 0 : i32
      %parallel_loop3A_406 = tpu.memref_slice %arg7[%parallel_loop3A_402, %parallel_loop3A_403, %parallel_loop3A_404, %parallel_loop3A_405] : memref<4x8x8x136xf32, #tpu.memory_space<vmem>> -> memref<1x8x8x136xf32, #tpu.memory_space<vmem>>
      %parallel_loop3A_407 = tpu.memref_squeeze %parallel_loop3A_406 : memref<1x8x8x136xf32, #tpu.memory_space<vmem>> -> memref<8x8x136xf32, #tpu.memory_space<vmem>>
      tpu.vector_store_idx %parallel_loop3A_407[%shift_right_arithmetic3A_25, %and3A_48, %parallel_loop3A_351], %parallel_loop3A_401 : memref<8x8x136xf32, #tpu.memory_space<vmem>>[vector<16xi32>, vector<16xi32>, vector<16xi32>], vector<16xf32>,
    } {sc.loop_unroll_factor = 4 : i64, sc.parallel_access}
    %dma_start3A_282 = arith.constant 3 : i32
    %dma_start3A_283 = arith.constant 199 : i32
    %dma_start3A_284 = arith.constant 0 : i32
    %dma_start3A_285 = arith.constant 0 : i32
    %dma_start3A_286 = arith.constant 0 : i32
    %dma_start3A_287 = tpu.memref_slice %arg7[%dma_start3A_282, %dma_start3A_284, %dma_start3A_285, %dma_start3A_286] : memref<4x8x8x136xf32, #tpu.memory_space<vmem>> -> memref<1x8x8x128xf32, #tpu.memory_space<vmem>>
    %dma_start3A_288 = tpu.memref_squeeze %dma_start3A_287 : memref<1x8x8x128xf32, #tpu.memory_space<vmem>> -> memref<8x8x128xf32, #tpu.memory_space<vmem>>
    %dma_start3A_289 = arith.constant 0 : i32
    %dma_start3A_290 = arith.constant 0 : i32
    %dma_start3A_291 = arith.constant 0 : i32
    %dma_start3A_292 = tpu.memref_slice %arg4[%dma_start3A_283, %dma_start3A_289, %add3A, %dma_start3A_290, %dma_start3A_291] : memref<200x8x32x8x128xf32, #tpu.memory_space<hbm>> -> memref<1x8x1x8x128xf32, #tpu.memory_space<hbm>>
    %dma_start3A_293 = tpu.memref_squeeze %dma_start3A_292 : memref<1x8x1x8x128xf32, #tpu.memory_space<hbm>> -> memref<8x8x128xf32, #tpu.memory_space<hbm>>
    %dma_start3A_294 = arith.constant 0 : i32
    %dma_start3A_295 = arith.constant 0 : i32
    %dma_start3A_296 = arith.constant 0 : i32
    %dma_start3A_297 = tpu.memref_slice %arg4[%dma_start3A_283, %dma_start3A_294, %add3A, %dma_start3A_295, %dma_start3A_296] : memref<200x8x32x8x128xf32, #tpu.memory_space<hbm>> -> memref<1x8x1x8x128xf32, #tpu.memory_space<hbm>>
    %dma_start3A_298 = tpu.memref_squeeze %dma_start3A_297 : memref<1x8x1x8x128xf32, #tpu.memory_space<hbm>> -> memref<8x8x128xf32, #tpu.memory_space<hbm>>
    %dma_start3A_299 = arith.constant 0 : i32
    %dma_start3A_300 = arith.constant 0 : i32
    %dma_start3A_301 = arith.constant 0 : i32
    %dma_start3A_302 = tpu.memref_slice %arg7[%dma_start3A_282, %dma_start3A_299, %dma_start3A_300, %dma_start3A_301] : memref<4x8x8x136xf32, #tpu.memory_space<vmem>> -> memref<1x8x8x128xf32, #tpu.memory_space<vmem>>
    %dma_start3A_303 = tpu.memref_squeeze %dma_start3A_302 : memref<1x8x8x128xf32, #tpu.memory_space<vmem>> -> memref<8x8x128xf32, #tpu.memory_space<vmem>>
    tpu.enqueue_dma source(%dma_start3A_303 : memref<8x8x128xf32, #tpu.memory_space<vmem>>) target(%dma_start3A_298 : memref<8x8x128xf32, #tpu.memory_space<hbm>>) target_semaphore(%arg15 : memref<!tpu.dma_semaphore, #tpu.memory_space<semaphore_mem>>)
    %dma_wait3A_304 = arith.constant 0 : i32
    %dma_wait3A_305 = arith.constant 0 : i32
    %dma_wait3A_306 = arith.constant 2 : i32
    %dma_wait3A_307 = arith.constant 0 : i32
    %dma_wait3A_308 = arith.constant 0 : i32
    %dma_wait3A_309 = arith.constant 0 : i32
    %dma_wait3A_310 = tpu.memref_slice %arg7[%dma_wait3A_306, %dma_wait3A_307, %dma_wait3A_308, %dma_wait3A_309] : memref<4x8x8x136xf32, #tpu.memory_space<vmem>> -> memref<1x8x8x128xf32, #tpu.memory_space<vmem>>
    %dma_wait3A_311 = tpu.memref_squeeze %dma_wait3A_310 : memref<1x8x8x128xf32, #tpu.memory_space<vmem>> -> memref<8x8x128xf32, #tpu.memory_space<vmem>>
    %dma_wait3A_312 = arith.constant 0 : i32
    %dma_wait3A_313 = arith.constant 0 : i32
    %dma_wait3A_314 = arith.constant 0 : i32
    %dma_wait3A_315 = tpu.memref_slice %arg4[%dma_wait3A_304, %dma_wait3A_312, %dma_wait3A_305, %dma_wait3A_313, %dma_wait3A_314] : memref<200x8x32x8x128xf32, #tpu.memory_space<hbm>> -> memref<1x8x1x8x128xf32, #tpu.memory_space<hbm>>
    %dma_wait3A_316 = tpu.memref_squeeze %dma_wait3A_315 : memref<1x8x1x8x128xf32, #tpu.memory_space<hbm>> -> memref<8x8x128xf32, #tpu.memory_space<hbm>>
    %dma_wait3A_317 = arith.constant 0 : i32
    %dma_wait3A_318 = arith.constant 0 : i32
    %dma_wait3A_319 = arith.constant 0 : i32
    %dma_wait3A_320 = tpu.memref_slice %arg7[%dma_wait3A_306, %dma_wait3A_317, %dma_wait3A_318, %dma_wait3A_319] : memref<4x8x8x136xf32, #tpu.memory_space<vmem>> -> memref<1x8x8x128xf32, #tpu.memory_space<vmem>>
    %dma_wait3A_321 = tpu.memref_squeeze %dma_wait3A_320 : memref<1x8x8x128xf32, #tpu.memory_space<vmem>> -> memref<8x8x128xf32, #tpu.memory_space<vmem>>
    %dma_wait3A_322 = arith.constant 0 : i32
    %dma_wait3A_323 = arith.constant 0 : i32
    %dma_wait3A_324 = arith.constant 0 : i32
    %dma_wait3A_325 = tpu.memref_slice %arg4[%dma_wait3A_304, %dma_wait3A_322, %dma_wait3A_305, %dma_wait3A_323, %dma_wait3A_324] : memref<200x8x32x8x128xf32, #tpu.memory_space<hbm>> -> memref<1x8x1x8x128xf32, #tpu.memory_space<hbm>>
    %dma_wait3A_326 = tpu.memref_squeeze %dma_wait3A_325 : memref<1x8x1x8x128xf32, #tpu.memory_space<hbm>> -> memref<8x8x128xf32, #tpu.memory_space<hbm>>
    tpu.wait_dma2 semaphore(%arg14 : memref<!tpu.dma_semaphore, #tpu.memory_space<semaphore_mem>>) src(%dma_wait3A_326 : memref<8x8x128xf32, #tpu.memory_space<hbm>>) dst(%dma_wait3A_321 : memref<8x8x128xf32, #tpu.memory_space<vmem>>)
    %dma_wait3A_327 = arith.constant 0 : i32
    %dma_wait3A_328 = arith.constant 0 : i32
    %dma_wait3A_329 = arith.constant 3 : i32
    %dma_wait3A_330 = arith.constant 0 : i32
    %dma_wait3A_331 = arith.constant 0 : i32
    %dma_wait3A_332 = arith.constant 0 : i32
    %dma_wait3A_333 = tpu.memref_slice %arg7[%dma_wait3A_329, %dma_wait3A_330, %dma_wait3A_331, %dma_wait3A_332] : memref<4x8x8x136xf32, #tpu.memory_space<vmem>> -> memref<1x8x8x128xf32, #tpu.memory_space<vmem>>
    %dma_wait3A_334 = tpu.memref_squeeze %dma_wait3A_333 : memref<1x8x8x128xf32, #tpu.memory_space<vmem>> -> memref<8x8x128xf32, #tpu.memory_space<vmem>>
    %dma_wait3A_335 = arith.constant 0 : i32
    %dma_wait3A_336 = arith.constant 0 : i32
    %dma_wait3A_337 = arith.constant 0 : i32
    %dma_wait3A_338 = tpu.memref_slice %arg4[%dma_wait3A_327, %dma_wait3A_335, %dma_wait3A_328, %dma_wait3A_336, %dma_wait3A_337] : memref<200x8x32x8x128xf32, #tpu.memory_space<hbm>> -> memref<1x8x1x8x128xf32, #tpu.memory_space<hbm>>
    %dma_wait3A_339 = tpu.memref_squeeze %dma_wait3A_338 : memref<1x8x1x8x128xf32, #tpu.memory_space<hbm>> -> memref<8x8x128xf32, #tpu.memory_space<hbm>>
    %dma_wait3A_340 = arith.constant 0 : i32
    %dma_wait3A_341 = arith.constant 0 : i32
    %dma_wait3A_342 = arith.constant 0 : i32
    %dma_wait3A_343 = tpu.memref_slice %arg7[%dma_wait3A_329, %dma_wait3A_340, %dma_wait3A_341, %dma_wait3A_342] : memref<4x8x8x136xf32, #tpu.memory_space<vmem>> -> memref<1x8x8x128xf32, #tpu.memory_space<vmem>>
    %dma_wait3A_344 = tpu.memref_squeeze %dma_wait3A_343 : memref<1x8x8x128xf32, #tpu.memory_space<vmem>> -> memref<8x8x128xf32, #tpu.memory_space<vmem>>
    %dma_wait3A_345 = arith.constant 0 : i32
    %dma_wait3A_346 = arith.constant 0 : i32
    %dma_wait3A_347 = arith.constant 0 : i32
    %dma_wait3A_348 = tpu.memref_slice %arg4[%dma_wait3A_327, %dma_wait3A_345, %dma_wait3A_328, %dma_wait3A_346, %dma_wait3A_347] : memref<200x8x32x8x128xf32, #tpu.memory_space<hbm>> -> memref<1x8x1x8x128xf32, #tpu.memory_space<hbm>>
    %dma_wait3A_349 = tpu.memref_squeeze %dma_wait3A_348 : memref<1x8x1x8x128xf32, #tpu.memory_space<hbm>> -> memref<8x8x128xf32, #tpu.memory_space<hbm>>
    tpu.wait_dma2 semaphore(%arg15 : memref<!tpu.dma_semaphore, #tpu.memory_space<semaphore_mem>>) src(%dma_wait3A_349 : memref<8x8x128xf32, #tpu.memory_space<hbm>>) dst(%dma_wait3A_344 : memref<8x8x128xf32, #tpu.memory_space<vmem>>)
    return
  }
}

</mosaic_0001>

<sc_bundles>
// kernel: _run.3.cloned.1.call-start
scs
__scs_entry_jumppad:
0x0: {  	(pc) =	sbr.rel $0x88, $3  }
0x1: {  	(tag) =	ssettag $0x0;
	lr =	simm.s32 $0x1  }
0x2: {  	[smem:$0x3F9F] =	sst lr;
	_ =	strace $0xD0000000  }
0x3: {  	_ = 	snop  }
0x4: {  	_ = 	snop  }
0x5: {  	_ = 	snop  }
0x6: {  	_ = 	snop  }
0x7: {  	_ = 	snop  }
__scs_overlays_trampoline_lowered:
0x8: {  	[smem:$0x3FAE] =	sst s0  }
0x9: {  	[smem:$0x3FAF] =	sst s1  }
0xa: {  	[smem:$0x3FB0] =	sst s2  }
0xb: {  	[smem:$0x3FB1] =	sst s3  }
0xc: {  	[smem:$0x3FB2] =	sst s4  }
0xd: {  	[smem:$0x3FB3] =	sst s5  }
0xe: {  	[smem:$0x3FB4] =	sst s6  }
0xf: {  	[smem:$0x3FB5] =	sst s7  }
0x10: {  	[smem:$0x3FB6] =	sst s8  }
0x11: {  	[smem:$0x3FB7] =	sst s9;
	s0 =	simm.s32 @!p0 $0x0  }
0x12: {  	s1 =	sld [smem:$0x3F9D];
	s0 =	simm.s32 @p0 $0x1  }
0x13: {  	[smem:$0x3FB8] =	sst s0;
	s0 =	simm.s32 @!p1 $0x0  }
0x14: {  	s2 =	sld [smem:$0x3F9C];
	s0 =	simm.s32 @p1 $0x1  }
0x15: {  	[smem:$0x3FB9] =	sst s0;
	s0 =	simm.s32 @!p2 $0x0  }
0x16: {  	s3 =	sld [smem:$0x3FDB];
	s0 =	simm.s32 @p2 $0x1  }
0x17: {  	s4 =	simm.s32 $0x1BF5;
	[smem:$0x3FBB] =	sst s0  }
0x18: {  	s0 =	sld [smem:$0x3F9E];
	_ =	swait.ge [sflag:s4], $0x0  }
0x19: {  	s7 =	sld [smem:$0x3F9F]  }
0x1a: {  	s8 =	sadd.s32 $0xFFFFE003, lr  }
0x1b: {  	s9 =	sadd.s32 $0xFFFFFEF7, lr;
	s5 =	simm.s32 $0xFFFFFFFF;
	p2 =	slt.u32 s8, $0xFFFFF086  }
0x1c: {  	p1 =	slt.u32 s9, $0xF7A;
	s5 =	simm.s32 @!p2 $0x0  }
0x1d: {  	s5 =	simm.s32 @p1 $0x1;
	p0 =	seq.s32 s7, s2  }
0x1e: {  	s7 =	smul.u32 @!p0 $0xF7A, s2;
	p2 =	seq.s32 @!p0 s5, $0x0  }
0x1f: {  	s9 =	smul.u32 $0xF7A, s1;
	s8 =	simm.s32 @!p0 $0x1BF5;
	p2 =	por !p2, p0  }
0x20: {  	[sflag:s8] =	ssyncset.s32 @!p0 $0xFFFFF086;
	s6 =	sadd.s32 @!p0 s3, s7;
	s7 =	simm.s32 @!p0 $0x108  }
0x21: {  	s3 =	sadd.s32 s3, s9;
	s6 =	sadd.s32 @!p0 $0x88, s6;
	s7 =	simm.s32 @p2 $0x1082  }
0x22: {  	[simem:s7], [sflag:s8] =	dma.local @!p0 [hbm:s6], $0xF7A  }
0x23: {  	s9 =	sor.u32 $0xD0000000, s2;
	s6 =	simm.s32 $0x108;
	_ =	swait.ge @!p0 [sflag:s8], $0x0  }
0x24: {  	s3 =	sadd.s32 $0x88, s3;
	s6 =	simm.s32 @!p1 $0x1082;
	[sflag:s4] =	ssyncset.s32 $0xFFFFF086  }
0x25: {  	[simem:s6], [sflag:s4] =	dma.local [hbm:s3], $0xF7A  }
0x26: {  	[smem:$0x3F9F] =	sst s1;
	(tag) =	ssettag s2;
	_ =	strace s9  }
0x27: {  	s1 =	sld [smem:$0x3FAF]  }
0x28: {  	s2 =	sld [smem:$0x3FB0]  }
0x29: {  	s4 =	sld [smem:$0x3FB2]  }
0x2a: {  	p0 =	seq.s32 s5, $0x0;
	s5 =	sld [smem:$0x3FB3]  }
0x2b: {  	s6 =	sld [smem:$0x3FB4]  }
0x2c: {  	s7 =	sld [smem:$0x3FB5]  }
0x2d: {  	s3 =	simm.s32 $0x108;
	s8 =	sld [smem:$0x3FB6]  }
0x2e: {  	s3 =	simm.s32 @!p0 $0x1082;
	s9 =	sld [smem:$0x3FB7]  }
0x2f: {  	lr =	sadd.s32 s0, s3;
	s0 =	sld [smem:$0x3FAE]  }
0x30: {  	s3 =	sld [smem:$0x3FB1]  }
0x31: {  	[smem:$0x3FBA] =	sst s10  }
0x32: {  	s10 =	sld [smem:$0x3FB8];
	_ =	sdelay $0x3  }
0x33: {  	p0 =	seq.s32 s10, $0x1;
	s10 =	sld [smem:$0x3FBA];
	_ =	sdelay $0x3  }
0x34: {  	[smem:$0x3FBA] =	sst s10  }
0x35: {  	s10 =	sld [smem:$0x3FB9];
	_ =	sdelay $0x3  }
0x36: {  	p1 =	seq.s32 s10, $0x1;
	s10 =	sld [smem:$0x3FBA];
	_ =	sdelay $0x3  }
0x37: {  	[smem:$0x3FBA] =	sst s10  }
0x38: {  	s10 =	sld [smem:$0x3FBB]  }
0x39: {  	_ = 	snop;
	(pc) =	sbr.ind lr, $3  }
0x3a: {  	_ = 	snop  }
0x3b: {  	_ = 	snop  }
0x3c: {  	p2 =	seq.s32 s10, $0x1;
	s10 =	sld [smem:$0x3FBA]  }
0x3d: {  	_ =	shalt  }
0x3e: {  	_ =	shalt  }
0x3f: {  	_ =	shalt  }
0x40: {  	_ =	shalt  }
0x41: {  	_ =	shalt  }
0x42: {  	_ =	shalt  }
0x43: {  	_ =	shalt  }
0x44: {  	_ =	shalt  }
0x45: {  	_ =	shalt  }
0x46: {  	_ =	shalt  }
0x47: {  	_ =	shalt  }
0x48: {  	_ =	shalt  }
0x49: {  	_ =	shalt  }
0x4a: {  	_ =	shalt  }
0x4b: {  	_ =	shalt  }
0x4c: {  	_ =	shalt  }
0x4d: {  	_ =	shalt  }
0x4e: {  	_ =	shalt  }
0x4f: {  	_ =	shalt  }
0x50: {  	_ =	shalt  }
0x51: {  	_ =	shalt  }
0x52: {  	_ =	shalt  }
0x53: {  	_ =	shalt  }
0x54: {  	_ =	shalt  }
0x55: {  	_ =	shalt  }
0x56: {  	_ =	shalt  }
0x57: {  	_ =	shalt  }
0x58: {  	_ =	shalt  }
0x59: {  	_ =	shalt  }
0x5a: {  	_ =	shalt  }
0x5b: {  	_ =	shalt  }
0x5c: {  	_ =	shalt  }
0x5d: {  	_ =	shalt  }
0x5e: {  	_ =	shalt  }
0x5f: {  	_ =	shalt  }
0x60: {  	_ =	shalt  }
0x61: {  	_ =	shalt  }
0x62: {  	_ =	shalt  }
0x63: {  	_ =	shalt  }
0x64: {  	_ =	shalt  }
0x65: {  	_ =	shalt  }
0x66: {  	_ =	shalt  }
0x67: {  	_ =	shalt  }
0x68: {  	_ =	shalt  }
0x69: {  	_ =	shalt  }
0x6a: {  	_ =	shalt  }
0x6b: {  	_ =	shalt  }
0x6c: {  	_ =	shalt  }
0x6d: {  	_ =	shalt  }
0x6e: {  	_ =	shalt  }
0x6f: {  	_ =	shalt  }
0x70: {  	_ =	shalt  }
0x71: {  	_ =	shalt  }
0x72: {  	_ =	shalt  }
0x73: {  	_ =	shalt  }
0x74: {  	_ =	shalt  }
0x75: {  	_ =	shalt  }
0x76: {  	_ =	shalt  }
0x77: {  	_ =	shalt  }
0x78: {  	_ =	shalt  }
0x79: {  	_ =	shalt  }
0x7a: {  	_ =	shalt  }
0x7b: {  	_ =	shalt  }
0x7c: {  	_ =	shalt  }
0x7d: {  	_ =	shalt  }
0x7e: {  	_ =	shalt  }
0x7f: {  	_ =	shalt  }
0x80: {  	_ =	shalt  }
0x81: {  	_ =	shalt  }
0x82: {  	_ =	shalt  }
0x83: {  	_ =	shalt  }
0x84: {  	_ =	shalt  }
0x85: {  	_ =	shalt  }
0x86: {  	_ =	shalt  }
0x87: {  	_ =	shalt  }
.Lfunc_end0:
.L_simem_size_0:
called_computation_lowered:
.L_overlay_start_0:
0x88: {  	s2 =	sld [smem:$0x3FD9]  }
0x89: {  	s3 =	sld [smem:$0x3FFE];
	_ =	sdelay $0x1  }
0x8a: {  	s1 =	srdreg.scid  }
0x8b: {  	s0 =	sand.u32 $0x1, s1  }
0x8c: {  	s17 =	sshll.u32 s0, $0xA;
	s2 =	sadd.s32 s3, s2  }
0x8d: {  	s2 =	sadd.s32 s2, s17  }
0x8e: {  	[smem:$0x3FC6] =	sst s2  }
0x8f: {  	_ = 	snop  }
0x90: {  	s2 =	sld [smem:$0x3FD0];
	(tm) =	ssettm $0x1  }
0x91: {  	s18 =	sld [smem:$0x3FFB];
	_ =	sdelay $0x3  }
0x92: {  	_ =	strace s18  }
0x93: {  	s3 =	sld [smem:$0x3FFC];
	_ =	sdelay $0x3  }
0x94: {  	_ =	strace s3  }
0x95: {  	s3 =	sld [smem:$0x3FFD];
	_ =	sdelay $0x3  }
0x96: {  	_ =	strace s3  }
0x97: {  	_ =	strace $0x8FFFFFFF  }
0x98: {  	s19 =	sld [smem:$0x3FDB];
	_ =	sdelay $0x1  }
0x99: {  	s4 =	simm.s32 $_scs_section_size  }
0x9a: {  	s5 =	simm.s32 $_size__tile_overlayer_lowered;
	s6 =	simm.s32 $_tile_overlayer_lowered  }
0x9b: {  	s22 =	simm.s32 $0x1BFF;
	s21 =	sshll.u32 s6, $0x1;
	s3 =	sadd.s32 s4, s19  }
0x9c: {  	s7 =	simm.s32 $0x0;
	s20 =	sshll.u32 s5, $0x1;
	s5 =	sadd.s32 s21, s3  }
0x9d: {  	[timem:s7], [sflag:s22] =	dma.local [hbm:s5], s20  }
0x9e: {  	_ =	swait.ge [sflag:s22], s20  }
0x9f: {  	s4 =	ssub.s32 $0x0, s20;
	[sflag:s22] =	ssyncset.done $0x0  }
0xa0: {  	[sflag:s22] =	ssyncadd.s32 s4;
	_ =	sdelay $0x1  }
0xa1: {  	s23 =	simm.s32 $0x1B8B  }
0xa2: {  	_ =	swait.ge [sflag:s23], $0x1  }
0xa3: {  	[sflag:s23] =	ssyncset.done $0x0  }
0xa4: {  	s25 =	simm.s32 $0x1B8E;
	s24 =	sld [smem:$0x3FFE];
	[sflag:s23] =	ssyncadd.s32 $0xFFFFFFFF  }
0xa5: {  	s26 =	simm.s32 $execute0_lowered;
	[smem:$0x3FD2] =	sst s25  }
0xa6: {  	s5 =	sshll.u32 s26, $0x1;
	_ =	strace $0x80000046;
	[dreg:$0x1] =	wrdreg $0xFFFFFFFF  }
0xa7: {  	s28 =	simm.s32 $_size_execute0_lowered;
	s3 =	sadd.s32 s3, s5;
	[dreg:$0x0] =	wrdreg $0x0  }
0xa8: {  	s5 =	sshll.u32 s28, $0x1;
	[dreg:$0x2] =	wrdreg s3  }
0xa9: {  	[dreg:$0x3] =	wrdreg s5  }
0xaa: {  	[dreg:$0x4] =	wrdreg $0xC0  }
0xab: {  	_ =	task [dreg:s7], $0x5FFFF  }
0xac: {  	[dreg:$0x1] =	wrdreg $0xFFFFFFFF  }
0xad: {  	[dreg:$0x0] =	wrdreg $0x60  }
0xae: {  	[dreg:$0x2] =	wrdreg s24  }
0xaf: {  	[dreg:$0x3] =	wrdreg s2  }
0xb0: {  	[dreg:$0x4] =	wrdreg $0x9  }
0xb1: {  	_ =	task.clear_ibuf [dreg:s7], $0x5FFFF;
	_ =	strace $0x90000046  }
0xb2: {  	s29 =	simm.s32 $0x9;
	_ =	strace $0x80000048  }
0xb3: {  	_ =	swait.ge [sflag:s29], $0x1  }
0xb4: {  	[sflag:s29] =	ssyncadd.s32 $0xFFFFFFFF  }
0xb5: {  	_ =	strace $0x90000048  }
0xb6: {  	_ =	sfence  }
0xb7: {  	s30 =	sld [smem:$0x0];
	_ =	sdelay $0x2  }
0xb8: {  	s31 =	sshll.u32 s1, $0xD;
	s1 =	sshrl.u32 s1, $0x2  }
0xb9: {  	s3 =	sand.u32 $0x4000, s31;
	s1 =	sadd.s32 s1, s30  }
0xba: {  	s0 =	sor.u32 s3, s0;
	s1 =	sshll.u32 s1, $0x11  }
0xbb: {  	s0 =	sor.u32 s1, s0  }
0xbc: {  	s0 =	sadd.s32 $0x8F2B, s0  }
0xbd: {  	[sflag:s0] =	ssyncadd.remote.s32 $0x1  }
0xbe: {  	_ =	sfence.sel $0xFFFF  }
0xbf: {  	[dreg:$0x0] =	wrdreg $0xFFFFFFFF;
	(pc) =	sbr.abs _section_cstart, $3  }
0xc0: {  	[dreg:$0x1] =	wrdreg $0xFFFFFFFF  }
0xc1: {  	_ =	task.clear_ibuf [dreg:s7], $0x2FFFF;
	_ =	strace $0x9FFFFFFF  }
0xc2: {  	(tm) =	ssettm $0x7FFFFFFF  }
0xc3: {  	_ =	shalt  }
tec
execute0_lowered:
.L_overlay_start_1:
0x0: {  	(tag) =	ssettag $0x1  }
0x1: {  	s0 =	rddreg [dreg:$0x0]  }
0x2: {  	s2 =	rddreg [dreg:$0x1];
	s1 =	srdreg.scid  }
0x3: {  	s4 =	stileid.u32;
	s3 =	simm.s32 $0x0;
	s14 =	simm.s32 $0x80  }
0x4: {  	s20 =	simm.s32 $0xA400;
	s21 =	simm.s32 $0x1;
	s22 =	simm.s32 $0xE400  }
0x5: {  	s28 =	simm.s32 $0x5;
	s29 =	simm.s32 $0x3;
	s30 =	simm.s32 $0x12800  }
0x6: {  	s31 =	simm.s32 $0x6;
	s15 =	simm.s32 $0x7;
	s19 =	simm.s32 $0x8  }
0x7: {  	s1 =	sand.u32 $0x1, s1;
	s4 =	sshll.u32 s4, $0x1;
	[smem:$0x7FF] =	sst s3  }
0x8: {  	s9 =	sadd.s32 $0x10000, s2;
	s10 =	sadd.s32 $0x18000, s2;
	s5 =	sor.u32 s1, s4  }
0x9: {  	_ =	strace $0x80000047;
	s4 =	sshll.u32 s5, $0x4;
	s8 =	sshll.u32 s5, $0x7  }
0xa: {  	s1 =	ssub.s32 $0x2, s1;
	s6 =	sadd.s32 s4, s0;
	s24 =	sadd.s32 s2, s8  }
0xb: {  	s7 =	sshrl.u32 s1, $0x1;
	s6 =	sadd.s32 $0x600, s6;
	[dreg:$0x3] =	wrdreg s24  }
0xc: {  	s4 =	sadd.s32 $0x1E84E00, s0;
	s25 =	sadd.s32 $0x8000, s24;
	[dreg:$0x4] =	wrdreg s6  }
0xd: {  	s23 =	ssub.s32 s1, s7;
	s26 =	sadd.s32 $0x630000, s24;
	[dreg:$0x5] =	wrdreg s25  }
0xe: {  	v0 =	vlaneseq.u32;
	s7 =	sshll.u32 s5, $0xA;
	s1 =	sadd.s32 $0x638000, s24;
	[dreg:$0x6] =	wrdreg s26  }
0xf: {  	v0 =	vmul.u32 $0x88, v0;
	s0 =	smax.u32 s23, $0x1;
	s24 =	simm.s32 $0xC400;
	[dreg:$0x7] =	wrdreg s1  }
0x10: {  	[dreg:$0x8] =	wrdreg s0;
	s25 =	simm.s32 $0x2;
	s26 =	simm.s32 $0x10600  }
0x11: {  	v1 =	vadd.s32 $0x880, v0;
	v2 =	vadd.s32 $0x1100, v0;
	v3 =	vadd.s32 $0x1980, v0;
	s0 =	simm.s32 $0x4;
	s1 =	simm.s32 $0x14A00;
	s6 =	simm.s32 $0x0  }
.LBB2_1:
0x12: {  	[dreg:$0x9] =	wrdreg s6  }
0x13: {  	s5 =	rddreg [dreg:$0x4];
	s23 =	simm.s32 $0x1000;
	s6 =	simm.s32 $0x9  }
0x14: {  	[tilespmem:s3], [sflag:$0x9] =	stream.strided.gather [hbm4b:s5+s14], $0x6400, s23, s14, $0x38;
	[tilespmem:$0x16C00] =	vst v63  }
0x15: {  	_ =	swait.ge [sflag:s6], $0x6400  }
0x16: {  	[sflag:s6] =	ssyncset.done $0x0  }
0x17: {  	s8 =	simm.s32 $0x6400;
	[sflag:s6] =	ssyncadd.s32 $0xFFFF9C00  }
0x18: {  	[tilespmem:s8], [sflag:$0x1] =	stream.indirect.gather [hbm4b:s4+s14], $0x40, s3, s14, $0xb8;
	[tilespmem:$0x16C00] =	vst v63  }
0x19: {  	s11 =	simm.s32 $0x8400  }
0x1a: {  	[tilespmem:s11], [sflag:$0x2] =	stream.indirect.gather [hbm4b:s4+s14], $0x40, s14, s14, $0xb8;
	[tilespmem:$0x16C00] =	vst v63  }
0x1b: {  	s12 =	simm.s32 $0x100  }
0x1c: {  	[tilespmem:s20], [sflag:$0x3] =	stream.indirect.gather [hbm4b:s4+s14], $0x40, s12, s14, $0xb8;
	[tilespmem:$0x16C00] =	vst v63  }
0x1d: {  	_ =	swait.ge [sflag:s21], $0x2000  }
0x1e: {  	[sflag:s21] =	ssyncset.done $0x0  }
0x1f: {  	s13 =	simm.s32 $0x3;
	s5 =	simm.s32 $0x6480;
	[sflag:s21] =	ssyncadd.s32 $0xFFFFE000  }
0x20: {  	v4 =	vmov s13;
	v5 =	vld [tilespmem:s5+$0x40]  }
0x21: {  	v9 =	vand.u32 $0x7F, v4  }
0x22: {  	v6 =	vmov s3;
	v4 =	vadd.s32 v0, v9  }
0x23: {  	s16 =	simm.s32 $0x1;
	v8 =	vand.u32 $0x7C, v6;
	v7 =	vld [tilespmem:s5+$0xFFFFFF80]  }
0x24: {  	v6 =	vmov s16;
	v12 =	vadd.s32 v0, v8;
	s8 =	simm.s32 $0x2;
	v10 =	vld [tilespmem:s5+$0xFFFFFFC0]  }
0x25: {  	v15 =	vand.u32 $0x7D, v6;
	v11 =	vmov s8;
	v6 =	vld [tilespmem:s5+$0x0];
	v5 =	vmul.f32 $8.000000000e+00, v5  }
0x26: {  	v13 =	vadd.s32 v0, v15;
	v17 =	vand.u32 $0x7E, v11  }
0x27: {  	v11 =	vadd.s32 v0, v17;
	[tilespmem:v4+s22+$0x0] =	vst.idx.msk $0xffff, v5  }
0x28: {  	v4 =	vmul.f32 $8.000000000e+00, v7;
	v5 =	vld [tilespmem:s5+$0x50]  }
0x29: {  	v7 =	vmul.f32 $8.000000000e+00, v10  }
0x2a: {  	[tilespmem:v12+s22+$0x0] =	vst.idx.msk $0xffff, v4;
	v4 =	vmul.f32 $8.000000000e+00, v6;
	v6 =	vadd.s32 v1, v9  }
0x2b: {  	[tilespmem:v13+s22+$0x0] =	vst.idx.msk $0xffff, v7;
	v10 =	vld [tilespmem:s5+$0xFFFFFF90]  }
0x2c: {  	v7 =	vld [tilespmem:s5+$0xFFFFFFD0];
	[tilespmem:v11+s22+$0x0] =	vst.idx.msk $0xffff, v4  }
0x2d: {  	v11 =	vld [tilespmem:s5+$0x10];
	v4 =	vmul.f32 $8.000000000e+00, v5  }
0x2e: {  	s17 =	simm.s32 $0x4;
	s6 =	simm.s32 $0x6580;
	s11 =	simm.s32 $0x7;
	v12 =	vadd.s32 v1, v15  }
0x2f: {  	v14 =	vld [tilespmem:s6+$0x40];
	v13 =	vadd.s32 v1, v17;
	v5 =	vmov s17;
	[tilespmem:v6+s22+$0x0] =	vst.idx.msk $0xffff, v4;
	v6 =	vmov s11  }
0x30: {  	v16 =	vadd.s32 v1, v8;
	v4 =	vand.u32 $0x7C, v5;
	v5 =	vand.u32 $0x7F, v6;
	v18 =	vld [tilespmem:s5+$0x60]  }
0x31: {  	s18 =	simm.s32 $0x5;
	v22 =	vadd.s32 v2, v9;
	v19 =	vld [tilespmem:s6+$0xFFFFFF80];
	v6 =	vmul.f32 $8.000000000e+00, v7;
	v20 =	vadd.s32 v0, v5  }
0x32: {  	s23 =	simm.s32 $0x6;
	v21 =	vld [tilespmem:s6+$0xFFFFFFC0];
	v10 =	vmul.f32 $8.000000000e+00, v10;
	v7 =	vmul.f32 $8.000000000e+00, v11;
	v11 =	vmov s18  }
0x33: {  	v23 =	vadd.s32 v0, v4;
	[tilespmem:v12+s22+$0x0] =	vst.idx.msk $0xffff, v6;
	v12 =	vmov s23;
	v6 =	vand.u32 $0x7D, v11;
	v11 =	vld [tilespmem:s6+$0x0]  }
0x34: {  	[tilespmem:v13+s22+$0x0] =	vst.idx.msk $0xffff, v7;
	v13 =	vadd.s32 v0, v6;
	v7 =	vand.u32 $0x7E, v12;
	v12 =	vmul.f32 $8.000000000e+00, v14;
	v14 =	vld [tilespmem:s5+$0xFFFFFFE0]  }
0x35: {  	[tilespmem:v16+s22+$0x0] =	vst.idx.msk $0xffff, v10;
	v10 =	vadd.s32 v0, v7;
	v16 =	vld [tilespmem:s5+$0x20];
	v18 =	vmul.f32 $8.000000000e+00, v18  }
0x36: {  	v19 =	vmul.f32 $8.000000000e+00, v19;
	[tilespmem:v20+s22+$0x0] =	vst.idx.msk $0xffff, v12;
	v12 =	vld [tilespmem:s5+$0xFFFFFFA0];
	v20 =	vadd.s32 v2, v15  }
0x37: {  	v25 =	vadd.s32 v2, v17;
	v21 =	vmul.f32 $8.000000000e+00, v21;
	v24 =	vld [tilespmem:s6+$0x50];
	[tilespmem:v22+s22+$0x0] =	vst.idx.msk $0xffff, v18  }
0x38: {  	[tilespmem:v23+s22+$0x0] =	vst.idx.msk $0xffff, v19;
	v19 =	vadd.s32 v2, v8;
	v11 =	vmul.f32 $8.000000000e+00, v11;
	v22 =	vld [tilespmem:s5+$0x70]  }
0x39: {  	v23 =	vld [tilespmem:s6+$0xFFFFFF90];
	[tilespmem:v13+s22+$0x0] =	vst.idx.msk $0xffff, v21;
	v21 =	vadd.s32 v1, v5;
	v14 =	vmul.f32 $8.000000000e+00, v14  }
0x3a: {  	v27 =	vadd.s32 v3, v9;
	v26 =	vld [tilespmem:s6+$0xFFFFFFD0];
	[tilespmem:v10+s22+$0x0] =	vst.idx.msk $0xffff, v11;
	v10 =	vmul.f32 $8.000000000e+00, v16  }
0x3b: {  	v18 =	vadd.s32 v1, v4;
	v13 =	vld [tilespmem:s6+$0x10];
	v9 =	vmul.f32 $8.000000000e+00, v12;
	[tilespmem:v20+s22+$0x0] =	vst.idx.msk $0xffff, v14  }
0x3c: {  	s11 =	simm.s32 $0x8;
	v16 =	vadd.s32 v1, v6;
	[tilespmem:v25+s22+$0x0] =	vst.idx.msk $0xffff, v10;
	v14 =	vmul.f32 $8.000000000e+00, v24;
	v12 =	vld [tilespmem:s5+$0xFFFFFFF0]  }
0x3d: {  	v20 =	vmov s11;
	v10 =	vadd.s32 v1, v7;
	v11 =	vld [tilespmem:s5+$0x30];
	[tilespmem:v19+s22+$0x0] =	vst.idx.msk $0xffff, v9;
	v63 =	vmul.f32 $8.000000000e+00, v22  }
0x3e: {  	s8 =	simm.s32 $0x6680;
	s12 =	simm.s32 $0xB;
	v15 =	vadd.s32 v3, v15;
	v9 =	vand.u32 $0x7C, v20;
	v20 =	vmul.f32 $8.000000000e+00, v23;
	[tilespmem:v21+s22+$0x0] =	vst.idx.msk $0xffff, v14;
	v14 =	vld [tilespmem:s5+$0xFFFFFFB0]  }
0x3f: {  	v17 =	vadd.s32 v3, v17;
	v22 =	vmov s12;
	v19 =	vld [tilespmem:s8+$0x40];
	s5 =	simm.s32 $0xC;
	v21 =	vmul.f32 $8.000000000e+00, v26;
	[tilespmem:v27+s22+$0x0] =	vst.idx.msk $0xffff, v63  }
.LBB2_2:
0x40: {  	p0 =	slt.u32 s5, $0x7C;
	s12 =	sadd.s32 $0x1, s11;
	v22 =	vand.u32 $0x7F, v22;
	[tilespmem:v18+s22+$0x0] =	vst.idx.msk $0xffff, v20;
	v13 =	vmul.f32 $8.000000000e+00, v13;
	v18 =	vld [tilespmem:s6+$0x60];
	v20 =	vadd.s32 v3, v8;
	v8 =	vmovc v4  }
0x41: {  	v4 =	vmovc v9;
	v23 =	vld [tilespmem:s8+$0xFFFFFF80];
	v24 =	vmov s12;
	s12 =	sadd.s32 $0x2, s11;
	v25 =	vadd.s32 v0, v22;
	[tilespmem:v16+s22+$0x0] =	vst.idx.msk $0xffff, v21;
	v12 =	vmul.f32 $8.000000000e+00, v12;
	s11 =	smov.u32 s5  }
0x42: {  	v9 =	vld [tilespmem:s8+$0xFFFFFFC0];
	v16 =	vmov s12;
	[tilespmem:v10+s22+$0x0] =	vst.idx.msk $0xffff, v13;
	v10 =	vadd.s32 v2, v5;
	v11 =	vmul.f32 $8.000000000e+00, v11  }
0x43: {  	v13 =	vadd.s32 v0, v4;
	v21 =	vand.u32 $0x7D, v24;
	v24 =	vld [tilespmem:s8+$0x0];
	v14 =	vmul.f32 $8.000000000e+00, v14;
	[tilespmem:v15+s22+$0x0] =	vst.idx.msk $0xffff, v12  }
0x44: {  	v12 =	vadd.s32 v0, v21;
	v26 =	vand.u32 $0x7E, v16;
	v15 =	vmul.f32 $8.000000000e+00, v19;
	v16 =	vld [tilespmem:s6+$0xFFFFFFE0];
	[tilespmem:v17+s22+$0x0] =	vst.idx.msk $0xffff, v11  }
0x45: {  	v11 =	vadd.s32 v0, v26;
	v17 =	vld [tilespmem:s6+$0x20];
	v18 =	vmul.f32 $8.000000000e+00, v18;
	[tilespmem:v20+s22+$0x0] =	vst.idx.msk $0xffff, v14  }
0x46: {  	v19 =	vadd.s32 v2, v6;
	v14 =	vmul.f32 $8.000000000e+00, v23;
	[tilespmem:v25+s22+$0x0] =	vst.idx.msk $0xffff, v15;
	v15 =	vld [tilespmem:s6+$0xFFFFFFA0]  }
0x47: {  	v23 =	vadd.s32 v2, v7;
	v9 =	vmul.f32 $8.000000000e+00, v9;
	v20 =	vld [tilespmem:s8+$0x50];
	[tilespmem:v10+s22+$0x0] =	vst.idx.msk $0xffff, v18  }
0x48: {  	[tilespmem:v13+s22+$0x0] =	vst.idx.msk $0xffff, v14;
	v10 =	vmul.f32 $8.000000000e+00, v24;
	v14 =	vadd.s32 v2, v8;
	v24 =	vld [tilespmem:s6+$0x70]  }
0x49: {  	v27 =	vadd.s32 v1, v22;
	v25 =	vld [tilespmem:s8+$0xFFFFFF90];
	[tilespmem:v12+s22+$0x0] =	vst.idx.msk $0xffff, v9;
	v9 =	vmul.f32 $8.000000000e+00, v16  }
0x4a: {  	v29 =	vadd.s32 v3, v5;
	v5 =	vmov v22;
	v28 =	vld [tilespmem:s8+$0xFFFFFFD0];
	[tilespmem:v11+s22+$0x0] =	vst.idx.msk $0xffff, v10;
	v10 =	vmul.f32 $8.000000000e+00, v17  }
.Ltmp0:
0x4b: {  	v18 =	vadd.s32 v1, v4;
	v13 =	vld [tilespmem:s8+$0x10];
	v11 =	vmul.f32 $8.000000000e+00, v15;
	[tilespmem:v19+s22+$0x0] =	vst.idx.msk $0xffff, v9;
	(pc) =	sbr.rel @p0 .LBB2_2-.Ltmp0, $4  }
0x4c: {  	v16 =	vadd.s32 v1, v21;
	v15 =	vmul.f32 $8.000000000e+00, v20;
	v12 =	vld [tilespmem:s6+$0xFFFFFFF0];
	[tilespmem:v23+s22+$0x0] =	vst.idx.msk $0xffff, v10  }
0x4d: {  	v9 =	vmov s5;
	v10 =	vadd.s32 v1, v26;
	[tilespmem:v14+s22+$0x0] =	vst.idx.msk $0xffff, v11;
	v11 =	vld [tilespmem:s6+$0x30];
	v23 =	vmul.f32 $8.000000000e+00, v24  }
0x4e: {  	s12 =	sadd.s32 $0x3, s5;
	v9 =	vand.u32 $0x7C, v9;
	v20 =	vmul.f32 $8.000000000e+00, v25;
	[tilespmem:v27+s22+$0x0] =	vst.idx.msk $0xffff, v15;
	v14 =	vld [tilespmem:s6+$0xFFFFFFB0];
	v15 =	vadd.s32 v3, v6;
	v6 =	vmovc v21;
	s6 =	smov.u32 s8;
	s8 =	sadd.s32 $0x100, s8  }
0x4f: {  	v22 =	vmov s12;
	v17 =	vadd.s32 v3, v7;
	v7 =	vmovc v26;
	s5 =	sadd.s32 $0x4, s5;
	v19 =	vld [tilespmem:s8+$0x40];
	v21 =	vmul.f32 $8.000000000e+00, v28;
	[tilespmem:v29+s22+$0x0] =	vst.idx.msk $0xffff, v23  }
0x50: {  	s5 =	sadd.s32 $0x1, s11;
	v22 =	vand.u32 $0x7F, v22;
	v28 =	vld [tilespmem:s8+$0xFFFFFF80]  }
0x51: {  	s11 =	sadd.s32 $0x2, s11;
	v24 =	vld [tilespmem:s8+$0xFFFFFFC0];
	v23 =	vmov s5;
	v25 =	vadd.s32 v0, v22  }
0x52: {  	v27 =	vld [tilespmem:s8+$0x0];
	v51 =	vadd.s32 v0, v9;
	v26 =	vmov s11;
	v23 =	vand.u32 $0x7D, v23  }
0x53: {  	v26 =	vand.u32 $0x7E, v26;
	v29 =	vadd.s32 v0, v23  }
0x54: {  	[tilespmem:v18+s22+$0x0] =	vst.idx.msk $0xffff, v20;
	v30 =	vadd.s32 v0, v26;
	v19 =	vmul.f32 $8.000000000e+00, v19  }
0x55: {  	[tilespmem:v16+s22+$0x0] =	vst.idx.msk $0xffff, v21;
	v54 =	vmul.f32 $8.000000000e+00, v28  }
0x56: {  	v52 =	vmul.f32 $8.000000000e+00, v24;
	[tilespmem:v25+s22+$0x0] =	vst.idx.msk $0xffff, v19  }
0x57: {  	v53 =	vmul.f32 $8.000000000e+00, v27;
	v55 =	vld [tilespmem:s8+$0x50];
	[tilespmem:v51+s22+$0x0] =	vst.idx.msk $0xffff, v54  }
0x58: {  	v13 =	vmul.f32 $8.000000000e+00, v13;
	v8 =	vadd.s32 v3, v8;
	[tilespmem:v29+s22+$0x0] =	vst.idx.msk $0xffff, v52;
	v59 =	vld [tilespmem:s8+$0xFFFFFF90]  }
0x59: {  	v12 =	vmul.f32 $8.000000000e+00, v12;
	v57 =	vadd.s32 v1, v22;
	[tilespmem:v30+s22+$0x0] =	vst.idx.msk $0xffff, v53;
	v56 =	vld [tilespmem:s8+$0xFFFFFFD0]  }
0x5a: {  	[tilespmem:v10+s22+$0x0] =	vst.idx.msk $0xffff, v13;
	v58 =	vmul.f32 $8.000000000e+00, v11;
	v28 =	vadd.s32 v1, v9;
	v19 =	vld [tilespmem:s8+$0x10]  }
0x5b: {  	v61 =	vld [tilespmem:s6+$0x60];
	v60 =	vadd.s32 v1, v23;
	v14 =	vmul.f32 $8.000000000e+00, v14;
	[tilespmem:v15+s22+$0x0] =	vst.idx.msk $0xffff, v12  }
0x5c: {  	v32 =	vld [tilespmem:s6+$0xFFFFFFA0];
	v62 =	vadd.s32 v1, v26;
	[tilespmem:v17+s22+$0x0] =	vst.idx.msk $0xffff, v58;
	v16 =	vmul.f32 $8.000000000e+00, v55  }
0x5d: {  	[tilespmem:v8+s22+$0x0] =	vst.idx.msk $0xffff, v14;
	v29 =	vadd.s32 v2, v5;
	v30 =	vld [tilespmem:s6+$0x20];
	v11 =	vmul.f32 $8.000000000e+00, v59  }
0x5e: {  	v38 =	vadd.s32 v2, v4;
	v63 =	vld [tilespmem:s6+$0xFFFFFFE0];
	v31 =	vmul.f32 $8.000000000e+00, v56;
	[tilespmem:v57+s22+$0x0] =	vst.idx.msk $0xffff, v16  }
0x5f: {  	v35 =	vadd.s32 v2, v7;
	v34 =	vmul.f32 $8.000000000e+00, v19;
	v36 =	vld [tilespmem:s8+$0x60];
	[tilespmem:v28+s22+$0x0] =	vst.idx.msk $0xffff, v11  }
0x60: {  	v33 =	vadd.s32 v2, v6;
	v37 =	vmul.f32 $8.000000000e+00, v61;
	[tilespmem:v60+s22+$0x0] =	vst.idx.msk $0xffff, v31;
	v43 =	vld [tilespmem:s8+$0xFFFFFFA0]  }
0x61: {  	v40 =	vadd.s32 v2, v22;
	v14 =	vmul.f32 $8.000000000e+00, v32;
	[tilespmem:v62+s22+$0x0] =	vst.idx.msk $0xffff, v34;
	v39 =	vld [tilespmem:s8+$0xFFFFFFE0]  }
0x62: {  	v48 =	vadd.s32 v2, v9;
	[tilespmem:v29+s22+$0x0] =	vst.idx.msk $0xffff, v37;
	v42 =	vmul.f32 $8.000000000e+00, v30;
	v41 =	vld [tilespmem:s8+$0x20]  }
0x63: {  	v44 =	vadd.s32 v2, v23;
	v15 =	vmul.f32 $8.000000000e+00, v63;
	[tilespmem:v38+s22+$0x0] =	vst.idx.msk $0xffff, v14;
	v45 =	vld [tilespmem:s6+$0x70]  }
0x64: {  	v46 =	vadd.s32 v2, v26;
	v14 =	vld [tilespmem:s6+$0xFFFFFFB0];
	[tilespmem:v35+s22+$0x0] =	vst.idx.msk $0xffff, v42;
	v47 =	vmul.f32 $8.000000000e+00, v36  }
0x65: {  	v5 =	vadd.s32 v3, v5;
	[tilespmem:v33+s22+$0x0] =	vst.idx.msk $0xffff, v15;
	v49 =	vld [tilespmem:s6+$0x30];
	v53 =	vmul.f32 $8.000000000e+00, v43  }
0x66: {  	v4 =	vadd.s32 v3, v4;
	v21 =	vld [tilespmem:s6+$0xFFFFFFF0];
	v12 =	vmul.f32 $8.000000000e+00, v39;
	[tilespmem:v40+s22+$0x0] =	vst.idx.msk $0xffff, v47  }
0x67: {  	v52 =	vadd.s32 v3, v7;
	v51 =	vmul.f32 $8.000000000e+00, v41;
	v10 =	vld [tilespmem:s8+$0x70];
	[tilespmem:v48+s22+$0x0] =	vst.idx.msk $0xffff, v53  }
0x68: {  	v50 =	vadd.s32 v3, v6;
	v54 =	vmul.f32 $8.000000000e+00, v45;
	[tilespmem:v44+s22+$0x0] =	vst.idx.msk $0xffff, v12;
	v59 =	vld [tilespmem:s8+$0xFFFFFFB0]  }
0x69: {  	v57 =	vadd.s32 v3, v22;
	v14 =	vmul.f32 $8.000000000e+00, v14;
	[tilespmem:v46+s22+$0x0] =	vst.idx.msk $0xffff, v51;
	v55 =	vld [tilespmem:s8+$0xFFFFFFF0]  }
0x6a: {  	v62 =	vadd.s32 v3, v9;
	[tilespmem:v5+s22+$0x0] =	vst.idx.msk $0xffff, v54;
	v5 =	vmul.f32 $8.000000000e+00, v49;
	v58 =	vld [tilespmem:s8+$0x30]  }
0x6b: {  	v56 =	vmul.f32 $8.000000000e+00, v21;
	v60 =	vadd.s32 v3, v23;
	[tilespmem:v4+s22+$0x0] =	vst.idx.msk $0xffff, v14  }
0x6c: {  	v61 =	vadd.s32 v3, v26;
	[tilespmem:v52+s22+$0x0] =	vst.idx.msk $0xffff, v5;
	v5 =	vmul.f32 $8.000000000e+00, v10  }
0x6d: {  	[tilespmem:v50+s22+$0x0] =	vst.idx.msk $0xffff, v56;
	v63 =	vmul.f32 $8.000000000e+00, v59  }
0x6e: {  	v4 =	vmul.f32 $8.000000000e+00, v55;
	[tilespmem:v57+s22+$0x0] =	vst.idx.msk $0xffff, v5  }
0x6f: {  	v5 =	vmul.f32 $8.000000000e+00, v58;
	[tilespmem:v62+s22+$0x0] =	vst.idx.msk $0xffff, v63  }
0x70: {  	[tilespmem:v60+s22+$0x0] =	vst.idx.msk $0xffff, v4  }
0x71: {  	[tilespmem:v61+s22+$0x0] =	vst.idx.msk $0xffff, v5  }
0x72: {  	s12 =	simm.s32 $0xE400;
	s13 =	rddreg [dreg:$0x3]  }
0x73: {  	[hbm4b:s13+s3] =	stream.linear.scatter [tilespmem:s12], [sflag:$0x5], $0x80, $0x38;
	[tilespmem:$0x16C00] =	vst v63  }
0x74: {  	s16 =	simm.s32 $0xE488;
	s17 =	sadd.s32 $0x10, s13  }
0x75: {  	[hbm4b:s17+s3] =	stream.linear.scatter [tilespmem:s16], [sflag:$0x5], $0x80, $0x38;
	[tilespmem:$0x16C00] =	vst v63  }
0x76: {  	s18 =	simm.s32 $0xE510;
	s11 =	simm.s32 $0xE620;
	s23 =	sadd.s32 $0x20, s13  }
0x77: {  	[hbm4b:s23+s3] =	stream.linear.scatter [tilespmem:s18], [sflag:$0x5], $0x80, $0x38;
	[tilespmem:$0x16C00] =	vst v63  }
0x78: {  	s5 =	simm.s32 $0x440;
	s6 =	simm.s32 $0xE598;
	s8 =	sadd.s32 $0x30, s13  }
0x79: {  	[hbm4b:s8+s3] =	stream.linear.scatter [tilespmem:s6], [sflag:$0x5], $0x80, $0x38;
	[tilespmem:$0x16C00] =	vst v63  }
0x7a: {  	s12 =	sadd.s32 $0x40, s13;
	s16 =	simm.s32 $0xE6A8;
	s17 =	sadd.s32 $0x50, s13  }
0x7b: {  	[hbm4b:s12+s3] =	stream.linear.scatter [tilespmem:s11], [sflag:$0x5], $0x80, $0x38;
	[tilespmem:$0x16C00] =	vst v63  }
0x7c: {  	s18 =	simm.s32 $0xE730;
	s23 =	sadd.s32 $0x60, s13;
	s8 =	simm.s32 $0x2200  }
0x7d: {  	[hbm4b:s17+s3] =	stream.linear.scatter [tilespmem:s16], [sflag:$0x5], $0x80, $0x38;
	[tilespmem:$0x16C00] =	vst v63  }
0x7e: {  	s6 =	sadd.s32 $0x1000, s13;
	s11 =	simm.s32 $0xE7B8;
	s12 =	sadd.s32 $0x70, s13  }
0x7f: {  	[hbm4b:s23+s3] =	stream.linear.scatter [tilespmem:s18], [sflag:$0x5], $0x80, $0x38;
	[tilespmem:$0x16C00] =	vst v63  }
.LBB2_4:
0x80: {  	[hbm4b:s12+s3] =	stream.linear.scatter [tilespmem:s11], [sflag:$0x5], $0x80, $0x38;
	[tilespmem:$0x16C00] =	vst v63  }
0x81: {  	s11 =	smov.u32 s5;
	s5 =	smov.u32 s8  }
0x82: {  	s13 =	sadd.s32 $0x1100, s8;
	s5 =	sshra.s32 s5, $0x2;
	s12 =	sadd.s32 $0xE400, s11  }
0x83: {  	[hbm4b:s6+s3] =	stream.linear.scatter [tilespmem:s12], [sflag:$0x5], $0x80, $0x38;
	[tilespmem:$0x16C00] =	vst v63  }
0x84: {  	p0 =	sne.s32 s8, $0x7700;
	s8 =	sadd.s32 $0xE488, s11;
	s12 =	sadd.s32 $0x10, s6  }
0x85: {  	[hbm4b:s12+s3] =	stream.linear.scatter [tilespmem:s8], [sflag:$0x5], $0x80, $0x38;
	[tilespmem:$0x16C00] =	vst v63  }
0x86: {  	s8 =	sadd.s32 $0xE510, s11;
	s12 =	sadd.s32 $0x20, s6  }
0x87: {  	[hbm4b:s12+s3] =	stream.linear.scatter [tilespmem:s8], [sflag:$0x5], $0x80, $0x38;
	[tilespmem:$0x16C00] =	vst v63  }
0x88: {  	s8 =	sadd.s32 $0xE598, s11;
	s12 =	sadd.s32 $0x30, s6  }
0x89: {  	[hbm4b:s12+s3] =	stream.linear.scatter [tilespmem:s8], [sflag:$0x5], $0x80, $0x38;
	[tilespmem:$0x16C00] =	vst v63  }
0x8a: {  	s8 =	sadd.s32 $0xE620, s11;
	s12 =	sadd.s32 $0x40, s6  }
0x8b: {  	[hbm4b:s12+s3] =	stream.linear.scatter [tilespmem:s8], [sflag:$0x5], $0x80, $0x38;
	[tilespmem:$0x16C00] =	vst v63  }
.Ltmp1:
0x8c: {  	s8 =	sadd.s32 $0xE6A8, s11;
	s12 =	sadd.s32 $0x50, s6;
	(pc) =	sbr.rel @p0 .LBB2_4-.Ltmp1, $4  }
0x8d: {  	[hbm4b:s12+s3] =	stream.linear.scatter [tilespmem:s8], [sflag:$0x5], $0x80, $0x38;
	[tilespmem:$0x16C00] =	vst v63  }
0x8e: {  	s8 =	sadd.s32 $0xE730, s11;
	s12 =	sadd.s32 $0x60, s6;
	s11 =	sadd.s32 $0xE7B8, s11  }
0x8f: {  	[hbm4b:s12+s3] =	stream.linear.scatter [tilespmem:s8], [sflag:$0x5], $0x80, $0x38;
	[tilespmem:$0x16C00] =	vst v63  }
0x90: {  	s12 =	sadd.s32 $0x70, s6;
	s6 =	sadd.s32 $0x1000, s6;
	s8 =	smov.u32 s13  }
0x91: {  	[hbm4b:s12+s3] =	stream.linear.scatter [tilespmem:s11], [sflag:$0x5], $0x80, $0x38;
	[tilespmem:$0x16C00] =	vst v63  }
0x92: {  	s8 =	sadd.s32 $0xE400, s5  }
0x93: {  	[hbm4b:s6+s3] =	stream.linear.scatter [tilespmem:s8], [sflag:$0x5], $0x80, $0x38;
	[tilespmem:$0x16C00] =	vst v63  }
0x94: {  	s16 =	sadd.s32 $0xE488, s5;
	s17 =	sadd.s32 $0x10, s6  }
0x95: {  	[hbm4b:s17+s3] =	stream.linear.scatter [tilespmem:s16], [sflag:$0x5], $0x80, $0x38;
	[tilespmem:$0x16C00] =	vst v63  }
0x96: {  	s18 =	sadd.s32 $0xE510, s5;
	s23 =	sadd.s32 $0x20, s6  }
0x97: {  	[hbm4b:s23+s3] =	stream.linear.scatter [tilespmem:s18], [sflag:$0x5], $0x80, $0x38;
	[tilespmem:$0x16C00] =	vst v63  }
0x98: {  	s12 =	sadd.s32 $0xE598, s5;
	s13 =	sadd.s32 $0x30, s6  }
0x99: {  	[hbm4b:s13+s3] =	stream.linear.scatter [tilespmem:s12], [sflag:$0x5], $0x80, $0x38;
	[tilespmem:$0x16C00] =	vst v63  }
0x9a: {  	s16 =	sadd.s32 $0xE620, s5;
	s17 =	sadd.s32 $0x40, s6  }
0x9b: {  	[hbm4b:s17+s3] =	stream.linear.scatter [tilespmem:s16], [sflag:$0x5], $0x80, $0x38;
	[tilespmem:$0x16C00] =	vst v63  }
0x9c: {  	s18 =	sadd.s32 $0xE6A8, s5;
	s23 =	sadd.s32 $0x50, s6  }
0x9d: {  	[hbm4b:s23+s3] =	stream.linear.scatter [tilespmem:s18], [sflag:$0x5], $0x80, $0x38;
	[tilespmem:$0x16C00] =	vst v63  }
0x9e: {  	s12 =	sadd.s32 $0xE730, s5;
	s13 =	sadd.s32 $0x60, s6  }
0x9f: {  	[hbm4b:s13+s3] =	stream.linear.scatter [tilespmem:s12], [sflag:$0x5], $0x80, $0x38;
	[tilespmem:$0x16C00] =	vst v63  }
0xa0: {  	s16 =	sadd.s32 $0xE7B8, s5;
	s17 =	sadd.s32 $0x70, s6  }
0xa1: {  	[hbm4b:s17+s3] =	stream.linear.scatter [tilespmem:s16], [sflag:$0x5], $0x80, $0x38;
	[tilespmem:$0x16C00] =	vst v63  }
0xa2: {  	s18 =	simm.s32 $0x180  }
0xa3: {  	[tilespmem:s24], [sflag:$0x4] =	stream.indirect.gather [hbm4b:s4+s14], $0x40, s18, s14, $0xb8;
	[tilespmem:$0x16C00] =	vst v63  }
0xa4: {  	_ =	swait.ge [sflag:s25], $0x2000  }
0xa5: {  	[sflag:s25] =	ssyncset.done $0x0  }
0xa6: {  	s23 =	simm.s32 $0x3;
	s12 =	simm.s32 $0x84F0;
	[sflag:s25] =	ssyncadd.s32 $0xFFFFE000  }
0xa7: {  	v4 =	vmov s23;
	v5 =	vld [tilespmem:s12+$0xFFFFFFD0]  }
0xa8: {  	v9 =	vand.u32 $0x7F, v4  }
0xa9: {  	s6 =	simm.s32 $0x0;
	v4 =	vadd.s32 v0, v9  }
0xaa: {  	s11 =	simm.s32 $0x2;
	s8 =	simm.s32 $0x1;
	v6 =	vmov s6;
	v7 =	vld [tilespmem:s12+$0xFFFFFF10]  }
0xab: {  	v11 =	vmov s11;
	v8 =	vand.u32 $0x7C, v6;
	v6 =	vmov s8;
	v10 =	vld [tilespmem:s12+$0xFFFFFF50]  }
0xac: {  	v12 =	vadd.s32 v0, v8;
	v15 =	vand.u32 $0x7D, v6;
	v6 =	vld [tilespmem:s12+$0xFFFFFF90];
	v5 =	vmul.f32 $8.000000000e+00, v5  }
0xad: {  	v17 =	vand.u32 $0x7E, v11;
	v13 =	vadd.s32 v0, v15  }
0xae: {  	v11 =	vadd.s32 v0, v17;
	[tilespmem:v4+s26+$0x0] =	vst.idx.msk $0xffff, v5  }
0xaf: {  	v4 =	vmul.f32 $8.000000000e+00, v7;
	v5 =	vld [tilespmem:s12+$0xFFFFFFE0]  }
0xb0: {  	v7 =	vmul.f32 $8.000000000e+00, v10  }
0xb1: {  	[tilespmem:v12+s26+$0x0] =	vst.idx.msk $0xffff, v4;
	v4 =	vmul.f32 $8.000000000e+00, v6;
	v6 =	vadd.s32 v1, v9  }
0xb2: {  	[tilespmem:v13+s26+$0x0] =	vst.idx.msk $0xffff, v7;
	v10 =	vld [tilespmem:s12+$0xFFFFFF20]  }
0xb3: {  	v7 =	vld [tilespmem:s12+$0xFFFFFF60];
	[tilespmem:v11+s26+$0x0] =	vst.idx.msk $0xffff, v4  }
0xb4: {  	v11 =	vld [tilespmem:s12+$0xFFFFFFA0];
	v4 =	vmul.f32 $8.000000000e+00, v5  }
0xb5: {  	s6 =	simm.s32 $0x85F0;
	s13 =	simm.s32 $0x4;
	s16 =	simm.s32 $0x7;
	v12 =	vadd.s32 v1, v15  }
0xb6: {  	v14 =	vld [tilespmem:s6+$0xFFFFFFD0];
	v13 =	vadd.s32 v1, v17;
	v5 =	vmov s13;
	[tilespmem:v6+s26+$0x0] =	vst.idx.msk $0xffff, v4;
	v6 =	vmov s16  }
0xb7: {  	v16 =	vadd.s32 v1, v8;
	v4 =	vand.u32 $0x7C, v5;
	v5 =	vand.u32 $0x7F, v6;
	v18 =	vld [tilespmem:s12+$0xFFFFFFF0]  }
0xb8: {  	v22 =	vadd.s32 v2, v9;
	s17 =	simm.s32 $0x5;
	v19 =	vld [tilespmem:s6+$0xFFFFFF10];
	v6 =	vmul.f32 $8.000000000e+00, v7;
	v20 =	vadd.s32 v0, v5  }
0xb9: {  	s18 =	simm.s32 $0x6;
	v21 =	vld [tilespmem:s6+$0xFFFFFF50];
	v10 =	vmul.f32 $8.000000000e+00, v10;
	v7 =	vmul.f32 $8.000000000e+00, v11;
	v11 =	vmov s17  }
0xba: {  	v23 =	vadd.s32 v0, v4;
	[tilespmem:v12+s26+$0x0] =	vst.idx.msk $0xffff, v6;
	v12 =	vmov s18;
	v6 =	vand.u32 $0x7D, v11;
	v11 =	vld [tilespmem:s6+$0xFFFFFF90]  }
0xbb: {  	[tilespmem:v13+s26+$0x0] =	vst.idx.msk $0xffff, v7;
	v13 =	vadd.s32 v0, v6;
	v7 =	vand.u32 $0x7E, v12;
	v12 =	vmul.f32 $8.000000000e+00, v14;
	v14 =	vld [tilespmem:s12+$0xFFFFFF70]  }
0xbc: {  	[tilespmem:v16+s26+$0x0] =	vst.idx.msk $0xffff, v10;
	v10 =	vadd.s32 v0, v7;
	v16 =	vld [tilespmem:s12+$0xFFFFFFB0];
	v18 =	vmul.f32 $8.000000000e+00, v18  }
0xbd: {  	v19 =	vmul.f32 $8.000000000e+00, v19;
	[tilespmem:v20+s26+$0x0] =	vst.idx.msk $0xffff, v12;
	v12 =	vld [tilespmem:s12+$0xFFFFFF30];
	v20 =	vadd.s32 v2, v15  }
0xbe: {  	v25 =	vadd.s32 v2, v17;
	v21 =	vmul.f32 $8.000000000e+00, v21;
	v24 =	vld [tilespmem:s6+$0xFFFFFFE0];
	[tilespmem:v22+s26+$0x0] =	vst.idx.msk $0xffff, v18  }
0xbf: {  	[tilespmem:v23+s26+$0x0] =	vst.idx.msk $0xffff, v19;
	v19 =	vadd.s32 v2, v8;
	v11 =	vmul.f32 $8.000000000e+00, v11;
	v22 =	vld [tilespmem:s12+$0x0]  }
0xc0: {  	v23 =	vld [tilespmem:s6+$0xFFFFFF20];
	[tilespmem:v13+s26+$0x0] =	vst.idx.msk $0xffff, v21;
	v21 =	vadd.s32 v1, v5;
	v14 =	vmul.f32 $8.000000000e+00, v14  }
0xc1: {  	v27 =	vadd.s32 v3, v9;
	v26 =	vld [tilespmem:s6+$0xFFFFFF60];
	[tilespmem:v10+s26+$0x0] =	vst.idx.msk $0xffff, v11;
	v10 =	vmul.f32 $8.000000000e+00, v16  }
0xc2: {  	v18 =	vadd.s32 v1, v4;
	v13 =	vld [tilespmem:s6+$0xFFFFFFA0];
	v9 =	vmul.f32 $8.000000000e+00, v12;
	[tilespmem:v20+s26+$0x0] =	vst.idx.msk $0xffff, v14  }
0xc3: {  	s11 =	simm.s32 $0x8;
	v16 =	vadd.s32 v1, v6;
	[tilespmem:v25+s26+$0x0] =	vst.idx.msk $0xffff, v10;
	v14 =	vmul.f32 $8.000000000e+00, v24;
	v12 =	vld [tilespmem:s12+$0xFFFFFF80]  }
0xc4: {  	v20 =	vmov s11;
	v10 =	vadd.s32 v1, v7;
	v11 =	vld [tilespmem:s12+$0xFFFFFFC0];
	[tilespmem:v19+s26+$0x0] =	vst.idx.msk $0xffff, v9;
	v63 =	vmul.f32 $8.000000000e+00, v22  }
0xc5: {  	s8 =	simm.s32 $0x86F0;
	s23 =	simm.s32 $0xB;
	v15 =	vadd.s32 v3, v15;
	v9 =	vand.u32 $0x7C, v20;
	v20 =	vmul.f32 $8.000000000e+00, v23;
	[tilespmem:v21+s26+$0x0] =	vst.idx.msk $0xffff, v14;
	v14 =	vld [tilespmem:s12+$0xFFFFFF40]  }
0xc6: {  	s5 =	simm.s32 $0xC;
	v17 =	vadd.s32 v3, v17;
	v22 =	vmov s23;
	v19 =	vld [tilespmem:s8+$0xFFFFFFD0];
	v21 =	vmul.f32 $8.000000000e+00, v26;
	[tilespmem:v27+s26+$0x0] =	vst.idx.msk $0xffff, v63  }
.LBB2_6:
0xc7: {  	p0 =	slt.u32 s5, $0x7C;
	s12 =	sadd.s32 $0x1, s11;
	v22 =	vand.u32 $0x7F, v22;
	[tilespmem:v18+s26+$0x0] =	vst.idx.msk $0xffff, v20;
	v13 =	vmul.f32 $8.000000000e+00, v13;
	v18 =	vld [tilespmem:s6+$0xFFFFFFF0];
	v20 =	vadd.s32 v3, v8;
	v8 =	vmovc v4  }
0xc8: {  	v4 =	vmovc v9;
	v23 =	vld [tilespmem:s8+$0xFFFFFF10];
	v24 =	vmov s12;
	s12 =	sadd.s32 $0x2, s11;
	v25 =	vadd.s32 v0, v22;
	[tilespmem:v16+s26+$0x0] =	vst.idx.msk $0xffff, v21;
	v12 =	vmul.f32 $8.000000000e+00, v12;
	s11 =	smov.u32 s5  }
0xc9: {  	v9 =	vld [tilespmem:s8+$0xFFFFFF50];
	v16 =	vmov s12;
	[tilespmem:v10+s26+$0x0] =	vst.idx.msk $0xffff, v13;
	v10 =	vadd.s32 v2, v5;
	v11 =	vmul.f32 $8.000000000e+00, v11  }
0xca: {  	v13 =	vadd.s32 v0, v4;
	v21 =	vand.u32 $0x7D, v24;
	v24 =	vld [tilespmem:s8+$0xFFFFFF90];
	v14 =	vmul.f32 $8.000000000e+00, v14;
	[tilespmem:v15+s26+$0x0] =	vst.idx.msk $0xffff, v12  }
0xcb: {  	v12 =	vadd.s32 v0, v21;
	v26 =	vand.u32 $0x7E, v16;
	v15 =	vmul.f32 $8.000000000e+00, v19;
	v16 =	vld [tilespmem:s6+$0xFFFFFF70];
	[tilespmem:v17+s26+$0x0] =	vst.idx.msk $0xffff, v11  }
0xcc: {  	v11 =	vadd.s32 v0, v26;
	v17 =	vld [tilespmem:s6+$0xFFFFFFB0];
	v18 =	vmul.f32 $8.000000000e+00, v18;
	[tilespmem:v20+s26+$0x0] =	vst.idx.msk $0xffff, v14  }
0xcd: {  	v19 =	vadd.s32 v2, v6;
	v14 =	vmul.f32 $8.000000000e+00, v23;
	[tilespmem:v25+s26+$0x0] =	vst.idx.msk $0xffff, v15;
	v15 =	vld [tilespmem:s6+$0xFFFFFF30]  }
0xce: {  	v23 =	vadd.s32 v2, v7;
	v9 =	vmul.f32 $8.000000000e+00, v9;
	v20 =	vld [tilespmem:s8+$0xFFFFFFE0];
	[tilespmem:v10+s26+$0x0] =	vst.idx.msk $0xffff, v18  }
0xcf: {  	[tilespmem:v13+s26+$0x0] =	vst.idx.msk $0xffff, v14;
	v10 =	vmul.f32 $8.000000000e+00, v24;
	v14 =	vadd.s32 v2, v8;
	v24 =	vld [tilespmem:s6+$0x0]  }
0xd0: {  	v27 =	vadd.s32 v1, v22;
	v25 =	vld [tilespmem:s8+$0xFFFFFF20];
	[tilespmem:v12+s26+$0x0] =	vst.idx.msk $0xffff, v9;
	v9 =	vmul.f32 $8.000000000e+00, v16  }
0xd1: {  	v29 =	vadd.s32 v3, v5;
	v5 =	vmov v22;
	v28 =	vld [tilespmem:s8+$0xFFFFFF60];
	[tilespmem:v11+s26+$0x0] =	vst.idx.msk $0xffff, v10;
	v10 =	vmul.f32 $8.000000000e+00, v17  }
.Ltmp2:
0xd2: {  	v18 =	vadd.s32 v1, v4;
	v13 =	vld [tilespmem:s8+$0xFFFFFFA0];
	v11 =	vmul.f32 $8.000000000e+00, v15;
	[tilespmem:v19+s26+$0x0] =	vst.idx.msk $0xffff, v9;
	(pc) =	sbr.rel @p0 .LBB2_6-.Ltmp2, $4  }
0xd3: {  	v16 =	vadd.s32 v1, v21;
	v15 =	vmul.f32 $8.000000000e+00, v20;
	v12 =	vld [tilespmem:s6+$0xFFFFFF80];
	[tilespmem:v23+s26+$0x0] =	vst.idx.msk $0xffff, v10  }
0xd4: {  	v9 =	vmov s5;
	v10 =	vadd.s32 v1, v26;
	[tilespmem:v14+s26+$0x0] =	vst.idx.msk $0xffff, v11;
	v11 =	vld [tilespmem:s6+$0xFFFFFFC0];
	v23 =	vmul.f32 $8.000000000e+00, v24  }
0xd5: {  	s12 =	sadd.s32 $0x3, s5;
	v9 =	vand.u32 $0x7C, v9;
	v20 =	vmul.f32 $8.000000000e+00, v25;
	[tilespmem:v27+s26+$0x0] =	vst.idx.msk $0xffff, v15;
	v14 =	vld [tilespmem:s6+$0xFFFFFF40];
	v15 =	vadd.s32 v3, v6;
	v6 =	vmovc v21;
	s6 =	smov.u32 s8;
	s8 =	sadd.s32 $0x100, s8  }
0xd6: {  	v22 =	vmov s12;
	v17 =	vadd.s32 v3, v7;
	v7 =	vmovc v26;
	s5 =	sadd.s32 $0x4, s5;
	v19 =	vld [tilespmem:s8+$0xFFFFFFD0];
	v21 =	vmul.f32 $8.000000000e+00, v28;
	[tilespmem:v29+s26+$0x0] =	vst.idx.msk $0xffff, v23  }
0xd7: {  	s5 =	sadd.s32 $0x1, s11;
	v22 =	vand.u32 $0x7F, v22;
	v28 =	vld [tilespmem:s8+$0xFFFFFF10]  }
0xd8: {  	s23 =	sadd.s32 $0x2, s11;
	v24 =	vld [tilespmem:s8+$0xFFFFFF50];
	v23 =	vmov s5;
	v25 =	vadd.s32 v0, v22  }
0xd9: {  	v27 =	vld [tilespmem:s8+$0xFFFFFF90];
	v51 =	vadd.s32 v0, v9;
	v26 =	vmov s23;
	v23 =	vand.u32 $0x7D, v23  }
0xda: {  	v26 =	vand.u32 $0x7E, v26;
	v29 =	vadd.s32 v0, v23  }
0xdb: {  	[tilespmem:v18+s26+$0x0] =	vst.idx.msk $0xffff, v20;
	v30 =	vadd.s32 v0, v26;
	v19 =	vmul.f32 $8.000000000e+00, v19  }
0xdc: {  	[tilespmem:v16+s26+$0x0] =	vst.idx.msk $0xffff, v21;
	v54 =	vmul.f32 $8.000000000e+00, v28  }
0xdd: {  	v52 =	vmul.f32 $8.000000000e+00, v24;
	[tilespmem:v25+s26+$0x0] =	vst.idx.msk $0xffff, v19  }
0xde: {  	v53 =	vmul.f32 $8.000000000e+00, v27;
	v55 =	vld [tilespmem:s8+$0xFFFFFFE0];
	[tilespmem:v51+s26+$0x0] =	vst.idx.msk $0xffff, v54  }
0xdf: {  	v13 =	vmul.f32 $8.000000000e+00, v13;
	v8 =	vadd.s32 v3, v8;
	[tilespmem:v29+s26+$0x0] =	vst.idx.msk $0xffff, v52;
	v59 =	vld [tilespmem:s8+$0xFFFFFF20]  }
0xe0: {  	v12 =	vmul.f32 $8.000000000e+00, v12;
	v57 =	vadd.s32 v1, v22;
	[tilespmem:v30+s26+$0x0] =	vst.idx.msk $0xffff, v53;
	v56 =	vld [tilespmem:s8+$0xFFFFFF60]  }
0xe1: {  	[tilespmem:v10+s26+$0x0] =	vst.idx.msk $0xffff, v13;
	v58 =	vmul.f32 $8.000000000e+00, v11;
	v28 =	vadd.s32 v1, v9;
	v19 =	vld [tilespmem:s8+$0xFFFFFFA0]  }
0xe2: {  	v61 =	vld [tilespmem:s6+$0xFFFFFFF0];
	v60 =	vadd.s32 v1, v23;
	v14 =	vmul.f32 $8.000000000e+00, v14;
	[tilespmem:v15+s26+$0x0] =	vst.idx.msk $0xffff, v12  }
0xe3: {  	v32 =	vld [tilespmem:s6+$0xFFFFFF30];
	v62 =	vadd.s32 v1, v26;
	[tilespmem:v17+s26+$0x0] =	vst.idx.msk $0xffff, v58;
	v16 =	vmul.f32 $8.000000000e+00, v55  }
0xe4: {  	[tilespmem:v8+s26+$0x0] =	vst.idx.msk $0xffff, v14;
	v29 =	vadd.s32 v2, v5;
	v30 =	vld [tilespmem:s6+$0xFFFFFFB0];
	v11 =	vmul.f32 $8.000000000e+00, v59  }
0xe5: {  	v38 =	vadd.s32 v2, v4;
	v63 =	vld [tilespmem:s6+$0xFFFFFF70];
	v31 =	vmul.f32 $8.000000000e+00, v56;
	[tilespmem:v57+s26+$0x0] =	vst.idx.msk $0xffff, v16  }
0xe6: {  	v35 =	vadd.s32 v2, v7;
	v34 =	vmul.f32 $8.000000000e+00, v19;
	v36 =	vld [tilespmem:s8+$0xFFFFFFF0];
	[tilespmem:v28+s26+$0x0] =	vst.idx.msk $0xffff, v11  }
0xe7: {  	v33 =	vadd.s32 v2, v6;
	v37 =	vmul.f32 $8.000000000e+00, v61;
	[tilespmem:v60+s26+$0x0] =	vst.idx.msk $0xffff, v31;
	v43 =	vld [tilespmem:s8+$0xFFFFFF30]  }
0xe8: {  	v40 =	vadd.s32 v2, v22;
	v14 =	vmul.f32 $8.000000000e+00, v32;
	[tilespmem:v62+s26+$0x0] =	vst.idx.msk $0xffff, v34;
	v39 =	vld [tilespmem:s8+$0xFFFFFF70]  }
0xe9: {  	v48 =	vadd.s32 v2, v9;
	[tilespmem:v29+s26+$0x0] =	vst.idx.msk $0xffff, v37;
	v42 =	vmul.f32 $8.000000000e+00, v30;
	v41 =	vld [tilespmem:s8+$0xFFFFFFB0]  }
0xea: {  	v44 =	vadd.s32 v2, v23;
	v15 =	vmul.f32 $8.000000000e+00, v63;
	[tilespmem:v38+s26+$0x0] =	vst.idx.msk $0xffff, v14;
	v45 =	vld [tilespmem:s6+$0x0]  }
0xeb: {  	v46 =	vadd.s32 v2, v26;
	v14 =	vld [tilespmem:s6+$0xFFFFFF40];
	[tilespmem:v35+s26+$0x0] =	vst.idx.msk $0xffff, v42;
	v47 =	vmul.f32 $8.000000000e+00, v36  }
0xec: {  	v5 =	vadd.s32 v3, v5;
	[tilespmem:v33+s26+$0x0] =	vst.idx.msk $0xffff, v15;
	v49 =	vld [tilespmem:s6+$0xFFFFFFC0];
	v53 =	vmul.f32 $8.000000000e+00, v43  }
0xed: {  	v4 =	vadd.s32 v3, v4;
	v21 =	vld [tilespmem:s6+$0xFFFFFF80];
	v12 =	vmul.f32 $8.000000000e+00, v39;
	[tilespmem:v40+s26+$0x0] =	vst.idx.msk $0xffff, v47  }
0xee: {  	v52 =	vadd.s32 v3, v7;
	v51 =	vmul.f32 $8.000000000e+00, v41;
	v10 =	vld [tilespmem:s8+$0x0];
	[tilespmem:v48+s26+$0x0] =	vst.idx.msk $0xffff, v53  }
0xef: {  	v50 =	vadd.s32 v3, v6;
	v54 =	vmul.f32 $8.000000000e+00, v45;
	[tilespmem:v44+s26+$0x0] =	vst.idx.msk $0xffff, v12;
	v59 =	vld [tilespmem:s8+$0xFFFFFF40]  }
0xf0: {  	v57 =	vadd.s32 v3, v22;
	v14 =	vmul.f32 $8.000000000e+00, v14;
	[tilespmem:v46+s26+$0x0] =	vst.idx.msk $0xffff, v51;
	v55 =	vld [tilespmem:s8+$0xFFFFFF80]  }
0xf1: {  	v62 =	vadd.s32 v3, v9;
	[tilespmem:v5+s26+$0x0] =	vst.idx.msk $0xffff, v54;
	v5 =	vmul.f32 $8.000000000e+00, v49;
	v58 =	vld [tilespmem:s8+$0xFFFFFFC0]  }
0xf2: {  	v56 =	vmul.f32 $8.000000000e+00, v21;
	v60 =	vadd.s32 v3, v23;
	[tilespmem:v4+s26+$0x0] =	vst.idx.msk $0xffff, v14  }
0xf3: {  	v61 =	vadd.s32 v3, v26;
	[tilespmem:v52+s26+$0x0] =	vst.idx.msk $0xffff, v5;
	v5 =	vmul.f32 $8.000000000e+00, v10  }
0xf4: {  	[tilespmem:v50+s26+$0x0] =	vst.idx.msk $0xffff, v56;
	v63 =	vmul.f32 $8.000000000e+00, v59  }
0xf5: {  	v4 =	vmul.f32 $8.000000000e+00, v55;
	[tilespmem:v57+s26+$0x0] =	vst.idx.msk $0xffff, v5  }
0xf6: {  	v5 =	vmul.f32 $8.000000000e+00, v58;
	[tilespmem:v62+s26+$0x0] =	vst.idx.msk $0xffff, v63  }
0xf7: {  	[tilespmem:v60+s26+$0x0] =	vst.idx.msk $0xffff, v4  }
0xf8: {  	[tilespmem:v61+s26+$0x0] =	vst.idx.msk $0xffff, v5  }
0xf9: {  	s6 =	simm.s32 $0x0;
	s8 =	simm.s32 $0x10600;
	s16 =	rddreg [dreg:$0x5]  }
0xfa: {  	[hbm4b:s16+s6] =	stream.linear.scatter [tilespmem:s8], [sflag:$0x6], $0x80, $0x38;
	[tilespmem:$0x16C00] =	vst v63  }
0xfb: {  	s11 =	simm.s32 $0x10688;
	s12 =	sadd.s32 $0x10, s16  }
0xfc: {  	[hbm4b:s12+s6] =	stream.linear.scatter [tilespmem:s11], [sflag:$0x6], $0x80, $0x38;
	[tilespmem:$0x16C00] =	vst v63  }
0xfd: {  	s13 =	simm.s32 $0x10710;
	s18 =	simm.s32 $0x10798;
	s17 =	sadd.s32 $0x20, s16  }
0xfe: {  	[hbm4b:s17+s6] =	stream.linear.scatter [tilespmem:s13], [sflag:$0x6], $0x80, $0x38;
	[tilespmem:$0x16C00] =	vst v63  }
0xff: {  	s5 =	simm.s32 $0x440;
	s23 =	sadd.s32 $0x30, s16;
	s8 =	sadd.s32 $0x1000, s16  }
0x100: {  	[hbm4b:s23+s6] =	stream.linear.scatter [tilespmem:s18], [sflag:$0x6], $0x80, $0x38;
	[tilespmem:$0x16C00] =	vst v63  }
0x101: {  	s11 =	simm.s32 $0x10820;
	s12 =	sadd.s32 $0x40, s16;
	s13 =	simm.s32 $0x108A8  }
0x102: {  	[hbm4b:s12+s6] =	stream.linear.scatter [tilespmem:s11], [sflag:$0x6], $0x80, $0x38;
	[tilespmem:$0x16C00] =	vst v63  }
0x103: {  	s17 =	sadd.s32 $0x50, s16;
	s18 =	simm.s32 $0x10930;
	s23 =	sadd.s32 $0x60, s16  }
0x104: {  	[hbm4b:s17+s6] =	stream.linear.scatter [tilespmem:s13], [sflag:$0x6], $0x80, $0x38;
	[tilespmem:$0x16C00] =	vst v63  }
0x105: {  	s11 =	simm.s32 $0x2200;
	s12 =	simm.s32 $0x109B8;
	s13 =	sadd.s32 $0x70, s16  }
0x106: {  	[hbm4b:s23+s6] =	stream.linear.scatter [tilespmem:s18], [sflag:$0x6], $0x80, $0x38;
	[tilespmem:$0x16C00] =	vst v63  }
.LBB2_8:
0x107: {  	[hbm4b:s13+s6] =	stream.linear.scatter [tilespmem:s12], [sflag:$0x6], $0x80, $0x38;
	[tilespmem:$0x16C00] =	vst v63  }
0x108: {  	s12 =	smov.u32 s5;
	s5 =	smov.u32 s11  }
0x109: {  	s16 =	sadd.s32 $0x1100, s11;
	s5 =	sshra.s32 s5, $0x2;
	s13 =	sadd.s32 $0x10600, s12  }
0x10a: {  	[hbm4b:s8+s6] =	stream.linear.scatter [tilespmem:s13], [sflag:$0x6], $0x80, $0x38;
	[tilespmem:$0x16C00] =	vst v63  }
0x10b: {  	p0 =	sne.s32 s11, $0x7700;
	s11 =	sadd.s32 $0x10688, s12;
	s13 =	sadd.s32 $0x10, s8  }
0x10c: {  	[hbm4b:s13+s6] =	stream.linear.scatter [tilespmem:s11], [sflag:$0x6], $0x80, $0x38;
	[tilespmem:$0x16C00] =	vst v63  }
0x10d: {  	s11 =	sadd.s32 $0x10710, s12;
	s13 =	sadd.s32 $0x20, s8  }
0x10e: {  	[hbm4b:s13+s6] =	stream.linear.scatter [tilespmem:s11], [sflag:$0x6], $0x80, $0x38;
	[tilespmem:$0x16C00] =	vst v63  }
0x10f: {  	s11 =	sadd.s32 $0x10798, s12;
	s13 =	sadd.s32 $0x30, s8  }
0x110: {  	[hbm4b:s13+s6] =	stream.linear.scatter [tilespmem:s11], [sflag:$0x6], $0x80, $0x38;
	[tilespmem:$0x16C00] =	vst v63  }
0x111: {  	s11 =	sadd.s32 $0x10820, s12;
	s13 =	sadd.s32 $0x40, s8  }
0x112: {  	[hbm4b:s13+s6] =	stream.linear.scatter [tilespmem:s11], [sflag:$0x6], $0x80, $0x38;
	[tilespmem:$0x16C00] =	vst v63  }
.Ltmp3:
0x113: {  	s11 =	sadd.s32 $0x108A8, s12;
	s13 =	sadd.s32 $0x50, s8;
	(pc) =	sbr.rel @p0 .LBB2_8-.Ltmp3, $4  }
0x114: {  	[hbm4b:s13+s6] =	stream.linear.scatter [tilespmem:s11], [sflag:$0x6], $0x80, $0x38;
	[tilespmem:$0x16C00] =	vst v63  }
0x115: {  	s11 =	sadd.s32 $0x10930, s12;
	s13 =	sadd.s32 $0x60, s8;
	s12 =	sadd.s32 $0x109B8, s12  }
0x116: {  	[hbm4b:s13+s6] =	stream.linear.scatter [tilespmem:s11], [sflag:$0x6], $0x80, $0x38;
	[tilespmem:$0x16C00] =	vst v63  }
0x117: {  	s13 =	sadd.s32 $0x70, s8;
	s8 =	sadd.s32 $0x1000, s8;
	s11 =	smov.u32 s16  }
0x118: {  	[hbm4b:s13+s6] =	stream.linear.scatter [tilespmem:s12], [sflag:$0x6], $0x80, $0x38;
	[tilespmem:$0x16C00] =	vst v63  }
0x119: {  	s11 =	sadd.s32 $0x10600, s5  }
0x11a: {  	[hbm4b:s8+s6] =	stream.linear.scatter [tilespmem:s11], [sflag:$0x6], $0x80, $0x38;
	[tilespmem:$0x16C00] =	vst v63  }
0x11b: {  	s18 =	sadd.s32 $0x10688, s5;
	s23 =	sadd.s32 $0x10, s8  }
0x11c: {  	[hbm4b:s23+s6] =	stream.linear.scatter [tilespmem:s18], [sflag:$0x6], $0x80, $0x38;
	[tilespmem:$0x16C00] =	vst v63  }
0x11d: {  	s12 =	sadd.s32 $0x10710, s5;
	s13 =	sadd.s32 $0x20, s8  }
0x11e: {  	[hbm4b:s13+s6] =	stream.linear.scatter [tilespmem:s12], [sflag:$0x6], $0x80, $0x38;
	[tilespmem:$0x16C00] =	vst v63  }
0x11f: {  	s16 =	sadd.s32 $0x10798, s5;
	s17 =	sadd.s32 $0x30, s8  }
0x120: {  	[hbm4b:s17+s6] =	stream.linear.scatter [tilespmem:s16], [sflag:$0x6], $0x80, $0x38;
	[tilespmem:$0x16C00] =	vst v63  }
0x121: {  	s18 =	sadd.s32 $0x10820, s5;
	s23 =	sadd.s32 $0x40, s8  }
0x122: {  	[hbm4b:s23+s6] =	stream.linear.scatter [tilespmem:s18], [sflag:$0x6], $0x80, $0x38;
	[tilespmem:$0x16C00] =	vst v63  }
0x123: {  	s12 =	sadd.s32 $0x108A8, s5;
	s13 =	sadd.s32 $0x50, s8  }
0x124: {  	[hbm4b:s13+s6] =	stream.linear.scatter [tilespmem:s12], [sflag:$0x6], $0x80, $0x38;
	[tilespmem:$0x16C00] =	vst v63  }
0x125: {  	s16 =	sadd.s32 $0x10930, s5;
	s17 =	sadd.s32 $0x60, s8  }
0x126: {  	[hbm4b:s17+s6] =	stream.linear.scatter [tilespmem:s16], [sflag:$0x6], $0x80, $0x38;
	[tilespmem:$0x16C00] =	vst v63  }
0x127: {  	s18 =	sadd.s32 $0x109B8, s5;
	s23 =	sadd.s32 $0x70, s8  }
0x128: {  	[hbm4b:s23+s6] =	stream.linear.scatter [tilespmem:s18], [sflag:$0x6], $0x80, $0x38;
	[tilespmem:$0x16C00] =	vst v63  }
.LBB2_10:
0x129: {  	s16 =	sshll.u32 s6, $0x2  }
0x12a: {  	_ =	swait.ge [sflag:s28], $0x2000;
	s13 =	sadd.s32 $0x4, s16  }
0x12b: {  	[sflag:s28] =	ssyncset.done $0x0;
	s5 =	sshll.u32 s13, $0x7  }
0x12c: {  	s8 =	simm.s32 $0x6400;
	[sflag:s28] =	ssyncadd.s32 $0xFFFFE000;
	s5 =	sand.u32 $0x3FFFFE00, s5  }
0x12d: {  	[tilespmem:s8], [sflag:$0x1] =	stream.indirect.gather [hbm4b:s4+s14], $0x40, s5, s14, $0xb8;
	[tilespmem:$0x16C00] =	vst v63  }
0x12e: {  	_ =	swait.ge [sflag:s29], $0x2000  }
0x12f: {  	[sflag:s29] =	ssyncset.done $0x0  }
0x130: {  	s12 =	simm.s32 $0xA4F0;
	s18 =	simm.s32 $0x3;
	[sflag:s29] =	ssyncadd.s32 $0xFFFFE000  }
0x131: {  	v4 =	vmov s18;
	v5 =	vld [tilespmem:s12+$0xFFFFFFD0]  }
0x132: {  	v9 =	vand.u32 $0x7F, v4  }
0x133: {  	s23 =	simm.s32 $0x0;
	v4 =	vadd.s32 v0, v9  }
0x134: {  	s11 =	simm.s32 $0x2;
	v6 =	vmov s23;
	s8 =	simm.s32 $0x1;
	v7 =	vld [tilespmem:s12+$0xFFFFFF10]  }
0x135: {  	v11 =	vmov s11;
	v8 =	vand.u32 $0x7C, v6;
	v6 =	vmov s8;
	v10 =	vld [tilespmem:s12+$0xFFFFFF50]  }
0x136: {  	v12 =	vadd.s32 v0, v8;
	v15 =	vand.u32 $0x7D, v6;
	v6 =	vld [tilespmem:s12+$0xFFFFFF90];
	v5 =	vmul.f32 $8.000000000e+00, v5  }
0x137: {  	v17 =	vand.u32 $0x7E, v11;
	v13 =	vadd.s32 v0, v15  }
0x138: {  	v11 =	vadd.s32 v0, v17;
	[tilespmem:v4+s30+$0x0] =	vst.idx.msk $0xffff, v5  }
0x139: {  	v4 =	vmul.f32 $8.000000000e+00, v7;
	v5 =	vld [tilespmem:s12+$0xFFFFFFE0]  }
0x13a: {  	v7 =	vmul.f32 $8.000000000e+00, v10  }
0x13b: {  	[tilespmem:v12+s30+$0x0] =	vst.idx.msk $0xffff, v4;
	v4 =	vmul.f32 $8.000000000e+00, v6;
	v6 =	vadd.s32 v1, v9  }
0x13c: {  	[tilespmem:v13+s30+$0x0] =	vst.idx.msk $0xffff, v7;
	v10 =	vld [tilespmem:s12+$0xFFFFFF20]  }
0x13d: {  	v7 =	vld [tilespmem:s12+$0xFFFFFF60];
	[tilespmem:v11+s30+$0x0] =	vst.idx.msk $0xffff, v4  }
0x13e: {  	v11 =	vld [tilespmem:s12+$0xFFFFFFA0];
	v4 =	vmul.f32 $8.000000000e+00, v5  }
0x13f: {  	s17 =	simm.s32 $0x4;
	s18 =	simm.s32 $0x7;
	s23 =	simm.s32 $0xA5F0;
	v12 =	vadd.s32 v1, v15  }
0x140: {  	v14 =	vld [tilespmem:s23+$0xFFFFFFD0];
	v13 =	vadd.s32 v1, v17;
	v5 =	vmov s17;
	[tilespmem:v6+s30+$0x0] =	vst.idx.msk $0xffff, v4;
	v6 =	vmov s18  }
0x141: {  	v16 =	vadd.s32 v1, v8;
	v4 =	vand.u32 $0x7C, v5;
	v5 =	vand.u32 $0x7F, v6;
	v18 =	vld [tilespmem:s12+$0xFFFFFFF0]  }
0x142: {  	s11 =	simm.s32 $0x5;
	v22 =	vadd.s32 v2, v9;
	v19 =	vld [tilespmem:s23+$0xFFFFFF10];
	v6 =	vmul.f32 $8.000000000e+00, v7;
	v20 =	vadd.s32 v0, v5  }
0x143: {  	v21 =	vld [tilespmem:s23+$0xFFFFFF50];
	s17 =	simm.s32 $0x6;
	v10 =	vmul.f32 $8.000000000e+00, v10;
	v7 =	vmul.f32 $8.000000000e+00, v11;
	v11 =	vmov s11  }
0x144: {  	v23 =	vadd.s32 v0, v4;
	[tilespmem:v12+s30+$0x0] =	vst.idx.msk $0xffff, v6;
	v12 =	vmov s17;
	v6 =	vand.u32 $0x7D, v11;
	v11 =	vld [tilespmem:s23+$0xFFFFFF90]  }
0x145: {  	[tilespmem:v13+s30+$0x0] =	vst.idx.msk $0xffff, v7;
	v13 =	vadd.s32 v0, v6;
	v7 =	vand.u32 $0x7E, v12;
	v12 =	vmul.f32 $8.000000000e+00, v14;
	v14 =	vld [tilespmem:s12+$0xFFFFFF70]  }
0x146: {  	[tilespmem:v16+s30+$0x0] =	vst.idx.msk $0xffff, v10;
	v10 =	vadd.s32 v0, v7;
	v16 =	vld [tilespmem:s12+$0xFFFFFFB0];
	v18 =	vmul.f32 $8.000000000e+00, v18  }
0x147: {  	v19 =	vmul.f32 $8.000000000e+00, v19;
	[tilespmem:v20+s30+$0x0] =	vst.idx.msk $0xffff, v12;
	v12 =	vld [tilespmem:s12+$0xFFFFFF30];
	v20 =	vadd.s32 v2, v15  }
0x148: {  	v25 =	vadd.s32 v2, v17;
	v21 =	vmul.f32 $8.000000000e+00, v21;
	v24 =	vld [tilespmem:s23+$0xFFFFFFE0];
	[tilespmem:v22+s30+$0x0] =	vst.idx.msk $0xffff, v18  }
0x149: {  	[tilespmem:v23+s30+$0x0] =	vst.idx.msk $0xffff, v19;
	v19 =	vadd.s32 v2, v8;
	v11 =	vmul.f32 $8.000000000e+00, v11;
	v22 =	vld [tilespmem:s12+$0x0]  }
0x14a: {  	v23 =	vld [tilespmem:s23+$0xFFFFFF20];
	[tilespmem:v13+s30+$0x0] =	vst.idx.msk $0xffff, v21;
	v21 =	vadd.s32 v1, v5;
	v14 =	vmul.f32 $8.000000000e+00, v14  }
0x14b: {  	v27 =	vadd.s32 v3, v9;
	v26 =	vld [tilespmem:s23+$0xFFFFFF60];
	[tilespmem:v10+s30+$0x0] =	vst.idx.msk $0xffff, v11;
	v10 =	vmul.f32 $8.000000000e+00, v16  }
0x14c: {  	v18 =	vadd.s32 v1, v4;
	v13 =	vld [tilespmem:s23+$0xFFFFFFA0];
	v9 =	vmul.f32 $8.000000000e+00, v12;
	[tilespmem:v20+s30+$0x0] =	vst.idx.msk $0xffff, v14  }
0x14d: {  	s11 =	simm.s32 $0x8;
	v16 =	vadd.s32 v1, v6;
	[tilespmem:v25+s30+$0x0] =	vst.idx.msk $0xffff, v10;
	v14 =	vmul.f32 $8.000000000e+00, v24;
	v12 =	vld [tilespmem:s12+$0xFFFFFF80]  }
0x14e: {  	v20 =	vmov s11;
	v10 =	vadd.s32 v1, v7;
	v11 =	vld [tilespmem:s12+$0xFFFFFFC0];
	[tilespmem:v19+s30+$0x0] =	vst.idx.msk $0xffff, v9;
	v63 =	vmul.f32 $8.000000000e+00, v22  }
0x14f: {  	s8 =	simm.s32 $0xA6F0;
	s18 =	simm.s32 $0xB;
	v15 =	vadd.s32 v3, v15;
	v9 =	vand.u32 $0x7C, v20;
	v20 =	vmul.f32 $8.000000000e+00, v23;
	[tilespmem:v21+s30+$0x0] =	vst.idx.msk $0xffff, v14;
	v14 =	vld [tilespmem:s12+$0xFFFFFF40]  }
0x150: {  	s5 =	simm.s32 $0xC;
	v17 =	vadd.s32 v3, v17;
	v22 =	vmov s18;
	v19 =	vld [tilespmem:s8+$0xFFFFFFD0];
	v21 =	vmul.f32 $8.000000000e+00, v26;
	[tilespmem:v27+s30+$0x0] =	vst.idx.msk $0xffff, v63  }
.LBB2_11:
0x151: {  	p0 =	slt.u32 s5, $0x7C;
	s12 =	sadd.s32 $0x1, s11;
	v22 =	vand.u32 $0x7F, v22;
	[tilespmem:v18+s30+$0x0] =	vst.idx.msk $0xffff, v20;
	v13 =	vmul.f32 $8.000000000e+00, v13;
	v18 =	vld [tilespmem:s23+$0xFFFFFFF0];
	v20 =	vadd.s32 v3, v8;
	v8 =	vmovc v4  }
0x152: {  	v4 =	vmovc v9;
	v23 =	vld [tilespmem:s8+$0xFFFFFF10];
	v24 =	vmov s12;
	s12 =	sadd.s32 $0x2, s11;
	v25 =	vadd.s32 v0, v22;
	[tilespmem:v16+s30+$0x0] =	vst.idx.msk $0xffff, v21;
	v12 =	vmul.f32 $8.000000000e+00, v12;
	s11 =	smov.u32 s5  }
0x153: {  	v9 =	vld [tilespmem:s8+$0xFFFFFF50];
	v16 =	vmov s12;
	[tilespmem:v10+s30+$0x0] =	vst.idx.msk $0xffff, v13;
	v10 =	vadd.s32 v2, v5;
	v11 =	vmul.f32 $8.000000000e+00, v11  }
0x154: {  	v13 =	vadd.s32 v0, v4;
	v21 =	vand.u32 $0x7D, v24;
	v24 =	vld [tilespmem:s8+$0xFFFFFF90];
	v14 =	vmul.f32 $8.000000000e+00, v14;
	[tilespmem:v15+s30+$0x0] =	vst.idx.msk $0xffff, v12  }
0x155: {  	v12 =	vadd.s32 v0, v21;
	v26 =	vand.u32 $0x7E, v16;
	v15 =	vmul.f32 $8.000000000e+00, v19;
	v16 =	vld [tilespmem:s23+$0xFFFFFF70];
	[tilespmem:v17+s30+$0x0] =	vst.idx.msk $0xffff, v11  }
0x156: {  	v11 =	vadd.s32 v0, v26;
	v17 =	vld [tilespmem:s23+$0xFFFFFFB0];
	v18 =	vmul.f32 $8.000000000e+00, v18;
	[tilespmem:v20+s30+$0x0] =	vst.idx.msk $0xffff, v14  }
0x157: {  	v19 =	vadd.s32 v2, v6;
	v14 =	vmul.f32 $8.000000000e+00, v23;
	[tilespmem:v25+s30+$0x0] =	vst.idx.msk $0xffff, v15;
	v15 =	vld [tilespmem:s23+$0xFFFFFF30]  }
0x158: {  	v23 =	vadd.s32 v2, v7;
	v9 =	vmul.f32 $8.000000000e+00, v9;
	v20 =	vld [tilespmem:s8+$0xFFFFFFE0];
	[tilespmem:v10+s30+$0x0] =	vst.idx.msk $0xffff, v18  }
0x159: {  	[tilespmem:v13+s30+$0x0] =	vst.idx.msk $0xffff, v14;
	v10 =	vmul.f32 $8.000000000e+00, v24;
	v14 =	vadd.s32 v2, v8;
	v24 =	vld [tilespmem:s23+$0x0]  }
0x15a: {  	v27 =	vadd.s32 v1, v22;
	v25 =	vld [tilespmem:s8+$0xFFFFFF20];
	[tilespmem:v12+s30+$0x0] =	vst.idx.msk $0xffff, v9;
	v9 =	vmul.f32 $8.000000000e+00, v16  }
0x15b: {  	v29 =	vadd.s32 v3, v5;
	v5 =	vmov v22;
	v28 =	vld [tilespmem:s8+$0xFFFFFF60];
	[tilespmem:v11+s30+$0x0] =	vst.idx.msk $0xffff, v10;
	v10 =	vmul.f32 $8.000000000e+00, v17  }
.Ltmp4:
0x15c: {  	v18 =	vadd.s32 v1, v4;
	v13 =	vld [tilespmem:s8+$0xFFFFFFA0];
	v11 =	vmul.f32 $8.000000000e+00, v15;
	[tilespmem:v19+s30+$0x0] =	vst.idx.msk $0xffff, v9;
	(pc) =	sbr.rel @p0 .LBB2_11-.Ltmp4, $4  }
0x15d: {  	v16 =	vadd.s32 v1, v21;
	v15 =	vmul.f32 $8.000000000e+00, v20;
	v12 =	vld [tilespmem:s23+$0xFFFFFF80];
	[tilespmem:v23+s30+$0x0] =	vst.idx.msk $0xffff, v10  }
0x15e: {  	v9 =	vmov s5;
	v10 =	vadd.s32 v1, v26;
	[tilespmem:v14+s30+$0x0] =	vst.idx.msk $0xffff, v11;
	v11 =	vld [tilespmem:s23+$0xFFFFFFC0];
	v23 =	vmul.f32 $8.000000000e+00, v24  }
0x15f: {  	s12 =	sadd.s32 $0x3, s5;
	v9 =	vand.u32 $0x7C, v9;
	v20 =	vmul.f32 $8.000000000e+00, v25;
	[tilespmem:v27+s30+$0x0] =	vst.idx.msk $0xffff, v15;
	v14 =	vld [tilespmem:s23+$0xFFFFFF40];
	v15 =	vadd.s32 v3, v6;
	v6 =	vmovc v21;
	s23 =	smov.u32 s8;
	s8 =	sadd.s32 $0x100, s8  }
0x160: {  	v22 =	vmov s12;
	v17 =	vadd.s32 v3, v7;
	v7 =	vmovc v26;
	s5 =	sadd.s32 $0x4, s5;
	v19 =	vld [tilespmem:s8+$0xFFFFFFD0];
	v21 =	vmul.f32 $8.000000000e+00, v28;
	[tilespmem:v29+s30+$0x0] =	vst.idx.msk $0xffff, v23  }
0x161: {  	s5 =	sadd.s32 $0x1, s11;
	v22 =	vand.u32 $0x7F, v22;
	v28 =	vld [tilespmem:s8+$0xFFFFFF10]  }
0x162: {  	s12 =	sadd.s32 $0x2, s11;
	v24 =	vld [tilespmem:s8+$0xFFFFFF50];
	v23 =	vmov s5;
	v25 =	vadd.s32 v0, v22  }
0x163: {  	v27 =	vld [tilespmem:s8+$0xFFFFFF90];
	v51 =	vadd.s32 v0, v9;
	v26 =	vmov s12;
	v23 =	vand.u32 $0x7D, v23  }
0x164: {  	v26 =	vand.u32 $0x7E, v26;
	v29 =	vadd.s32 v0, v23  }
0x165: {  	[tilespmem:v18+s30+$0x0] =	vst.idx.msk $0xffff, v20;
	v30 =	vadd.s32 v0, v26;
	v19 =	vmul.f32 $8.000000000e+00, v19  }
0x166: {  	[tilespmem:v16+s30+$0x0] =	vst.idx.msk $0xffff, v21;
	v54 =	vmul.f32 $8.000000000e+00, v28  }
0x167: {  	v52 =	vmul.f32 $8.000000000e+00, v24;
	[tilespmem:v25+s30+$0x0] =	vst.idx.msk $0xffff, v19  }
0x168: {  	v53 =	vmul.f32 $8.000000000e+00, v27;
	v55 =	vld [tilespmem:s8+$0xFFFFFFE0];
	[tilespmem:v51+s30+$0x0] =	vst.idx.msk $0xffff, v54  }
0x169: {  	v13 =	vmul.f32 $8.000000000e+00, v13;
	v8 =	vadd.s32 v3, v8;
	[tilespmem:v29+s30+$0x0] =	vst.idx.msk $0xffff, v52;
	v59 =	vld [tilespmem:s8+$0xFFFFFF20]  }
0x16a: {  	v12 =	vmul.f32 $8.000000000e+00, v12;
	v57 =	vadd.s32 v1, v22;
	[tilespmem:v30+s30+$0x0] =	vst.idx.msk $0xffff, v53;
	v56 =	vld [tilespmem:s8+$0xFFFFFF60]  }
0x16b: {  	[tilespmem:v10+s30+$0x0] =	vst.idx.msk $0xffff, v13;
	v58 =	vmul.f32 $8.000000000e+00, v11;
	v28 =	vadd.s32 v1, v9;
	v19 =	vld [tilespmem:s8+$0xFFFFFFA0]  }
0x16c: {  	v61 =	vld [tilespmem:s23+$0xFFFFFFF0];
	v60 =	vadd.s32 v1, v23;
	v14 =	vmul.f32 $8.000000000e+00, v14;
	[tilespmem:v15+s30+$0x0] =	vst.idx.msk $0xffff, v12  }
0x16d: {  	v32 =	vld [tilespmem:s23+$0xFFFFFF30];
	v62 =	vadd.s32 v1, v26;
	[tilespmem:v17+s30+$0x0] =	vst.idx.msk $0xffff, v58;
	v16 =	vmul.f32 $8.000000000e+00, v55  }
0x16e: {  	[tilespmem:v8+s30+$0x0] =	vst.idx.msk $0xffff, v14;
	v29 =	vadd.s32 v2, v5;
	v30 =	vld [tilespmem:s23+$0xFFFFFFB0];
	v11 =	vmul.f32 $8.000000000e+00, v59  }
0x16f: {  	v38 =	vadd.s32 v2, v4;
	v63 =	vld [tilespmem:s23+$0xFFFFFF70];
	v31 =	vmul.f32 $8.000000000e+00, v56;
	[tilespmem:v57+s30+$0x0] =	vst.idx.msk $0xffff, v16  }
0x170: {  	v35 =	vadd.s32 v2, v7;
	v34 =	vmul.f32 $8.000000000e+00, v19;
	v36 =	vld [tilespmem:s8+$0xFFFFFFF0];
	[tilespmem:v28+s30+$0x0] =	vst.idx.msk $0xffff, v11  }
0x171: {  	v33 =	vadd.s32 v2, v6;
	v37 =	vmul.f32 $8.000000000e+00, v61;
	[tilespmem:v60+s30+$0x0] =	vst.idx.msk $0xffff, v31;
	v43 =	vld [tilespmem:s8+$0xFFFFFF30]  }
0x172: {  	v40 =	vadd.s32 v2, v22;
	v14 =	vmul.f32 $8.000000000e+00, v32;
	[tilespmem:v62+s30+$0x0] =	vst.idx.msk $0xffff, v34;
	v39 =	vld [tilespmem:s8+$0xFFFFFF70]  }
0x173: {  	v48 =	vadd.s32 v2, v9;
	[tilespmem:v29+s30+$0x0] =	vst.idx.msk $0xffff, v37;
	v42 =	vmul.f32 $8.000000000e+00, v30;
	v41 =	vld [tilespmem:s8+$0xFFFFFFB0]  }
0x174: {  	v44 =	vadd.s32 v2, v23;
	v15 =	vmul.f32 $8.000000000e+00, v63;
	[tilespmem:v38+s30+$0x0] =	vst.idx.msk $0xffff, v14;
	v45 =	vld [tilespmem:s23+$0x0]  }
0x175: {  	v46 =	vadd.s32 v2, v26;
	v14 =	vld [tilespmem:s23+$0xFFFFFF40];
	[tilespmem:v35+s30+$0x0] =	vst.idx.msk $0xffff, v42;
	v47 =	vmul.f32 $8.000000000e+00, v36  }
0x176: {  	v5 =	vadd.s32 v3, v5;
	[tilespmem:v33+s30+$0x0] =	vst.idx.msk $0xffff, v15;
	v49 =	vld [tilespmem:s23+$0xFFFFFFC0];
	v53 =	vmul.f32 $8.000000000e+00, v43  }
0x177: {  	v4 =	vadd.s32 v3, v4;
	v21 =	vld [tilespmem:s23+$0xFFFFFF80];
	v12 =	vmul.f32 $8.000000000e+00, v39;
	[tilespmem:v40+s30+$0x0] =	vst.idx.msk $0xffff, v47  }
0x178: {  	v52 =	vadd.s32 v3, v7;
	v51 =	vmul.f32 $8.000000000e+00, v41;
	v10 =	vld [tilespmem:s8+$0x0];
	[tilespmem:v48+s30+$0x0] =	vst.idx.msk $0xffff, v53  }
0x179: {  	v50 =	vadd.s32 v3, v6;
	v54 =	vmul.f32 $8.000000000e+00, v45;
	[tilespmem:v44+s30+$0x0] =	vst.idx.msk $0xffff, v12;
	v59 =	vld [tilespmem:s8+$0xFFFFFF40]  }
0x17a: {  	v57 =	vadd.s32 v3, v22;
	v14 =	vmul.f32 $8.000000000e+00, v14;
	[tilespmem:v46+s30+$0x0] =	vst.idx.msk $0xffff, v51;
	v55 =	vld [tilespmem:s8+$0xFFFFFF80]  }
0x17b: {  	v62 =	vadd.s32 v3, v9;
	[tilespmem:v5+s30+$0x0] =	vst.idx.msk $0xffff, v54;
	v5 =	vmul.f32 $8.000000000e+00, v49;
	v58 =	vld [tilespmem:s8+$0xFFFFFFC0]  }
0x17c: {  	v56 =	vmul.f32 $8.000000000e+00, v21;
	v60 =	vadd.s32 v3, v23;
	[tilespmem:v4+s30+$0x0] =	vst.idx.msk $0xffff, v14  }
0x17d: {  	v61 =	vadd.s32 v3, v26;
	[tilespmem:v52+s30+$0x0] =	vst.idx.msk $0xffff, v5;
	v5 =	vmul.f32 $8.000000000e+00, v10  }
0x17e: {  	[tilespmem:v50+s30+$0x0] =	vst.idx.msk $0xffff, v56;
	v63 =	vmul.f32 $8.000000000e+00, v59  }
0x17f: {  	s17 =	sshll.u32 s6, $0x14;
	v4 =	vmul.f32 $8.000000000e+00, v55;
	[tilespmem:v57+s30+$0x0] =	vst.idx.msk $0xffff, v5  }
0x180: {  	s5 =	sor.u32 s7, s17;
	v5 =	vmul.f32 $8.000000000e+00, v58;
	[tilespmem:v62+s30+$0x0] =	vst.idx.msk $0xffff, v63  }
0x181: {  	s23 =	sshrl.u32 s5, $0x3;
	[tilespmem:v60+s30+$0x0] =	vst.idx.msk $0xffff, v4  }
0x182: {  	s18 =	simm.s32 $0x12800;
	s8 =	sadd.s32 s23, s9;
	[tilespmem:v61+s30+$0x0] =	vst.idx.msk $0xffff, v5  }
0x183: {  	[hbm4b:s8+s3] =	stream.linear.scatter [tilespmem:s18], [sflag:$0x7], $0x80, $0x38;
	[tilespmem:$0x16C00] =	vst v63  }
0x184: {  	s11 =	simm.s32 $0x12888;
	s12 =	sadd.s32 $0x10, s8  }
0x185: {  	[hbm4b:s12+s3] =	stream.linear.scatter [tilespmem:s11], [sflag:$0x7], $0x80, $0x38;
	[tilespmem:$0x16C00] =	vst v63  }
0x186: {  	s17 =	simm.s32 $0x12910;
	s18 =	sadd.s32 $0x20, s8  }
0x187: {  	[hbm4b:s18+s3] =	stream.linear.scatter [tilespmem:s17], [sflag:$0x7], $0x80, $0x38;
	[tilespmem:$0x16C00] =	vst v63  }
0x188: {  	s11 =	simm.s32 $0x12998;
	s12 =	sadd.s32 $0x30, s8  }
0x189: {  	[hbm4b:s12+s3] =	stream.linear.scatter [tilespmem:s11], [sflag:$0x7], $0x80, $0x38;
	[tilespmem:$0x16C00] =	vst v63  }
0x18a: {  	s17 =	simm.s32 $0x12A20;
	s18 =	sadd.s32 $0x40, s8  }
0x18b: {  	[hbm4b:s18+s3] =	stream.linear.scatter [tilespmem:s17], [sflag:$0x7], $0x80, $0x38;
	[tilespmem:$0x16C00] =	vst v63  }
0x18c: {  	s5 =	simm.s32 $0x440;
	s11 =	simm.s32 $0x12AA8;
	s12 =	sadd.s32 $0x50, s8  }
0x18d: {  	[hbm4b:s12+s3] =	stream.linear.scatter [tilespmem:s11], [sflag:$0x7], $0x80, $0x38;
	[tilespmem:$0x16C00] =	vst v63  }
0x18e: {  	s17 =	simm.s32 $0x12B30;
	s18 =	sadd.s32 $0x60, s8;
	s11 =	simm.s32 $0x2200  }
0x18f: {  	[hbm4b:s18+s3] =	stream.linear.scatter [tilespmem:s17], [sflag:$0x7], $0x80, $0x38;
	[tilespmem:$0x16C00] =	vst v63  }
0x190: {  	s12 =	simm.s32 $0x12BB8;
	s17 =	sadd.s32 $0x70, s8;
	s8 =	sadd.s32 $0x1000, s8  }
.LBB2_13:
0x191: {  	[hbm4b:s17+s3] =	stream.linear.scatter [tilespmem:s12], [sflag:$0x7], $0x80, $0x38;
	[tilespmem:$0x16C00] =	vst v63  }
0x192: {  	s12 =	smov.u32 s5;
	s5 =	smov.u32 s11  }
0x193: {  	s18 =	sadd.s32 $0x1100, s11;
	s5 =	sshra.s32 s5, $0x2;
	s17 =	sadd.s32 $0x12800, s12  }
0x194: {  	[hbm4b:s8+s3] =	stream.linear.scatter [tilespmem:s17], [sflag:$0x7], $0x80, $0x38;
	[tilespmem:$0x16C00] =	vst v63  }
0x195: {  	p0 =	sne.s32 s11, $0x7700;
	s11 =	sadd.s32 $0x12888, s12;
	s17 =	sadd.s32 $0x10, s8  }
0x196: {  	[hbm4b:s17+s3] =	stream.linear.scatter [tilespmem:s11], [sflag:$0x7], $0x80, $0x38;
	[tilespmem:$0x16C00] =	vst v63  }
0x197: {  	s11 =	sadd.s32 $0x12910, s12;
	s17 =	sadd.s32 $0x20, s8  }
0x198: {  	[hbm4b:s17+s3] =	stream.linear.scatter [tilespmem:s11], [sflag:$0x7], $0x80, $0x38;
	[tilespmem:$0x16C00] =	vst v63  }
0x199: {  	s11 =	sadd.s32 $0x12998, s12;
	s17 =	sadd.s32 $0x30, s8  }
0x19a: {  	[hbm4b:s17+s3] =	stream.linear.scatter [tilespmem:s11], [sflag:$0x7], $0x80, $0x38;
	[tilespmem:$0x16C00] =	vst v63  }
0x19b: {  	s11 =	sadd.s32 $0x12A20, s12;
	s17 =	sadd.s32 $0x40, s8  }
0x19c: {  	[hbm4b:s17+s3] =	stream.linear.scatter [tilespmem:s11], [sflag:$0x7], $0x80, $0x38;
	[tilespmem:$0x16C00] =	vst v63  }
.Ltmp5:
0x19d: {  	s11 =	sadd.s32 $0x12AA8, s12;
	s17 =	sadd.s32 $0x50, s8;
	(pc) =	sbr.rel @p0 .LBB2_13-.Ltmp5, $4  }
0x19e: {  	[hbm4b:s17+s3] =	stream.linear.scatter [tilespmem:s11], [sflag:$0x7], $0x80, $0x38;
	[tilespmem:$0x16C00] =	vst v63  }
0x19f: {  	s11 =	sadd.s32 $0x12B30, s12;
	s17 =	sadd.s32 $0x60, s8;
	s12 =	sadd.s32 $0x12BB8, s12  }
0x1a0: {  	[hbm4b:s17+s3] =	stream.linear.scatter [tilespmem:s11], [sflag:$0x7], $0x80, $0x38;
	[tilespmem:$0x16C00] =	vst v63  }
0x1a1: {  	s17 =	sadd.s32 $0x70, s8;
	s8 =	sadd.s32 $0x1000, s8;
	s11 =	smov.u32 s18  }
0x1a2: {  	[hbm4b:s17+s3] =	stream.linear.scatter [tilespmem:s12], [sflag:$0x7], $0x80, $0x38;
	[tilespmem:$0x16C00] =	vst v63  }
0x1a3: {  	s11 =	sadd.s32 $0x12800, s5  }
0x1a4: {  	[hbm4b:s8+s3] =	stream.linear.scatter [tilespmem:s11], [sflag:$0x7], $0x80, $0x38;
	[tilespmem:$0x16C00] =	vst v63  }
0x1a5: {  	s17 =	sadd.s32 $0x12888, s5;
	s18 =	sadd.s32 $0x10, s8  }
0x1a6: {  	[hbm4b:s18+s3] =	stream.linear.scatter [tilespmem:s17], [sflag:$0x7], $0x80, $0x38;
	[tilespmem:$0x16C00] =	vst v63  }
0x1a7: {  	s17 =	sadd.s32 $0x12910, s5;
	s18 =	sadd.s32 $0x20, s8  }
0x1a8: {  	[hbm4b:s18+s3] =	stream.linear.scatter [tilespmem:s17], [sflag:$0x7], $0x80, $0x38;
	[tilespmem:$0x16C00] =	vst v63  }
0x1a9: {  	s17 =	sadd.s32 $0x12998, s5;
	s18 =	sadd.s32 $0x30, s8  }
0x1aa: {  	[hbm4b:s18+s3] =	stream.linear.scatter [tilespmem:s17], [sflag:$0x7], $0x80, $0x38;
	[tilespmem:$0x16C00] =	vst v63  }
0x1ab: {  	s17 =	sadd.s32 $0x12A20, s5;
	s18 =	sadd.s32 $0x40, s8  }
0x1ac: {  	[hbm4b:s18+s3] =	stream.linear.scatter [tilespmem:s17], [sflag:$0x7], $0x80, $0x38;
	[tilespmem:$0x16C00] =	vst v63  }
0x1ad: {  	s17 =	sadd.s32 $0x12AA8, s5;
	s18 =	sadd.s32 $0x50, s8  }
0x1ae: {  	[hbm4b:s18+s3] =	stream.linear.scatter [tilespmem:s17], [sflag:$0x7], $0x80, $0x38;
	[tilespmem:$0x16C00] =	vst v63  }
0x1af: {  	s17 =	sadd.s32 $0x12B30, s5;
	s18 =	sadd.s32 $0x60, s8  }
0x1b0: {  	[hbm4b:s18+s3] =	stream.linear.scatter [tilespmem:s17], [sflag:$0x7], $0x80, $0x38;
	[tilespmem:$0x16C00] =	vst v63  }
0x1b1: {  	s17 =	sadd.s32 $0x12BB8, s5;
	s18 =	sadd.s32 $0x70, s8  }
0x1b2: {  	[hbm4b:s18+s3] =	stream.linear.scatter [tilespmem:s17], [sflag:$0x7], $0x80, $0x38;
	[tilespmem:$0x16C00] =	vst v63  }
0x1b3: {  	s16 =	sadd.s32 $0x5, s16;
	_ =	swait.ge [sflag:s31], $0x2000  }
0x1b4: {  	s11 =	sshll.u32 s16, $0x7;
	[sflag:s31] =	ssyncset.done $0x0  }
0x1b5: {  	s12 =	simm.s32 $0x8400;
	s5 =	sand.u32 $0x3FFFFF80, s11;
	[sflag:s31] =	ssyncadd.s32 $0xFFFFE000  }
0x1b6: {  	[tilespmem:s12], [sflag:$0x2] =	stream.indirect.gather [hbm4b:s4+s14], $0x40, s5, s14, $0xb8;
	[tilespmem:$0x16C00] =	vst v63  }
0x1b7: {  	_ =	swait.ge [sflag:s0], $0x2000  }
0x1b8: {  	[sflag:s0] =	ssyncset.done $0x0  }
0x1b9: {  	s17 =	simm.s32 $0x3;
	s5 =	simm.s32 $0xC4F0;
	[sflag:s0] =	ssyncadd.s32 $0xFFFFE000  }
0x1ba: {  	v4 =	vmov s17;
	v5 =	vld [tilespmem:s5+$0xFFFFFFD0]  }
0x1bb: {  	s18 =	simm.s32 $0x0;
	v9 =	vand.u32 $0x7F, v4  }
0x1bc: {  	v6 =	vmov s18;
	v4 =	vadd.s32 v0, v9  }
0x1bd: {  	s11 =	simm.s32 $0x1;
	v8 =	vand.u32 $0x7C, v6;
	v7 =	vld [tilespmem:s5+$0xFFFFFF10]  }
0x1be: {  	v6 =	vmov s11;
	v12 =	vadd.s32 v0, v8;
	s12 =	simm.s32 $0x2;
	v10 =	vld [tilespmem:s5+$0xFFFFFF50]  }
0x1bf: {  	v15 =	vand.u32 $0x7D, v6;
	v11 =	vmov s12;
	v6 =	vld [tilespmem:s5+$0xFFFFFF90];
	v5 =	vmul.f32 $8.000000000e+00, v5  }
0x1c0: {  	v13 =	vadd.s32 v0, v15;
	v17 =	vand.u32 $0x7E, v11  }
0x1c1: {  	v11 =	vadd.s32 v0, v17;
	[tilespmem:v4+s1+$0x0] =	vst.idx.msk $0xffff, v5  }
0x1c2: {  	v4 =	vmul.f32 $8.000000000e+00, v7;
	v5 =	vld [tilespmem:s5+$0xFFFFFFE0]  }
0x1c3: {  	v7 =	vmul.f32 $8.000000000e+00, v10  }
0x1c4: {  	[tilespmem:v12+s1+$0x0] =	vst.idx.msk $0xffff, v4;
	v4 =	vmul.f32 $8.000000000e+00, v6;
	v6 =	vadd.s32 v1, v9  }
0x1c5: {  	[tilespmem:v13+s1+$0x0] =	vst.idx.msk $0xffff, v7;
	v10 =	vld [tilespmem:s5+$0xFFFFFF20]  }
0x1c6: {  	v7 =	vld [tilespmem:s5+$0xFFFFFF60];
	[tilespmem:v11+s1+$0x0] =	vst.idx.msk $0xffff, v4  }
0x1c7: {  	v11 =	vld [tilespmem:s5+$0xFFFFFFA0];
	v4 =	vmul.f32 $8.000000000e+00, v5  }
0x1c8: {  	s8 =	simm.s32 $0xC5F0;
	s17 =	simm.s32 $0x4;
	s18 =	simm.s32 $0x7;
	v12 =	vadd.s32 v1, v15  }
0x1c9: {  	v14 =	vld [tilespmem:s8+$0xFFFFFFD0];
	v13 =	vadd.s32 v1, v17;
	v5 =	vmov s17;
	[tilespmem:v6+s1+$0x0] =	vst.idx.msk $0xffff, v4;
	v6 =	vmov s18  }
0x1ca: {  	v16 =	vadd.s32 v1, v8;
	v4 =	vand.u32 $0x7C, v5;
	v5 =	vand.u32 $0x7F, v6;
	v18 =	vld [tilespmem:s5+$0xFFFFFFF0]  }
0x1cb: {  	v22 =	vadd.s32 v2, v9;
	s12 =	simm.s32 $0x5;
	v19 =	vld [tilespmem:s8+$0xFFFFFF10];
	v6 =	vmul.f32 $8.000000000e+00, v7;
	v20 =	vadd.s32 v0, v5  }
0x1cc: {  	v21 =	vld [tilespmem:s8+$0xFFFFFF50];
	s17 =	simm.s32 $0x6;
	v10 =	vmul.f32 $8.000000000e+00, v10;
	v7 =	vmul.f32 $8.000000000e+00, v11;
	v11 =	vmov s12  }
0x1cd: {  	v23 =	vadd.s32 v0, v4;
	[tilespmem:v12+s1+$0x0] =	vst.idx.msk $0xffff, v6;
	v12 =	vmov s17;
	v6 =	vand.u32 $0x7D, v11;
	v11 =	vld [tilespmem:s8+$0xFFFFFF90]  }
0x1ce: {  	[tilespmem:v13+s1+$0x0] =	vst.idx.msk $0xffff, v7;
	v13 =	vadd.s32 v0, v6;
	v7 =	vand.u32 $0x7E, v12;
	v12 =	vmul.f32 $8.000000000e+00, v14;
	v14 =	vld [tilespmem:s5+$0xFFFFFF70]  }
0x1cf: {  	[tilespmem:v16+s1+$0x0] =	vst.idx.msk $0xffff, v10;
	v10 =	vadd.s32 v0, v7;
	v16 =	vld [tilespmem:s5+$0xFFFFFFB0];
	v18 =	vmul.f32 $8.000000000e+00, v18  }
0x1d0: {  	v19 =	vmul.f32 $8.000000000e+00, v19;
	[tilespmem:v20+s1+$0x0] =	vst.idx.msk $0xffff, v12;
	v12 =	vld [tilespmem:s5+$0xFFFFFF30];
	v20 =	vadd.s32 v2, v15  }
0x1d1: {  	v25 =	vadd.s32 v2, v17;
	v21 =	vmul.f32 $8.000000000e+00, v21;
	v24 =	vld [tilespmem:s8+$0xFFFFFFE0];
	[tilespmem:v22+s1+$0x0] =	vst.idx.msk $0xffff, v18  }
0x1d2: {  	[tilespmem:v23+s1+$0x0] =	vst.idx.msk $0xffff, v19;
	v19 =	vadd.s32 v2, v8;
	v11 =	vmul.f32 $8.000000000e+00, v11;
	v22 =	vld [tilespmem:s5+$0x0]  }
0x1d3: {  	v23 =	vld [tilespmem:s8+$0xFFFFFF20];
	[tilespmem:v13+s1+$0x0] =	vst.idx.msk $0xffff, v21;
	v21 =	vadd.s32 v1, v5;
	v14 =	vmul.f32 $8.000000000e+00, v14  }
0x1d4: {  	v27 =	vadd.s32 v3, v9;
	v26 =	vld [tilespmem:s8+$0xFFFFFF60];
	[tilespmem:v10+s1+$0x0] =	vst.idx.msk $0xffff, v11;
	v10 =	vmul.f32 $8.000000000e+00, v16  }
0x1d5: {  	v18 =	vadd.s32 v1, v4;
	v13 =	vld [tilespmem:s8+$0xFFFFFFA0];
	v9 =	vmul.f32 $8.000000000e+00, v12;
	[tilespmem:v20+s1+$0x0] =	vst.idx.msk $0xffff, v14  }
0x1d6: {  	s12 =	simm.s32 $0x8;
	v16 =	vadd.s32 v1, v6;
	[tilespmem:v25+s1+$0x0] =	vst.idx.msk $0xffff, v10;
	v14 =	vmul.f32 $8.000000000e+00, v24;
	v12 =	vld [tilespmem:s5+$0xFFFFFF80]  }
0x1d7: {  	v20 =	vmov s12;
	v10 =	vadd.s32 v1, v7;
	v11 =	vld [tilespmem:s5+$0xFFFFFFC0];
	[tilespmem:v19+s1+$0x0] =	vst.idx.msk $0xffff, v9;
	v63 =	vmul.f32 $8.000000000e+00, v22  }
0x1d8: {  	s11 =	simm.s32 $0xC6F0;
	s18 =	simm.s32 $0xB;
	v15 =	vadd.s32 v3, v15;
	v9 =	vand.u32 $0x7C, v20;
	v20 =	vmul.f32 $8.000000000e+00, v23;
	[tilespmem:v21+s1+$0x0] =	vst.idx.msk $0xffff, v14;
	v14 =	vld [tilespmem:s5+$0xFFFFFF40]  }
0x1d9: {  	v17 =	vadd.s32 v3, v17;
	v22 =	vmov s18;
	v19 =	vld [tilespmem:s11+$0xFFFFFFD0];
	s5 =	simm.s32 $0xC;
	v21 =	vmul.f32 $8.000000000e+00, v26;
	[tilespmem:v27+s1+$0x0] =	vst.idx.msk $0xffff, v63  }
.LBB2_15:
0x1da: {  	p0 =	slt.u32 s5, $0x7C;
	s17 =	sadd.s32 $0x1, s12;
	v22 =	vand.u32 $0x7F, v22;
	[tilespmem:v18+s1+$0x0] =	vst.idx.msk $0xffff, v20;
	v13 =	vmul.f32 $8.000000000e+00, v13;
	v18 =	vld [tilespmem:s8+$0xFFFFFFF0];
	v20 =	vadd.s32 v3, v8;
	v8 =	vmovc v4  }
0x1db: {  	v4 =	vmovc v9;
	v23 =	vld [tilespmem:s11+$0xFFFFFF10];
	v24 =	vmov s17;
	s17 =	sadd.s32 $0x2, s12;
	v25 =	vadd.s32 v0, v22;
	[tilespmem:v16+s1+$0x0] =	vst.idx.msk $0xffff, v21;
	v12 =	vmul.f32 $8.000000000e+00, v12;
	s12 =	smov.u32 s5  }
0x1dc: {  	v9 =	vld [tilespmem:s11+$0xFFFFFF50];
	v16 =	vmov s17;
	[tilespmem:v10+s1+$0x0] =	vst.idx.msk $0xffff, v13;
	v10 =	vadd.s32 v2, v5;
	v11 =	vmul.f32 $8.000000000e+00, v11  }
0x1dd: {  	v13 =	vadd.s32 v0, v4;
	v21 =	vand.u32 $0x7D, v24;
	v24 =	vld [tilespmem:s11+$0xFFFFFF90];
	v14 =	vmul.f32 $8.000000000e+00, v14;
	[tilespmem:v15+s1+$0x0] =	vst.idx.msk $0xffff, v12  }
0x1de: {  	v12 =	vadd.s32 v0, v21;
	v26 =	vand.u32 $0x7E, v16;
	v15 =	vmul.f32 $8.000000000e+00, v19;
	v16 =	vld [tilespmem:s8+$0xFFFFFF70];
	[tilespmem:v17+s1+$0x0] =	vst.idx.msk $0xffff, v11  }
0x1df: {  	v11 =	vadd.s32 v0, v26;
	v17 =	vld [tilespmem:s8+$0xFFFFFFB0];
	v18 =	vmul.f32 $8.000000000e+00, v18;
	[tilespmem:v20+s1+$0x0] =	vst.idx.msk $0xffff, v14  }
0x1e0: {  	v19 =	vadd.s32 v2, v6;
	v14 =	vmul.f32 $8.000000000e+00, v23;
	[tilespmem:v25+s1+$0x0] =	vst.idx.msk $0xffff, v15;
	v15 =	vld [tilespmem:s8+$0xFFFFFF30]  }
0x1e1: {  	v23 =	vadd.s32 v2, v7;
	v9 =	vmul.f32 $8.000000000e+00, v9;
	v20 =	vld [tilespmem:s11+$0xFFFFFFE0];
	[tilespmem:v10+s1+$0x0] =	vst.idx.msk $0xffff, v18  }
0x1e2: {  	[tilespmem:v13+s1+$0x0] =	vst.idx.msk $0xffff, v14;
	v10 =	vmul.f32 $8.000000000e+00, v24;
	v14 =	vadd.s32 v2, v8;
	v24 =	vld [tilespmem:s8+$0x0]  }
0x1e3: {  	v27 =	vadd.s32 v1, v22;
	v25 =	vld [tilespmem:s11+$0xFFFFFF20];
	[tilespmem:v12+s1+$0x0] =	vst.idx.msk $0xffff, v9;
	v9 =	vmul.f32 $8.000000000e+00, v16  }
0x1e4: {  	v29 =	vadd.s32 v3, v5;
	v5 =	vmov v22;
	v28 =	vld [tilespmem:s11+$0xFFFFFF60];
	[tilespmem:v11+s1+$0x0] =	vst.idx.msk $0xffff, v10;
	v10 =	vmul.f32 $8.000000000e+00, v17  }
.Ltmp6:
0x1e5: {  	v18 =	vadd.s32 v1, v4;
	v13 =	vld [tilespmem:s11+$0xFFFFFFA0];
	v11 =	vmul.f32 $8.000000000e+00, v15;
	[tilespmem:v19+s1+$0x0] =	vst.idx.msk $0xffff, v9;
	(pc) =	sbr.rel @p0 .LBB2_15-.Ltmp6, $4  }
0x1e6: {  	v16 =	vadd.s32 v1, v21;
	v15 =	vmul.f32 $8.000000000e+00, v20;
	v12 =	vld [tilespmem:s8+$0xFFFFFF80];
	[tilespmem:v23+s1+$0x0] =	vst.idx.msk $0xffff, v10  }
0x1e7: {  	v9 =	vmov s5;
	v10 =	vadd.s32 v1, v26;
	[tilespmem:v14+s1+$0x0] =	vst.idx.msk $0xffff, v11;
	v11 =	vld [tilespmem:s8+$0xFFFFFFC0];
	v23 =	vmul.f32 $8.000000000e+00, v24  }
0x1e8: {  	s17 =	sadd.s32 $0x3, s5;
	v9 =	vand.u32 $0x7C, v9;
	v20 =	vmul.f32 $8.000000000e+00, v25;
	[tilespmem:v27+s1+$0x0] =	vst.idx.msk $0xffff, v15;
	v14 =	vld [tilespmem:s8+$0xFFFFFF40];
	v15 =	vadd.s32 v3, v6;
	v6 =	vmovc v21;
	s8 =	smov.u32 s11;
	s11 =	sadd.s32 $0x100, s11  }
0x1e9: {  	v22 =	vmov s17;
	v17 =	vadd.s32 v3, v7;
	v7 =	vmovc v26;
	s5 =	sadd.s32 $0x4, s5;
	v19 =	vld [tilespmem:s11+$0xFFFFFFD0];
	v21 =	vmul.f32 $8.000000000e+00, v28;
	[tilespmem:v29+s1+$0x0] =	vst.idx.msk $0xffff, v23  }
0x1ea: {  	s5 =	sadd.s32 $0x1, s12;
	v22 =	vand.u32 $0x7F, v22;
	v28 =	vld [tilespmem:s11+$0xFFFFFF10]  }
0x1eb: {  	s18 =	sadd.s32 $0x2, s12;
	v24 =	vld [tilespmem:s11+$0xFFFFFF50];
	v23 =	vmov s5;
	v25 =	vadd.s32 v0, v22  }
0x1ec: {  	v27 =	vld [tilespmem:s11+$0xFFFFFF90];
	v51 =	vadd.s32 v0, v9;
	v26 =	vmov s18;
	v23 =	vand.u32 $0x7D, v23  }
0x1ed: {  	v26 =	vand.u32 $0x7E, v26;
	v29 =	vadd.s32 v0, v23  }
0x1ee: {  	[tilespmem:v18+s1+$0x0] =	vst.idx.msk $0xffff, v20;
	v30 =	vadd.s32 v0, v26;
	v19 =	vmul.f32 $8.000000000e+00, v19  }
0x1ef: {  	[tilespmem:v16+s1+$0x0] =	vst.idx.msk $0xffff, v21;
	v54 =	vmul.f32 $8.000000000e+00, v28  }
0x1f0: {  	v52 =	vmul.f32 $8.000000000e+00, v24;
	[tilespmem:v25+s1+$0x0] =	vst.idx.msk $0xffff, v19  }
0x1f1: {  	v53 =	vmul.f32 $8.000000000e+00, v27;
	v55 =	vld [tilespmem:s11+$0xFFFFFFE0];
	[tilespmem:v51+s1+$0x0] =	vst.idx.msk $0xffff, v54  }
0x1f2: {  	v13 =	vmul.f32 $8.000000000e+00, v13;
	v8 =	vadd.s32 v3, v8;
	[tilespmem:v29+s1+$0x0] =	vst.idx.msk $0xffff, v52;
	v59 =	vld [tilespmem:s11+$0xFFFFFF20]  }
0x1f3: {  	v12 =	vmul.f32 $8.000000000e+00, v12;
	v57 =	vadd.s32 v1, v22;
	[tilespmem:v30+s1+$0x0] =	vst.idx.msk $0xffff, v53;
	v56 =	vld [tilespmem:s11+$0xFFFFFF60]  }
0x1f4: {  	[tilespmem:v10+s1+$0x0] =	vst.idx.msk $0xffff, v13;
	v58 =	vmul.f32 $8.000000000e+00, v11;
	v28 =	vadd.s32 v1, v9;
	v19 =	vld [tilespmem:s11+$0xFFFFFFA0]  }
0x1f5: {  	v61 =	vld [tilespmem:s8+$0xFFFFFFF0];
	v60 =	vadd.s32 v1, v23;
	v14 =	vmul.f32 $8.000000000e+00, v14;
	[tilespmem:v15+s1+$0x0] =	vst.idx.msk $0xffff, v12  }
0x1f6: {  	v32 =	vld [tilespmem:s8+$0xFFFFFF30];
	v62 =	vadd.s32 v1, v26;
	[tilespmem:v17+s1+$0x0] =	vst.idx.msk $0xffff, v58;
	v16 =	vmul.f32 $8.000000000e+00, v55  }
0x1f7: {  	[tilespmem:v8+s1+$0x0] =	vst.idx.msk $0xffff, v14;
	v29 =	vadd.s32 v2, v5;
	v30 =	vld [tilespmem:s8+$0xFFFFFFB0];
	v11 =	vmul.f32 $8.000000000e+00, v59  }
0x1f8: {  	v38 =	vadd.s32 v2, v4;
	v63 =	vld [tilespmem:s8+$0xFFFFFF70];
	v31 =	vmul.f32 $8.000000000e+00, v56;
	[tilespmem:v57+s1+$0x0] =	vst.idx.msk $0xffff, v16  }
0x1f9: {  	v35 =	vadd.s32 v2, v7;
	v34 =	vmul.f32 $8.000000000e+00, v19;
	v36 =	vld [tilespmem:s11+$0xFFFFFFF0];
	[tilespmem:v28+s1+$0x0] =	vst.idx.msk $0xffff, v11  }
0x1fa: {  	v33 =	vadd.s32 v2, v6;
	v37 =	vmul.f32 $8.000000000e+00, v61;
	[tilespmem:v60+s1+$0x0] =	vst.idx.msk $0xffff, v31;
	v43 =	vld [tilespmem:s11+$0xFFFFFF30]  }
0x1fb: {  	v40 =	vadd.s32 v2, v22;
	v14 =	vmul.f32 $8.000000000e+00, v32;
	[tilespmem:v62+s1+$0x0] =	vst.idx.msk $0xffff, v34;
	v39 =	vld [tilespmem:s11+$0xFFFFFF70]  }
0x1fc: {  	v48 =	vadd.s32 v2, v9;
	[tilespmem:v29+s1+$0x0] =	vst.idx.msk $0xffff, v37;
	v42 =	vmul.f32 $8.000000000e+00, v30;
	v41 =	vld [tilespmem:s11+$0xFFFFFFB0]  }
0x1fd: {  	v44 =	vadd.s32 v2, v23;
	v15 =	vmul.f32 $8.000000000e+00, v63;
	[tilespmem:v38+s1+$0x0] =	vst.idx.msk $0xffff, v14;
	v45 =	vld [tilespmem:s8+$0x0]  }
0x1fe: {  	v46 =	vadd.s32 v2, v26;
	v14 =	vld [tilespmem:s8+$0xFFFFFF40];
	[tilespmem:v35+s1+$0x0] =	vst.idx.msk $0xffff, v42;
	v47 =	vmul.f32 $8.000000000e+00, v36  }
0x1ff: {  	v5 =	vadd.s32 v3, v5;
	[tilespmem:v33+s1+$0x0] =	vst.idx.msk $0xffff, v15;
	v49 =	vld [tilespmem:s8+$0xFFFFFFC0];
	v53 =	vmul.f32 $8.000000000e+00, v43  }
0x200: {  	v4 =	vadd.s32 v3, v4;
	v21 =	vld [tilespmem:s8+$0xFFFFFF80];
	v12 =	vmul.f32 $8.000000000e+00, v39;
	[tilespmem:v40+s1+$0x0] =	vst.idx.msk $0xffff, v47  }
0x201: {  	v52 =	vadd.s32 v3, v7;
	v51 =	vmul.f32 $8.000000000e+00, v41;
	v10 =	vld [tilespmem:s11+$0x0];
	[tilespmem:v48+s1+$0x0] =	vst.idx.msk $0xffff, v53  }
0x202: {  	v50 =	vadd.s32 v3, v6;
	v54 =	vmul.f32 $8.000000000e+00, v45;
	[tilespmem:v44+s1+$0x0] =	vst.idx.msk $0xffff, v12;
	v59 =	vld [tilespmem:s11+$0xFFFFFF40]  }
0x203: {  	v57 =	vadd.s32 v3, v22;
	v14 =	vmul.f32 $8.000000000e+00, v14;
	[tilespmem:v46+s1+$0x0] =	vst.idx.msk $0xffff, v51;
	v55 =	vld [tilespmem:s11+$0xFFFFFF80]  }
0x204: {  	v62 =	vadd.s32 v3, v9;
	[tilespmem:v5+s1+$0x0] =	vst.idx.msk $0xffff, v54;
	v5 =	vmul.f32 $8.000000000e+00, v49;
	v58 =	vld [tilespmem:s11+$0xFFFFFFC0]  }
0x205: {  	v56 =	vmul.f32 $8.000000000e+00, v21;
	v60 =	vadd.s32 v3, v23;
	[tilespmem:v4+s1+$0x0] =	vst.idx.msk $0xffff, v14  }
0x206: {  	v61 =	vadd.s32 v3, v26;
	[tilespmem:v52+s1+$0x0] =	vst.idx.msk $0xffff, v5;
	v5 =	vmul.f32 $8.000000000e+00, v10  }
0x207: {  	[tilespmem:v50+s1+$0x0] =	vst.idx.msk $0xffff, v56;
	v63 =	vmul.f32 $8.000000000e+00, v59  }
0x208: {  	v4 =	vmul.f32 $8.000000000e+00, v55;
	[tilespmem:v57+s1+$0x0] =	vst.idx.msk $0xffff, v5  }
0x209: {  	v5 =	vmul.f32 $8.000000000e+00, v58;
	[tilespmem:v62+s1+$0x0] =	vst.idx.msk $0xffff, v63  }
0x20a: {  	[tilespmem:v60+s1+$0x0] =	vst.idx.msk $0xffff, v4  }
0x20b: {  	s8 =	sadd.s32 s23, s10;
	s11 =	simm.s32 $0x14A00;
	[tilespmem:v61+s1+$0x0] =	vst.idx.msk $0xffff, v5  }
0x20c: {  	[hbm4b:s8+s3] =	stream.linear.scatter [tilespmem:s11], [sflag:$0x8], $0x80, $0x38;
	[tilespmem:$0x16C00] =	vst v63  }
0x20d: {  	s12 =	simm.s32 $0x14A88;
	s17 =	sadd.s32 $0x10, s8  }
0x20e: {  	[hbm4b:s17+s3] =	stream.linear.scatter [tilespmem:s12], [sflag:$0x8], $0x80, $0x38;
	[tilespmem:$0x16C00] =	vst v63  }
0x20f: {  	s18 =	simm.s32 $0x14B10;
	s5 =	simm.s32 $0x440;
	s23 =	sadd.s32 $0x20, s8  }
0x210: {  	[hbm4b:s23+s3] =	stream.linear.scatter [tilespmem:s18], [sflag:$0x8], $0x80, $0x38;
	[tilespmem:$0x16C00] =	vst v63  }
0x211: {  	s11 =	simm.s32 $0x2200;
	s12 =	simm.s32 $0x14B98;
	s17 =	sadd.s32 $0x30, s8  }
0x212: {  	[hbm4b:s17+s3] =	stream.linear.scatter [tilespmem:s12], [sflag:$0x8], $0x80, $0x38;
	[tilespmem:$0x16C00] =	vst v63  }
0x213: {  	s18 =	simm.s32 $0x14C20;
	s23 =	sadd.s32 $0x40, s8;
	s12 =	simm.s32 $0x14CA8  }
0x214: {  	[hbm4b:s23+s3] =	stream.linear.scatter [tilespmem:s18], [sflag:$0x8], $0x80, $0x38;
	[tilespmem:$0x16C00] =	vst v63  }
0x215: {  	s17 =	sadd.s32 $0x50, s8;
	s18 =	simm.s32 $0x14D30;
	s23 =	sadd.s32 $0x60, s8  }
0x216: {  	[hbm4b:s17+s3] =	stream.linear.scatter [tilespmem:s12], [sflag:$0x8], $0x80, $0x38;
	[tilespmem:$0x16C00] =	vst v63  }
0x217: {  	s12 =	simm.s32 $0x14DB8;
	s17 =	sadd.s32 $0x70, s8;
	s8 =	sadd.s32 $0x1000, s8  }
0x218: {  	[hbm4b:s23+s3] =	stream.linear.scatter [tilespmem:s18], [sflag:$0x8], $0x80, $0x38;
	[tilespmem:$0x16C00] =	vst v63  }
.LBB2_17:
0x219: {  	[hbm4b:s17+s3] =	stream.linear.scatter [tilespmem:s12], [sflag:$0x8], $0x80, $0x38;
	[tilespmem:$0x16C00] =	vst v63  }
0x21a: {  	s12 =	smov.u32 s5;
	s5 =	smov.u32 s11  }
0x21b: {  	s18 =	sadd.s32 $0x1100, s11;
	s5 =	sshra.s32 s5, $0x2;
	s17 =	sadd.s32 $0x14A00, s12  }
0x21c: {  	[hbm4b:s8+s3] =	stream.linear.scatter [tilespmem:s17], [sflag:$0x8], $0x80, $0x38;
	[tilespmem:$0x16C00] =	vst v63  }
0x21d: {  	p0 =	sne.s32 s11, $0x7700;
	s11 =	sadd.s32 $0x14A88, s12;
	s17 =	sadd.s32 $0x10, s8  }
0x21e: {  	[hbm4b:s17+s3] =	stream.linear.scatter [tilespmem:s11], [sflag:$0x8], $0x80, $0x38;
	[tilespmem:$0x16C00] =	vst v63  }
0x21f: {  	s11 =	sadd.s32 $0x14B10, s12;
	s17 =	sadd.s32 $0x20, s8  }
0x220: {  	[hbm4b:s17+s3] =	stream.linear.scatter [tilespmem:s11], [sflag:$0x8], $0x80, $0x38;
	[tilespmem:$0x16C00] =	vst v63  }
0x221: {  	s11 =	sadd.s32 $0x14B98, s12;
	s17 =	sadd.s32 $0x30, s8  }
0x222: {  	[hbm4b:s17+s3] =	stream.linear.scatter [tilespmem:s11], [sflag:$0x8], $0x80, $0x38;
	[tilespmem:$0x16C00] =	vst v63  }
0x223: {  	s11 =	sadd.s32 $0x14C20, s12;
	s17 =	sadd.s32 $0x40, s8  }
0x224: {  	[hbm4b:s17+s3] =	stream.linear.scatter [tilespmem:s11], [sflag:$0x8], $0x80, $0x38;
	[tilespmem:$0x16C00] =	vst v63  }
.Ltmp7:
0x225: {  	s11 =	sadd.s32 $0x14CA8, s12;
	s17 =	sadd.s32 $0x50, s8;
	(pc) =	sbr.rel @p0 .LBB2_17-.Ltmp7, $4  }
0x226: {  	[hbm4b:s17+s3] =	stream.linear.scatter [tilespmem:s11], [sflag:$0x8], $0x80, $0x38;
	[tilespmem:$0x16C00] =	vst v63  }
0x227: {  	s11 =	sadd.s32 $0x14D30, s12;
	s17 =	sadd.s32 $0x60, s8;
	s12 =	sadd.s32 $0x14DB8, s12  }
0x228: {  	[hbm4b:s17+s3] =	stream.linear.scatter [tilespmem:s11], [sflag:$0x8], $0x80, $0x38;
	[tilespmem:$0x16C00] =	vst v63  }
0x229: {  	s17 =	sadd.s32 $0x70, s8;
	s8 =	sadd.s32 $0x1000, s8;
	s11 =	smov.u32 s18  }
0x22a: {  	[hbm4b:s17+s3] =	stream.linear.scatter [tilespmem:s12], [sflag:$0x8], $0x80, $0x38;
	[tilespmem:$0x16C00] =	vst v63  }
0x22b: {  	s11 =	sadd.s32 $0x14A00, s5  }
0x22c: {  	[hbm4b:s8+s3] =	stream.linear.scatter [tilespmem:s11], [sflag:$0x8], $0x80, $0x38;
	[tilespmem:$0x16C00] =	vst v63  }
0x22d: {  	s18 =	sadd.s32 $0x14A88, s5;
	s23 =	sadd.s32 $0x10, s8  }
0x22e: {  	[hbm4b:s23+s3] =	stream.linear.scatter [tilespmem:s18], [sflag:$0x8], $0x80, $0x38;
	[tilespmem:$0x16C00] =	vst v63  }
0x22f: {  	s12 =	sadd.s32 $0x14B10, s5;
	s17 =	sadd.s32 $0x20, s8  }
0x230: {  	[hbm4b:s17+s3] =	stream.linear.scatter [tilespmem:s12], [sflag:$0x8], $0x80, $0x38;
	[tilespmem:$0x16C00] =	vst v63  }
0x231: {  	s18 =	sadd.s32 $0x14B98, s5;
	s23 =	sadd.s32 $0x30, s8  }
0x232: {  	[hbm4b:s23+s3] =	stream.linear.scatter [tilespmem:s18], [sflag:$0x8], $0x80, $0x38;
	[tilespmem:$0x16C00] =	vst v63  }
0x233: {  	s12 =	sadd.s32 $0x14C20, s5;
	s17 =	sadd.s32 $0x40, s8  }
0x234: {  	[hbm4b:s17+s3] =	stream.linear.scatter [tilespmem:s12], [sflag:$0x8], $0x80, $0x38;
	[tilespmem:$0x16C00] =	vst v63  }
0x235: {  	s18 =	sadd.s32 $0x14CA8, s5;
	s23 =	sadd.s32 $0x50, s8  }
0x236: {  	[hbm4b:s23+s3] =	stream.linear.scatter [tilespmem:s18], [sflag:$0x8], $0x80, $0x38;
	[tilespmem:$0x16C00] =	vst v63  }
0x237: {  	s17 =	sadd.s32 $0x14D30, s5;
	s18 =	sadd.s32 $0x60, s8  }
0x238: {  	[hbm4b:s18+s3] =	stream.linear.scatter [tilespmem:s17], [sflag:$0x8], $0x80, $0x38;
	[tilespmem:$0x16C00] =	vst v63  }
0x239: {  	s11 =	sadd.s32 $0x70, s8;
	s23 =	sadd.s32 $0x14DB8, s5  }
0x23a: {  	[hbm4b:s11+s3] =	stream.linear.scatter [tilespmem:s23], [sflag:$0x8], $0x80, $0x38;
	[tilespmem:$0x16C00] =	vst v63  }
0x23b: {  	s12 =	sshll.u32 s6, $0x9;
	_ =	swait.ge [sflag:s15], $0x2000  }
0x23c: {  	s23 =	sand.u32 $0x3FFFFE00, s12;
	[sflag:s15] =	ssyncset.done $0x0  }
0x23d: {  	s5 =	sadd.s32 $0x300, s23;
	[sflag:s15] =	ssyncadd.s32 $0xFFFFE000  }
0x23e: {  	[tilespmem:s20], [sflag:$0x3] =	stream.indirect.gather [hbm4b:s4+s14], $0x40, s5, s14, $0xb8;
	[tilespmem:$0x16C00] =	vst v63  }
0x23f: {  	_ =	swait.ge [sflag:s21], $0x2000  }
0x240: {  	[sflag:s21] =	ssyncset.done $0x0  }
0x241: {  	s17 =	simm.s32 $0x3;
	s5 =	simm.s32 $0x6480;
	[sflag:s21] =	ssyncadd.s32 $0xFFFFE000  }
0x242: {  	v4 =	vmov s17;
	v5 =	vld [tilespmem:s5+$0x40]  }
0x243: {  	v9 =	vand.u32 $0x7F, v4  }
0x244: {  	s18 =	simm.s32 $0x0;
	v4 =	vadd.s32 v0, v9  }
0x245: {  	v6 =	vmov s18;
	s11 =	simm.s32 $0x1;
	s12 =	simm.s32 $0x2;
	v7 =	vld [tilespmem:s5+$0xFFFFFF80]  }
0x246: {  	v8 =	vand.u32 $0x7C, v6;
	v6 =	vmov s11;
	v11 =	vmov s12;
	v10 =	vld [tilespmem:s5+$0xFFFFFFC0]  }
0x247: {  	v12 =	vadd.s32 v0, v8;
	v15 =	vand.u32 $0x7D, v6;
	v6 =	vld [tilespmem:s5+$0x0];
	v5 =	vmul.f32 $8.000000000e+00, v5  }
0x248: {  	v17 =	vand.u32 $0x7E, v11;
	v13 =	vadd.s32 v0, v15  }
0x249: {  	v11 =	vadd.s32 v0, v17;
	[tilespmem:v4+s22+$0x0] =	vst.idx.msk $0xffff, v5  }
0x24a: {  	v4 =	vmul.f32 $8.000000000e+00, v7;
	v5 =	vld [tilespmem:s5+$0x50]  }
0x24b: {  	v7 =	vmul.f32 $8.000000000e+00, v10  }
0x24c: {  	[tilespmem:v12+s22+$0x0] =	vst.idx.msk $0xffff, v4;
	v4 =	vmul.f32 $8.000000000e+00, v6;
	v6 =	vadd.s32 v1, v9  }
0x24d: {  	[tilespmem:v13+s22+$0x0] =	vst.idx.msk $0xffff, v7;
	v10 =	vld [tilespmem:s5+$0xFFFFFF90]  }
0x24e: {  	v7 =	vld [tilespmem:s5+$0xFFFFFFD0];
	[tilespmem:v11+s22+$0x0] =	vst.idx.msk $0xffff, v4  }
0x24f: {  	v11 =	vld [tilespmem:s5+$0x10];
	v4 =	vmul.f32 $8.000000000e+00, v5  }
0x250: {  	s8 =	simm.s32 $0x6580;
	s17 =	simm.s32 $0x4;
	s18 =	simm.s32 $0x7;
	v12 =	vadd.s32 v1, v15  }
0x251: {  	v14 =	vld [tilespmem:s8+$0x40];
	v13 =	vadd.s32 v1, v17;
	v5 =	vmov s17;
	[tilespmem:v6+s22+$0x0] =	vst.idx.msk $0xffff, v4;
	v6 =	vmov s18  }
0x252: {  	v16 =	vadd.s32 v1, v8;
	v4 =	vand.u32 $0x7C, v5;
	v5 =	vand.u32 $0x7F, v6;
	v18 =	vld [tilespmem:s5+$0x60]  }
0x253: {  	s12 =	simm.s32 $0x5;
	v22 =	vadd.s32 v2, v9;
	v19 =	vld [tilespmem:s8+$0xFFFFFF80];
	v6 =	vmul.f32 $8.000000000e+00, v7;
	v20 =	vadd.s32 v0, v5  }
0x254: {  	v21 =	vld [tilespmem:s8+$0xFFFFFFC0];
	s17 =	simm.s32 $0x6;
	v10 =	vmul.f32 $8.000000000e+00, v10;
	v7 =	vmul.f32 $8.000000000e+00, v11;
	v11 =	vmov s12  }
0x255: {  	v23 =	vadd.s32 v0, v4;
	[tilespmem:v12+s22+$0x0] =	vst.idx.msk $0xffff, v6;
	v12 =	vmov s17;
	v6 =	vand.u32 $0x7D, v11;
	v11 =	vld [tilespmem:s8+$0x0]  }
0x256: {  	[tilespmem:v13+s22+$0x0] =	vst.idx.msk $0xffff, v7;
	v13 =	vadd.s32 v0, v6;
	v7 =	vand.u32 $0x7E, v12;
	v12 =	vmul.f32 $8.000000000e+00, v14;
	v14 =	vld [tilespmem:s5+$0xFFFFFFE0]  }
0x257: {  	[tilespmem:v16+s22+$0x0] =	vst.idx.msk $0xffff, v10;
	v10 =	vadd.s32 v0, v7;
	v16 =	vld [tilespmem:s5+$0x20];
	v18 =	vmul.f32 $8.000000000e+00, v18  }
0x258: {  	v19 =	vmul.f32 $8.000000000e+00, v19;
	[tilespmem:v20+s22+$0x0] =	vst.idx.msk $0xffff, v12;
	v12 =	vld [tilespmem:s5+$0xFFFFFFA0];
	v20 =	vadd.s32 v2, v15  }
0x259: {  	v25 =	vadd.s32 v2, v17;
	v21 =	vmul.f32 $8.000000000e+00, v21;
	v24 =	vld [tilespmem:s8+$0x50];
	[tilespmem:v22+s22+$0x0] =	vst.idx.msk $0xffff, v18  }
0x25a: {  	[tilespmem:v23+s22+$0x0] =	vst.idx.msk $0xffff, v19;
	v19 =	vadd.s32 v2, v8;
	v11 =	vmul.f32 $8.000000000e+00, v11;
	v22 =	vld [tilespmem:s5+$0x70]  }
0x25b: {  	v23 =	vld [tilespmem:s8+$0xFFFFFF90];
	[tilespmem:v13+s22+$0x0] =	vst.idx.msk $0xffff, v21;
	v21 =	vadd.s32 v1, v5;
	v14 =	vmul.f32 $8.000000000e+00, v14  }
0x25c: {  	v27 =	vadd.s32 v3, v9;
	v26 =	vld [tilespmem:s8+$0xFFFFFFD0];
	[tilespmem:v10+s22+$0x0] =	vst.idx.msk $0xffff, v11;
	v10 =	vmul.f32 $8.000000000e+00, v16  }
0x25d: {  	v18 =	vadd.s32 v1, v4;
	v13 =	vld [tilespmem:s8+$0x10];
	v9 =	vmul.f32 $8.000000000e+00, v12;
	[tilespmem:v20+s22+$0x0] =	vst.idx.msk $0xffff, v14  }
0x25e: {  	s12 =	simm.s32 $0x8;
	v16 =	vadd.s32 v1, v6;
	[tilespmem:v25+s22+$0x0] =	vst.idx.msk $0xffff, v10;
	v14 =	vmul.f32 $8.000000000e+00, v24;
	v12 =	vld [tilespmem:s5+$0xFFFFFFF0]  }
0x25f: {  	v20 =	vmov s12;
	v10 =	vadd.s32 v1, v7;
	v11 =	vld [tilespmem:s5+$0x30];
	[tilespmem:v19+s22+$0x0] =	vst.idx.msk $0xffff, v9;
	v63 =	vmul.f32 $8.000000000e+00, v22  }
0x260: {  	s11 =	simm.s32 $0x6680;
	s18 =	simm.s32 $0xB;
	v15 =	vadd.s32 v3, v15;
	v9 =	vand.u32 $0x7C, v20;
	v20 =	vmul.f32 $8.000000000e+00, v23;
	[tilespmem:v21+s22+$0x0] =	vst.idx.msk $0xffff, v14;
	v14 =	vld [tilespmem:s5+$0xFFFFFFB0]  }
0x261: {  	v17 =	vadd.s32 v3, v17;
	v22 =	vmov s18;
	v19 =	vld [tilespmem:s11+$0x40];
	s5 =	simm.s32 $0xC;
	v21 =	vmul.f32 $8.000000000e+00, v26;
	[tilespmem:v27+s22+$0x0] =	vst.idx.msk $0xffff, v63  }
.LBB2_19:
0x262: {  	p0 =	slt.u32 s5, $0x7C;
	s17 =	sadd.s32 $0x1, s12;
	v22 =	vand.u32 $0x7F, v22;
	[tilespmem:v18+s22+$0x0] =	vst.idx.msk $0xffff, v20;
	v13 =	vmul.f32 $8.000000000e+00, v13;
	v18 =	vld [tilespmem:s8+$0x60];
	v20 =	vadd.s32 v3, v8;
	v8 =	vmovc v4  }
0x263: {  	v4 =	vmovc v9;
	v23 =	vld [tilespmem:s11+$0xFFFFFF80];
	v24 =	vmov s17;
	s17 =	sadd.s32 $0x2, s12;
	v25 =	vadd.s32 v0, v22;
	[tilespmem:v16+s22+$0x0] =	vst.idx.msk $0xffff, v21;
	v12 =	vmul.f32 $8.000000000e+00, v12;
	s12 =	smov.u32 s5  }
0x264: {  	v9 =	vld [tilespmem:s11+$0xFFFFFFC0];
	v16 =	vmov s17;
	[tilespmem:v10+s22+$0x0] =	vst.idx.msk $0xffff, v13;
	v10 =	vadd.s32 v2, v5;
	v11 =	vmul.f32 $8.000000000e+00, v11  }
0x265: {  	v13 =	vadd.s32 v0, v4;
	v21 =	vand.u32 $0x7D, v24;
	v24 =	vld [tilespmem:s11+$0x0];
	v14 =	vmul.f32 $8.000000000e+00, v14;
	[tilespmem:v15+s22+$0x0] =	vst.idx.msk $0xffff, v12  }
0x266: {  	v12 =	vadd.s32 v0, v21;
	v26 =	vand.u32 $0x7E, v16;
	v15 =	vmul.f32 $8.000000000e+00, v19;
	v16 =	vld [tilespmem:s8+$0xFFFFFFE0];
	[tilespmem:v17+s22+$0x0] =	vst.idx.msk $0xffff, v11  }
0x267: {  	v11 =	vadd.s32 v0, v26;
	v17 =	vld [tilespmem:s8+$0x20];
	v18 =	vmul.f32 $8.000000000e+00, v18;
	[tilespmem:v20+s22+$0x0] =	vst.idx.msk $0xffff, v14  }
0x268: {  	v19 =	vadd.s32 v2, v6;
	v14 =	vmul.f32 $8.000000000e+00, v23;
	[tilespmem:v25+s22+$0x0] =	vst.idx.msk $0xffff, v15;
	v15 =	vld [tilespmem:s8+$0xFFFFFFA0]  }
0x269: {  	v23 =	vadd.s32 v2, v7;
	v9 =	vmul.f32 $8.000000000e+00, v9;
	v20 =	vld [tilespmem:s11+$0x50];
	[tilespmem:v10+s22+$0x0] =	vst.idx.msk $0xffff, v18  }
0x26a: {  	[tilespmem:v13+s22+$0x0] =	vst.idx.msk $0xffff, v14;
	v10 =	vmul.f32 $8.000000000e+00, v24;
	v14 =	vadd.s32 v2, v8;
	v24 =	vld [tilespmem:s8+$0x70]  }
0x26b: {  	v27 =	vadd.s32 v1, v22;
	v25 =	vld [tilespmem:s11+$0xFFFFFF90];
	[tilespmem:v12+s22+$0x0] =	vst.idx.msk $0xffff, v9;
	v9 =	vmul.f32 $8.000000000e+00, v16  }
0x26c: {  	v29 =	vadd.s32 v3, v5;
	v5 =	vmov v22;
	v28 =	vld [tilespmem:s11+$0xFFFFFFD0];
	[tilespmem:v11+s22+$0x0] =	vst.idx.msk $0xffff, v10;
	v10 =	vmul.f32 $8.000000000e+00, v17  }
.Ltmp8:
0x26d: {  	v18 =	vadd.s32 v1, v4;
	v13 =	vld [tilespmem:s11+$0x10];
	v11 =	vmul.f32 $8.000000000e+00, v15;
	[tilespmem:v19+s22+$0x0] =	vst.idx.msk $0xffff, v9;
	(pc) =	sbr.rel @p0 .LBB2_19-.Ltmp8, $4  }
0x26e: {  	v16 =	vadd.s32 v1, v21;
	v15 =	vmul.f32 $8.000000000e+00, v20;
	v12 =	vld [tilespmem:s8+$0xFFFFFFF0];
	[tilespmem:v23+s22+$0x0] =	vst.idx.msk $0xffff, v10  }
0x26f: {  	v9 =	vmov s5;
	v10 =	vadd.s32 v1, v26;
	[tilespmem:v14+s22+$0x0] =	vst.idx.msk $0xffff, v11;
	v11 =	vld [tilespmem:s8+$0x30];
	v23 =	vmul.f32 $8.000000000e+00, v24  }
0x270: {  	s17 =	sadd.s32 $0x3, s5;
	v9 =	vand.u32 $0x7C, v9;
	v20 =	vmul.f32 $8.000000000e+00, v25;
	[tilespmem:v27+s22+$0x0] =	vst.idx.msk $0xffff, v15;
	v14 =	vld [tilespmem:s8+$0xFFFFFFB0];
	v15 =	vadd.s32 v3, v6;
	v6 =	vmovc v21;
	s8 =	smov.u32 s11;
	s11 =	sadd.s32 $0x100, s11  }
0x271: {  	v22 =	vmov s17;
	v17 =	vadd.s32 v3, v7;
	v7 =	vmovc v26;
	s5 =	sadd.s32 $0x4, s5;
	v19 =	vld [tilespmem:s11+$0x40];
	v21 =	vmul.f32 $8.000000000e+00, v28;
	[tilespmem:v29+s22+$0x0] =	vst.idx.msk $0xffff, v23  }
0x272: {  	s5 =	sadd.s32 $0x1, s12;
	v22 =	vand.u32 $0x7F, v22;
	v28 =	vld [tilespmem:s11+$0xFFFFFF80]  }
0x273: {  	s18 =	sadd.s32 $0x2, s12;
	v24 =	vld [tilespmem:s11+$0xFFFFFFC0];
	v23 =	vmov s5;
	v25 =	vadd.s32 v0, v22  }
0x274: {  	v27 =	vld [tilespmem:s11+$0x0];
	v51 =	vadd.s32 v0, v9;
	v26 =	vmov s18;
	v23 =	vand.u32 $0x7D, v23  }
0x275: {  	v26 =	vand.u32 $0x7E, v26;
	v29 =	vadd.s32 v0, v23  }
0x276: {  	[tilespmem:v18+s22+$0x0] =	vst.idx.msk $0xffff, v20;
	v30 =	vadd.s32 v0, v26;
	v19 =	vmul.f32 $8.000000000e+00, v19  }
0x277: {  	[tilespmem:v16+s22+$0x0] =	vst.idx.msk $0xffff, v21;
	v54 =	vmul.f32 $8.000000000e+00, v28  }
0x278: {  	v52 =	vmul.f32 $8.000000000e+00, v24;
	[tilespmem:v25+s22+$0x0] =	vst.idx.msk $0xffff, v19  }
0x279: {  	v53 =	vmul.f32 $8.000000000e+00, v27;
	v55 =	vld [tilespmem:s11+$0x50];
	[tilespmem:v51+s22+$0x0] =	vst.idx.msk $0xffff, v54  }
0x27a: {  	v13 =	vmul.f32 $8.000000000e+00, v13;
	v8 =	vadd.s32 v3, v8;
	[tilespmem:v29+s22+$0x0] =	vst.idx.msk $0xffff, v52;
	v59 =	vld [tilespmem:s11+$0xFFFFFF90]  }
0x27b: {  	v12 =	vmul.f32 $8.000000000e+00, v12;
	v57 =	vadd.s32 v1, v22;
	[tilespmem:v30+s22+$0x0] =	vst.idx.msk $0xffff, v53;
	v56 =	vld [tilespmem:s11+$0xFFFFFFD0]  }
0x27c: {  	[tilespmem:v10+s22+$0x0] =	vst.idx.msk $0xffff, v13;
	v58 =	vmul.f32 $8.000000000e+00, v11;
	v28 =	vadd.s32 v1, v9;
	v19 =	vld [tilespmem:s11+$0x10]  }
0x27d: {  	v61 =	vld [tilespmem:s8+$0x60];
	v60 =	vadd.s32 v1, v23;
	v14 =	vmul.f32 $8.000000000e+00, v14;
	[tilespmem:v15+s22+$0x0] =	vst.idx.msk $0xffff, v12  }
0x27e: {  	v32 =	vld [tilespmem:s8+$0xFFFFFFA0];
	v62 =	vadd.s32 v1, v26;
	[tilespmem:v17+s22+$0x0] =	vst.idx.msk $0xffff, v58;
	v16 =	vmul.f32 $8.000000000e+00, v55  }
0x27f: {  	[tilespmem:v8+s22+$0x0] =	vst.idx.msk $0xffff, v14;
	v29 =	vadd.s32 v2, v5;
	v30 =	vld [tilespmem:s8+$0x20];
	v11 =	vmul.f32 $8.000000000e+00, v59  }
0x280: {  	v38 =	vadd.s32 v2, v4;
	v63 =	vld [tilespmem:s8+$0xFFFFFFE0];
	v31 =	vmul.f32 $8.000000000e+00, v56;
	[tilespmem:v57+s22+$0x0] =	vst.idx.msk $0xffff, v16  }
0x281: {  	v35 =	vadd.s32 v2, v7;
	v34 =	vmul.f32 $8.000000000e+00, v19;
	v36 =	vld [tilespmem:s11+$0x60];
	[tilespmem:v28+s22+$0x0] =	vst.idx.msk $0xffff, v11  }
0x282: {  	v33 =	vadd.s32 v2, v6;
	v37 =	vmul.f32 $8.000000000e+00, v61;
	[tilespmem:v60+s22+$0x0] =	vst.idx.msk $0xffff, v31;
	v43 =	vld [tilespmem:s11+$0xFFFFFFA0]  }
0x283: {  	v40 =	vadd.s32 v2, v22;
	v14 =	vmul.f32 $8.000000000e+00, v32;
	[tilespmem:v62+s22+$0x0] =	vst.idx.msk $0xffff, v34;
	v39 =	vld [tilespmem:s11+$0xFFFFFFE0]  }
0x284: {  	v48 =	vadd.s32 v2, v9;
	[tilespmem:v29+s22+$0x0] =	vst.idx.msk $0xffff, v37;
	v42 =	vmul.f32 $8.000000000e+00, v30;
	v41 =	vld [tilespmem:s11+$0x20]  }
0x285: {  	v44 =	vadd.s32 v2, v23;
	v15 =	vmul.f32 $8.000000000e+00, v63;
	[tilespmem:v38+s22+$0x0] =	vst.idx.msk $0xffff, v14;
	v45 =	vld [tilespmem:s8+$0x70]  }
0x286: {  	v46 =	vadd.s32 v2, v26;
	v14 =	vld [tilespmem:s8+$0xFFFFFFB0];
	[tilespmem:v35+s22+$0x0] =	vst.idx.msk $0xffff, v42;
	v47 =	vmul.f32 $8.000000000e+00, v36  }
0x287: {  	v5 =	vadd.s32 v3, v5;
	[tilespmem:v33+s22+$0x0] =	vst.idx.msk $0xffff, v15;
	v49 =	vld [tilespmem:s8+$0x30];
	v53 =	vmul.f32 $8.000000000e+00, v43  }
0x288: {  	v4 =	vadd.s32 v3, v4;
	v21 =	vld [tilespmem:s8+$0xFFFFFFF0];
	v12 =	vmul.f32 $8.000000000e+00, v39;
	[tilespmem:v40+s22+$0x0] =	vst.idx.msk $0xffff, v47  }
0x289: {  	v52 =	vadd.s32 v3, v7;
	v51 =	vmul.f32 $8.000000000e+00, v41;
	v10 =	vld [tilespmem:s11+$0x70];
	[tilespmem:v48+s22+$0x0] =	vst.idx.msk $0xffff, v53  }
0x28a: {  	v50 =	vadd.s32 v3, v6;
	v54 =	vmul.f32 $8.000000000e+00, v45;
	[tilespmem:v44+s22+$0x0] =	vst.idx.msk $0xffff, v12;
	v59 =	vld [tilespmem:s11+$0xFFFFFFB0]  }
0x28b: {  	v57 =	vadd.s32 v3, v22;
	v14 =	vmul.f32 $8.000000000e+00, v14;
	[tilespmem:v46+s22+$0x0] =	vst.idx.msk $0xffff, v51;
	v55 =	vld [tilespmem:s11+$0xFFFFFFF0]  }
0x28c: {  	v62 =	vadd.s32 v3, v9;
	[tilespmem:v5+s22+$0x0] =	vst.idx.msk $0xffff, v54;
	v5 =	vmul.f32 $8.000000000e+00, v49;
	v58 =	vld [tilespmem:s11+$0x30]  }
0x28d: {  	v56 =	vmul.f32 $8.000000000e+00, v21;
	v60 =	vadd.s32 v3, v23;
	[tilespmem:v4+s22+$0x0] =	vst.idx.msk $0xffff, v14  }
0x28e: {  	v61 =	vadd.s32 v3, v26;
	[tilespmem:v52+s22+$0x0] =	vst.idx.msk $0xffff, v5;
	v5 =	vmul.f32 $8.000000000e+00, v10  }
0x28f: {  	[tilespmem:v50+s22+$0x0] =	vst.idx.msk $0xffff, v56;
	v63 =	vmul.f32 $8.000000000e+00, v59  }
0x290: {  	s8 =	sshll.u32 s13, $0x12;
	v4 =	vmul.f32 $8.000000000e+00, v55;
	[tilespmem:v57+s22+$0x0] =	vst.idx.msk $0xffff, v5  }
0x291: {  	s5 =	sor.u32 s7, s8;
	v5 =	vmul.f32 $8.000000000e+00, v58;
	[tilespmem:v62+s22+$0x0] =	vst.idx.msk $0xffff, v63  }
0x292: {  	s5 =	sshrl.u32 s5, $0x3;
	[tilespmem:v60+s22+$0x0] =	vst.idx.msk $0xffff, v4  }
0x293: {  	s8 =	sadd.s32 s2, s5;
	s11 =	simm.s32 $0xE400;
	[tilespmem:v61+s22+$0x0] =	vst.idx.msk $0xffff, v5  }
0x294: {  	[hbm4b:s8+s3] =	stream.linear.scatter [tilespmem:s11], [sflag:$0x5], $0x80, $0x38;
	[tilespmem:$0x16C00] =	vst v63  }
0x295: {  	s12 =	simm.s32 $0xE488;
	s13 =	sadd.s32 $0x10, s8  }
0x296: {  	[hbm4b:s13+s3] =	stream.linear.scatter [tilespmem:s12], [sflag:$0x5], $0x80, $0x38;
	[tilespmem:$0x16C00] =	vst v63  }
0x297: {  	s17 =	simm.s32 $0xE510;
	s5 =	simm.s32 $0x440;
	s18 =	sadd.s32 $0x20, s8  }
0x298: {  	[hbm4b:s18+s3] =	stream.linear.scatter [tilespmem:s17], [sflag:$0x5], $0x80, $0x38;
	[tilespmem:$0x16C00] =	vst v63  }
0x299: {  	s11 =	simm.s32 $0x2200;
	s12 =	simm.s32 $0xE598;
	s13 =	sadd.s32 $0x30, s8  }
0x29a: {  	[hbm4b:s13+s3] =	stream.linear.scatter [tilespmem:s12], [sflag:$0x5], $0x80, $0x38;
	[tilespmem:$0x16C00] =	vst v63  }
0x29b: {  	s17 =	simm.s32 $0xE620;
	s18 =	sadd.s32 $0x40, s8;
	s12 =	simm.s32 $0xE6A8  }
0x29c: {  	[hbm4b:s18+s3] =	stream.linear.scatter [tilespmem:s17], [sflag:$0x5], $0x80, $0x38;
	[tilespmem:$0x16C00] =	vst v63  }
0x29d: {  	s13 =	sadd.s32 $0x50, s8;
	s17 =	simm.s32 $0xE730;
	s18 =	sadd.s32 $0x60, s8  }
0x29e: {  	[hbm4b:s13+s3] =	stream.linear.scatter [tilespmem:s12], [sflag:$0x5], $0x80, $0x38;
	[tilespmem:$0x16C00] =	vst v63  }
0x29f: {  	s12 =	simm.s32 $0xE7B8;
	s13 =	sadd.s32 $0x70, s8;
	s8 =	sadd.s32 $0x1000, s8  }
0x2a0: {  	[hbm4b:s18+s3] =	stream.linear.scatter [tilespmem:s17], [sflag:$0x5], $0x80, $0x38;
	[tilespmem:$0x16C00] =	vst v63  }
.LBB2_21:
0x2a1: {  	[hbm4b:s13+s3] =	stream.linear.scatter [tilespmem:s12], [sflag:$0x5], $0x80, $0x38;
	[tilespmem:$0x16C00] =	vst v63  }
0x2a2: {  	s12 =	smov.u32 s5;
	s5 =	smov.u32 s11  }
0x2a3: {  	s17 =	sadd.s32 $0x1100, s11;
	s5 =	sshra.s32 s5, $0x2;
	s13 =	sadd.s32 $0xE400, s12  }
0x2a4: {  	[hbm4b:s8+s3] =	stream.linear.scatter [tilespmem:s13], [sflag:$0x5], $0x80, $0x38;
	[tilespmem:$0x16C00] =	vst v63  }
0x2a5: {  	p0 =	sne.s32 s11, $0x7700;
	s11 =	sadd.s32 $0xE488, s12;
	s13 =	sadd.s32 $0x10, s8  }
0x2a6: {  	[hbm4b:s13+s3] =	stream.linear.scatter [tilespmem:s11], [sflag:$0x5], $0x80, $0x38;
	[tilespmem:$0x16C00] =	vst v63  }
0x2a7: {  	s11 =	sadd.s32 $0xE510, s12;
	s13 =	sadd.s32 $0x20, s8  }
0x2a8: {  	[hbm4b:s13+s3] =	stream.linear.scatter [tilespmem:s11], [sflag:$0x5], $0x80, $0x38;
	[tilespmem:$0x16C00] =	vst v63  }
0x2a9: {  	s11 =	sadd.s32 $0xE598, s12;
	s13 =	sadd.s32 $0x30, s8  }
0x2aa: {  	[hbm4b:s13+s3] =	stream.linear.scatter [tilespmem:s11], [sflag:$0x5], $0x80, $0x38;
	[tilespmem:$0x16C00] =	vst v63  }
0x2ab: {  	s11 =	sadd.s32 $0xE620, s12;
	s13 =	sadd.s32 $0x40, s8  }
0x2ac: {  	[hbm4b:s13+s3] =	stream.linear.scatter [tilespmem:s11], [sflag:$0x5], $0x80, $0x38;
	[tilespmem:$0x16C00] =	vst v63  }
.Ltmp9:
0x2ad: {  	s11 =	sadd.s32 $0xE6A8, s12;
	s13 =	sadd.s32 $0x50, s8;
	(pc) =	sbr.rel @p0 .LBB2_21-.Ltmp9, $4  }
0x2ae: {  	[hbm4b:s13+s3] =	stream.linear.scatter [tilespmem:s11], [sflag:$0x5], $0x80, $0x38;
	[tilespmem:$0x16C00] =	vst v63  }
0x2af: {  	s11 =	sadd.s32 $0xE730, s12;
	s13 =	sadd.s32 $0x60, s8;
	s12 =	sadd.s32 $0xE7B8, s12  }
0x2b0: {  	[hbm4b:s13+s3] =	stream.linear.scatter [tilespmem:s11], [sflag:$0x5], $0x80, $0x38;
	[tilespmem:$0x16C00] =	vst v63  }
0x2b1: {  	s13 =	sadd.s32 $0x70, s8;
	s8 =	sadd.s32 $0x1000, s8;
	s11 =	smov.u32 s17  }
0x2b2: {  	[hbm4b:s13+s3] =	stream.linear.scatter [tilespmem:s12], [sflag:$0x5], $0x80, $0x38;
	[tilespmem:$0x16C00] =	vst v63  }
0x2b3: {  	s11 =	sadd.s32 $0xE400, s5  }
0x2b4: {  	[hbm4b:s8+s3] =	stream.linear.scatter [tilespmem:s11], [sflag:$0x5], $0x80, $0x38;
	[tilespmem:$0x16C00] =	vst v63  }
0x2b5: {  	s17 =	sadd.s32 $0xE488, s5;
	s18 =	sadd.s32 $0x10, s8  }
0x2b6: {  	[hbm4b:s18+s3] =	stream.linear.scatter [tilespmem:s17], [sflag:$0x5], $0x80, $0x38;
	[tilespmem:$0x16C00] =	vst v63  }
0x2b7: {  	s12 =	sadd.s32 $0xE510, s5;
	s13 =	sadd.s32 $0x20, s8  }
0x2b8: {  	[hbm4b:s13+s3] =	stream.linear.scatter [tilespmem:s12], [sflag:$0x5], $0x80, $0x38;
	[tilespmem:$0x16C00] =	vst v63  }
0x2b9: {  	s17 =	sadd.s32 $0xE598, s5;
	s18 =	sadd.s32 $0x30, s8  }
0x2ba: {  	[hbm4b:s18+s3] =	stream.linear.scatter [tilespmem:s17], [sflag:$0x5], $0x80, $0x38;
	[tilespmem:$0x16C00] =	vst v63  }
0x2bb: {  	s12 =	sadd.s32 $0xE620, s5;
	s13 =	sadd.s32 $0x40, s8  }
0x2bc: {  	[hbm4b:s13+s3] =	stream.linear.scatter [tilespmem:s12], [sflag:$0x5], $0x80, $0x38;
	[tilespmem:$0x16C00] =	vst v63  }
0x2bd: {  	s17 =	sadd.s32 $0xE6A8, s5;
	s18 =	sadd.s32 $0x50, s8  }
0x2be: {  	[hbm4b:s18+s3] =	stream.linear.scatter [tilespmem:s17], [sflag:$0x5], $0x80, $0x38;
	[tilespmem:$0x16C00] =	vst v63  }
0x2bf: {  	s13 =	sadd.s32 $0xE730, s5;
	s17 =	sadd.s32 $0x60, s8  }
0x2c0: {  	[hbm4b:s17+s3] =	stream.linear.scatter [tilespmem:s13], [sflag:$0x5], $0x80, $0x38;
	[tilespmem:$0x16C00] =	vst v63  }
0x2c1: {  	s11 =	sadd.s32 $0x70, s8;
	s18 =	sadd.s32 $0xE7B8, s5  }
0x2c2: {  	[hbm4b:s11+s3] =	stream.linear.scatter [tilespmem:s18], [sflag:$0x5], $0x80, $0x38;
	[tilespmem:$0x16C00] =	vst v63  }
0x2c3: {  	_ =	swait.ge [sflag:s19], $0x2000  }
0x2c4: {  	[sflag:s19] =	ssyncset.done $0x0  }
0x2c5: {  	s12 =	sadd.s32 $0x380, s23;
	[sflag:s19] =	ssyncadd.s32 $0xFFFFE000  }
0x2c6: {  	[tilespmem:s24], [sflag:$0x4] =	stream.indirect.gather [hbm4b:s4+s14], $0x40, s12, s14, $0xb8;
	[tilespmem:$0x16C00] =	vst v63  }
0x2c7: {  	_ =	swait.ge [sflag:s25], $0x2000  }
0x2c8: {  	[sflag:s25] =	ssyncset.done $0x0  }
0x2c9: {  	s5 =	simm.s32 $0x84F0;
	s13 =	simm.s32 $0x3;
	[sflag:s25] =	ssyncadd.s32 $0xFFFFE000  }
0x2ca: {  	v4 =	vmov s13;
	v5 =	vld [tilespmem:s5+$0xFFFFFFD0]  }
0x2cb: {  	v9 =	vand.u32 $0x7F, v4  }
0x2cc: {  	s17 =	simm.s32 $0x0;
	v4 =	vadd.s32 v0, v9  }
0x2cd: {  	s23 =	simm.s32 $0x2;
	v6 =	vmov s17;
	s18 =	simm.s32 $0x1;
	v7 =	vld [tilespmem:s5+$0xFFFFFF10]  }
0x2ce: {  	v11 =	vmov s23;
	v8 =	vand.u32 $0x7C, v6;
	v6 =	vmov s18;
	v10 =	vld [tilespmem:s5+$0xFFFFFF50]  }
0x2cf: {  	v12 =	vadd.s32 v0, v8;
	v15 =	vand.u32 $0x7D, v6;
	v6 =	vld [tilespmem:s5+$0xFFFFFF90];
	v5 =	vmul.f32 $8.000000000e+00, v5  }
0x2d0: {  	v17 =	vand.u32 $0x7E, v11;
	v13 =	vadd.s32 v0, v15  }
0x2d1: {  	v11 =	vadd.s32 v0, v17;
	[tilespmem:v4+s26+$0x0] =	vst.idx.msk $0xffff, v5  }
0x2d2: {  	v4 =	vmul.f32 $8.000000000e+00, v7;
	v5 =	vld [tilespmem:s5+$0xFFFFFFE0]  }
0x2d3: {  	v7 =	vmul.f32 $8.000000000e+00, v10  }
0x2d4: {  	[tilespmem:v12+s26+$0x0] =	vst.idx.msk $0xffff, v4;
	v4 =	vmul.f32 $8.000000000e+00, v6;
	v6 =	vadd.s32 v1, v9  }
0x2d5: {  	[tilespmem:v13+s26+$0x0] =	vst.idx.msk $0xffff, v7;
	v10 =	vld [tilespmem:s5+$0xFFFFFF20]  }
0x2d6: {  	v7 =	vld [tilespmem:s5+$0xFFFFFF60];
	[tilespmem:v11+s26+$0x0] =	vst.idx.msk $0xffff, v4  }
0x2d7: {  	v11 =	vld [tilespmem:s5+$0xFFFFFFA0];
	v4 =	vmul.f32 $8.000000000e+00, v5  }
0x2d8: {  	s8 =	simm.s32 $0x85F0;
	s13 =	simm.s32 $0x7;
	s12 =	simm.s32 $0x4;
	v12 =	vadd.s32 v1, v15  }
0x2d9: {  	v14 =	vld [tilespmem:s8+$0xFFFFFFD0];
	v13 =	vadd.s32 v1, v17;
	v5 =	vmov s12;
	[tilespmem:v6+s26+$0x0] =	vst.idx.msk $0xffff, v4;
	v6 =	vmov s13  }
0x2da: {  	v16 =	vadd.s32 v1, v8;
	v4 =	vand.u32 $0x7C, v5;
	v5 =	vand.u32 $0x7F, v6;
	v18 =	vld [tilespmem:s5+$0xFFFFFFF0]  }
0x2db: {  	s17 =	simm.s32 $0x5;
	v22 =	vadd.s32 v2, v9;
	v19 =	vld [tilespmem:s8+$0xFFFFFF10];
	v6 =	vmul.f32 $8.000000000e+00, v7;
	v20 =	vadd.s32 v0, v5  }
0x2dc: {  	s18 =	simm.s32 $0x6;
	v21 =	vld [tilespmem:s8+$0xFFFFFF50];
	v10 =	vmul.f32 $8.000000000e+00, v10;
	v7 =	vmul.f32 $8.000000000e+00, v11;
	v11 =	vmov s17  }
0x2dd: {  	v23 =	vadd.s32 v0, v4;
	[tilespmem:v12+s26+$0x0] =	vst.idx.msk $0xffff, v6;
	v12 =	vmov s18;
	v6 =	vand.u32 $0x7D, v11;
	v11 =	vld [tilespmem:s8+$0xFFFFFF90]  }
0x2de: {  	[tilespmem:v13+s26+$0x0] =	vst.idx.msk $0xffff, v7;
	v13 =	vadd.s32 v0, v6;
	v7 =	vand.u32 $0x7E, v12;
	v12 =	vmul.f32 $8.000000000e+00, v14;
	v14 =	vld [tilespmem:s5+$0xFFFFFF70]  }
0x2df: {  	[tilespmem:v16+s26+$0x0] =	vst.idx.msk $0xffff, v10;
	v10 =	vadd.s32 v0, v7;
	v16 =	vld [tilespmem:s5+$0xFFFFFFB0];
	v18 =	vmul.f32 $8.000000000e+00, v18  }
0x2e0: {  	v19 =	vmul.f32 $8.000000000e+00, v19;
	[tilespmem:v20+s26+$0x0] =	vst.idx.msk $0xffff, v12;
	v12 =	vld [tilespmem:s5+$0xFFFFFF30];
	v20 =	vadd.s32 v2, v15  }
0x2e1: {  	v25 =	vadd.s32 v2, v17;
	v21 =	vmul.f32 $8.000000000e+00, v21;
	v24 =	vld [tilespmem:s8+$0xFFFFFFE0];
	[tilespmem:v22+s26+$0x0] =	vst.idx.msk $0xffff, v18  }
0x2e2: {  	[tilespmem:v23+s26+$0x0] =	vst.idx.msk $0xffff, v19;
	v19 =	vadd.s32 v2, v8;
	v11 =	vmul.f32 $8.000000000e+00, v11;
	v22 =	vld [tilespmem:s5+$0x0]  }
0x2e3: {  	v23 =	vld [tilespmem:s8+$0xFFFFFF20];
	[tilespmem:v13+s26+$0x0] =	vst.idx.msk $0xffff, v21;
	v21 =	vadd.s32 v1, v5;
	v14 =	vmul.f32 $8.000000000e+00, v14  }
0x2e4: {  	v27 =	vadd.s32 v3, v9;
	v26 =	vld [tilespmem:s8+$0xFFFFFF60];
	[tilespmem:v10+s26+$0x0] =	vst.idx.msk $0xffff, v11;
	v10 =	vmul.f32 $8.000000000e+00, v16  }
0x2e5: {  	v18 =	vadd.s32 v1, v4;
	v13 =	vld [tilespmem:s8+$0xFFFFFFA0];
	v9 =	vmul.f32 $8.000000000e+00, v12;
	[tilespmem:v20+s26+$0x0] =	vst.idx.msk $0xffff, v14  }
0x2e6: {  	s12 =	simm.s32 $0x8;
	v16 =	vadd.s32 v1, v6;
	[tilespmem:v25+s26+$0x0] =	vst.idx.msk $0xffff, v10;
	v14 =	vmul.f32 $8.000000000e+00, v24;
	v12 =	vld [tilespmem:s5+$0xFFFFFF80]  }
0x2e7: {  	v20 =	vmov s12;
	v10 =	vadd.s32 v1, v7;
	v11 =	vld [tilespmem:s5+$0xFFFFFFC0];
	[tilespmem:v19+s26+$0x0] =	vst.idx.msk $0xffff, v9;
	v63 =	vmul.f32 $8.000000000e+00, v22  }
0x2e8: {  	s23 =	simm.s32 $0xB;
	s11 =	simm.s32 $0x86F0;
	v15 =	vadd.s32 v3, v15;
	v9 =	vand.u32 $0x7C, v20;
	v20 =	vmul.f32 $8.000000000e+00, v23;
	[tilespmem:v21+s26+$0x0] =	vst.idx.msk $0xffff, v14;
	v14 =	vld [tilespmem:s5+$0xFFFFFF40]  }
0x2e9: {  	v17 =	vadd.s32 v3, v17;
	v22 =	vmov s23;
	v19 =	vld [tilespmem:s11+$0xFFFFFFD0];
	s5 =	simm.s32 $0xC;
	v21 =	vmul.f32 $8.000000000e+00, v26;
	[tilespmem:v27+s26+$0x0] =	vst.idx.msk $0xffff, v63  }
.LBB2_23:
0x2ea: {  	p0 =	slt.u32 s5, $0x7C;
	s13 =	sadd.s32 $0x1, s12;
	v22 =	vand.u32 $0x7F, v22;
	[tilespmem:v18+s26+$0x0] =	vst.idx.msk $0xffff, v20;
	v13 =	vmul.f32 $8.000000000e+00, v13;
	v18 =	vld [tilespmem:s8+$0xFFFFFFF0];
	v20 =	vadd.s32 v3, v8;
	v8 =	vmovc v4  }
0x2eb: {  	v4 =	vmovc v9;
	v23 =	vld [tilespmem:s11+$0xFFFFFF10];
	v24 =	vmov s13;
	s13 =	sadd.s32 $0x2, s12;
	v25 =	vadd.s32 v0, v22;
	[tilespmem:v16+s26+$0x0] =	vst.idx.msk $0xffff, v21;
	v12 =	vmul.f32 $8.000000000e+00, v12;
	s12 =	smov.u32 s5  }
0x2ec: {  	v9 =	vld [tilespmem:s11+$0xFFFFFF50];
	v16 =	vmov s13;
	[tilespmem:v10+s26+$0x0] =	vst.idx.msk $0xffff, v13;
	v10 =	vadd.s32 v2, v5;
	v11 =	vmul.f32 $8.000000000e+00, v11  }
0x2ed: {  	v13 =	vadd.s32 v0, v4;
	v21 =	vand.u32 $0x7D, v24;
	v24 =	vld [tilespmem:s11+$0xFFFFFF90];
	v14 =	vmul.f32 $8.000000000e+00, v14;
	[tilespmem:v15+s26+$0x0] =	vst.idx.msk $0xffff, v12  }
0x2ee: {  	v12 =	vadd.s32 v0, v21;
	v26 =	vand.u32 $0x7E, v16;
	v15 =	vmul.f32 $8.000000000e+00, v19;
	v16 =	vld [tilespmem:s8+$0xFFFFFF70];
	[tilespmem:v17+s26+$0x0] =	vst.idx.msk $0xffff, v11  }
0x2ef: {  	v11 =	vadd.s32 v0, v26;
	v17 =	vld [tilespmem:s8+$0xFFFFFFB0];
	v18 =	vmul.f32 $8.000000000e+00, v18;
	[tilespmem:v20+s26+$0x0] =	vst.idx.msk $0xffff, v14  }
0x2f0: {  	v19 =	vadd.s32 v2, v6;
	v14 =	vmul.f32 $8.000000000e+00, v23;
	[tilespmem:v25+s26+$0x0] =	vst.idx.msk $0xffff, v15;
	v15 =	vld [tilespmem:s8+$0xFFFFFF30]  }
0x2f1: {  	v23 =	vadd.s32 v2, v7;
	v9 =	vmul.f32 $8.000000000e+00, v9;
	v20 =	vld [tilespmem:s11+$0xFFFFFFE0];
	[tilespmem:v10+s26+$0x0] =	vst.idx.msk $0xffff, v18  }
0x2f2: {  	[tilespmem:v13+s26+$0x0] =	vst.idx.msk $0xffff, v14;
	v10 =	vmul.f32 $8.000000000e+00, v24;
	v14 =	vadd.s32 v2, v8;
	v24 =	vld [tilespmem:s8+$0x0]  }
0x2f3: {  	v27 =	vadd.s32 v1, v22;
	v25 =	vld [tilespmem:s11+$0xFFFFFF20];
	[tilespmem:v12+s26+$0x0] =	vst.idx.msk $0xffff, v9;
	v9 =	vmul.f32 $8.000000000e+00, v16  }
0x2f4: {  	v29 =	vadd.s32 v3, v5;
	v5 =	vmov v22;
	v28 =	vld [tilespmem:s11+$0xFFFFFF60];
	[tilespmem:v11+s26+$0x0] =	vst.idx.msk $0xffff, v10;
	v10 =	vmul.f32 $8.000000000e+00, v17  }
.Ltmp10:
0x2f5: {  	v18 =	vadd.s32 v1, v4;
	v13 =	vld [tilespmem:s11+$0xFFFFFFA0];
	v11 =	vmul.f32 $8.000000000e+00, v15;
	[tilespmem:v19+s26+$0x0] =	vst.idx.msk $0xffff, v9;
	(pc) =	sbr.rel @p0 .LBB2_23-.Ltmp10, $4  }
0x2f6: {  	v16 =	vadd.s32 v1, v21;
	v15 =	vmul.f32 $8.000000000e+00, v20;
	v12 =	vld [tilespmem:s8+$0xFFFFFF80];
	[tilespmem:v23+s26+$0x0] =	vst.idx.msk $0xffff, v10  }
0x2f7: {  	v9 =	vmov s5;
	v10 =	vadd.s32 v1, v26;
	[tilespmem:v14+s26+$0x0] =	vst.idx.msk $0xffff, v11;
	v11 =	vld [tilespmem:s8+$0xFFFFFFC0];
	v23 =	vmul.f32 $8.000000000e+00, v24  }
0x2f8: {  	s13 =	sadd.s32 $0x3, s5;
	v9 =	vand.u32 $0x7C, v9;
	v20 =	vmul.f32 $8.000000000e+00, v25;
	[tilespmem:v27+s26+$0x0] =	vst.idx.msk $0xffff, v15;
	v14 =	vld [tilespmem:s8+$0xFFFFFF40];
	v15 =	vadd.s32 v3, v6;
	v6 =	vmovc v21;
	s8 =	smov.u32 s11;
	s11 =	sadd.s32 $0x100, s11  }
0x2f9: {  	v22 =	vmov s13;
	v17 =	vadd.s32 v3, v7;
	v7 =	vmovc v26;
	s5 =	sadd.s32 $0x4, s5;
	v19 =	vld [tilespmem:s11+$0xFFFFFFD0];
	v21 =	vmul.f32 $8.000000000e+00, v28;
	[tilespmem:v29+s26+$0x0] =	vst.idx.msk $0xffff, v23  }
0x2fa: {  	s5 =	sadd.s32 $0x1, s12;
	v22 =	vand.u32 $0x7F, v22;
	v28 =	vld [tilespmem:s11+$0xFFFFFF10]  }
0x2fb: {  	s23 =	sadd.s32 $0x2, s12;
	v24 =	vld [tilespmem:s11+$0xFFFFFF50];
	v23 =	vmov s5;
	v25 =	vadd.s32 v0, v22  }
0x2fc: {  	v27 =	vld [tilespmem:s11+$0xFFFFFF90];
	v51 =	vadd.s32 v0, v9;
	v26 =	vmov s23;
	v23 =	vand.u32 $0x7D, v23  }
0x2fd: {  	v26 =	vand.u32 $0x7E, v26;
	v29 =	vadd.s32 v0, v23  }
0x2fe: {  	[tilespmem:v18+s26+$0x0] =	vst.idx.msk $0xffff, v20;
	v30 =	vadd.s32 v0, v26;
	v19 =	vmul.f32 $8.000000000e+00, v19  }
0x2ff: {  	[tilespmem:v16+s26+$0x0] =	vst.idx.msk $0xffff, v21;
	v54 =	vmul.f32 $8.000000000e+00, v28  }
0x300: {  	v52 =	vmul.f32 $8.000000000e+00, v24;
	[tilespmem:v25+s26+$0x0] =	vst.idx.msk $0xffff, v19  }
0x301: {  	v53 =	vmul.f32 $8.000000000e+00, v27;
	v55 =	vld [tilespmem:s11+$0xFFFFFFE0];
	[tilespmem:v51+s26+$0x0] =	vst.idx.msk $0xffff, v54  }
0x302: {  	v13 =	vmul.f32 $8.000000000e+00, v13;
	v8 =	vadd.s32 v3, v8;
	[tilespmem:v29+s26+$0x0] =	vst.idx.msk $0xffff, v52;
	v59 =	vld [tilespmem:s11+$0xFFFFFF20]  }
0x303: {  	v12 =	vmul.f32 $8.000000000e+00, v12;
	v57 =	vadd.s32 v1, v22;
	[tilespmem:v30+s26+$0x0] =	vst.idx.msk $0xffff, v53;
	v56 =	vld [tilespmem:s11+$0xFFFFFF60]  }
0x304: {  	[tilespmem:v10+s26+$0x0] =	vst.idx.msk $0xffff, v13;
	v58 =	vmul.f32 $8.000000000e+00, v11;
	v28 =	vadd.s32 v1, v9;
	v19 =	vld [tilespmem:s11+$0xFFFFFFA0]  }
0x305: {  	v61 =	vld [tilespmem:s8+$0xFFFFFFF0];
	v60 =	vadd.s32 v1, v23;
	v14 =	vmul.f32 $8.000000000e+00, v14;
	[tilespmem:v15+s26+$0x0] =	vst.idx.msk $0xffff, v12  }
0x306: {  	v32 =	vld [tilespmem:s8+$0xFFFFFF30];
	v62 =	vadd.s32 v1, v26;
	[tilespmem:v17+s26+$0x0] =	vst.idx.msk $0xffff, v58;
	v16 =	vmul.f32 $8.000000000e+00, v55  }
0x307: {  	[tilespmem:v8+s26+$0x0] =	vst.idx.msk $0xffff, v14;
	v29 =	vadd.s32 v2, v5;
	v30 =	vld [tilespmem:s8+$0xFFFFFFB0];
	v11 =	vmul.f32 $8.000000000e+00, v59  }
0x308: {  	v38 =	vadd.s32 v2, v4;
	v63 =	vld [tilespmem:s8+$0xFFFFFF70];
	v31 =	vmul.f32 $8.000000000e+00, v56;
	[tilespmem:v57+s26+$0x0] =	vst.idx.msk $0xffff, v16  }
0x309: {  	v35 =	vadd.s32 v2, v7;
	v34 =	vmul.f32 $8.000000000e+00, v19;
	v36 =	vld [tilespmem:s11+$0xFFFFFFF0];
	[tilespmem:v28+s26+$0x0] =	vst.idx.msk $0xffff, v11  }
0x30a: {  	v33 =	vadd.s32 v2, v6;
	v37 =	vmul.f32 $8.000000000e+00, v61;
	[tilespmem:v60+s26+$0x0] =	vst.idx.msk $0xffff, v31;
	v43 =	vld [tilespmem:s11+$0xFFFFFF30]  }
0x30b: {  	v40 =	vadd.s32 v2, v22;
	v14 =	vmul.f32 $8.000000000e+00, v32;
	[tilespmem:v62+s26+$0x0] =	vst.idx.msk $0xffff, v34;
	v39 =	vld [tilespmem:s11+$0xFFFFFF70]  }
0x30c: {  	v48 =	vadd.s32 v2, v9;
	[tilespmem:v29+s26+$0x0] =	vst.idx.msk $0xffff, v37;
	v42 =	vmul.f32 $8.000000000e+00, v30;
	v41 =	vld [tilespmem:s11+$0xFFFFFFB0]  }
0x30d: {  	v44 =	vadd.s32 v2, v23;
	v15 =	vmul.f32 $8.000000000e+00, v63;
	[tilespmem:v38+s26+$0x0] =	vst.idx.msk $0xffff, v14;
	v45 =	vld [tilespmem:s8+$0x0]  }
0x30e: {  	v46 =	vadd.s32 v2, v26;
	v14 =	vld [tilespmem:s8+$0xFFFFFF40];
	[tilespmem:v35+s26+$0x0] =	vst.idx.msk $0xffff, v42;
	v47 =	vmul.f32 $8.000000000e+00, v36  }
0x30f: {  	v5 =	vadd.s32 v3, v5;
	[tilespmem:v33+s26+$0x0] =	vst.idx.msk $0xffff, v15;
	v49 =	vld [tilespmem:s8+$0xFFFFFFC0];
	v53 =	vmul.f32 $8.000000000e+00, v43  }
0x310: {  	v4 =	vadd.s32 v3, v4;
	v21 =	vld [tilespmem:s8+$0xFFFFFF80];
	v12 =	vmul.f32 $8.000000000e+00, v39;
	[tilespmem:v40+s26+$0x0] =	vst.idx.msk $0xffff, v47  }
0x311: {  	v52 =	vadd.s32 v3, v7;
	v51 =	vmul.f32 $8.000000000e+00, v41;
	v10 =	vld [tilespmem:s11+$0x0];
	[tilespmem:v48+s26+$0x0] =	vst.idx.msk $0xffff, v53  }
0x312: {  	v50 =	vadd.s32 v3, v6;
	v54 =	vmul.f32 $8.000000000e+00, v45;
	[tilespmem:v44+s26+$0x0] =	vst.idx.msk $0xffff, v12;
	v59 =	vld [tilespmem:s11+$0xFFFFFF40]  }
0x313: {  	v57 =	vadd.s32 v3, v22;
	v14 =	vmul.f32 $8.000000000e+00, v14;
	[tilespmem:v46+s26+$0x0] =	vst.idx.msk $0xffff, v51;
	v55 =	vld [tilespmem:s11+$0xFFFFFF80]  }
0x314: {  	v62 =	vadd.s32 v3, v9;
	[tilespmem:v5+s26+$0x0] =	vst.idx.msk $0xffff, v54;
	v5 =	vmul.f32 $8.000000000e+00, v49;
	v58 =	vld [tilespmem:s11+$0xFFFFFFC0]  }
0x315: {  	v56 =	vmul.f32 $8.000000000e+00, v21;
	v60 =	vadd.s32 v3, v23;
	[tilespmem:v4+s26+$0x0] =	vst.idx.msk $0xffff, v14  }
0x316: {  	v61 =	vadd.s32 v3, v26;
	[tilespmem:v52+s26+$0x0] =	vst.idx.msk $0xffff, v5;
	v5 =	vmul.f32 $8.000000000e+00, v10  }
0x317: {  	[tilespmem:v50+s26+$0x0] =	vst.idx.msk $0xffff, v56;
	v63 =	vmul.f32 $8.000000000e+00, v59  }
0x318: {  	s8 =	sshll.u32 s16, $0x12;
	v4 =	vmul.f32 $8.000000000e+00, v55;
	[tilespmem:v57+s26+$0x0] =	vst.idx.msk $0xffff, v5  }
0x319: {  	s5 =	sor.u32 s7, s8;
	v5 =	vmul.f32 $8.000000000e+00, v58;
	[tilespmem:v62+s26+$0x0] =	vst.idx.msk $0xffff, v63  }
0x31a: {  	s5 =	sshrl.u32 s5, $0x3;
	[tilespmem:v60+s26+$0x0] =	vst.idx.msk $0xffff, v4  }
0x31b: {  	s8 =	sadd.s32 s2, s5;
	s11 =	simm.s32 $0x10600;
	[tilespmem:v61+s26+$0x0] =	vst.idx.msk $0xffff, v5  }
0x31c: {  	[hbm4b:s8+s3] =	stream.linear.scatter [tilespmem:s11], [sflag:$0x6], $0x80, $0x38;
	[tilespmem:$0x16C00] =	vst v63  }
0x31d: {  	s12 =	simm.s32 $0x10688;
	s13 =	sadd.s32 $0x10, s8  }
0x31e: {  	[hbm4b:s13+s3] =	stream.linear.scatter [tilespmem:s12], [sflag:$0x6], $0x80, $0x38;
	[tilespmem:$0x16C00] =	vst v63  }
0x31f: {  	s18 =	simm.s32 $0x10798;
	s16 =	simm.s32 $0x10710;
	s17 =	sadd.s32 $0x20, s8  }
0x320: {  	[hbm4b:s17+s3] =	stream.linear.scatter [tilespmem:s16], [sflag:$0x6], $0x80, $0x38;
	[tilespmem:$0x16C00] =	vst v63  }
0x321: {  	s5 =	simm.s32 $0x440;
	s23 =	sadd.s32 $0x30, s8;
	s11 =	simm.s32 $0x2200  }
0x322: {  	[hbm4b:s23+s3] =	stream.linear.scatter [tilespmem:s18], [sflag:$0x6], $0x80, $0x38;
	[tilespmem:$0x16C00] =	vst v63  }
0x323: {  	s12 =	simm.s32 $0x10820;
	s13 =	sadd.s32 $0x40, s8;
	s16 =	simm.s32 $0x108A8  }
0x324: {  	[hbm4b:s13+s3] =	stream.linear.scatter [tilespmem:s12], [sflag:$0x6], $0x80, $0x38;
	[tilespmem:$0x16C00] =	vst v63  }
0x325: {  	s17 =	sadd.s32 $0x50, s8;
	s18 =	simm.s32 $0x10930;
	s23 =	sadd.s32 $0x60, s8  }
0x326: {  	[hbm4b:s17+s3] =	stream.linear.scatter [tilespmem:s16], [sflag:$0x6], $0x80, $0x38;
	[tilespmem:$0x16C00] =	vst v63  }
0x327: {  	s12 =	simm.s32 $0x109B8;
	s13 =	sadd.s32 $0x70, s8;
	s8 =	sadd.s32 $0x1000, s8  }
0x328: {  	[hbm4b:s23+s3] =	stream.linear.scatter [tilespmem:s18], [sflag:$0x6], $0x80, $0x38;
	[tilespmem:$0x16C00] =	vst v63  }
.LBB2_25:
0x329: {  	[hbm4b:s13+s3] =	stream.linear.scatter [tilespmem:s12], [sflag:$0x6], $0x80, $0x38;
	[tilespmem:$0x16C00] =	vst v63  }
0x32a: {  	s12 =	smov.u32 s5;
	s5 =	smov.u32 s11  }
0x32b: {  	s16 =	sadd.s32 $0x1100, s11;
	s5 =	sshra.s32 s5, $0x2;
	s13 =	sadd.s32 $0x10600, s12  }
0x32c: {  	[hbm4b:s8+s3] =	stream.linear.scatter [tilespmem:s13], [sflag:$0x6], $0x80, $0x38;
	[tilespmem:$0x16C00] =	vst v63  }
0x32d: {  	p0 =	sne.s32 s11, $0x7700;
	s11 =	sadd.s32 $0x10688, s12;
	s13 =	sadd.s32 $0x10, s8  }
0x32e: {  	[hbm4b:s13+s3] =	stream.linear.scatter [tilespmem:s11], [sflag:$0x6], $0x80, $0x38;
	[tilespmem:$0x16C00] =	vst v63  }
0x32f: {  	s11 =	sadd.s32 $0x10710, s12;
	s13 =	sadd.s32 $0x20, s8  }
0x330: {  	[hbm4b:s13+s3] =	stream.linear.scatter [tilespmem:s11], [sflag:$0x6], $0x80, $0x38;
	[tilespmem:$0x16C00] =	vst v63  }
0x331: {  	s11 =	sadd.s32 $0x10798, s12;
	s13 =	sadd.s32 $0x30, s8  }
0x332: {  	[hbm4b:s13+s3] =	stream.linear.scatter [tilespmem:s11], [sflag:$0x6], $0x80, $0x38;
	[tilespmem:$0x16C00] =	vst v63  }
0x333: {  	s11 =	sadd.s32 $0x10820, s12;
	s13 =	sadd.s32 $0x40, s8  }
0x334: {  	[hbm4b:s13+s3] =	stream.linear.scatter [tilespmem:s11], [sflag:$0x6], $0x80, $0x38;
	[tilespmem:$0x16C00] =	vst v63  }
.Ltmp11:
0x335: {  	s11 =	sadd.s32 $0x108A8, s12;
	s13 =	sadd.s32 $0x50, s8;
	(pc) =	sbr.rel @p0 .LBB2_25-.Ltmp11, $4  }
0x336: {  	[hbm4b:s13+s3] =	stream.linear.scatter [tilespmem:s11], [sflag:$0x6], $0x80, $0x38;
	[tilespmem:$0x16C00] =	vst v63  }
0x337: {  	s11 =	sadd.s32 $0x10930, s12;
	s13 =	sadd.s32 $0x60, s8;
	s12 =	sadd.s32 $0x109B8, s12  }
0x338: {  	[hbm4b:s13+s3] =	stream.linear.scatter [tilespmem:s11], [sflag:$0x6], $0x80, $0x38;
	[tilespmem:$0x16C00] =	vst v63  }
0x339: {  	s13 =	sadd.s32 $0x70, s8;
	s8 =	sadd.s32 $0x1000, s8;
	s11 =	smov.u32 s16  }
0x33a: {  	[hbm4b:s13+s3] =	stream.linear.scatter [tilespmem:s12], [sflag:$0x6], $0x80, $0x38;
	[tilespmem:$0x16C00] =	vst v63  }
0x33b: {  	s11 =	sadd.s32 $0x10600, s5  }
0x33c: {  	[hbm4b:s8+s3] =	stream.linear.scatter [tilespmem:s11], [sflag:$0x6], $0x80, $0x38;
	[tilespmem:$0x16C00] =	vst v63  }
0x33d: {  	s18 =	sadd.s32 $0x10688, s5;
	s23 =	sadd.s32 $0x10, s8  }
0x33e: {  	[hbm4b:s23+s3] =	stream.linear.scatter [tilespmem:s18], [sflag:$0x6], $0x80, $0x38;
	[tilespmem:$0x16C00] =	vst v63  }
0x33f: {  	s12 =	sadd.s32 $0x10710, s5;
	s13 =	sadd.s32 $0x20, s8  }
0x340: {  	[hbm4b:s13+s3] =	stream.linear.scatter [tilespmem:s12], [sflag:$0x6], $0x80, $0x38;
	[tilespmem:$0x16C00] =	vst v63  }
0x341: {  	s16 =	sadd.s32 $0x10798, s5;
	s17 =	sadd.s32 $0x30, s8  }
0x342: {  	[hbm4b:s17+s3] =	stream.linear.scatter [tilespmem:s16], [sflag:$0x6], $0x80, $0x38;
	[tilespmem:$0x16C00] =	vst v63  }
0x343: {  	s6 =	sadd.s32 $0x1, s6;
	s18 =	sadd.s32 $0x10820, s5;
	s23 =	sadd.s32 $0x40, s8  }
0x344: {  	[hbm4b:s23+s3] =	stream.linear.scatter [tilespmem:s18], [sflag:$0x6], $0x80, $0x38;
	[tilespmem:$0x16C00] =	vst v63  }
0x345: {  	p0 =	sne.s32 s6, $0x31;
	s12 =	sadd.s32 $0x108A8, s5;
	s13 =	sadd.s32 $0x50, s8  }
0x346: {  	[hbm4b:s13+s3] =	stream.linear.scatter [tilespmem:s12], [sflag:$0x6], $0x80, $0x38;
	[tilespmem:$0x16C00] =	vst v63  }
.Ltmp12:
0x347: {  	_ = 	snop;
	(pc) =	sbr.rel @p0 .LBB2_10-.Ltmp12, $4  }
0x348: {  	s16 =	sadd.s32 $0x10930, s5;
	s17 =	sadd.s32 $0x60, s8  }
0x349: {  	[hbm4b:s17+s3] =	stream.linear.scatter [tilespmem:s16], [sflag:$0x6], $0x80, $0x38;
	[tilespmem:$0x16C00] =	vst v63  }
0x34a: {  	s18 =	sadd.s32 $0x109B8, s5;
	s23 =	sadd.s32 $0x70, s8  }
0x34b: {  	[hbm4b:s23+s3] =	stream.linear.scatter [tilespmem:s18], [sflag:$0x6], $0x80, $0x38;
	[tilespmem:$0x16C00] =	vst v63  }
0x34c: {  	_ =	swait.ge [sflag:s28], $0x2000  }
0x34d: {  	[sflag:s28] =	ssyncset.done $0x0  }
0x34e: {  	[sflag:s28] =	ssyncadd.s32 $0xFFFFE000  }
0x34f: {  	_ =	swait.ge [sflag:s29], $0x2000  }
0x350: {  	[sflag:s29] =	ssyncset.done $0x0  }
0x351: {  	s5 =	simm.s32 $0xA4F0;
	s6 =	simm.s32 $0x3;
	[sflag:s29] =	ssyncadd.s32 $0xFFFFE000  }
0x352: {  	v4 =	vmov s6;
	v5 =	vld [tilespmem:s5+$0xFFFFFFD0]  }
0x353: {  	v9 =	vand.u32 $0x7F, v4  }
0x354: {  	s13 =	simm.s32 $0x0;
	v4 =	vadd.s32 v0, v9  }
0x355: {  	s16 =	simm.s32 $0x1;
	s8 =	simm.s32 $0x2;
	v6 =	vmov s13;
	v7 =	vld [tilespmem:s5+$0xFFFFFF10]  }
0x356: {  	v11 =	vmov s8;
	v8 =	vand.u32 $0x7C, v6;
	v6 =	vmov s16;
	v10 =	vld [tilespmem:s5+$0xFFFFFF50]  }
0x357: {  	v12 =	vadd.s32 v0, v8;
	v15 =	vand.u32 $0x7D, v6;
	v6 =	vld [tilespmem:s5+$0xFFFFFF90];
	v5 =	vmul.f32 $8.000000000e+00, v5  }
0x358: {  	v17 =	vand.u32 $0x7E, v11;
	v13 =	vadd.s32 v0, v15  }
0x359: {  	v11 =	vadd.s32 v0, v17;
	[tilespmem:v4+s30+$0x0] =	vst.idx.msk $0xffff, v5  }
0x35a: {  	v4 =	vmul.f32 $8.000000000e+00, v7;
	v5 =	vld [tilespmem:s5+$0xFFFFFFE0]  }
0x35b: {  	v7 =	vmul.f32 $8.000000000e+00, v10  }
0x35c: {  	[tilespmem:v12+s30+$0x0] =	vst.idx.msk $0xffff, v4;
	v4 =	vmul.f32 $8.000000000e+00, v6;
	v6 =	vadd.s32 v1, v9  }
0x35d: {  	[tilespmem:v13+s30+$0x0] =	vst.idx.msk $0xffff, v7;
	v10 =	vld [tilespmem:s5+$0xFFFFFF20]  }
0x35e: {  	v7 =	vld [tilespmem:s5+$0xFFFFFF60];
	[tilespmem:v11+s30+$0x0] =	vst.idx.msk $0xffff, v4  }
0x35f: {  	v11 =	vld [tilespmem:s5+$0xFFFFFFA0];
	v4 =	vmul.f32 $8.000000000e+00, v5  }
0x360: {  	s17 =	simm.s32 $0x4;
	s11 =	simm.s32 $0x7;
	s6 =	simm.s32 $0xA5F0;
	v12 =	vadd.s32 v1, v15  }
0x361: {  	v14 =	vld [tilespmem:s6+$0xFFFFFFD0];
	v13 =	vadd.s32 v1, v17;
	v5 =	vmov s17;
	[tilespmem:v6+s30+$0x0] =	vst.idx.msk $0xffff, v4;
	v6 =	vmov s11  }
0x362: {  	v16 =	vadd.s32 v1, v8;
	v4 =	vand.u32 $0x7C, v5;
	v5 =	vand.u32 $0x7F, v6;
	v18 =	vld [tilespmem:s5+$0xFFFFFFF0]  }
0x363: {  	s18 =	simm.s32 $0x5;
	v22 =	vadd.s32 v2, v9;
	v19 =	vld [tilespmem:s6+$0xFFFFFF10];
	v6 =	vmul.f32 $8.000000000e+00, v7;
	v20 =	vadd.s32 v0, v5  }
0x364: {  	s23 =	simm.s32 $0x6;
	v21 =	vld [tilespmem:s6+$0xFFFFFF50];
	v10 =	vmul.f32 $8.000000000e+00, v10;
	v7 =	vmul.f32 $8.000000000e+00, v11;
	v11 =	vmov s18  }
0x365: {  	v23 =	vadd.s32 v0, v4;
	[tilespmem:v12+s30+$0x0] =	vst.idx.msk $0xffff, v6;
	v12 =	vmov s23;
	v6 =	vand.u32 $0x7D, v11;
	v11 =	vld [tilespmem:s6+$0xFFFFFF90]  }
0x366: {  	[tilespmem:v13+s30+$0x0] =	vst.idx.msk $0xffff, v7;
	v13 =	vadd.s32 v0, v6;
	v7 =	vand.u32 $0x7E, v12;
	v12 =	vmul.f32 $8.000000000e+00, v14;
	v14 =	vld [tilespmem:s5+$0xFFFFFF70]  }
0x367: {  	[tilespmem:v16+s30+$0x0] =	vst.idx.msk $0xffff, v10;
	v10 =	vadd.s32 v0, v7;
	v16 =	vld [tilespmem:s5+$0xFFFFFFB0];
	v18 =	vmul.f32 $8.000000000e+00, v18  }
0x368: {  	v19 =	vmul.f32 $8.000000000e+00, v19;
	[tilespmem:v20+s30+$0x0] =	vst.idx.msk $0xffff, v12;
	v12 =	vld [tilespmem:s5+$0xFFFFFF30];
	v20 =	vadd.s32 v2, v15  }
0x369: {  	v25 =	vadd.s32 v2, v17;
	v21 =	vmul.f32 $8.000000000e+00, v21;
	v24 =	vld [tilespmem:s6+$0xFFFFFFE0];
	[tilespmem:v22+s30+$0x0] =	vst.idx.msk $0xffff, v18  }
0x36a: {  	[tilespmem:v23+s30+$0x0] =	vst.idx.msk $0xffff, v19;
	v19 =	vadd.s32 v2, v8;
	v11 =	vmul.f32 $8.000000000e+00, v11;
	v22 =	vld [tilespmem:s5+$0x0]  }
0x36b: {  	v23 =	vld [tilespmem:s6+$0xFFFFFF20];
	[tilespmem:v13+s30+$0x0] =	vst.idx.msk $0xffff, v21;
	v21 =	vadd.s32 v1, v5;
	v14 =	vmul.f32 $8.000000000e+00, v14  }
0x36c: {  	v27 =	vadd.s32 v3, v9;
	v26 =	vld [tilespmem:s6+$0xFFFFFF60];
	[tilespmem:v10+s30+$0x0] =	vst.idx.msk $0xffff, v11;
	v10 =	vmul.f32 $8.000000000e+00, v16  }
0x36d: {  	v18 =	vadd.s32 v1, v4;
	v13 =	vld [tilespmem:s6+$0xFFFFFFA0];
	v9 =	vmul.f32 $8.000000000e+00, v12;
	[tilespmem:v20+s30+$0x0] =	vst.idx.msk $0xffff, v14  }
0x36e: {  	s11 =	simm.s32 $0x8;
	v16 =	vadd.s32 v1, v6;
	[tilespmem:v25+s30+$0x0] =	vst.idx.msk $0xffff, v10;
	v14 =	vmul.f32 $8.000000000e+00, v24;
	v12 =	vld [tilespmem:s5+$0xFFFFFF80]  }
0x36f: {  	v20 =	vmov s11;
	v10 =	vadd.s32 v1, v7;
	v11 =	vld [tilespmem:s5+$0xFFFFFFC0];
	[tilespmem:v19+s30+$0x0] =	vst.idx.msk $0xffff, v9;
	v63 =	vmul.f32 $8.000000000e+00, v22  }
0x370: {  	s12 =	simm.s32 $0xB;
	s8 =	simm.s32 $0xA6F0;
	v15 =	vadd.s32 v3, v15;
	v9 =	vand.u32 $0x7C, v20;
	v20 =	vmul.f32 $8.000000000e+00, v23;
	[tilespmem:v21+s30+$0x0] =	vst.idx.msk $0xffff, v14;
	v14 =	vld [tilespmem:s5+$0xFFFFFF40]  }
0x371: {  	v17 =	vadd.s32 v3, v17;
	v22 =	vmov s12;
	v19 =	vld [tilespmem:s8+$0xFFFFFFD0];
	s5 =	simm.s32 $0xC;
	v21 =	vmul.f32 $8.000000000e+00, v26;
	[tilespmem:v27+s30+$0x0] =	vst.idx.msk $0xffff, v63  }
.LBB2_28:
0x372: {  	p0 =	slt.u32 s5, $0x7C;
	s12 =	sadd.s32 $0x1, s11;
	v22 =	vand.u32 $0x7F, v22;
	[tilespmem:v18+s30+$0x0] =	vst.idx.msk $0xffff, v20;
	v13 =	vmul.f32 $8.000000000e+00, v13;
	v18 =	vld [tilespmem:s6+$0xFFFFFFF0];
	v20 =	vadd.s32 v3, v8;
	v8 =	vmovc v4  }
0x373: {  	v4 =	vmovc v9;
	v23 =	vld [tilespmem:s8+$0xFFFFFF10];
	v24 =	vmov s12;
	s12 =	sadd.s32 $0x2, s11;
	v25 =	vadd.s32 v0, v22;
	[tilespmem:v16+s30+$0x0] =	vst.idx.msk $0xffff, v21;
	v12 =	vmul.f32 $8.000000000e+00, v12;
	s11 =	smov.u32 s5  }
0x374: {  	v9 =	vld [tilespmem:s8+$0xFFFFFF50];
	v16 =	vmov s12;
	[tilespmem:v10+s30+$0x0] =	vst.idx.msk $0xffff, v13;
	v10 =	vadd.s32 v2, v5;
	v11 =	vmul.f32 $8.000000000e+00, v11  }
0x375: {  	v13 =	vadd.s32 v0, v4;
	v21 =	vand.u32 $0x7D, v24;
	v24 =	vld [tilespmem:s8+$0xFFFFFF90];
	v14 =	vmul.f32 $8.000000000e+00, v14;
	[tilespmem:v15+s30+$0x0] =	vst.idx.msk $0xffff, v12  }
0x376: {  	v12 =	vadd.s32 v0, v21;
	v26 =	vand.u32 $0x7E, v16;
	v15 =	vmul.f32 $8.000000000e+00, v19;
	v16 =	vld [tilespmem:s6+$0xFFFFFF70];
	[tilespmem:v17+s30+$0x0] =	vst.idx.msk $0xffff, v11  }
0x377: {  	v11 =	vadd.s32 v0, v26;
	v17 =	vld [tilespmem:s6+$0xFFFFFFB0];
	v18 =	vmul.f32 $8.000000000e+00, v18;
	[tilespmem:v20+s30+$0x0] =	vst.idx.msk $0xffff, v14  }
0x378: {  	v19 =	vadd.s32 v2, v6;
	v14 =	vmul.f32 $8.000000000e+00, v23;
	[tilespmem:v25+s30+$0x0] =	vst.idx.msk $0xffff, v15;
	v15 =	vld [tilespmem:s6+$0xFFFFFF30]  }
0x379: {  	v23 =	vadd.s32 v2, v7;
	v9 =	vmul.f32 $8.000000000e+00, v9;
	v20 =	vld [tilespmem:s8+$0xFFFFFFE0];
	[tilespmem:v10+s30+$0x0] =	vst.idx.msk $0xffff, v18  }
0x37a: {  	[tilespmem:v13+s30+$0x0] =	vst.idx.msk $0xffff, v14;
	v10 =	vmul.f32 $8.000000000e+00, v24;
	v14 =	vadd.s32 v2, v8;
	v24 =	vld [tilespmem:s6+$0x0]  }
0x37b: {  	v27 =	vadd.s32 v1, v22;
	v25 =	vld [tilespmem:s8+$0xFFFFFF20];
	[tilespmem:v12+s30+$0x0] =	vst.idx.msk $0xffff, v9;
	v9 =	vmul.f32 $8.000000000e+00, v16  }
0x37c: {  	v29 =	vadd.s32 v3, v5;
	v5 =	vmov v22;
	v28 =	vld [tilespmem:s8+$0xFFFFFF60];
	[tilespmem:v11+s30+$0x0] =	vst.idx.msk $0xffff, v10;
	v10 =	vmul.f32 $8.000000000e+00, v17  }
.Ltmp13:
0x37d: {  	v18 =	vadd.s32 v1, v4;
	v13 =	vld [tilespmem:s8+$0xFFFFFFA0];
	v11 =	vmul.f32 $8.000000000e+00, v15;
	[tilespmem:v19+s30+$0x0] =	vst.idx.msk $0xffff, v9;
	(pc) =	sbr.rel @p0 .LBB2_28-.Ltmp13, $4  }
0x37e: {  	v16 =	vadd.s32 v1, v21;
	v15 =	vmul.f32 $8.000000000e+00, v20;
	v12 =	vld [tilespmem:s6+$0xFFFFFF80];
	[tilespmem:v23+s30+$0x0] =	vst.idx.msk $0xffff, v10  }
0x37f: {  	v9 =	vmov s5;
	v10 =	vadd.s32 v1, v26;
	[tilespmem:v14+s30+$0x0] =	vst.idx.msk $0xffff, v11;
	v11 =	vld [tilespmem:s6+$0xFFFFFFC0];
	v23 =	vmul.f32 $8.000000000e+00, v24  }
0x380: {  	s12 =	sadd.s32 $0x3, s5;
	v9 =	vand.u32 $0x7C, v9;
	v20 =	vmul.f32 $8.000000000e+00, v25;
	[tilespmem:v27+s30+$0x0] =	vst.idx.msk $0xffff, v15;
	v14 =	vld [tilespmem:s6+$0xFFFFFF40];
	v15 =	vadd.s32 v3, v6;
	v6 =	vmovc v21;
	s6 =	smov.u32 s8;
	s8 =	sadd.s32 $0x100, s8  }
0x381: {  	v22 =	vmov s12;
	v17 =	vadd.s32 v3, v7;
	v7 =	vmovc v26;
	s5 =	sadd.s32 $0x4, s5;
	v19 =	vld [tilespmem:s8+$0xFFFFFFD0];
	v21 =	vmul.f32 $8.000000000e+00, v28;
	[tilespmem:v29+s30+$0x0] =	vst.idx.msk $0xffff, v23  }
0x382: {  	s5 =	sadd.s32 $0x1, s11;
	v22 =	vand.u32 $0x7F, v22;
	v28 =	vld [tilespmem:s8+$0xFFFFFF10]  }
0x383: {  	s11 =	sadd.s32 $0x2, s11;
	v24 =	vld [tilespmem:s8+$0xFFFFFF50];
	v23 =	vmov s5;
	v25 =	vadd.s32 v0, v22  }
0x384: {  	v27 =	vld [tilespmem:s8+$0xFFFFFF90];
	v51 =	vadd.s32 v0, v9;
	v26 =	vmov s11;
	v23 =	vand.u32 $0x7D, v23  }
0x385: {  	v26 =	vand.u32 $0x7E, v26;
	v29 =	vadd.s32 v0, v23  }
0x386: {  	[tilespmem:v18+s30+$0x0] =	vst.idx.msk $0xffff, v20;
	v30 =	vadd.s32 v0, v26;
	v19 =	vmul.f32 $8.000000000e+00, v19  }
0x387: {  	[tilespmem:v16+s30+$0x0] =	vst.idx.msk $0xffff, v21;
	v54 =	vmul.f32 $8.000000000e+00, v28  }
0x388: {  	v52 =	vmul.f32 $8.000000000e+00, v24;
	[tilespmem:v25+s30+$0x0] =	vst.idx.msk $0xffff, v19  }
0x389: {  	v53 =	vmul.f32 $8.000000000e+00, v27;
	v55 =	vld [tilespmem:s8+$0xFFFFFFE0];
	[tilespmem:v51+s30+$0x0] =	vst.idx.msk $0xffff, v54  }
0x38a: {  	v13 =	vmul.f32 $8.000000000e+00, v13;
	v8 =	vadd.s32 v3, v8;
	[tilespmem:v29+s30+$0x0] =	vst.idx.msk $0xffff, v52;
	v59 =	vld [tilespmem:s8+$0xFFFFFF20]  }
0x38b: {  	v12 =	vmul.f32 $8.000000000e+00, v12;
	v57 =	vadd.s32 v1, v22;
	[tilespmem:v30+s30+$0x0] =	vst.idx.msk $0xffff, v53;
	v56 =	vld [tilespmem:s8+$0xFFFFFF60]  }
0x38c: {  	[tilespmem:v10+s30+$0x0] =	vst.idx.msk $0xffff, v13;
	v58 =	vmul.f32 $8.000000000e+00, v11;
	v28 =	vadd.s32 v1, v9;
	v19 =	vld [tilespmem:s8+$0xFFFFFFA0]  }
0x38d: {  	v61 =	vld [tilespmem:s6+$0xFFFFFFF0];
	v60 =	vadd.s32 v1, v23;
	v14 =	vmul.f32 $8.000000000e+00, v14;
	[tilespmem:v15+s30+$0x0] =	vst.idx.msk $0xffff, v12  }
0x38e: {  	v32 =	vld [tilespmem:s6+$0xFFFFFF30];
	v62 =	vadd.s32 v1, v26;
	[tilespmem:v17+s30+$0x0] =	vst.idx.msk $0xffff, v58;
	v16 =	vmul.f32 $8.000000000e+00, v55  }
0x38f: {  	[tilespmem:v8+s30+$0x0] =	vst.idx.msk $0xffff, v14;
	v29 =	vadd.s32 v2, v5;
	v30 =	vld [tilespmem:s6+$0xFFFFFFB0];
	v11 =	vmul.f32 $8.000000000e+00, v59  }
0x390: {  	v38 =	vadd.s32 v2, v4;
	v63 =	vld [tilespmem:s6+$0xFFFFFF70];
	v31 =	vmul.f32 $8.000000000e+00, v56;
	[tilespmem:v57+s30+$0x0] =	vst.idx.msk $0xffff, v16  }
0x391: {  	v35 =	vadd.s32 v2, v7;
	v34 =	vmul.f32 $8.000000000e+00, v19;
	v36 =	vld [tilespmem:s8+$0xFFFFFFF0];
	[tilespmem:v28+s30+$0x0] =	vst.idx.msk $0xffff, v11  }
0x392: {  	v33 =	vadd.s32 v2, v6;
	v37 =	vmul.f32 $8.000000000e+00, v61;
	[tilespmem:v60+s30+$0x0] =	vst.idx.msk $0xffff, v31;
	v43 =	vld [tilespmem:s8+$0xFFFFFF30]  }
0x393: {  	v40 =	vadd.s32 v2, v22;
	v14 =	vmul.f32 $8.000000000e+00, v32;
	[tilespmem:v62+s30+$0x0] =	vst.idx.msk $0xffff, v34;
	v39 =	vld [tilespmem:s8+$0xFFFFFF70]  }
0x394: {  	v48 =	vadd.s32 v2, v9;
	[tilespmem:v29+s30+$0x0] =	vst.idx.msk $0xffff, v37;
	v42 =	vmul.f32 $8.000000000e+00, v30;
	v41 =	vld [tilespmem:s8+$0xFFFFFFB0]  }
0x395: {  	v44 =	vadd.s32 v2, v23;
	v15 =	vmul.f32 $8.000000000e+00, v63;
	[tilespmem:v38+s30+$0x0] =	vst.idx.msk $0xffff, v14;
	v45 =	vld [tilespmem:s6+$0x0]  }
0x396: {  	v46 =	vadd.s32 v2, v26;
	v14 =	vld [tilespmem:s6+$0xFFFFFF40];
	[tilespmem:v35+s30+$0x0] =	vst.idx.msk $0xffff, v42;
	v47 =	vmul.f32 $8.000000000e+00, v36  }
0x397: {  	v5 =	vadd.s32 v3, v5;
	[tilespmem:v33+s30+$0x0] =	vst.idx.msk $0xffff, v15;
	v49 =	vld [tilespmem:s6+$0xFFFFFFC0];
	v53 =	vmul.f32 $8.000000000e+00, v43  }
0x398: {  	v4 =	vadd.s32 v3, v4;
	v21 =	vld [tilespmem:s6+$0xFFFFFF80];
	v12 =	vmul.f32 $8.000000000e+00, v39;
	[tilespmem:v40+s30+$0x0] =	vst.idx.msk $0xffff, v47  }
0x399: {  	v52 =	vadd.s32 v3, v7;
	v51 =	vmul.f32 $8.000000000e+00, v41;
	v10 =	vld [tilespmem:s8+$0x0];
	[tilespmem:v48+s30+$0x0] =	vst.idx.msk $0xffff, v53  }
0x39a: {  	v50 =	vadd.s32 v3, v6;
	v54 =	vmul.f32 $8.000000000e+00, v45;
	[tilespmem:v44+s30+$0x0] =	vst.idx.msk $0xffff, v12;
	v59 =	vld [tilespmem:s8+$0xFFFFFF40]  }
0x39b: {  	v57 =	vadd.s32 v3, v22;
	v14 =	vmul.f32 $8.000000000e+00, v14;
	[tilespmem:v46+s30+$0x0] =	vst.idx.msk $0xffff, v51;
	v55 =	vld [tilespmem:s8+$0xFFFFFF80]  }
0x39c: {  	v62 =	vadd.s32 v3, v9;
	[tilespmem:v5+s30+$0x0] =	vst.idx.msk $0xffff, v54;
	v5 =	vmul.f32 $8.000000000e+00, v49;
	v58 =	vld [tilespmem:s8+$0xFFFFFFC0]  }
0x39d: {  	v56 =	vmul.f32 $8.000000000e+00, v21;
	v60 =	vadd.s32 v3, v23;
	[tilespmem:v4+s30+$0x0] =	vst.idx.msk $0xffff, v14  }
0x39e: {  	v61 =	vadd.s32 v3, v26;
	[tilespmem:v52+s30+$0x0] =	vst.idx.msk $0xffff, v5;
	v5 =	vmul.f32 $8.000000000e+00, v10  }
0x39f: {  	[tilespmem:v50+s30+$0x0] =	vst.idx.msk $0xffff, v56;
	v63 =	vmul.f32 $8.000000000e+00, v59  }
0x3a0: {  	v4 =	vmul.f32 $8.000000000e+00, v55;
	[tilespmem:v57+s30+$0x0] =	vst.idx.msk $0xffff, v5  }
0x3a1: {  	v5 =	vmul.f32 $8.000000000e+00, v58;
	[tilespmem:v62+s30+$0x0] =	vst.idx.msk $0xffff, v63  }
0x3a2: {  	[tilespmem:v60+s30+$0x0] =	vst.idx.msk $0xffff, v4  }
0x3a3: {  	[tilespmem:v61+s30+$0x0] =	vst.idx.msk $0xffff, v5  }
0x3a4: {  	s12 =	simm.s32 $0x12800;
	s13 =	rddreg [dreg:$0x6]  }
0x3a5: {  	[hbm4b:s13+s3] =	stream.linear.scatter [tilespmem:s12], [sflag:$0x7], $0x80, $0x38;
	[tilespmem:$0x16C00] =	vst v63  }
0x3a6: {  	s16 =	simm.s32 $0x12888;
	s17 =	sadd.s32 $0x10, s13  }
0x3a7: {  	[hbm4b:s17+s3] =	stream.linear.scatter [tilespmem:s16], [sflag:$0x7], $0x80, $0x38;
	[tilespmem:$0x16C00] =	vst v63  }
0x3a8: {  	s18 =	simm.s32 $0x12910;
	s11 =	simm.s32 $0x12A20;
	s23 =	sadd.s32 $0x20, s13  }
0x3a9: {  	[hbm4b:s23+s3] =	stream.linear.scatter [tilespmem:s18], [sflag:$0x7], $0x80, $0x38;
	[tilespmem:$0x16C00] =	vst v63  }
0x3aa: {  	s5 =	simm.s32 $0x440;
	s6 =	simm.s32 $0x12998;
	s8 =	sadd.s32 $0x30, s13  }
0x3ab: {  	[hbm4b:s8+s3] =	stream.linear.scatter [tilespmem:s6], [sflag:$0x7], $0x80, $0x38;
	[tilespmem:$0x16C00] =	vst v63  }
0x3ac: {  	s12 =	sadd.s32 $0x40, s13;
	s16 =	simm.s32 $0x12AA8;
	s17 =	sadd.s32 $0x50, s13  }
0x3ad: {  	[hbm4b:s12+s3] =	stream.linear.scatter [tilespmem:s11], [sflag:$0x7], $0x80, $0x38;
	[tilespmem:$0x16C00] =	vst v63  }
0x3ae: {  	s18 =	simm.s32 $0x12B30;
	s23 =	sadd.s32 $0x60, s13;
	s8 =	simm.s32 $0x2200  }
0x3af: {  	[hbm4b:s17+s3] =	stream.linear.scatter [tilespmem:s16], [sflag:$0x7], $0x80, $0x38;
	[tilespmem:$0x16C00] =	vst v63  }
0x3b0: {  	s6 =	sadd.s32 $0x1000, s13;
	s11 =	simm.s32 $0x12BB8;
	s12 =	sadd.s32 $0x70, s13  }
0x3b1: {  	[hbm4b:s23+s3] =	stream.linear.scatter [tilespmem:s18], [sflag:$0x7], $0x80, $0x38;
	[tilespmem:$0x16C00] =	vst v63  }
.LBB2_30:
0x3b2: {  	[hbm4b:s12+s3] =	stream.linear.scatter [tilespmem:s11], [sflag:$0x7], $0x80, $0x38;
	[tilespmem:$0x16C00] =	vst v63  }
0x3b3: {  	s11 =	smov.u32 s5;
	s5 =	smov.u32 s8  }
0x3b4: {  	s13 =	sadd.s32 $0x1100, s8;
	s5 =	sshra.s32 s5, $0x2;
	s12 =	sadd.s32 $0x12800, s11  }
0x3b5: {  	[hbm4b:s6+s3] =	stream.linear.scatter [tilespmem:s12], [sflag:$0x7], $0x80, $0x38;
	[tilespmem:$0x16C00] =	vst v63  }
0x3b6: {  	p0 =	sne.s32 s8, $0x7700;
	s8 =	sadd.s32 $0x12888, s11;
	s12 =	sadd.s32 $0x10, s6  }
0x3b7: {  	[hbm4b:s12+s3] =	stream.linear.scatter [tilespmem:s8], [sflag:$0x7], $0x80, $0x38;
	[tilespmem:$0x16C00] =	vst v63  }
0x3b8: {  	s8 =	sadd.s32 $0x12910, s11;
	s12 =	sadd.s32 $0x20, s6  }
0x3b9: {  	[hbm4b:s12+s3] =	stream.linear.scatter [tilespmem:s8], [sflag:$0x7], $0x80, $0x38;
	[tilespmem:$0x16C00] =	vst v63  }
0x3ba: {  	s8 =	sadd.s32 $0x12998, s11;
	s12 =	sadd.s32 $0x30, s6  }
0x3bb: {  	[hbm4b:s12+s3] =	stream.linear.scatter [tilespmem:s8], [sflag:$0x7], $0x80, $0x38;
	[tilespmem:$0x16C00] =	vst v63  }
0x3bc: {  	s8 =	sadd.s32 $0x12A20, s11;
	s12 =	sadd.s32 $0x40, s6  }
0x3bd: {  	[hbm4b:s12+s3] =	stream.linear.scatter [tilespmem:s8], [sflag:$0x7], $0x80, $0x38;
	[tilespmem:$0x16C00] =	vst v63  }
.Ltmp14:
0x3be: {  	s8 =	sadd.s32 $0x12AA8, s11;
	s12 =	sadd.s32 $0x50, s6;
	(pc) =	sbr.rel @p0 .LBB2_30-.Ltmp14, $4  }
0x3bf: {  	[hbm4b:s12+s3] =	stream.linear.scatter [tilespmem:s8], [sflag:$0x7], $0x80, $0x38;
	[tilespmem:$0x16C00] =	vst v63  }
0x3c0: {  	s8 =	sadd.s32 $0x12B30, s11;
	s12 =	sadd.s32 $0x60, s6;
	s11 =	sadd.s32 $0x12BB8, s11  }
0x3c1: {  	[hbm4b:s12+s3] =	stream.linear.scatter [tilespmem:s8], [sflag:$0x7], $0x80, $0x38;
	[tilespmem:$0x16C00] =	vst v63  }
0x3c2: {  	s12 =	sadd.s32 $0x70, s6;
	s6 =	sadd.s32 $0x1000, s6;
	s8 =	smov.u32 s13  }
0x3c3: {  	[hbm4b:s12+s3] =	stream.linear.scatter [tilespmem:s11], [sflag:$0x7], $0x80, $0x38;
	[tilespmem:$0x16C00] =	vst v63  }
0x3c4: {  	s8 =	sadd.s32 $0x12800, s5  }
0x3c5: {  	[hbm4b:s6+s3] =	stream.linear.scatter [tilespmem:s8], [sflag:$0x7], $0x80, $0x38;
	[tilespmem:$0x16C00] =	vst v63  }
0x3c6: {  	s18 =	sadd.s32 $0x12888, s5;
	s23 =	sadd.s32 $0x10, s6  }
0x3c7: {  	[hbm4b:s23+s3] =	stream.linear.scatter [tilespmem:s18], [sflag:$0x7], $0x80, $0x38;
	[tilespmem:$0x16C00] =	vst v63  }
0x3c8: {  	s12 =	sadd.s32 $0x12910, s5;
	s13 =	sadd.s32 $0x20, s6  }
0x3c9: {  	[hbm4b:s13+s3] =	stream.linear.scatter [tilespmem:s12], [sflag:$0x7], $0x80, $0x38;
	[tilespmem:$0x16C00] =	vst v63  }
0x3ca: {  	s16 =	sadd.s32 $0x12998, s5;
	s17 =	sadd.s32 $0x30, s6  }
0x3cb: {  	[hbm4b:s17+s3] =	stream.linear.scatter [tilespmem:s16], [sflag:$0x7], $0x80, $0x38;
	[tilespmem:$0x16C00] =	vst v63  }
0x3cc: {  	s18 =	sadd.s32 $0x12A20, s5;
	s23 =	sadd.s32 $0x40, s6  }
0x3cd: {  	[hbm4b:s23+s3] =	stream.linear.scatter [tilespmem:s18], [sflag:$0x7], $0x80, $0x38;
	[tilespmem:$0x16C00] =	vst v63  }
0x3ce: {  	s11 =	sadd.s32 $0x12AA8, s5;
	s12 =	sadd.s32 $0x50, s6  }
0x3cf: {  	[hbm4b:s12+s3] =	stream.linear.scatter [tilespmem:s11], [sflag:$0x7], $0x80, $0x38;
	[tilespmem:$0x16C00] =	vst v63  }
0x3d0: {  	s13 =	sadd.s32 $0x12B30, s5;
	s16 =	sadd.s32 $0x60, s6  }
0x3d1: {  	[hbm4b:s16+s3] =	stream.linear.scatter [tilespmem:s13], [sflag:$0x7], $0x80, $0x38;
	[tilespmem:$0x16C00] =	vst v63  }
0x3d2: {  	s17 =	sadd.s32 $0x12BB8, s5;
	s18 =	sadd.s32 $0x70, s6  }
0x3d3: {  	[hbm4b:s18+s3] =	stream.linear.scatter [tilespmem:s17], [sflag:$0x7], $0x80, $0x38;
	[tilespmem:$0x16C00] =	vst v63  }
0x3d4: {  	_ =	swait.ge [sflag:s31], $0x2000  }
0x3d5: {  	[sflag:s31] =	ssyncset.done $0x0  }
0x3d6: {  	[sflag:s31] =	ssyncadd.s32 $0xFFFFE000  }
0x3d7: {  	_ =	swait.ge [sflag:s0], $0x2000  }
0x3d8: {  	[sflag:s0] =	ssyncset.done $0x0  }
0x3d9: {  	s5 =	simm.s32 $0xC4F0;
	s23 =	simm.s32 $0x3;
	[sflag:s0] =	ssyncadd.s32 $0xFFFFE000  }
0x3da: {  	v4 =	vmov s23;
	v5 =	vld [tilespmem:s5+$0xFFFFFFD0]  }
0x3db: {  	s8 =	simm.s32 $0x0;
	v9 =	vand.u32 $0x7F, v4  }
0x3dc: {  	v6 =	vmov s8;
	v4 =	vadd.s32 v0, v9  }
0x3dd: {  	v8 =	vand.u32 $0x7C, v6;
	s11 =	simm.s32 $0x1;
	v7 =	vld [tilespmem:s5+$0xFFFFFF10]  }
0x3de: {  	v12 =	vadd.s32 v0, v8;
	s12 =	simm.s32 $0x2;
	v6 =	vmov s11;
	v10 =	vld [tilespmem:s5+$0xFFFFFF50]  }
0x3df: {  	v11 =	vmov s12;
	v15 =	vand.u32 $0x7D, v6;
	v6 =	vld [tilespmem:s5+$0xFFFFFF90];
	v5 =	vmul.f32 $8.000000000e+00, v5  }
0x3e0: {  	v17 =	vand.u32 $0x7E, v11;
	v13 =	vadd.s32 v0, v15  }
0x3e1: {  	v11 =	vadd.s32 v0, v17;
	[tilespmem:v4+s1+$0x0] =	vst.idx.msk $0xffff, v5  }
0x3e2: {  	v4 =	vmul.f32 $8.000000000e+00, v7;
	v5 =	vld [tilespmem:s5+$0xFFFFFFE0]  }
0x3e3: {  	v7 =	vmul.f32 $8.000000000e+00, v10  }
0x3e4: {  	[tilespmem:v12+s1+$0x0] =	vst.idx.msk $0xffff, v4;
	v4 =	vmul.f32 $8.000000000e+00, v6;
	v6 =	vadd.s32 v1, v9  }
0x3e5: {  	[tilespmem:v13+s1+$0x0] =	vst.idx.msk $0xffff, v7;
	v10 =	vld [tilespmem:s5+$0xFFFFFF20]  }
0x3e6: {  	v7 =	vld [tilespmem:s5+$0xFFFFFF60];
	[tilespmem:v11+s1+$0x0] =	vst.idx.msk $0xffff, v4  }
0x3e7: {  	v11 =	vld [tilespmem:s5+$0xFFFFFFA0];
	v4 =	vmul.f32 $8.000000000e+00, v5  }
0x3e8: {  	s6 =	simm.s32 $0xC5F0;
	s13 =	simm.s32 $0x4;
	s16 =	simm.s32 $0x7;
	v12 =	vadd.s32 v1, v15  }
0x3e9: {  	v14 =	vld [tilespmem:s6+$0xFFFFFFD0];
	v13 =	vadd.s32 v1, v17;
	v5 =	vmov s13;
	[tilespmem:v6+s1+$0x0] =	vst.idx.msk $0xffff, v4;
	v6 =	vmov s16  }
0x3ea: {  	v16 =	vadd.s32 v1, v8;
	v4 =	vand.u32 $0x7C, v5;
	v5 =	vand.u32 $0x7F, v6;
	v18 =	vld [tilespmem:s5+$0xFFFFFFF0]  }
0x3eb: {  	v22 =	vadd.s32 v2, v9;
	s17 =	simm.s32 $0x5;
	v19 =	vld [tilespmem:s6+$0xFFFFFF10];
	v6 =	vmul.f32 $8.000000000e+00, v7;
	v20 =	vadd.s32 v0, v5  }
0x3ec: {  	s18 =	simm.s32 $0x6;
	v21 =	vld [tilespmem:s6+$0xFFFFFF50];
	v10 =	vmul.f32 $8.000000000e+00, v10;
	v7 =	vmul.f32 $8.000000000e+00, v11;
	v11 =	vmov s17  }
0x3ed: {  	v23 =	vadd.s32 v0, v4;
	[tilespmem:v12+s1+$0x0] =	vst.idx.msk $0xffff, v6;
	v12 =	vmov s18;
	v6 =	vand.u32 $0x7D, v11;
	v11 =	vld [tilespmem:s6+$0xFFFFFF90]  }
0x3ee: {  	[tilespmem:v13+s1+$0x0] =	vst.idx.msk $0xffff, v7;
	v13 =	vadd.s32 v0, v6;
	v7 =	vand.u32 $0x7E, v12;
	v12 =	vmul.f32 $8.000000000e+00, v14;
	v14 =	vld [tilespmem:s5+$0xFFFFFF70]  }
0x3ef: {  	[tilespmem:v16+s1+$0x0] =	vst.idx.msk $0xffff, v10;
	v10 =	vadd.s32 v0, v7;
	v16 =	vld [tilespmem:s5+$0xFFFFFFB0];
	v18 =	vmul.f32 $8.000000000e+00, v18  }
0x3f0: {  	v19 =	vmul.f32 $8.000000000e+00, v19;
	[tilespmem:v20+s1+$0x0] =	vst.idx.msk $0xffff, v12;
	v12 =	vld [tilespmem:s5+$0xFFFFFF30];
	v20 =	vadd.s32 v2, v15  }
0x3f1: {  	v25 =	vadd.s32 v2, v17;
	v21 =	vmul.f32 $8.000000000e+00, v21;
	v24 =	vld [tilespmem:s6+$0xFFFFFFE0];
	[tilespmem:v22+s1+$0x0] =	vst.idx.msk $0xffff, v18  }
0x3f2: {  	[tilespmem:v23+s1+$0x0] =	vst.idx.msk $0xffff, v19;
	v19 =	vadd.s32 v2, v8;
	v11 =	vmul.f32 $8.000000000e+00, v11;
	v22 =	vld [tilespmem:s5+$0x0]  }
0x3f3: {  	v23 =	vld [tilespmem:s6+$0xFFFFFF20];
	[tilespmem:v13+s1+$0x0] =	vst.idx.msk $0xffff, v21;
	v21 =	vadd.s32 v1, v5;
	v14 =	vmul.f32 $8.000000000e+00, v14  }
0x3f4: {  	v27 =	vadd.s32 v3, v9;
	v26 =	vld [tilespmem:s6+$0xFFFFFF60];
	[tilespmem:v10+s1+$0x0] =	vst.idx.msk $0xffff, v11;
	v10 =	vmul.f32 $8.000000000e+00, v16  }
0x3f5: {  	v18 =	vadd.s32 v1, v4;
	v13 =	vld [tilespmem:s6+$0xFFFFFFA0];
	v9 =	vmul.f32 $8.000000000e+00, v12;
	[tilespmem:v20+s1+$0x0] =	vst.idx.msk $0xffff, v14  }
0x3f6: {  	s11 =	simm.s32 $0x8;
	v16 =	vadd.s32 v1, v6;
	[tilespmem:v25+s1+$0x0] =	vst.idx.msk $0xffff, v10;
	v14 =	vmul.f32 $8.000000000e+00, v24;
	v12 =	vld [tilespmem:s5+$0xFFFFFF80]  }
0x3f7: {  	v20 =	vmov s11;
	v10 =	vadd.s32 v1, v7;
	v11 =	vld [tilespmem:s5+$0xFFFFFFC0];
	[tilespmem:v19+s1+$0x0] =	vst.idx.msk $0xffff, v9;
	v63 =	vmul.f32 $8.000000000e+00, v22  }
0x3f8: {  	s8 =	simm.s32 $0xC6F0;
	s23 =	simm.s32 $0xB;
	v15 =	vadd.s32 v3, v15;
	v9 =	vand.u32 $0x7C, v20;
	v20 =	vmul.f32 $8.000000000e+00, v23;
	[tilespmem:v21+s1+$0x0] =	vst.idx.msk $0xffff, v14;
	v14 =	vld [tilespmem:s5+$0xFFFFFF40]  }
0x3f9: {  	v17 =	vadd.s32 v3, v17;
	v22 =	vmov s23;
	v19 =	vld [tilespmem:s8+$0xFFFFFFD0];
	s5 =	simm.s32 $0xC;
	v21 =	vmul.f32 $8.000000000e+00, v26;
	[tilespmem:v27+s1+$0x0] =	vst.idx.msk $0xffff, v63  }
.LBB2_32:
0x3fa: {  	p0 =	slt.u32 s5, $0x7C;
	s12 =	sadd.s32 $0x1, s11;
	v22 =	vand.u32 $0x7F, v22;
	[tilespmem:v18+s1+$0x0] =	vst.idx.msk $0xffff, v20;
	v13 =	vmul.f32 $8.000000000e+00, v13;
	v18 =	vld [tilespmem:s6+$0xFFFFFFF0];
	v20 =	vadd.s32 v3, v8;
	v8 =	vmovc v4  }
0x3fb: {  	v4 =	vmovc v9;
	v23 =	vld [tilespmem:s8+$0xFFFFFF10];
	v24 =	vmov s12;
	s12 =	sadd.s32 $0x2, s11;
	v25 =	vadd.s32 v0, v22;
	[tilespmem:v16+s1+$0x0] =	vst.idx.msk $0xffff, v21;
	v12 =	vmul.f32 $8.000000000e+00, v12;
	s11 =	smov.u32 s5  }
0x3fc: {  	v9 =	vld [tilespmem:s8+$0xFFFFFF50];
	v16 =	vmov s12;
	[tilespmem:v10+s1+$0x0] =	vst.idx.msk $0xffff, v13;
	v10 =	vadd.s32 v2, v5;
	v11 =	vmul.f32 $8.000000000e+00, v11  }
0x3fd: {  	v13 =	vadd.s32 v0, v4;
	v21 =	vand.u32 $0x7D, v24;
	v24 =	vld [tilespmem:s8+$0xFFFFFF90];
	v14 =	vmul.f32 $8.000000000e+00, v14;
	[tilespmem:v15+s1+$0x0] =	vst.idx.msk $0xffff, v12  }
0x3fe: {  	v12 =	vadd.s32 v0, v21;
	v26 =	vand.u32 $0x7E, v16;
	v15 =	vmul.f32 $8.000000000e+00, v19;
	v16 =	vld [tilespmem:s6+$0xFFFFFF70];
	[tilespmem:v17+s1+$0x0] =	vst.idx.msk $0xffff, v11  }
0x3ff: {  	v11 =	vadd.s32 v0, v26;
	v17 =	vld [tilespmem:s6+$0xFFFFFFB0];
	v18 =	vmul.f32 $8.000000000e+00, v18;
	[tilespmem:v20+s1+$0x0] =	vst.idx.msk $0xffff, v14  }
0x400: {  	v19 =	vadd.s32 v2, v6;
	v14 =	vmul.f32 $8.000000000e+00, v23;
	[tilespmem:v25+s1+$0x0] =	vst.idx.msk $0xffff, v15;
	v15 =	vld [tilespmem:s6+$0xFFFFFF30]  }
0x401: {  	v23 =	vadd.s32 v2, v7;
	v9 =	vmul.f32 $8.000000000e+00, v9;
	v20 =	vld [tilespmem:s8+$0xFFFFFFE0];
	[tilespmem:v10+s1+$0x0] =	vst.idx.msk $0xffff, v18  }
0x402: {  	[tilespmem:v13+s1+$0x0] =	vst.idx.msk $0xffff, v14;
	v10 =	vmul.f32 $8.000000000e+00, v24;
	v14 =	vadd.s32 v2, v8;
	v24 =	vld [tilespmem:s6+$0x0]  }
0x403: {  	v27 =	vadd.s32 v1, v22;
	v25 =	vld [tilespmem:s8+$0xFFFFFF20];
	[tilespmem:v12+s1+$0x0] =	vst.idx.msk $0xffff, v9;
	v9 =	vmul.f32 $8.000000000e+00, v16  }
0x404: {  	v29 =	vadd.s32 v3, v5;
	v5 =	vmov v22;
	v28 =	vld [tilespmem:s8+$0xFFFFFF60];
	[tilespmem:v11+s1+$0x0] =	vst.idx.msk $0xffff, v10;
	v10 =	vmul.f32 $8.000000000e+00, v17  }
.Ltmp15:
0x405: {  	v18 =	vadd.s32 v1, v4;
	v13 =	vld [tilespmem:s8+$0xFFFFFFA0];
	v11 =	vmul.f32 $8.000000000e+00, v15;
	[tilespmem:v19+s1+$0x0] =	vst.idx.msk $0xffff, v9;
	(pc) =	sbr.rel @p0 .LBB2_32-.Ltmp15, $4  }
0x406: {  	v16 =	vadd.s32 v1, v21;
	v15 =	vmul.f32 $8.000000000e+00, v20;
	v12 =	vld [tilespmem:s6+$0xFFFFFF80];
	[tilespmem:v23+s1+$0x0] =	vst.idx.msk $0xffff, v10  }
0x407: {  	v9 =	vmov s5;
	v10 =	vadd.s32 v1, v26;
	[tilespmem:v14+s1+$0x0] =	vst.idx.msk $0xffff, v11;
	v11 =	vld [tilespmem:s6+$0xFFFFFFC0];
	v23 =	vmul.f32 $8.000000000e+00, v24  }
0x408: {  	s12 =	sadd.s32 $0x3, s5;
	v9 =	vand.u32 $0x7C, v9;
	v20 =	vmul.f32 $8.000000000e+00, v25;
	[tilespmem:v27+s1+$0x0] =	vst.idx.msk $0xffff, v15;
	v14 =	vld [tilespmem:s6+$0xFFFFFF40];
	v15 =	vadd.s32 v3, v6;
	v6 =	vmovc v21;
	s6 =	smov.u32 s8;
	s8 =	sadd.s32 $0x100, s8  }
0x409: {  	v22 =	vmov s12;
	v17 =	vadd.s32 v3, v7;
	v7 =	vmovc v26;
	s5 =	sadd.s32 $0x4, s5;
	v19 =	vld [tilespmem:s8+$0xFFFFFFD0];
	v21 =	vmul.f32 $8.000000000e+00, v28;
	[tilespmem:v29+s1+$0x0] =	vst.idx.msk $0xffff, v23  }
0x40a: {  	s5 =	sadd.s32 $0x1, s11;
	v22 =	vand.u32 $0x7F, v22;
	v28 =	vld [tilespmem:s8+$0xFFFFFF10]  }
0x40b: {  	s11 =	sadd.s32 $0x2, s11;
	v24 =	vld [tilespmem:s8+$0xFFFFFF50];
	v23 =	vmov s5;
	v25 =	vadd.s32 v0, v22  }
0x40c: {  	v27 =	vld [tilespmem:s8+$0xFFFFFF90];
	v51 =	vadd.s32 v0, v9;
	v26 =	vmov s11;
	v23 =	vand.u32 $0x7D, v23  }
0x40d: {  	v26 =	vand.u32 $0x7E, v26;
	v29 =	vadd.s32 v0, v23  }
0x40e: {  	[tilespmem:v18+s1+$0x0] =	vst.idx.msk $0xffff, v20;
	v30 =	vadd.s32 v0, v26;
	v19 =	vmul.f32 $8.000000000e+00, v19  }
0x40f: {  	[tilespmem:v16+s1+$0x0] =	vst.idx.msk $0xffff, v21;
	v54 =	vmul.f32 $8.000000000e+00, v28  }
0x410: {  	v52 =	vmul.f32 $8.000000000e+00, v24;
	[tilespmem:v25+s1+$0x0] =	vst.idx.msk $0xffff, v19  }
0x411: {  	v53 =	vmul.f32 $8.000000000e+00, v27;
	v55 =	vld [tilespmem:s8+$0xFFFFFFE0];
	[tilespmem:v51+s1+$0x0] =	vst.idx.msk $0xffff, v54  }
0x412: {  	v13 =	vmul.f32 $8.000000000e+00, v13;
	v8 =	vadd.s32 v3, v8;
	[tilespmem:v29+s1+$0x0] =	vst.idx.msk $0xffff, v52;
	v59 =	vld [tilespmem:s8+$0xFFFFFF20]  }
0x413: {  	v12 =	vmul.f32 $8.000000000e+00, v12;
	v57 =	vadd.s32 v1, v22;
	[tilespmem:v30+s1+$0x0] =	vst.idx.msk $0xffff, v53;
	v56 =	vld [tilespmem:s8+$0xFFFFFF60]  }
0x414: {  	[tilespmem:v10+s1+$0x0] =	vst.idx.msk $0xffff, v13;
	v58 =	vmul.f32 $8.000000000e+00, v11;
	v28 =	vadd.s32 v1, v9;
	v19 =	vld [tilespmem:s8+$0xFFFFFFA0]  }
0x415: {  	v61 =	vld [tilespmem:s6+$0xFFFFFFF0];
	v60 =	vadd.s32 v1, v23;
	v14 =	vmul.f32 $8.000000000e+00, v14;
	[tilespmem:v15+s1+$0x0] =	vst.idx.msk $0xffff, v12  }
0x416: {  	v32 =	vld [tilespmem:s6+$0xFFFFFF30];
	v62 =	vadd.s32 v1, v26;
	[tilespmem:v17+s1+$0x0] =	vst.idx.msk $0xffff, v58;
	v16 =	vmul.f32 $8.000000000e+00, v55  }
0x417: {  	[tilespmem:v8+s1+$0x0] =	vst.idx.msk $0xffff, v14;
	v29 =	vadd.s32 v2, v5;
	v30 =	vld [tilespmem:s6+$0xFFFFFFB0];
	v11 =	vmul.f32 $8.000000000e+00, v59  }
0x418: {  	v38 =	vadd.s32 v2, v4;
	v63 =	vld [tilespmem:s6+$0xFFFFFF70];
	v31 =	vmul.f32 $8.000000000e+00, v56;
	[tilespmem:v57+s1+$0x0] =	vst.idx.msk $0xffff, v16  }
0x419: {  	v35 =	vadd.s32 v2, v7;
	v34 =	vmul.f32 $8.000000000e+00, v19;
	v36 =	vld [tilespmem:s8+$0xFFFFFFF0];
	[tilespmem:v28+s1+$0x0] =	vst.idx.msk $0xffff, v11  }
0x41a: {  	v33 =	vadd.s32 v2, v6;
	v37 =	vmul.f32 $8.000000000e+00, v61;
	[tilespmem:v60+s1+$0x0] =	vst.idx.msk $0xffff, v31;
	v43 =	vld [tilespmem:s8+$0xFFFFFF30]  }
0x41b: {  	v40 =	vadd.s32 v2, v22;
	v14 =	vmul.f32 $8.000000000e+00, v32;
	[tilespmem:v62+s1+$0x0] =	vst.idx.msk $0xffff, v34;
	v39 =	vld [tilespmem:s8+$0xFFFFFF70]  }
0x41c: {  	v48 =	vadd.s32 v2, v9;
	[tilespmem:v29+s1+$0x0] =	vst.idx.msk $0xffff, v37;
	v42 =	vmul.f32 $8.000000000e+00, v30;
	v41 =	vld [tilespmem:s8+$0xFFFFFFB0]  }
0x41d: {  	v44 =	vadd.s32 v2, v23;
	v15 =	vmul.f32 $8.000000000e+00, v63;
	[tilespmem:v38+s1+$0x0] =	vst.idx.msk $0xffff, v14;
	v45 =	vld [tilespmem:s6+$0x0]  }
0x41e: {  	v46 =	vadd.s32 v2, v26;
	v14 =	vld [tilespmem:s6+$0xFFFFFF40];
	[tilespmem:v35+s1+$0x0] =	vst.idx.msk $0xffff, v42;
	v47 =	vmul.f32 $8.000000000e+00, v36  }
0x41f: {  	v5 =	vadd.s32 v3, v5;
	[tilespmem:v33+s1+$0x0] =	vst.idx.msk $0xffff, v15;
	v49 =	vld [tilespmem:s6+$0xFFFFFFC0];
	v53 =	vmul.f32 $8.000000000e+00, v43  }
0x420: {  	v4 =	vadd.s32 v3, v4;
	v21 =	vld [tilespmem:s6+$0xFFFFFF80];
	v12 =	vmul.f32 $8.000000000e+00, v39;
	[tilespmem:v40+s1+$0x0] =	vst.idx.msk $0xffff, v47  }
0x421: {  	v52 =	vadd.s32 v3, v7;
	v51 =	vmul.f32 $8.000000000e+00, v41;
	v10 =	vld [tilespmem:s8+$0x0];
	[tilespmem:v48+s1+$0x0] =	vst.idx.msk $0xffff, v53  }
0x422: {  	v50 =	vadd.s32 v3, v6;
	v54 =	vmul.f32 $8.000000000e+00, v45;
	[tilespmem:v44+s1+$0x0] =	vst.idx.msk $0xffff, v12;
	v59 =	vld [tilespmem:s8+$0xFFFFFF40]  }
0x423: {  	v57 =	vadd.s32 v3, v22;
	v14 =	vmul.f32 $8.000000000e+00, v14;
	[tilespmem:v46+s1+$0x0] =	vst.idx.msk $0xffff, v51;
	v55 =	vld [tilespmem:s8+$0xFFFFFF80]  }
0x424: {  	v62 =	vadd.s32 v3, v9;
	[tilespmem:v5+s1+$0x0] =	vst.idx.msk $0xffff, v54;
	v5 =	vmul.f32 $8.000000000e+00, v49;
	v58 =	vld [tilespmem:s8+$0xFFFFFFC0]  }
0x425: {  	v56 =	vmul.f32 $8.000000000e+00, v21;
	v60 =	vadd.s32 v3, v23;
	[tilespmem:v4+s1+$0x0] =	vst.idx.msk $0xffff, v14  }
0x426: {  	v61 =	vadd.s32 v3, v26;
	[tilespmem:v52+s1+$0x0] =	vst.idx.msk $0xffff, v5;
	v5 =	vmul.f32 $8.000000000e+00, v10  }
0x427: {  	[tilespmem:v50+s1+$0x0] =	vst.idx.msk $0xffff, v56;
	v63 =	vmul.f32 $8.000000000e+00, v59  }
0x428: {  	v4 =	vmul.f32 $8.000000000e+00, v55;
	[tilespmem:v57+s1+$0x0] =	vst.idx.msk $0xffff, v5  }
0x429: {  	v5 =	vmul.f32 $8.000000000e+00, v58;
	[tilespmem:v62+s1+$0x0] =	vst.idx.msk $0xffff, v63  }
0x42a: {  	[tilespmem:v60+s1+$0x0] =	vst.idx.msk $0xffff, v4  }
0x42b: {  	[tilespmem:v61+s1+$0x0] =	vst.idx.msk $0xffff, v5  }
0x42c: {  	s12 =	simm.s32 $0x14A00;
	s13 =	rddreg [dreg:$0x7]  }
0x42d: {  	[hbm4b:s13+s3] =	stream.linear.scatter [tilespmem:s12], [sflag:$0x8], $0x80, $0x38;
	[tilespmem:$0x16C00] =	vst v63  }
0x42e: {  	s16 =	simm.s32 $0x14A88;
	s17 =	sadd.s32 $0x10, s13  }
0x42f: {  	[hbm4b:s17+s3] =	stream.linear.scatter [tilespmem:s16], [sflag:$0x8], $0x80, $0x38;
	[tilespmem:$0x16C00] =	vst v63  }
0x430: {  	s18 =	simm.s32 $0x14B10;
	s11 =	simm.s32 $0x14C20;
	s23 =	sadd.s32 $0x20, s13  }
0x431: {  	[hbm4b:s23+s3] =	stream.linear.scatter [tilespmem:s18], [sflag:$0x8], $0x80, $0x38;
	[tilespmem:$0x16C00] =	vst v63  }
0x432: {  	s5 =	simm.s32 $0x440;
	s6 =	simm.s32 $0x14B98;
	s8 =	sadd.s32 $0x30, s13  }
0x433: {  	[hbm4b:s8+s3] =	stream.linear.scatter [tilespmem:s6], [sflag:$0x8], $0x80, $0x38;
	[tilespmem:$0x16C00] =	vst v63  }
0x434: {  	s12 =	sadd.s32 $0x40, s13;
	s16 =	simm.s32 $0x14CA8;
	s17 =	sadd.s32 $0x50, s13  }
0x435: {  	[hbm4b:s12+s3] =	stream.linear.scatter [tilespmem:s11], [sflag:$0x8], $0x80, $0x38;
	[tilespmem:$0x16C00] =	vst v63  }
0x436: {  	s18 =	simm.s32 $0x14D30;
	s23 =	sadd.s32 $0x60, s13;
	s8 =	simm.s32 $0x2200  }
0x437: {  	[hbm4b:s17+s3] =	stream.linear.scatter [tilespmem:s16], [sflag:$0x8], $0x80, $0x38;
	[tilespmem:$0x16C00] =	vst v63  }
0x438: {  	s6 =	sadd.s32 $0x1000, s13;
	s11 =	simm.s32 $0x14DB8;
	s12 =	sadd.s32 $0x70, s13  }
0x439: {  	[hbm4b:s23+s3] =	stream.linear.scatter [tilespmem:s18], [sflag:$0x8], $0x80, $0x38;
	[tilespmem:$0x16C00] =	vst v63  }
.LBB2_34:
0x43a: {  	[hbm4b:s12+s3] =	stream.linear.scatter [tilespmem:s11], [sflag:$0x8], $0x80, $0x38;
	[tilespmem:$0x16C00] =	vst v63  }
0x43b: {  	s11 =	smov.u32 s5;
	s5 =	smov.u32 s8  }
0x43c: {  	s13 =	sadd.s32 $0x1100, s8;
	s5 =	sshra.s32 s5, $0x2;
	s12 =	sadd.s32 $0x14A00, s11  }
0x43d: {  	[hbm4b:s6+s3] =	stream.linear.scatter [tilespmem:s12], [sflag:$0x8], $0x80, $0x38;
	[tilespmem:$0x16C00] =	vst v63  }
0x43e: {  	p0 =	sne.s32 s8, $0x7700;
	s8 =	sadd.s32 $0x14A88, s11;
	s12 =	sadd.s32 $0x10, s6  }
0x43f: {  	[hbm4b:s12+s3] =	stream.linear.scatter [tilespmem:s8], [sflag:$0x8], $0x80, $0x38;
	[tilespmem:$0x16C00] =	vst v63  }
0x440: {  	s8 =	sadd.s32 $0x14B10, s11;
	s12 =	sadd.s32 $0x20, s6  }
0x441: {  	[hbm4b:s12+s3] =	stream.linear.scatter [tilespmem:s8], [sflag:$0x8], $0x80, $0x38;
	[tilespmem:$0x16C00] =	vst v63  }
0x442: {  	s8 =	sadd.s32 $0x14B98, s11;
	s12 =	sadd.s32 $0x30, s6  }
0x443: {  	[hbm4b:s12+s3] =	stream.linear.scatter [tilespmem:s8], [sflag:$0x8], $0x80, $0x38;
	[tilespmem:$0x16C00] =	vst v63  }
0x444: {  	s8 =	sadd.s32 $0x14C20, s11;
	s12 =	sadd.s32 $0x40, s6  }
0x445: {  	[hbm4b:s12+s3] =	stream.linear.scatter [tilespmem:s8], [sflag:$0x8], $0x80, $0x38;
	[tilespmem:$0x16C00] =	vst v63  }
.Ltmp16:
0x446: {  	s8 =	sadd.s32 $0x14CA8, s11;
	s12 =	sadd.s32 $0x50, s6;
	(pc) =	sbr.rel @p0 .LBB2_34-.Ltmp16, $4  }
0x447: {  	[hbm4b:s12+s3] =	stream.linear.scatter [tilespmem:s8], [sflag:$0x8], $0x80, $0x38;
	[tilespmem:$0x16C00] =	vst v63  }
0x448: {  	s8 =	sadd.s32 $0x14D30, s11;
	s12 =	sadd.s32 $0x60, s6;
	s11 =	sadd.s32 $0x14DB8, s11  }
0x449: {  	[hbm4b:s12+s3] =	stream.linear.scatter [tilespmem:s8], [sflag:$0x8], $0x80, $0x38;
	[tilespmem:$0x16C00] =	vst v63  }
0x44a: {  	s12 =	sadd.s32 $0x70, s6;
	s6 =	sadd.s32 $0x1000, s6;
	s8 =	smov.u32 s13  }
0x44b: {  	[hbm4b:s12+s3] =	stream.linear.scatter [tilespmem:s11], [sflag:$0x8], $0x80, $0x38;
	[tilespmem:$0x16C00] =	vst v63  }
0x44c: {  	s8 =	sadd.s32 $0x14A00, s5  }
0x44d: {  	[hbm4b:s6+s3] =	stream.linear.scatter [tilespmem:s8], [sflag:$0x8], $0x80, $0x38;
	[tilespmem:$0x16C00] =	vst v63  }
0x44e: {  	s16 =	sadd.s32 $0x14A88, s5;
	s17 =	sadd.s32 $0x10, s6  }
0x44f: {  	[hbm4b:s17+s3] =	stream.linear.scatter [tilespmem:s16], [sflag:$0x8], $0x80, $0x38;
	[tilespmem:$0x16C00] =	vst v63  }
0x450: {  	s18 =	sadd.s32 $0x14B10, s5;
	s23 =	sadd.s32 $0x20, s6  }
0x451: {  	[hbm4b:s23+s3] =	stream.linear.scatter [tilespmem:s18], [sflag:$0x8], $0x80, $0x38;
	[tilespmem:$0x16C00] =	vst v63  }
0x452: {  	s12 =	sadd.s32 $0x14B98, s5;
	s13 =	sadd.s32 $0x30, s6  }
0x453: {  	[hbm4b:s13+s3] =	stream.linear.scatter [tilespmem:s12], [sflag:$0x8], $0x80, $0x38;
	[tilespmem:$0x16C00] =	vst v63  }
0x454: {  	s16 =	sadd.s32 $0x14C20, s5;
	s17 =	sadd.s32 $0x40, s6  }
0x455: {  	[hbm4b:s17+s3] =	stream.linear.scatter [tilespmem:s16], [sflag:$0x8], $0x80, $0x38;
	[tilespmem:$0x16C00] =	vst v63  }
0x456: {  	s18 =	sadd.s32 $0x14CA8, s5;
	s23 =	sadd.s32 $0x50, s6  }
0x457: {  	[hbm4b:s23+s3] =	stream.linear.scatter [tilespmem:s18], [sflag:$0x8], $0x80, $0x38;
	[tilespmem:$0x16C00] =	vst v63  }
0x458: {  	s12 =	sadd.s32 $0x14D30, s5;
	s13 =	sadd.s32 $0x60, s6  }
0x459: {  	[hbm4b:s13+s3] =	stream.linear.scatter [tilespmem:s12], [sflag:$0x8], $0x80, $0x38;
	[tilespmem:$0x16C00] =	vst v63  }
0x45a: {  	s16 =	sadd.s32 $0x14DB8, s5;
	s17 =	sadd.s32 $0x70, s6  }
0x45b: {  	[hbm4b:s17+s3] =	stream.linear.scatter [tilespmem:s16], [sflag:$0x8], $0x80, $0x38;
	[tilespmem:$0x16C00] =	vst v63  }
0x45c: {  	_ =	swait.ge [sflag:s15], $0x2000  }
0x45d: {  	[sflag:s15] =	ssyncset.done $0x0  }
0x45e: {  	[sflag:s15] =	ssyncadd.s32 $0xFFFFE000  }
0x45f: {  	_ =	swait.ge [sflag:s19], $0x2000  }
0x460: {  	s18 =	rddreg [dreg:$0x9]  }
0x461: {  	s23 =	rddreg [dreg:$0x8];
	s6 =	sadd.s32 $0x1, s18  }
0x462: {  	p0 =	sne.s32 s6, s23  }
.Ltmp17:
0x463: {  	_ = 	snop;
	(pc) =	sbr.rel @p0 .LBB2_1-.Ltmp17, $3  }
0x464: {  	_ =	sdelay $0x1  }
0x465: {  	[sflag:s19] =	ssyncset.done $0x0  }
0x466: {  	[sflag:s19] =	ssyncadd.s32 $0xFFFFE000  }
0x467: {  	_ =	sfence.sel $0x180000  }
0x468: {  	[bflag:$0x0] =	sbarrier.arrive $0xFFFF  }
0x469: {  	_ =	strace $0x90000047  }
0x46a: {  	s0 =	stileid.u32;
	[bflag:$0x2] =	sbarrier.arrive $0xFFFF  }
0x46b: {  	p0 =	sne.s32 s0, $0x0;
	s0 =	rddreg [dreg:$0x2]  }
0x46c: {  	s0 =	sadd.s32 @!p0 $0x100000, s0  }
0x46d: {  	[sflag:s0] =	ssyncadd.tile.s32 @!p0 $0x1;
	_ =	shalt  }
.Lfunc_end2:
_tile_overlayer_lowered:
.L_overlay_start_2:
0x46e: {  	(tag) =	ssettag $0x2  }
0x46f: {  	s0 =	rddreg [dreg:$0x0];
	s2 =	stileid.u32  }
0x470: {  	s1 =	rddreg [dreg:$0x1];
	p0 =	sne.s32 s2, $0x0  }
0x471: {  	s3 =	rddreg [dreg:$0x2];
	[bflag:$0x3] =	sbarrier.arrive $0xFFFF;
	s2 =	simm.s32 @!p0 $0x1C09  }
0x472: {  	[timem:s3], [sflag:s2] =	dma.local @!p0 [hbm:s0], s1  }
0x473: {  	s0 =	simm.s32 @!p0 $0x9  }
0x474: {  	_ =	swait.ge @!p0 [sflag:s0], s1  }
0x475: {  	s1 =	ssub.s32 @!p0 $0x0, s1;
	[sflag:s0] =	ssyncset.done @!p0 $0x0  }
0x476: {  	[sflag:s0] =	ssyncadd.s32 @!p0 s1  }
0x477: {  	[bflag:$0x3] =	sbarrier.arrive $0xFFFF  }
0x478: {  	_ =	shalt  }

</sc_bundles>
